<compile_context>
chip_gen: v7x
topology: tpu7x:2x2x1
jax: 0.10.2.dev20260603
libtpu: 0.0.44.dev20260713+nightly
codegen_flags: <defaults>
</compile_context>

<pallas_src>
import jax
import jax.numpy as jnp
import numpy as np
from jax import lax
from jax.experimental import pallas as pl
from jax.experimental.pallas import tpu as pltpu
from jax.experimental.pallas import tpu_sc as plsc

_R1SQ = np.float32(0.2 * 0.2)
_R2SQ = np.float32(0.4 * 0.4)
_MAXNB = 64
_NBUF = 80
_NUM_GRAPHS = 8
_NEG_INF = np.float32(-np.inf)



def _make_select_kernel(n_points):
    info = plsc.get_sparse_core_info()
    nc, ns = info.num_cores, info.num_subcores
    nw = nc * ns
    assert n_points % nw == 0
    per_w = n_points // nw
    grp = 16
    assert per_w % grp == 0

    mesh = plsc.VectorSubcoreMesh(core_axis_name="c", subcore_axis_name="s")

    out_type = (
        [jax.ShapeDtypeStruct((n_points * _NBUF,), jnp.float32) for _ in range(6)]
        + [jax.ShapeDtypeStruct((n_points * _NBUF,), jnp.int32)]
        + [jax.ShapeDtypeStruct((n_points,), jnp.int32) for _ in range(2)]
    )

    scratch = (
        [pltpu.VMEM((n_points,), jnp.float32) for _ in range(7)]
        + [pltpu.VMEM((per_w,), jnp.int32) for _ in range(2)]
        + [pltpu.VMEM((grp * _NBUF,), jnp.float32) for _ in range(6)]
        + [pltpu.VMEM((grp * _NBUF,), jnp.int32)]
        + [pltpu.VMEM((grp,), jnp.int32) for _ in range(2)]
    )

    def body(px_h, py_h, pz_h, sq_h, rs_h, re_h,
             r1x_h, r1y_h, r1z_h, r2x_h, r2y_h, r2z_h, nb2_h, c1_h, c2_h,
             px, py, pz, qx, qy, qz, sq, rs, re,
             s1x, s1y, s1z, s2x, s2y, s2z, snb, sc1, sc2):
        wid = lax.axis_index("c") * ns + lax.axis_index("s")
        base = wid * per_w
        for src, dst in ((px_h, px), (py_h, py), (pz_h, pz), (sq_h, sq)):
            pltpu.sync_copy(src, dst)
        pltpu.sync_copy(rs_h.at[pl.ds(base, per_w)], rs)
        pltpu.sync_copy(re_h.at[pl.ds(base, per_w)], re)

        def bf16_round(v):
            u = plsc.bitcast(v, jnp.uint32)
            rb = (u >> jnp.uint32(16)) & jnp.uint32(1)
            u2 = (u + jnp.uint32(0x7FFF) + rb) & jnp.uint32(0xFFFF0000)
            return plsc.bitcast(u2, jnp.float32)

        def qinit(t, _):
            o = t * 16
            qx[pl.ds(o, 16)] = bf16_round(px[pl.ds(o, 16)])
            qy[pl.ds(o, 16)] = bf16_round(py[pl.ds(o, 16)])
            qz[pl.ds(o, 16)] = bf16_round(pz[pl.ds(o, 16)])
            return 0

        lax.fori_loop(0, n_points // 16, qinit, 0)

        lanes = lax.iota(jnp.int32, 16)
        zeros16 = jnp.zeros((16,), jnp.int32)

        def do_group(gi, _):
            gbase = gi * grp
            xv = px[pl.ds(base + gbase, grp)]
            yv = py[pl.ds(base + gbase, grp)]
            zv = pz[pl.ds(base + gbase, grp)]
            qxg = qx[pl.ds(base + gbase, grp)]
            qyg = qy[pl.ds(base + gbase, grp)]
            qzg = qz[pl.ds(base + gbase, grp)]
            sqg = sq[pl.ds(base + gbase, grp)]
            rsv = rs[pl.ds(gbase, grp)]
            rev = re[pl.ds(gbase, grp)]
            cv1 = jnp.zeros((grp,), jnp.int32)
            cv2 = jnp.zeros((grp,), jnp.int32)

            for ip in range(grp):
                xi, yi, zi = xv[ip], yv[ip], zv[ip]
                qxi, qyi, qzi = qxg[ip], qyg[ip], qzg[ip]
                sqi = sqg[ip]
                s = rsv[ip]
                e = rev[ip]

                for k in range(_NBUF // 16):
                    snb[pl.ds(ip * _NBUF + k * 16, 16)] = zeros16

                def chunk(carry, ip=ip):
                    jb, c1, c2 = carry
                    qxv = qx[pl.ds(jb, 16)]
                    qyv = qy[pl.ds(jb, 16)]
                    qzv = qz[pl.ds(jb, 16)]
                    sqv = sq[pl.ds(jb, 16)]
                    cross = qxi * qxv + qyi * qyv + qzi * qzv
                    d2 = (sqi + sqv) - jnp.float32(2.0) * cross
                    inb = lanes < (e - jb)
                    m1 = (d2 <= _R1SQ) & inb
                    m2 = (d2 <= _R2SQ) & inb
                    rx = px[pl.ds(jb, 16)] - xi
                    ry = py[pl.ds(jb, 16)] - yi
                    rz = pz[pl.ds(jb, 16)] - zi
                    jv = jb + lanes

                    m1s = m1 & (c1 < _MAXNB)
                    m2s = m2 & (c2 < _MAXNB)
                    off1 = ip * _NBUF + jnp.minimum(c1, _NBUF - 16)
                    off2 = ip * _NBUF + jnp.minimum(c2, _NBUF - 16)
                    plsc.store_compressed(s1x.at[pl.ds(off1, 16)], rx, mask=m1s)
                    plsc.store_compressed(s1y.at[pl.ds(off1, 16)], ry, mask=m1s)
                    plsc.store_compressed(s1z.at[pl.ds(off1, 16)], rz, mask=m1s)
                    plsc.store_compressed(s2x.at[pl.ds(off2, 16)], rx, mask=m2s)
                    plsc.store_compressed(s2y.at[pl.ds(off2, 16)], ry, mask=m2s)
                    plsc.store_compressed(s2z.at[pl.ds(off2, 16)], rz, mask=m2s)
                    plsc.store_compressed(snb.at[pl.ds(off2, 16)], jv, mask=m2s)

                    n1 = plsc.all_reduce_population_count(m1)[0]
                    n2 = plsc.all_reduce_population_count(m2)[0]
                    c1 = jnp.where(c1 < _MAXNB, c1 + n1, c1)
                    c2 = jnp.where(c2 < _MAXNB, c2 + n2, c2)
                    return jb + 16, c1, c2

                def cond(carry):
                    jb, _, _ = carry
                    return jb < e

                _, c1f, c2f = lax.while_loop(cond, chunk,
                                             (s, jnp.int32(0), jnp.int32(0)))
                lane_is_ip = lanes == ip
                cv1 = jnp.where(lane_is_ip, jnp.minimum(c1f, _MAXNB), cv1)
                cv2 = jnp.where(lane_is_ip, jnp.minimum(c2f, _MAXNB), cv2)

            sc1[...] = cv1
            sc2[...] = cv2

            row = base + gbase
            for st, hb in ((s1x, r1x_h), (s1y, r1y_h), (s1z, r1z_h),
                           (s2x, r2x_h), (s2y, r2y_h), (s2z, r2z_h),
                           (snb, nb2_h)):
                pltpu.sync_copy(st, hb.at[pl.ds(row * _NBUF, grp * _NBUF)])
            pltpu.sync_copy(sc1, c1_h.at[pl.ds(row, grp)])
            pltpu.sync_copy(sc2, c2_h.at[pl.ds(row, grp)])
            return 0

        lax.fori_loop(0, per_w // grp, do_group, 0)

    return pl.kernel(
        body, out_type=out_type, mesh=mesh,
        compiler_params=pltpu.CompilerParams(needs_layout_passes=False),
        scratch_types=scratch)



def _make_gather_kernel(n_rows, d):
    info = plsc.get_sparse_core_info()
    nw = info.num_cores * info.num_subcores
    assert n_rows % nw == 0
    per_w = n_rows // nw
    chunk = 128
    assert per_w % chunk == 0

    mesh = plsc.VectorSubcoreMesh(core_axis_name="c", subcore_axis_name="s")

    def body(tab_h, idx_h, out_h, idx_v, rows_v, sem, osem):
        wid = lax.axis_index("c") * info.num_subcores + lax.axis_index("s")
        base = wid * per_w
        pltpu.sync_copy(idx_h.at[pl.ds(base, per_w)], idx_v)

        def step(t, _):
            pltpu.async_copy(tab_h.at[idx_v.at[pl.ds(t * chunk, chunk)]],
                             rows_v, sem).wait()
            pltpu.async_copy(rows_v,
                             out_h.at[pl.ds(base + t * chunk, chunk), :],
                             osem).wait()
            return 0

        lax.fori_loop(0, per_w // chunk, step, 0)

    return pl.kernel(
        body,
        out_type=jax.ShapeDtypeStruct((n_rows, d), jnp.float32),
        mesh=mesh,
        compiler_params=pltpu.CompilerParams(needs_layout_passes=False),
        scratch_types=[
            pltpu.VMEM((per_w,), jnp.int32),
            pltpu.VMEM((chunk, d), jnp.float32),
            pltpu.SemaphoreType.DMA,
            pltpu.SemaphoreType.DMA,
        ],
    )



def _sa1_body(x, vmask, w1, b1, w2, b2, w3, b3, out):
    rows = x.shape[0]
    t = rows // _MAXNB
    m = jnp.dot(x[...], w1[...], preferred_element_type=jnp.float32)
    m = jnp.maximum(m + b1[...], 0.0)
    m = jnp.dot(m, w2[...], preferred_element_type=jnp.float32)
    m = jnp.maximum(m + b2[...], 0.0)
    m = jnp.dot(m, w3[...], preferred_element_type=jnp.float32)
    m = jnp.maximum(m + b3[...], 0.0)
    m = jnp.where(vmask[...] > 0.5, m, _NEG_INF)
    out[...] = jnp.max(m.reshape(t, _MAXNB, m.shape[-1]), axis=1)


def _run_sa1(x1, vmask1, params, t=128):
    nrows = x1.shape[0]
    n = nrows // _MAXNB
    (w1, b1), (w2, b2), (w3, b3) = params
    fo = w3.shape[1]
    full = lambda a: pl.BlockSpec(a.shape, lambda i: tuple(0 for _ in a.shape))
    args = (x1, vmask1, w1, b1.reshape(1, -1), w2, b2.reshape(1, -1),
            w3, b3.reshape(1, -1))
    return pl.pallas_call(
        _sa1_body,
        grid=(n // t,),
        in_specs=[pl.BlockSpec((t * _MAXNB, 3), lambda i: (i, 0)),
                  pl.BlockSpec((t * _MAXNB, 1), lambda i: (i, 0))] +
                 [full(a) for a in args[2:]],
        out_specs=pl.BlockSpec((t, fo), lambda i: (i, 0)),
        out_shape=jax.ShapeDtypeStruct((n, fo), jnp.float32),
    )(*args)



def _sa2_body(h1g, x2, vmask, pos, bat,
              w1a, w1b, b1, w2, b2, w3, b3,
              ga, gb, gbias, g2w, g2b, g3w, g3b,
              h2_out, scene_out, scene_acc):
    t = pos.shape[0]
    i = pl.program_id(0)

    @pl.when(i == 0)
    def _():
        scene_acc[...] = jnp.full_like(scene_acc[...], _NEG_INF)

    m = jnp.dot(h1g[...], w1a[...], preferred_element_type=jnp.float32)
    m = m + jnp.dot(x2[...], w1b[...], preferred_element_type=jnp.float32)
    m = jnp.maximum(m + b1[...], 0.0)
    m = jnp.dot(m, w2[...], preferred_element_type=jnp.float32)
    m = jnp.maximum(m + b2[...], 0.0)
    m = jnp.dot(m, w3[...], preferred_element_type=jnp.float32)
    m = jnp.maximum(m + b3[...], 0.0)
    m = jnp.where(vmask[...] > 0.5, m, _NEG_INF)
    h2 = jnp.max(m.reshape(t, _MAXNB, m.shape[-1]), axis=1)
    h2_out[...] = h2

    g = jnp.dot(h2, ga[...], preferred_element_type=jnp.float32)
    g = g + jnp.dot(pos[...], gb[...], preferred_element_type=jnp.float32)
    g = jnp.maximum(g + gbias[...], 0.0)
    g = jnp.dot(g, g2w[...], preferred_element_type=jnp.float32)
    g = jnp.maximum(g + g2b[...], 0.0)
    g = jnp.dot(g, g3w[...], preferred_element_type=jnp.float32)
    g = jnp.maximum(g + g3b[...], 0.0)

    b = bat[...]
    for s in range(_NUM_GRAPHS):
        gs = jnp.where(b == s, g, _NEG_INF)
        scene_acc[s:s + 1, :] = jnp.maximum(scene_acc[s:s + 1, :],
                                            jnp.max(gs, axis=0, keepdims=True))

    @pl.when(i == pl.num_programs(0) - 1)
    def _():
        scene_out[...] = scene_acc[...]


def _run_sa2(h1g, x2, vmask2, pos, bat2, p2, p3, t=64):
    n = pos.shape[0]
    (w1, b1), (w2, b2), (w3, b3) = p2
    (gw1, gb1), (g2w, g2b), (g3w, g3b) = p3
    w1a, w1b = w1[:128], w1[128:]
    ga, gb = gw1[:256], gw1[256:]
    full = lambda a: pl.BlockSpec(a.shape, lambda i: tuple(0 for _ in a.shape))
    args = (h1g, x2, vmask2, pos, bat2,
            w1a, w1b, b1.reshape(1, -1), w2, b2.reshape(1, -1),
            w3, b3.reshape(1, -1),
            ga, gb, gb1.reshape(1, -1), g2w, g2b.reshape(1, -1),
            g3w, g3b.reshape(1, -1))
    return pl.pallas_call(
        _sa2_body,
        grid=(n // t,),
        in_specs=[pl.BlockSpec((t * _MAXNB, 128), lambda i: (i, 0)),
                  pl.BlockSpec((t * _MAXNB, 3), lambda i: (i, 0)),
                  pl.BlockSpec((t * _MAXNB, 1), lambda i: (i, 0)),
                  pl.BlockSpec((t, 3), lambda i: (i, 0)),
                  pl.BlockSpec((t, 1), lambda i: (i, 0))] +
                 [full(a) for a in args[5:]],
        out_specs=[pl.BlockSpec((t, 256), lambda i: (i, 0)),
                   pl.BlockSpec((_NUM_GRAPHS, 1024), lambda i: (0, 0))],
        out_shape=[jax.ShapeDtypeStruct((n, 256), jnp.float32),
                   jax.ShapeDtypeStruct((_NUM_GRAPHS, 1024), jnp.float32)],
        scratch_shapes=[pltpu.VMEM((_NUM_GRAPHS, 1024), jnp.float32)],
    )(*args)



def _edge_body(h2, scene, bat, out):
    t = h2.shape[0]
    d2 = h2.shape[1]
    b = bat[...]
    e = jnp.broadcast_to(scene[0:1, :], (t, scene.shape[1]))
    for s in range(1, _NUM_GRAPHS):
        e = jnp.where(b == s, scene[s:s + 1, :], e)
    out[:, :d2] = h2[...]
    out[:, d2:] = e


def _run_edge(h2, scene, bat2, t=256):
    n = h2.shape[0]
    d2 = h2.shape[1]
    dtot = d2 + scene.shape[1]
    return pl.pallas_call(
        _edge_body,
        grid=(n // t,),
        in_specs=[pl.BlockSpec((t, d2), lambda i: (i, 0)),
                  pl.BlockSpec(scene.shape, lambda i: (0, 0)),
                  pl.BlockSpec((t, 1), lambda i: (i, 0))],
        out_specs=pl.BlockSpec((t, dtot), lambda i: (i, 0)),
        out_shape=jax.ShapeDtypeStruct((n, dtot), jnp.float32),
    )(h2, scene, bat2)



def kernel(x, pos, batch, params):
    n = pos.shape[0]
    px, py, pz = (pos[:, k] + jnp.float32(0.0) for k in range(3))
    sq = jnp.sum(pos * pos, axis=1)
    bi = batch.astype(jnp.int32)
    starts = jnp.searchsorted(bi, jnp.arange(_NUM_GRAPHS, dtype=jnp.int32))
    ends = jnp.concatenate([starts[1:], jnp.array([n], dtype=starts.dtype)])
    rstart = starts[bi].astype(jnp.int32)
    rend = ends[bi].astype(jnp.int32)

    sel = _make_select_kernel(n)
    r1x, r1y, r1z, r2x, r2y, r2z, nb2, cnt1, cnt2 = sel(
        px, py, pz, sq, rstart, rend)
    r1x, r1y, r1z, r2x, r2y, r2z = (a.reshape(n, _NBUF)
                                    for a in (r1x, r1y, r1z, r2x, r2y, r2z))
    nb2 = nb2.reshape(n, _NBUF)

    slot = jnp.arange(_MAXNB, dtype=jnp.int32)[None, :]
    x1 = jnp.stack([r1x[:, :_MAXNB], r1y[:, :_MAXNB], r1z[:, :_MAXNB]],
                   axis=-1).reshape(n * _MAXNB, 3)
    vmask1 = (slot < cnt1[:, None]).astype(jnp.float32).reshape(n * _MAXNB, 1)
    x2 = jnp.stack([r2x[:, :_MAXNB], r2y[:, :_MAXNB], r2z[:, :_MAXNB]],
                   axis=-1).reshape(n * _MAXNB, 3)
    vmask2 = (slot < cnt2[:, None]).astype(jnp.float32).reshape(n * _MAXNB, 1)

    h1 = _run_sa1(x1, vmask1, params["sa1"])

    idx = nb2[:, :_MAXNB].reshape(n * _MAXNB)
    h1g = _make_gather_kernel(n * _MAXNB, 128)(h1, idx)

    h2, scene = _run_sa2(h1g, x2, vmask2, pos, bi[:, None],
                         params["sa2"], params["sa3"])

    edge = _run_edge(h2, scene, bi[:, None])
    return (scene, edge, batch)

# --- scband reference (transcript-rebuilt; emitter-appended) ---
"""Pipeline reference for scband-encoder-45191645889290 (READ-ONLY COPY).

The authoritative reference and input builder live on the scoring server;
editing this copy changes nothing except your own understanding.
"""

import jax, jax.numpy as jnp
import numpy as np

R1, R2 = 0.2, 0.4
MAXNB = 64
NUM_GRAPHS = 8


def _mlp(h, params):
    for W, b in params:
        h = jax.nn.relu(h @ W + b)
    return h


def _neighbors(pos, batch, r):
    n = pos.shape[0]
    sq = jnp.sum(pos * pos, axis=1)
    d2 = sq[:, None] + sq[None, :] - 2.0 * (pos @ pos.T)
    mask = (d2 <= r * r) & (batch[:, None] == batch[None, :])
    key = jnp.where(mask, jnp.arange(n)[None, :], n)
    nb = jnp.argsort(key, axis=1)[:, :MAXNB]
    valid = jnp.take_along_axis(mask, nb, axis=1)
    return nb, valid


def _sa(x, pos, batch, params, r):
    # SAModule with ratio=1.0: fps keeps all points (identity order used here).
    nb, valid = _neighbors(pos, batch, r)
    rel = pos[nb] - pos[:, None, :]
    if x is not None and x.shape[1] > 0:
        msg_in = jnp.concatenate([x[nb], rel], axis=-1)
    else:
        msg_in = rel
    msg = _mlp(msg_in, params)
    msg = jnp.where(valid[:, :, None], msg, -jnp.inf)
    return jnp.max(msg, axis=1)


def setup_inputs(seed: int = 0):
    key = jax.random.key(seed)
    ks = jax.random.split(key, 8)
    N, B = 8192, 8
    pos = jax.random.uniform(ks[0], (N, 3), dtype=jnp.float32)
    batch = jnp.sort(jax.random.randint(ks[1], (N,), 0, B))
    x = jnp.zeros((N, 0), dtype=jnp.float32)

    def lin(k, fi, fo):
        kw, kb = jax.random.split(k)
        W = jax.random.normal(kw, (fi, fo), dtype=jnp.float32) * (1.0 / np.sqrt(fi))
        b = jax.random.normal(kb, (fo,), dtype=jnp.float32) * 0.01
        return (W, b)

    def mlp_params(kbase, dims):
        return [lin(jax.random.fold_in(kbase, i), dims[i], dims[i + 1]) for i in range(len(dims) - 1)]

    params = {
        "sa1": mlp_params(ks[2], [3, 64, 64, 128]),
        "sa2": mlp_params(ks[3], [128 + 3, 128, 128, 256]),
        "sa3": mlp_params(ks[4], [256 + 3, 256, 512, 1024]),
    }
    return {"x": x, "pos": pos, "batch": batch, "params": params}


def reference(x, pos, batch, params):
    h1 = _sa(x, pos, batch, params["sa1"], R1)
    h2 = _sa(h1, pos, batch, params["sa2"], R2)
    point_feat = h2
    g = _mlp(jnp.concatenate([h2, pos], axis=1), params["sa3"])
    scene = jax.ops.segment_max(g, batch, num_segments=NUM_GRAPHS)
    expanded = scene[batch]
    edge_feat = jnp.concatenate([point_feat, expanded], axis=1)
    return (scene, edge_feat, batch)

if __name__ == "__main__":
    import jax
    _d = setup_inputs()
    print(jax.jit(kernel)(*tuple(_d.values())))

</pallas_src>

<mosaic_0001>
#map = affine_map<(d0, d1) -> (0, 0)>
#map1 = affine_map<(d0, d1) -> (0)>
module attributes {stable_mosaic.version = 14 : i64} {
  func.func @body(%arg0: i32, %arg1: i32, %arg2: memref<8192x128xf32, #tpu.memory_space<hbm>>, %arg3: memref<524288xi32, #tpu.memory_space<hbm>>, %arg4: memref<524288x128xf32, #tpu.memory_space<hbm>>, %arg5: memref<16384xi32, #tpu.memory_space<vmem>>, %arg6: memref<128x128xf32, #tpu.memory_space<vmem>>, %arg7: memref<!tpu.dma_semaphore, #tpu.memory_space<semaphore_mem>>, %arg8: memref<!tpu.dma_semaphore, #tpu.memory_space<semaphore_mem>>) attributes {dimension_semantics = [#tpu.dimension_semantics<core_parallel>, #tpu.dimension_semantics<subcore_parallel>], iteration_bounds = array<i64: 2, 16>, scalar_prefetch = 0 : i64, scratch_operands = 4 : i64, tpu.core_type = #tpu.core_type<sc_vector_subcore>, window_params = [{transform_indices = #map}, {transform_indices = #map1}, {transform_indices = #map}]} {
    %mul3A = arith.constant 16 : i32
    %mul3A_0 = arith.muli %arg0, %mul3A : i32
    %add3A = arith.addi %mul3A_0, %arg1 : i32
    %mul3A_1 = arith.constant 16384 : i32
    %mul3A_2 = arith.muli %add3A, %mul3A_1 : i32
    "tpu.region"() ({
      %run_scoped3A = tpu.sem_alloc : memref<!tpu.dma_semaphore, #tpu.memory_space<semaphore_mem>>
      %dma_start3A = tpu.memref_slice %arg3[%mul3A_2] : memref<524288xi32, #tpu.memory_space<hbm>> -> memref<16384xi32, #tpu.memory_space<hbm>>
      %dma_start3A_9 = tpu.memref_slice %arg3[%mul3A_2] : memref<524288xi32, #tpu.memory_space<hbm>> -> memref<16384xi32, #tpu.memory_space<hbm>>
      tpu.enqueue_dma source(%dma_start3A_9 : memref<16384xi32, #tpu.memory_space<hbm>>) target(%arg5 : memref<16384xi32, #tpu.memory_space<vmem>>) target_semaphore(%run_scoped3A : memref<!tpu.dma_semaphore, #tpu.memory_space<semaphore_mem>>)
      %dma_wait3A = tpu.memref_slice %arg3[%mul3A_2] : memref<524288xi32, #tpu.memory_space<hbm>> -> memref<16384xi32, #tpu.memory_space<hbm>>
      %dma_wait3A_10 = tpu.memref_slice %arg3[%mul3A_2] : memref<524288xi32, #tpu.memory_space<hbm>> -> memref<16384xi32, #tpu.memory_space<hbm>>
      tpu.wait_dma2 semaphore(%run_scoped3A : memref<!tpu.dma_semaphore, #tpu.memory_space<semaphore_mem>>) src(%dma_wait3A_10 : memref<16384xi32, #tpu.memory_space<hbm>>) dst(%arg5 : memref<16384xi32, #tpu.memory_space<vmem>>)
      tpu.yield
    }) : () -> ()
    %scan3A = arith.constant 0 : i32
    %scan3A_3 = arith.constant 0 : i32
    %scan3A_4 = arith.constant 128 : i32
    %scan3A_5 = arith.addi %scan3A_3, %scan3A_4 : i32
    %scan3A_6 = arith.constant 1 : i32
    %scan3A_7 = scf.for %scan3A_9 = %scan3A_3 to %scan3A_5 step %scan3A_6 iter_args(%scan3A_10 = %scan3A) -> (i32)  : i32 {
      %mul3A_11 = arith.constant 128 : i32
      %mul3A_12 = arith.muli %scan3A_9, %mul3A_11 : i32
      %dma_start3A = tpu.memref_slice %arg5[%mul3A_12] : memref<16384xi32, #tpu.memory_space<vmem>> -> memref<128xi32, #tpu.memory_space<vmem>>
      %dma_start3A_13 = arith.constant 0 : i32
      %dma_start3A_14 = arith.constant 0 : i32
      %dma_start3A_15 = tpu.memref_slice %arg2[%dma_start3A_13, %dma_start3A_14] : memref<8192x128xf32, #tpu.memory_space<hbm>> -> memref<8192x128xf32, #tpu.memory_space<hbm>>
      tpu.enqueue_indirect_dma source(%dma_start3A_15 : memref<8192x128xf32, #tpu.memory_space<hbm>>) target(%arg6 : memref<128x128xf32, #tpu.memory_space<vmem>>) offsets(%dma_start3A : memref<128xi32, #tpu.memory_space<vmem>>) semaphore(%arg7 : memref<!tpu.dma_semaphore, #tpu.memory_space<semaphore_mem>>)
      %dma_wait3A = tpu.memref_slice %arg5[%mul3A_12] : memref<16384xi32, #tpu.memory_space<vmem>> -> memref<128xi32, #tpu.memory_space<vmem>>
      %dma_wait3A_16 = arith.constant 0 : i32
      %dma_wait3A_17 = arith.constant 0 : i32
      %dma_wait3A_18 = tpu.memref_slice %arg2[%dma_wait3A_16, %dma_wait3A_17] : memref<8192x128xf32, #tpu.memory_space<hbm>> -> memref<8192x128xf32, #tpu.memory_space<hbm>>
      tpu.wait_indirect_dma semaphore(%arg7 : memref<!tpu.dma_semaphore, #tpu.memory_space<semaphore_mem>>) src(%dma_wait3A_18 : memref<8192x128xf32, #tpu.memory_space<hbm>>) dst(%arg6 : memref<128x128xf32, #tpu.memory_space<vmem>>)
      %mul3A_19 = arith.constant 128 : i32
      %mul3A_20 = arith.muli %scan3A_9, %mul3A_19 : i32
      %add3A_21 = arith.addi %mul3A_2, %mul3A_20 : i32
      %dma_start3A_22 = arith.constant 0 : i32
      %dma_start3A_23 = tpu.memref_slice %arg4[%add3A_21, %dma_start3A_22] : memref<524288x128xf32, #tpu.memory_space<hbm>> -> memref<128x128xf32, #tpu.memory_space<hbm>>
      %dma_start3A_24 = arith.constant 0 : i32
      %dma_start3A_25 = tpu.memref_slice %arg4[%add3A_21, %dma_start3A_24] : memref<524288x128xf32, #tpu.memory_space<hbm>> -> memref<128x128xf32, #tpu.memory_space<hbm>>
      tpu.enqueue_dma source(%arg6 : memref<128x128xf32, #tpu.memory_space<vmem>>) target(%dma_start3A_25 : memref<128x128xf32, #tpu.memory_space<hbm>>) target_semaphore(%arg8 : memref<!tpu.dma_semaphore, #tpu.memory_space<semaphore_mem>>)
      %dma_wait3A_26 = arith.constant 0 : i32
      %dma_wait3A_27 = tpu.memref_slice %arg4[%add3A_21, %dma_wait3A_26] : memref<524288x128xf32, #tpu.memory_space<hbm>> -> memref<128x128xf32, #tpu.memory_space<hbm>>
      %dma_wait3A_28 = arith.constant 0 : i32
      %dma_wait3A_29 = tpu.memref_slice %arg4[%add3A_21, %dma_wait3A_28] : memref<524288x128xf32, #tpu.memory_space<hbm>> -> memref<128x128xf32, #tpu.memory_space<hbm>>
      tpu.wait_dma2 semaphore(%arg8 : memref<!tpu.dma_semaphore, #tpu.memory_space<semaphore_mem>>) src(%arg6 : memref<128x128xf32, #tpu.memory_space<vmem>>) dst(%dma_wait3A_29 : memref<128x128xf32, #tpu.memory_space<hbm>>)
      %scan3A_30 = arith.constant 0 : i32
      scf.yield %scan3A_30 : i32
    }
    %scan3A_8 = arith.constant 128 : i32
    return
  }
}

#map = affine_map<(d0, d1) -> (0)>
module attributes {stable_mosaic.version = 14 : i64} {
  func.func @body(%arg0: i32, %arg1: i32, %arg2: memref<8192xf32, #tpu.memory_space<hbm>>, %arg3: memref<8192xf32, #tpu.memory_space<hbm>>, %arg4: memref<8192xf32, #tpu.memory_space<hbm>>, %arg5: memref<8192xf32, #tpu.memory_space<hbm>>, %arg6: memref<8192xi32, #tpu.memory_space<hbm>>, %arg7: memref<8192xi32, #tpu.memory_space<hbm>>, %arg8: memref<655360xf32, #tpu.memory_space<hbm>>, %arg9: memref<655360xf32, #tpu.memory_space<hbm>>, %arg10: memref<655360xf32, #tpu.memory_space<hbm>>, %arg11: memref<655360xf32, #tpu.memory_space<hbm>>, %arg12: memref<655360xf32, #tpu.memory_space<hbm>>, %arg13: memref<655360xf32, #tpu.memory_space<hbm>>, %arg14: memref<655360xi32, #tpu.memory_space<hbm>>, %arg15: memref<8192xi32, #tpu.memory_space<hbm>>, %arg16: memref<8192xi32, #tpu.memory_space<hbm>>, %arg17: memref<8192xf32, #tpu.memory_space<vmem>>, %arg18: memref<8192xf32, #tpu.memory_space<vmem>>, %arg19: memref<8192xf32, #tpu.memory_space<vmem>>, %arg20: memref<8192xf32, #tpu.memory_space<vmem>>, %arg21: memref<8192xf32, #tpu.memory_space<vmem>>, %arg22: memref<8192xf32, #tpu.memory_space<vmem>>, %arg23: memref<8192xf32, #tpu.memory_space<vmem>>, %arg24: memref<256xi32, #tpu.memory_space<vmem>>, %arg25: memref<256xi32, #tpu.memory_space<vmem>>, %arg26: memref<1280xf32, #tpu.memory_space<vmem>>, %arg27: memref<1280xf32, #tpu.memory_space<vmem>>, %arg28: memref<1280xf32, #tpu.memory_space<vmem>>, %arg29: memref<1280xf32, #tpu.memory_space<vmem>>, %arg30: memref<1280xf32, #tpu.memory_space<vmem>>, %arg31: memref<1280xf32, #tpu.memory_space<vmem>>, %arg32: memref<1280xi32, #tpu.memory_space<vmem>>, %arg33: memref<16xi32, #tpu.memory_space<vmem>>, %arg34: memref<16xi32, #tpu.memory_space<vmem>>) attributes {dimension_semantics = [#tpu.dimension_semantics<core_parallel>, #tpu.dimension_semantics<subcore_parallel>], iteration_bounds = array<i64: 2, 16>, scalar_prefetch = 0 : i64, scratch_operands = 18 : i64, tpu.core_type = #tpu.core_type<sc_vector_subcore>, window_params = [{transform_indices = #map}, {transform_indices = #map}, {transform_indices = #map}, {transform_indices = #map}, {transform_indices = #map}, {transform_indices = #map}, {transform_indices = #map}, {transform_indices = #map}, {transform_indices = #map}, {transform_indices = #map}, {transform_indices = #map}, {transform_indices = #map}, {transform_indices = #map}, {transform_indices = #map}, {transform_indices = #map}]} {
    %mul3A = arith.constant 16 : i32
    %mul3A_0 = arith.muli %arg0, %mul3A : i32
    %add3A = arith.addi %mul3A_0, %arg1 : i32
    %mul3A_1 = arith.constant 256 : i32
    %mul3A_2 = arith.muli %add3A, %mul3A_1 : i32
    "tpu.region"() ({
      %run_scoped3A = tpu.sem_alloc : memref<!tpu.dma_semaphore, #tpu.memory_space<semaphore_mem>>
      tpu.enqueue_dma source(%arg2 : memref<8192xf32, #tpu.memory_space<hbm>>) target(%arg17 : memref<8192xf32, #tpu.memory_space<vmem>>) target_semaphore(%run_scoped3A : memref<!tpu.dma_semaphore, #tpu.memory_space<semaphore_mem>>)
      tpu.wait_dma2 semaphore(%run_scoped3A : memref<!tpu.dma_semaphore, #tpu.memory_space<semaphore_mem>>) src(%arg2 : memref<8192xf32, #tpu.memory_space<hbm>>) dst(%arg17 : memref<8192xf32, #tpu.memory_space<vmem>>)
      tpu.yield
    }) : () -> ()
    "tpu.region"() ({
      %run_scoped3A = tpu.sem_alloc : memref<!tpu.dma_semaphore, #tpu.memory_space<semaphore_mem>>
      tpu.enqueue_dma source(%arg3 : memref<8192xf32, #tpu.memory_space<hbm>>) target(%arg18 : memref<8192xf32, #tpu.memory_space<vmem>>) target_semaphore(%run_scoped3A : memref<!tpu.dma_semaphore, #tpu.memory_space<semaphore_mem>>)
      tpu.wait_dma2 semaphore(%run_scoped3A : memref<!tpu.dma_semaphore, #tpu.memory_space<semaphore_mem>>) src(%arg3 : memref<8192xf32, #tpu.memory_space<hbm>>) dst(%arg18 : memref<8192xf32, #tpu.memory_space<vmem>>)
      tpu.yield
    }) : () -> ()
    "tpu.region"() ({
      %run_scoped3A = tpu.sem_alloc : memref<!tpu.dma_semaphore, #tpu.memory_space<semaphore_mem>>
      tpu.enqueue_dma source(%arg4 : memref<8192xf32, #tpu.memory_space<hbm>>) target(%arg19 : memref<8192xf32, #tpu.memory_space<vmem>>) target_semaphore(%run_scoped3A : memref<!tpu.dma_semaphore, #tpu.memory_space<semaphore_mem>>)
      tpu.wait_dma2 semaphore(%run_scoped3A : memref<!tpu.dma_semaphore, #tpu.memory_space<semaphore_mem>>) src(%arg4 : memref<8192xf32, #tpu.memory_space<hbm>>) dst(%arg19 : memref<8192xf32, #tpu.memory_space<vmem>>)
      tpu.yield
    }) : () -> ()
    "tpu.region"() ({
      %run_scoped3A = tpu.sem_alloc : memref<!tpu.dma_semaphore, #tpu.memory_space<semaphore_mem>>
      tpu.enqueue_dma source(%arg5 : memref<8192xf32, #tpu.memory_space<hbm>>) target(%arg23 : memref<8192xf32, #tpu.memory_space<vmem>>) target_semaphore(%run_scoped3A : memref<!tpu.dma_semaphore, #tpu.memory_space<semaphore_mem>>)
      tpu.wait_dma2 semaphore(%run_scoped3A : memref<!tpu.dma_semaphore, #tpu.memory_space<semaphore_mem>>) src(%arg5 : memref<8192xf32, #tpu.memory_space<hbm>>) dst(%arg23 : memref<8192xf32, #tpu.memory_space<vmem>>)
      tpu.yield
    }) : () -> ()
    "tpu.region"() ({
      %run_scoped3A = tpu.sem_alloc : memref<!tpu.dma_semaphore, #tpu.memory_space<semaphore_mem>>
      %dma_start3A = tpu.memref_slice %arg6[%mul3A_2] : memref<8192xi32, #tpu.memory_space<hbm>> -> memref<256xi32, #tpu.memory_space<hbm>>
      %dma_start3A_17 = tpu.memref_slice %arg6[%mul3A_2] : memref<8192xi32, #tpu.memory_space<hbm>> -> memref<256xi32, #tpu.memory_space<hbm>>
      tpu.enqueue_dma source(%dma_start3A_17 : memref<256xi32, #tpu.memory_space<hbm>>) target(%arg24 : memref<256xi32, #tpu.memory_space<vmem>>) target_semaphore(%run_scoped3A : memref<!tpu.dma_semaphore, #tpu.memory_space<semaphore_mem>>)
      %dma_wait3A = tpu.memref_slice %arg6[%mul3A_2] : memref<8192xi32, #tpu.memory_space<hbm>> -> memref<256xi32, #tpu.memory_space<hbm>>
      %dma_wait3A_18 = tpu.memref_slice %arg6[%mul3A_2] : memref<8192xi32, #tpu.memory_space<hbm>> -> memref<256xi32, #tpu.memory_space<hbm>>
      tpu.wait_dma2 semaphore(%run_scoped3A : memref<!tpu.dma_semaphore, #tpu.memory_space<semaphore_mem>>) src(%dma_wait3A_18 : memref<256xi32, #tpu.memory_space<hbm>>) dst(%arg24 : memref<256xi32, #tpu.memory_space<vmem>>)
      tpu.yield
    }) : () -> ()
    "tpu.region"() ({
      %run_scoped3A = tpu.sem_alloc : memref<!tpu.dma_semaphore, #tpu.memory_space<semaphore_mem>>
      %dma_start3A = tpu.memref_slice %arg7[%mul3A_2] : memref<8192xi32, #tpu.memory_space<hbm>> -> memref<256xi32, #tpu.memory_space<hbm>>
      %dma_start3A_17 = tpu.memref_slice %arg7[%mul3A_2] : memref<8192xi32, #tpu.memory_space<hbm>> -> memref<256xi32, #tpu.memory_space<hbm>>
      tpu.enqueue_dma source(%dma_start3A_17 : memref<256xi32, #tpu.memory_space<hbm>>) target(%arg25 : memref<256xi32, #tpu.memory_space<vmem>>) target_semaphore(%run_scoped3A : memref<!tpu.dma_semaphore, #tpu.memory_space<semaphore_mem>>)
      %dma_wait3A = tpu.memref_slice %arg7[%mul3A_2] : memref<8192xi32, #tpu.memory_space<hbm>> -> memref<256xi32, #tpu.memory_space<hbm>>
      %dma_wait3A_18 = tpu.memref_slice %arg7[%mul3A_2] : memref<8192xi32, #tpu.memory_space<hbm>> -> memref<256xi32, #tpu.memory_space<hbm>>
      tpu.wait_dma2 semaphore(%run_scoped3A : memref<!tpu.dma_semaphore, #tpu.memory_space<semaphore_mem>>) src(%dma_wait3A_18 : memref<256xi32, #tpu.memory_space<hbm>>) dst(%arg25 : memref<256xi32, #tpu.memory_space<vmem>>)
      tpu.yield
    }) : () -> ()
    %scan3A = arith.constant 0 : i32
    %scan3A_3 = arith.constant 0 : i32
    %scan3A_4 = arith.constant 512 : i32
    %scan3A_5 = arith.addi %scan3A_3, %scan3A_4 : i32
    %scan3A_6 = arith.constant 1 : i32
    %scan3A_7 = scf.for %scan3A_17 = %scan3A_3 to %scan3A_5 step %scan3A_6 iter_args(%scan3A_18 = %scan3A) -> (i32)  : i32 {
      %mul3A_19 = arith.constant 16 : i32
      %mul3A_20 = arith.muli %scan3A_17, %mul3A_19 : i32
      %get3A = arith.index_cast %mul3A_20 : i32 to index
      %get3A_21 = tpu.vector_load %arg17[%get3A] {strides = array<i32>} : memref<8192xf32, #tpu.memory_space<vmem>>, vector<16xf32>,
      %bitcast3A = vector.bitcast %get3A_21 : vector<16xf32> to vector<16xi32>
      %shift_right_logical3A = arith.constant 16 : i32
      %shift_right_logical3A_22 = vector.broadcast %shift_right_logical3A : i32 to vector<16xi32>
      %shift_right_logical3A_23 = arith.shrui %bitcast3A, %shift_right_logical3A_22 : vector<16xi32>
      %and3A = arith.constant 1 : i32
      %and3A_24 = vector.broadcast %and3A : i32 to vector<16xi32>
      %and3A_25 = arith.andi %shift_right_logical3A_23, %and3A_24 : vector<16xi32>
      %add3A_26 = arith.constant 32767 : i32
      %add3A_27 = vector.broadcast %add3A_26 : i32 to vector<16xi32>
      %add3A_28 = arith.addi %bitcast3A, %add3A_27 : vector<16xi32>
      %add3A_29 = arith.addi %add3A_28, %and3A_25 : vector<16xi32>
      %and3A_30 = arith.constant -65536 : i32
      %and3A_31 = vector.broadcast %and3A_30 : i32 to vector<16xi32>
      %and3A_32 = arith.andi %add3A_29, %and3A_31 : vector<16xi32>
      %bitcast3A_33 = vector.bitcast %and3A_32 : vector<16xi32> to vector<16xf32>
      %swap3A = arith.index_cast %mul3A_20 : i32 to index
      %swap3A_34 = tpu.vector_load %arg20[%swap3A] {strides = array<i32>} : memref<8192xf32, #tpu.memory_space<vmem>>, vector<16xf32>,
      tpu.vector_store %arg20[%swap3A], %bitcast3A_33 {strides = array<i32>} : memref<8192xf32, #tpu.memory_space<vmem>>, vector<16xf32>,
      %get3A_35 = arith.index_cast %mul3A_20 : i32 to index
      %get3A_36 = tpu.vector_load %arg18[%get3A_35] {strides = array<i32>} : memref<8192xf32, #tpu.memory_space<vmem>>, vector<16xf32>,
      %bitcast3A_37 = vector.bitcast %get3A_36 : vector<16xf32> to vector<16xi32>
      %shift_right_logical3A_38 = arith.constant 16 : i32
      %shift_right_logical3A_39 = vector.broadcast %shift_right_logical3A_38 : i32 to vector<16xi32>
      %shift_right_logical3A_40 = arith.shrui %bitcast3A_37, %shift_right_logical3A_39 : vector<16xi32>
      %and3A_41 = arith.constant 1 : i32
      %and3A_42 = vector.broadcast %and3A_41 : i32 to vector<16xi32>
      %and3A_43 = arith.andi %shift_right_logical3A_40, %and3A_42 : vector<16xi32>
      %add3A_44 = arith.constant 32767 : i32
      %add3A_45 = vector.broadcast %add3A_44 : i32 to vector<16xi32>
      %add3A_46 = arith.addi %bitcast3A_37, %add3A_45 : vector<16xi32>
      %add3A_47 = arith.addi %add3A_46, %and3A_43 : vector<16xi32>
      %and3A_48 = arith.constant -65536 : i32
      %and3A_49 = vector.broadcast %and3A_48 : i32 to vector<16xi32>
      %and3A_50 = arith.andi %add3A_47, %and3A_49 : vector<16xi32>
      %bitcast3A_51 = vector.bitcast %and3A_50 : vector<16xi32> to vector<16xf32>
      %swap3A_52 = arith.index_cast %mul3A_20 : i32 to index
      %swap3A_53 = tpu.vector_load %arg21[%swap3A_52] {strides = array<i32>} : memref<8192xf32, #tpu.memory_space<vmem>>, vector<16xf32>,
      tpu.vector_store %arg21[%swap3A_52], %bitcast3A_51 {strides = array<i32>} : memref<8192xf32, #tpu.memory_space<vmem>>, vector<16xf32>,
      %get3A_54 = arith.index_cast %mul3A_20 : i32 to index
      %get3A_55 = tpu.vector_load %arg19[%get3A_54] {strides = array<i32>} : memref<8192xf32, #tpu.memory_space<vmem>>, vector<16xf32>,
      %bitcast3A_56 = vector.bitcast %get3A_55 : vector<16xf32> to vector<16xi32>
      %shift_right_logical3A_57 = arith.constant 16 : i32
      %shift_right_logical3A_58 = vector.broadcast %shift_right_logical3A_57 : i32 to vector<16xi32>
      %shift_right_logical3A_59 = arith.shrui %bitcast3A_56, %shift_right_logical3A_58 : vector<16xi32>
      %and3A_60 = arith.constant 1 : i32
      %and3A_61 = vector.broadcast %and3A_60 : i32 to vector<16xi32>
      %and3A_62 = arith.andi %shift_right_logical3A_59, %and3A_61 : vector<16xi32>
      %add3A_63 = arith.constant 32767 : i32
      %add3A_64 = vector.broadcast %add3A_63 : i32 to vector<16xi32>
      %add3A_65 = arith.addi %bitcast3A_56, %add3A_64 : vector<16xi32>
      %add3A_66 = arith.addi %add3A_65, %and3A_62 : vector<16xi32>
      %and3A_67 = arith.constant -65536 : i32
      %and3A_68 = vector.broadcast %and3A_67 : i32 to vector<16xi32>
      %and3A_69 = arith.andi %add3A_66, %and3A_68 : vector<16xi32>
      %bitcast3A_70 = vector.bitcast %and3A_69 : vector<16xi32> to vector<16xf32>
      %swap3A_71 = arith.index_cast %mul3A_20 : i32 to index
      %swap3A_72 = tpu.vector_load %arg22[%swap3A_71] {strides = array<i32>} : memref<8192xf32, #tpu.memory_space<vmem>>, vector<16xf32>,
      tpu.vector_store %arg22[%swap3A_71], %bitcast3A_70 {strides = array<i32>} : memref<8192xf32, #tpu.memory_space<vmem>>, vector<16xf32>,
      %scan3A_73 = arith.constant 0 : i32
      scf.yield %scan3A_73 : i32
    }
    %scan3A_8 = arith.constant 512 : i32
    %iota3A = tpu.iota {dimensions = array<i32: 0>} : vector<16xi32>
    %broadcast_in_dim3A = arith.constant 0 : i32
    %broadcast_in_dim3A_9 = vector.broadcast %broadcast_in_dim3A : i32 to vector<16xi32>
    %scan3A_10 = arith.constant 0 : i32
    %scan3A_11 = arith.constant 0 : i32
    %scan3A_12 = arith.constant 16 : i32
    %scan3A_13 = arith.addi %scan3A_11, %scan3A_12 : i32
    %scan3A_14 = arith.constant 1 : i32
    %scan3A_15 = scf.for %scan3A_17 = %scan3A_11 to %scan3A_13 step %scan3A_14 iter_args(%scan3A_18 = %scan3A_10) -> (i32)  : i32 {
      %mul3A_19 = arith.constant 16 : i32
      %mul3A_20 = arith.muli %scan3A_17, %mul3A_19 : i32
      %add3A_21 = arith.addi %mul3A_2, %mul3A_20 : i32
      %get3A = arith.index_cast %add3A_21 : i32 to index
      %get3A_22 = tpu.vector_load %arg17[%get3A] {strides = array<i32>} : memref<8192xf32, #tpu.memory_space<vmem>>, vector<16xf32>,
      %add3A_23 = arith.addi %mul3A_2, %mul3A_20 : i32
      %get3A_24 = arith.index_cast %add3A_23 : i32 to index
      %get3A_25 = tpu.vector_load %arg18[%get3A_24] {strides = array<i32>} : memref<8192xf32, #tpu.memory_space<vmem>>, vector<16xf32>,
      %add3A_26 = arith.addi %mul3A_2, %mul3A_20 : i32
      %get3A_27 = arith.index_cast %add3A_26 : i32 to index
      %get3A_28 = tpu.vector_load %arg19[%get3A_27] {strides = array<i32>} : memref<8192xf32, #tpu.memory_space<vmem>>, vector<16xf32>,
      %add3A_29 = arith.addi %mul3A_2, %mul3A_20 : i32
      %get3A_30 = arith.index_cast %add3A_29 : i32 to index
      %get3A_31 = tpu.vector_load %arg20[%get3A_30] {strides = array<i32>} : memref<8192xf32, #tpu.memory_space<vmem>>, vector<16xf32>,
      %add3A_32 = arith.addi %mul3A_2, %mul3A_20 : i32
      %get3A_33 = arith.index_cast %add3A_32 : i32 to index
      %get3A_34 = tpu.vector_load %arg21[%get3A_33] {strides = array<i32>} : memref<8192xf32, #tpu.memory_space<vmem>>, vector<16xf32>,
      %add3A_35 = arith.addi %mul3A_2, %mul3A_20 : i32
      %get3A_36 = arith.index_cast %add3A_35 : i32 to index
      %get3A_37 = tpu.vector_load %arg22[%get3A_36] {strides = array<i32>} : memref<8192xf32, #tpu.memory_space<vmem>>, vector<16xf32>,
      %add3A_38 = arith.addi %mul3A_2, %mul3A_20 : i32
      %get3A_39 = arith.index_cast %add3A_38 : i32 to index
      %get3A_40 = tpu.vector_load %arg23[%get3A_39] {strides = array<i32>} : memref<8192xf32, #tpu.memory_space<vmem>>, vector<16xf32>,
      %get3A_41 = arith.index_cast %mul3A_20 : i32 to index
      %get3A_42 = tpu.vector_load %arg24[%get3A_41] {strides = array<i32>} : memref<256xi32, #tpu.memory_space<vmem>>, vector<16xi32>,
      %get3A_43 = arith.index_cast %mul3A_20 : i32 to index
      %get3A_44 = tpu.vector_load %arg25[%get3A_43] {strides = array<i32>} : memref<256xi32, #tpu.memory_space<vmem>>, vector<16xi32>,
      %broadcast_in_dim3A_45 = arith.constant 0 : i32
      %broadcast_in_dim3A_46 = vector.broadcast %broadcast_in_dim3A_45 : i32 to vector<16xi32>
      %broadcast_in_dim3A_47 = arith.constant 0 : i32
      %broadcast_in_dim3A_48 = vector.broadcast %broadcast_in_dim3A_47 : i32 to vector<16xi32>
      %slice3A = vector.extract_strided_slice %get3A_22 {offsets = [0], sizes = [1], strides = [1]} : vector<16xf32> to vector<1xf32>
      %squeeze3A = vector.extract %slice3A[0] : f32 from vector<1xf32>
      %slice3A_49 = vector.extract_strided_slice %get3A_25 {offsets = [0], sizes = [1], strides = [1]} : vector<16xf32> to vector<1xf32>
      %squeeze3A_50 = vector.extract %slice3A_49[0] : f32 from vector<1xf32>
      %slice3A_51 = vector.extract_strided_slice %get3A_28 {offsets = [0], sizes = [1], strides = [1]} : vector<16xf32> to vector<1xf32>
      %squeeze3A_52 = vector.extract %slice3A_51[0] : f32 from vector<1xf32>
      %slice3A_53 = vector.extract_strided_slice %get3A_31 {offsets = [0], sizes = [1], strides = [1]} : vector<16xf32> to vector<1xf32>
      %squeeze3A_54 = vector.extract %slice3A_53[0] : f32 from vector<1xf32>
      %slice3A_55 = vector.extract_strided_slice %get3A_34 {offsets = [0], sizes = [1], strides = [1]} : vector<16xf32> to vector<1xf32>
      %squeeze3A_56 = vector.extract %slice3A_55[0] : f32 from vector<1xf32>
      %slice3A_57 = vector.extract_strided_slice %get3A_37 {offsets = [0], sizes = [1], strides = [1]} : vector<16xf32> to vector<1xf32>
      %squeeze3A_58 = vector.extract %slice3A_57[0] : f32 from vector<1xf32>
      %slice3A_59 = vector.extract_strided_slice %get3A_40 {offsets = [0], sizes = [1], strides = [1]} : vector<16xf32> to vector<1xf32>
      %squeeze3A_60 = vector.extract %slice3A_59[0] : f32 from vector<1xf32>
      %slice3A_61 = vector.extract_strided_slice %get3A_42 {offsets = [0], sizes = [1], strides = [1]} : vector<16xi32> to vector<1xi32>
      %squeeze3A_62 = vector.extract %slice3A_61[0] : i32 from vector<1xi32>
      %slice3A_63 = vector.extract_strided_slice %get3A_44 {offsets = [0], sizes = [1], strides = [1]} : vector<16xi32> to vector<1xi32>
      %squeeze3A_64 = vector.extract %slice3A_63[0] : i32 from vector<1xi32>
      %swap3A = arith.constant 0 : index
      %swap3A_65 = tpu.vector_load %arg32[%swap3A] {strides = array<i32>} : memref<1280xi32, #tpu.memory_space<vmem>>, vector<16xi32>,
      tpu.vector_store %arg32[%swap3A], %broadcast_in_dim3A_9 {strides = array<i32>} : memref<1280xi32, #tpu.memory_space<vmem>>, vector<16xi32>,
      %swap3A_66 = arith.constant 16 : index
      %swap3A_67 = tpu.vector_load %arg32[%swap3A_66] {strides = array<i32>} : memref<1280xi32, #tpu.memory_space<vmem>>, vector<16xi32>,
      tpu.vector_store %arg32[%swap3A_66], %broadcast_in_dim3A_9 {strides = array<i32>} : memref<1280xi32, #tpu.memory_space<vmem>>, vector<16xi32>,
      %swap3A_68 = arith.constant 32 : index
      %swap3A_69 = tpu.vector_load %arg32[%swap3A_68] {strides = array<i32>} : memref<1280xi32, #tpu.memory_space<vmem>>, vector<16xi32>,
      tpu.vector_store %arg32[%swap3A_68], %broadcast_in_dim3A_9 {strides = array<i32>} : memref<1280xi32, #tpu.memory_space<vmem>>, vector<16xi32>,
      %swap3A_70 = arith.constant 48 : index
      %swap3A_71 = tpu.vector_load %arg32[%swap3A_70] {strides = array<i32>} : memref<1280xi32, #tpu.memory_space<vmem>>, vector<16xi32>,
      tpu.vector_store %arg32[%swap3A_70], %broadcast_in_dim3A_9 {strides = array<i32>} : memref<1280xi32, #tpu.memory_space<vmem>>, vector<16xi32>,
      %swap3A_72 = arith.constant 64 : index
      %swap3A_73 = tpu.vector_load %arg32[%swap3A_72] {strides = array<i32>} : memref<1280xi32, #tpu.memory_space<vmem>>, vector<16xi32>,
      tpu.vector_store %arg32[%swap3A_72], %broadcast_in_dim3A_9 {strides = array<i32>} : memref<1280xi32, #tpu.memory_space<vmem>>, vector<16xi32>,
      %while3A = arith.constant 0 : i32
      %while3A_74 = arith.constant 0 : i32
      %while3A_75:3 = scf.while (%while3A_734 = %squeeze3A_62, %while3A_735 = %while3A, %while3A_736 = %while3A_74) : (i32, i32, i32) -> (i32, i32, i32) {
        %lt3A = arith.cmpi slt, %while3A_734, %squeeze3A_64 : i32
        scf.condition(%lt3A) %while3A_734, %while3A_735, %while3A_736 : i32, i32, i32
      } do {
      ^bb0(%while3A_734: i32, %while3A_735: i32, %while3A_736: i32):
        %get3A_737 = arith.index_cast %while3A_734 : i32 to index
        %get3A_738 = tpu.vector_load %arg20[%get3A_737] {strides = array<i32>} : memref<8192xf32, #tpu.memory_space<vmem>>, vector<16xf32>,
        %get3A_739 = arith.index_cast %while3A_734 : i32 to index
        %get3A_740 = tpu.vector_load %arg21[%get3A_739] {strides = array<i32>} : memref<8192xf32, #tpu.memory_space<vmem>>, vector<16xf32>,
        %get3A_741 = arith.index_cast %while3A_734 : i32 to index
        %get3A_742 = tpu.vector_load %arg22[%get3A_741] {strides = array<i32>} : memref<8192xf32, #tpu.memory_space<vmem>>, vector<16xf32>,
        %get3A_743 = arith.index_cast %while3A_734 : i32 to index
        %get3A_744 = tpu.vector_load %arg23[%get3A_743] {strides = array<i32>} : memref<8192xf32, #tpu.memory_space<vmem>>, vector<16xf32>,
        %mul3A_745 = vector.broadcast %squeeze3A_54 : f32 to vector<16xf32>
        %mul3A_746 = arith.mulf %mul3A_745, %get3A_738 : vector<16xf32>
        %mul3A_747 = vector.broadcast %squeeze3A_56 : f32 to vector<16xf32>
        %mul3A_748 = arith.mulf %mul3A_747, %get3A_740 : vector<16xf32>
        %add3A_749 = arith.addf %mul3A_746, %mul3A_748 : vector<16xf32>
        %mul3A_750 = vector.broadcast %squeeze3A_58 : f32 to vector<16xf32>
        %mul3A_751 = arith.mulf %mul3A_750, %get3A_742 : vector<16xf32>
        %add3A_752 = arith.addf %add3A_749, %mul3A_751 : vector<16xf32>
        %add3A_753 = vector.broadcast %squeeze3A_60 : f32 to vector<16xf32>
        %add3A_754 = arith.addf %add3A_753, %get3A_744 : vector<16xf32>
        %mul3A_755 = arith.constant 2.000000e+00 : f32
        %mul3A_756 = vector.broadcast %mul3A_755 : f32 to vector<16xf32>
        %mul3A_757 = arith.mulf %mul3A_756, %add3A_752 : vector<16xf32>
        %sub3A = arith.subf %add3A_754, %mul3A_757 : vector<16xf32>
        %sub3A_758 = arith.subi %squeeze3A_64, %while3A_734 : i32
        %lt3A = vector.broadcast %sub3A_758 : i32 to vector<16xi32>
        %lt3A_759 = arith.cmpi slt, %iota3A, %lt3A : vector<16xi32>
        %le3A = arith.constant 4.000000e-02 : f32
        %le3A_760 = vector.broadcast %le3A : f32 to vector<16xf32>
        %le3A_761 = arith.cmpf ole, %sub3A, %le3A_760 : vector<16xf32>
        %and3A = arith.andi %le3A_761, %lt3A_759 : vector<16xi1>
        %le3A_762 = arith.constant 1.600000e-01 : f32
        %le3A_763 = vector.broadcast %le3A_762 : f32 to vector<16xf32>
        %le3A_764 = arith.cmpf ole, %sub3A, %le3A_763 : vector<16xf32>
        %and3A_765 = arith.andi %le3A_764, %lt3A_759 : vector<16xi1>
        %get3A_766 = arith.index_cast %while3A_734 : i32 to index
        %get3A_767 = tpu.vector_load %arg17[%get3A_766] {strides = array<i32>} : memref<8192xf32, #tpu.memory_space<vmem>>, vector<16xf32>,
        %sub3A_768 = vector.broadcast %squeeze3A : f32 to vector<16xf32>
        %sub3A_769 = arith.subf %get3A_767, %sub3A_768 : vector<16xf32>
        %get3A_770 = arith.index_cast %while3A_734 : i32 to index
        %get3A_771 = tpu.vector_load %arg18[%get3A_770] {strides = array<i32>} : memref<8192xf32, #tpu.memory_space<vmem>>, vector<16xf32>,
        %sub3A_772 = vector.broadcast %squeeze3A_50 : f32 to vector<16xf32>
        %sub3A_773 = arith.subf %get3A_771, %sub3A_772 : vector<16xf32>
        %get3A_774 = arith.index_cast %while3A_734 : i32 to index
        %get3A_775 = tpu.vector_load %arg19[%get3A_774] {strides = array<i32>} : memref<8192xf32, #tpu.memory_space<vmem>>, vector<16xf32>,
        %sub3A_776 = vector.broadcast %squeeze3A_52 : f32 to vector<16xf32>
        %sub3A_777 = arith.subf %get3A_775, %sub3A_776 : vector<16xf32>
        %add3A_778 = vector.broadcast %while3A_734 : i32 to vector<16xi32>
        %add3A_779 = arith.addi %add3A_778, %iota3A : vector<16xi32>
        %lt3A_780 = arith.constant 64 : i32
        %lt3A_781 = arith.cmpi slt, %while3A_735, %lt3A_780 : i32
        %and3A_782 = vector.broadcast %lt3A_781 : i1 to vector<16xi1>
        %and3A_783 = arith.andi %and3A, %and3A_782 : vector<16xi1>
        %lt3A_784 = arith.constant 64 : i32
        %lt3A_785 = arith.cmpi slt, %while3A_736, %lt3A_784 : i32
        %and3A_786 = vector.broadcast %lt3A_785 : i1 to vector<16xi1>
        %and3A_787 = arith.andi %and3A_765, %and3A_786 : vector<16xi1>
        %min3A_788 = arith.constant 64 : i32
        %min3A_789 = arith.minsi %while3A_735, %min3A_788 : i32
        %add3A_790 = arith.constant 0 : i32
        %add3A_791 = arith.addi %add3A_790, %min3A_789 : i32
        %min3A_792 = arith.constant 64 : i32
        %min3A_793 = arith.minsi %while3A_736, %min3A_792 : i32
        %add3A_794 = arith.constant 0 : i32
        %add3A_795 = arith.addi %add3A_794, %min3A_793 : i32
        %swap3A_796 = arith.index_cast %add3A_791 : i32 to index
        %swap3A_797 = tpu.vector_load %arg26[%swap3A_796] masked %and3A_783 {strides = array<i32>} : memref<1280xf32, #tpu.memory_space<vmem>>, vector<16xf32>, vector<16xi1>
        tpu.vector_store %arg26[%swap3A_796], %sub3A_769 masked %and3A_783 {strides = array<i32>} : memref<1280xf32, #tpu.memory_space<vmem>>, vector<16xf32>, vector<16xi1>
        %swap3A_798 = arith.index_cast %add3A_791 : i32 to index
        %swap3A_799 = tpu.vector_load %arg27[%swap3A_798] masked %and3A_783 {strides = array<i32>} : memref<1280xf32, #tpu.memory_space<vmem>>, vector<16xf32>, vector<16xi1>
        tpu.vector_store %arg27[%swap3A_798], %sub3A_773 masked %and3A_783 {strides = array<i32>} : memref<1280xf32, #tpu.memory_space<vmem>>, vector<16xf32>, vector<16xi1>
        %swap3A_800 = arith.index_cast %add3A_791 : i32 to index
        %swap3A_801 = tpu.vector_load %arg28[%swap3A_800] masked %and3A_783 {strides = array<i32>} : memref<1280xf32, #tpu.memory_space<vmem>>, vector<16xf32>, vector<16xi1>
        tpu.vector_store %arg28[%swap3A_800], %sub3A_777 masked %and3A_783 {strides = array<i32>} : memref<1280xf32, #tpu.memory_space<vmem>>, vector<16xf32>, vector<16xi1>
        %swap3A_802 = arith.index_cast %add3A_795 : i32 to index
        %swap3A_803 = tpu.vector_load %arg29[%swap3A_802] masked %and3A_787 {strides = array<i32>} : memref<1280xf32, #tpu.memory_space<vmem>>, vector<16xf32>, vector<16xi1>
        tpu.vector_store %arg29[%swap3A_802], %sub3A_769 masked %and3A_787 {strides = array<i32>} : memref<1280xf32, #tpu.memory_space<vmem>>, vector<16xf32>, vector<16xi1>
        %swap3A_804 = arith.index_cast %add3A_795 : i32 to index
        %swap3A_805 = tpu.vector_load %arg30[%swap3A_804] masked %and3A_787 {strides = array<i32>} : memref<1280xf32, #tpu.memory_space<vmem>>, vector<16xf32>, vector<16xi1>
        tpu.vector_store %arg30[%swap3A_804], %sub3A_773 masked %and3A_787 {strides = array<i32>} : memref<1280xf32, #tpu.memory_space<vmem>>, vector<16xf32>, vector<16xi1>
        %swap3A_806 = arith.index_cast %add3A_795 : i32 to index
        %swap3A_807 = tpu.vector_load %arg31[%swap3A_806] masked %and3A_787 {strides = array<i32>} : memref<1280xf32, #tpu.memory_space<vmem>>, vector<16xf32>, vector<16xi1>
        tpu.vector_store %arg31[%swap3A_806], %sub3A_777 masked %and3A_787 {strides = array<i32>} : memref<1280xf32, #tpu.memory_space<vmem>>, vector<16xf32>, vector<16xi1>
        %swap3A_808 = arith.index_cast %add3A_795 : i32 to index
        %swap3A_809 = tpu.vector_load %arg32[%swap3A_808] masked %and3A_787 {strides = array<i32>} : memref<1280xi32, #tpu.memory_space<vmem>>, vector<16xi32>, vector<16xi1>
        tpu.vector_store %arg32[%swap3A_808], %add3A_779 masked %and3A_787 {strides = array<i32>} : memref<1280xi32, #tpu.memory_space<vmem>>, vector<16xi32>, vector<16xi1>
        %all_reduce_population_count3A = tpu.all_reduce %and3A {dim = 0 : i64, kind = #tpu.reduction_kind<sum>} : vector<16xi1> -> vector<16xi32>
        %slice3A_810 = vector.extract_strided_slice %all_reduce_population_count3A {offsets = [0], sizes = [1], strides = [1]} : vector<16xi32> to vector<1xi32>
        %squeeze3A_811 = vector.extract %slice3A_810[0] : i32 from vector<1xi32>
        %all_reduce_population_count3A_812 = tpu.all_reduce %and3A_765 {dim = 0 : i64, kind = #tpu.reduction_kind<sum>} : vector<16xi1> -> vector<16xi32>
        %slice3A_813 = vector.extract_strided_slice %all_reduce_population_count3A_812 {offsets = [0], sizes = [1], strides = [1]} : vector<16xi32> to vector<1xi32>
        %squeeze3A_814 = vector.extract %slice3A_813[0] : i32 from vector<1xi32>
        %lt3A_815 = arith.constant 64 : i32
        %lt3A_816 = arith.cmpi slt, %while3A_735, %lt3A_815 : i32
        %add3A_817 = arith.addi %while3A_735, %squeeze3A_811 : i32
        %select_n3A_818 = arith.select %lt3A_816, %add3A_817, %while3A_735 : i32
        %lt3A_819 = arith.constant 64 : i32
        %lt3A_820 = arith.cmpi slt, %while3A_736, %lt3A_819 : i32
        %add3A_821 = arith.addi %while3A_736, %squeeze3A_814 : i32
        %select_n3A_822 = arith.select %lt3A_820, %add3A_821, %while3A_736 : i32
        %add3A_823 = arith.constant 16 : i32
        %add3A_824 = arith.addi %while3A_734, %add3A_823 : i32
        scf.yield %add3A_824, %select_n3A_818, %select_n3A_822 : i32, i32, i32
      }
      %eq3A = arith.constant 0 : i32
      %eq3A_76 = vector.broadcast %eq3A : i32 to vector<16xi32>
      %eq3A_77 = arith.cmpi eq, %iota3A, %eq3A_76 : vector<16xi32>
      %min3A = arith.constant 64 : i32
      %min3A_78 = arith.minsi %while3A_75#1, %min3A : i32
      %broadcast_in_dim3A_79 = vector.broadcast %min3A_78 : i32 to vector<16xi32>
      %select_n3A = arith.select %eq3A_77, %broadcast_in_dim3A_79, %broadcast_in_dim3A_46 : vector<16xi1>, vector<16xi32>
      %min3A_80 = arith.constant 64 : i32
      %min3A_81 = arith.minsi %while3A_75#2, %min3A_80 : i32
      %broadcast_in_dim3A_82 = vector.broadcast %min3A_81 : i32 to vector<16xi32>
      %select_n3A_83 = arith.select %eq3A_77, %broadcast_in_dim3A_82, %broadcast_in_dim3A_48 : vector<16xi1>, vector<16xi32>
      %slice3A_84 = vector.extract_strided_slice %get3A_22 {offsets = [1], sizes = [1], strides = [1]} : vector<16xf32> to vector<1xf32>
      %squeeze3A_85 = vector.extract %slice3A_84[0] : f32 from vector<1xf32>
      %slice3A_86 = vector.extract_strided_slice %get3A_25 {offsets = [1], sizes = [1], strides = [1]} : vector<16xf32> to vector<1xf32>
      %squeeze3A_87 = vector.extract %slice3A_86[0] : f32 from vector<1xf32>
      %slice3A_88 = vector.extract_strided_slice %get3A_28 {offsets = [1], sizes = [1], strides = [1]} : vector<16xf32> to vector<1xf32>
      %squeeze3A_89 = vector.extract %slice3A_88[0] : f32 from vector<1xf32>
      %slice3A_90 = vector.extract_strided_slice %get3A_31 {offsets = [1], sizes = [1], strides = [1]} : vector<16xf32> to vector<1xf32>
      %squeeze3A_91 = vector.extract %slice3A_90[0] : f32 from vector<1xf32>
      %slice3A_92 = vector.extract_strided_slice %get3A_34 {offsets = [1], sizes = [1], strides = [1]} : vector<16xf32> to vector<1xf32>
      %squeeze3A_93 = vector.extract %slice3A_92[0] : f32 from vector<1xf32>
      %slice3A_94 = vector.extract_strided_slice %get3A_37 {offsets = [1], sizes = [1], strides = [1]} : vector<16xf32> to vector<1xf32>
      %squeeze3A_95 = vector.extract %slice3A_94[0] : f32 from vector<1xf32>
      %slice3A_96 = vector.extract_strided_slice %get3A_40 {offsets = [1], sizes = [1], strides = [1]} : vector<16xf32> to vector<1xf32>
      %squeeze3A_97 = vector.extract %slice3A_96[0] : f32 from vector<1xf32>
      %slice3A_98 = vector.extract_strided_slice %get3A_42 {offsets = [1], sizes = [1], strides = [1]} : vector<16xi32> to vector<1xi32>
      %squeeze3A_99 = vector.extract %slice3A_98[0] : i32 from vector<1xi32>
      %slice3A_100 = vector.extract_strided_slice %get3A_44 {offsets = [1], sizes = [1], strides = [1]} : vector<16xi32> to vector<1xi32>
      %squeeze3A_101 = vector.extract %slice3A_100[0] : i32 from vector<1xi32>
      %swap3A_102 = arith.constant 80 : index
      %swap3A_103 = tpu.vector_load %arg32[%swap3A_102] {strides = array<i32>} : memref<1280xi32, #tpu.memory_space<vmem>>, vector<16xi32>,
      tpu.vector_store %arg32[%swap3A_102], %broadcast_in_dim3A_9 {strides = array<i32>} : memref<1280xi32, #tpu.memory_space<vmem>>, vector<16xi32>,
      %swap3A_104 = arith.constant 96 : index
      %swap3A_105 = tpu.vector_load %arg32[%swap3A_104] {strides = array<i32>} : memref<1280xi32, #tpu.memory_space<vmem>>, vector<16xi32>,
      tpu.vector_store %arg32[%swap3A_104], %broadcast_in_dim3A_9 {strides = array<i32>} : memref<1280xi32, #tpu.memory_space<vmem>>, vector<16xi32>,
      %swap3A_106 = arith.constant 112 : index
      %swap3A_107 = tpu.vector_load %arg32[%swap3A_106] {strides = array<i32>} : memref<1280xi32, #tpu.memory_space<vmem>>, vector<16xi32>,
      tpu.vector_store %arg32[%swap3A_106], %broadcast_in_dim3A_9 {strides = array<i32>} : memref<1280xi32, #tpu.memory_space<vmem>>, vector<16xi32>,
      %swap3A_108 = arith.constant 128 : index
      %swap3A_109 = tpu.vector_load %arg32[%swap3A_108] {strides = array<i32>} : memref<1280xi32, #tpu.memory_space<vmem>>, vector<16xi32>,
      tpu.vector_store %arg32[%swap3A_108], %broadcast_in_dim3A_9 {strides = array<i32>} : memref<1280xi32, #tpu.memory_space<vmem>>, vector<16xi32>,
      %swap3A_110 = arith.constant 144 : index
      %swap3A_111 = tpu.vector_load %arg32[%swap3A_110] {strides = array<i32>} : memref<1280xi32, #tpu.memory_space<vmem>>, vector<16xi32>,
      tpu.vector_store %arg32[%swap3A_110], %broadcast_in_dim3A_9 {strides = array<i32>} : memref<1280xi32, #tpu.memory_space<vmem>>, vector<16xi32>,
      %while3A_112 = arith.constant 0 : i32
      %while3A_113 = arith.constant 0 : i32
      %while3A_114:3 = scf.while (%while3A_734 = %squeeze3A_99, %while3A_735 = %while3A_112, %while3A_736 = %while3A_113) : (i32, i32, i32) -> (i32, i32, i32) {
        %lt3A = arith.cmpi slt, %while3A_734, %squeeze3A_101 : i32
        scf.condition(%lt3A) %while3A_734, %while3A_735, %while3A_736 : i32, i32, i32
      } do {
      ^bb0(%while3A_734: i32, %while3A_735: i32, %while3A_736: i32):
        %get3A_737 = arith.index_cast %while3A_734 : i32 to index
        %get3A_738 = tpu.vector_load %arg20[%get3A_737] {strides = array<i32>} : memref<8192xf32, #tpu.memory_space<vmem>>, vector<16xf32>,
        %get3A_739 = arith.index_cast %while3A_734 : i32 to index
        %get3A_740 = tpu.vector_load %arg21[%get3A_739] {strides = array<i32>} : memref<8192xf32, #tpu.memory_space<vmem>>, vector<16xf32>,
        %get3A_741 = arith.index_cast %while3A_734 : i32 to index
        %get3A_742 = tpu.vector_load %arg22[%get3A_741] {strides = array<i32>} : memref<8192xf32, #tpu.memory_space<vmem>>, vector<16xf32>,
        %get3A_743 = arith.index_cast %while3A_734 : i32 to index
        %get3A_744 = tpu.vector_load %arg23[%get3A_743] {strides = array<i32>} : memref<8192xf32, #tpu.memory_space<vmem>>, vector<16xf32>,
        %mul3A_745 = vector.broadcast %squeeze3A_91 : f32 to vector<16xf32>
        %mul3A_746 = arith.mulf %mul3A_745, %get3A_738 : vector<16xf32>
        %mul3A_747 = vector.broadcast %squeeze3A_93 : f32 to vector<16xf32>
        %mul3A_748 = arith.mulf %mul3A_747, %get3A_740 : vector<16xf32>
        %add3A_749 = arith.addf %mul3A_746, %mul3A_748 : vector<16xf32>
        %mul3A_750 = vector.broadcast %squeeze3A_95 : f32 to vector<16xf32>
        %mul3A_751 = arith.mulf %mul3A_750, %get3A_742 : vector<16xf32>
        %add3A_752 = arith.addf %add3A_749, %mul3A_751 : vector<16xf32>
        %add3A_753 = vector.broadcast %squeeze3A_97 : f32 to vector<16xf32>
        %add3A_754 = arith.addf %add3A_753, %get3A_744 : vector<16xf32>
        %mul3A_755 = arith.constant 2.000000e+00 : f32
        %mul3A_756 = vector.broadcast %mul3A_755 : f32 to vector<16xf32>
        %mul3A_757 = arith.mulf %mul3A_756, %add3A_752 : vector<16xf32>
        %sub3A = arith.subf %add3A_754, %mul3A_757 : vector<16xf32>
        %sub3A_758 = arith.subi %squeeze3A_101, %while3A_734 : i32
        %lt3A = vector.broadcast %sub3A_758 : i32 to vector<16xi32>
        %lt3A_759 = arith.cmpi slt, %iota3A, %lt3A : vector<16xi32>
        %le3A = arith.constant 4.000000e-02 : f32
        %le3A_760 = vector.broadcast %le3A : f32 to vector<16xf32>
        %le3A_761 = arith.cmpf ole, %sub3A, %le3A_760 : vector<16xf32>
        %and3A = arith.andi %le3A_761, %lt3A_759 : vector<16xi1>
        %le3A_762 = arith.constant 1.600000e-01 : f32
        %le3A_763 = vector.broadcast %le3A_762 : f32 to vector<16xf32>
        %le3A_764 = arith.cmpf ole, %sub3A, %le3A_763 : vector<16xf32>
        %and3A_765 = arith.andi %le3A_764, %lt3A_759 : vector<16xi1>
        %get3A_766 = arith.index_cast %while3A_734 : i32 to index
        %get3A_767 = tpu.vector_load %arg17[%get3A_766] {strides = array<i32>} : memref<8192xf32, #tpu.memory_space<vmem>>, vector<16xf32>,
        %sub3A_768 = vector.broadcast %squeeze3A_85 : f32 to vector<16xf32>
        %sub3A_769 = arith.subf %get3A_767, %sub3A_768 : vector<16xf32>
        %get3A_770 = arith.index_cast %while3A_734 : i32 to index
        %get3A_771 = tpu.vector_load %arg18[%get3A_770] {strides = array<i32>} : memref<8192xf32, #tpu.memory_space<vmem>>, vector<16xf32>,
        %sub3A_772 = vector.broadcast %squeeze3A_87 : f32 to vector<16xf32>
        %sub3A_773 = arith.subf %get3A_771, %sub3A_772 : vector<16xf32>
        %get3A_774 = arith.index_cast %while3A_734 : i32 to index
        %get3A_775 = tpu.vector_load %arg19[%get3A_774] {strides = array<i32>} : memref<8192xf32, #tpu.memory_space<vmem>>, vector<16xf32>,
        %sub3A_776 = vector.broadcast %squeeze3A_89 : f32 to vector<16xf32>
        %sub3A_777 = arith.subf %get3A_775, %sub3A_776 : vector<16xf32>
        %add3A_778 = vector.broadcast %while3A_734 : i32 to vector<16xi32>
        %add3A_779 = arith.addi %add3A_778, %iota3A : vector<16xi32>
        %lt3A_780 = arith.constant 64 : i32
        %lt3A_781 = arith.cmpi slt, %while3A_735, %lt3A_780 : i32
        %and3A_782 = vector.broadcast %lt3A_781 : i1 to vector<16xi1>
        %and3A_783 = arith.andi %and3A, %and3A_782 : vector<16xi1>
        %lt3A_784 = arith.constant 64 : i32
        %lt3A_785 = arith.cmpi slt, %while3A_736, %lt3A_784 : i32
        %and3A_786 = vector.broadcast %lt3A_785 : i1 to vector<16xi1>
        %and3A_787 = arith.andi %and3A_765, %and3A_786 : vector<16xi1>
        %min3A_788 = arith.constant 64 : i32
        %min3A_789 = arith.minsi %while3A_735, %min3A_788 : i32
        %add3A_790 = arith.constant 80 : i32
        %add3A_791 = arith.addi %add3A_790, %min3A_789 : i32
        %min3A_792 = arith.constant 64 : i32
        %min3A_793 = arith.minsi %while3A_736, %min3A_792 : i32
        %add3A_794 = arith.constant 80 : i32
        %add3A_795 = arith.addi %add3A_794, %min3A_793 : i32
        %swap3A_796 = arith.index_cast %add3A_791 : i32 to index
        %swap3A_797 = tpu.vector_load %arg26[%swap3A_796] masked %and3A_783 {strides = array<i32>} : memref<1280xf32, #tpu.memory_space<vmem>>, vector<16xf32>, vector<16xi1>
        tpu.vector_store %arg26[%swap3A_796], %sub3A_769 masked %and3A_783 {strides = array<i32>} : memref<1280xf32, #tpu.memory_space<vmem>>, vector<16xf32>, vector<16xi1>
        %swap3A_798 = arith.index_cast %add3A_791 : i32 to index
        %swap3A_799 = tpu.vector_load %arg27[%swap3A_798] masked %and3A_783 {strides = array<i32>} : memref<1280xf32, #tpu.memory_space<vmem>>, vector<16xf32>, vector<16xi1>
        tpu.vector_store %arg27[%swap3A_798], %sub3A_773 masked %and3A_783 {strides = array<i32>} : memref<1280xf32, #tpu.memory_space<vmem>>, vector<16xf32>, vector<16xi1>
        %swap3A_800 = arith.index_cast %add3A_791 : i32 to index
        %swap3A_801 = tpu.vector_load %arg28[%swap3A_800] masked %and3A_783 {strides = array<i32>} : memref<1280xf32, #tpu.memory_space<vmem>>, vector<16xf32>, vector<16xi1>
        tpu.vector_store %arg28[%swap3A_800], %sub3A_777 masked %and3A_783 {strides = array<i32>} : memref<1280xf32, #tpu.memory_space<vmem>>, vector<16xf32>, vector<16xi1>
        %swap3A_802 = arith.index_cast %add3A_795 : i32 to index
        %swap3A_803 = tpu.vector_load %arg29[%swap3A_802] masked %and3A_787 {strides = array<i32>} : memref<1280xf32, #tpu.memory_space<vmem>>, vector<16xf32>, vector<16xi1>
        tpu.vector_store %arg29[%swap3A_802], %sub3A_769 masked %and3A_787 {strides = array<i32>} : memref<1280xf32, #tpu.memory_space<vmem>>, vector<16xf32>, vector<16xi1>
        %swap3A_804 = arith.index_cast %add3A_795 : i32 to index
        %swap3A_805 = tpu.vector_load %arg30[%swap3A_804] masked %and3A_787 {strides = array<i32>} : memref<1280xf32, #tpu.memory_space<vmem>>, vector<16xf32>, vector<16xi1>
        tpu.vector_store %arg30[%swap3A_804], %sub3A_773 masked %and3A_787 {strides = array<i32>} : memref<1280xf32, #tpu.memory_space<vmem>>, vector<16xf32>, vector<16xi1>
        %swap3A_806 = arith.index_cast %add3A_795 : i32 to index
        %swap3A_807 = tpu.vector_load %arg31[%swap3A_806] masked %and3A_787 {strides = array<i32>} : memref<1280xf32, #tpu.memory_space<vmem>>, vector<16xf32>, vector<16xi1>
        tpu.vector_store %arg31[%swap3A_806], %sub3A_777 masked %and3A_787 {strides = array<i32>} : memref<1280xf32, #tpu.memory_space<vmem>>, vector<16xf32>, vector<16xi1>
        %swap3A_808 = arith.index_cast %add3A_795 : i32 to index
        %swap3A_809 = tpu.vector_load %arg32[%swap3A_808] masked %and3A_787 {strides = array<i32>} : memref<1280xi32, #tpu.memory_space<vmem>>, vector<16xi32>, vector<16xi1>
        tpu.vector_store %arg32[%swap3A_808], %add3A_779 masked %and3A_787 {strides = array<i32>} : memref<1280xi32, #tpu.memory_space<vmem>>, vector<16xi32>, vector<16xi1>
        %all_reduce_population_count3A = tpu.all_reduce %and3A {dim = 0 : i64, kind = #tpu.reduction_kind<sum>} : vector<16xi1> -> vector<16xi32>
        %slice3A_810 = vector.extract_strided_slice %all_reduce_population_count3A {offsets = [0], sizes = [1], strides = [1]} : vector<16xi32> to vector<1xi32>
        %squeeze3A_811 = vector.extract %slice3A_810[0] : i32 from vector<1xi32>
        %all_reduce_population_count3A_812 = tpu.all_reduce %and3A_765 {dim = 0 : i64, kind = #tpu.reduction_kind<sum>} : vector<16xi1> -> vector<16xi32>
        %slice3A_813 = vector.extract_strided_slice %all_reduce_population_count3A_812 {offsets = [0], sizes = [1], strides = [1]} : vector<16xi32> to vector<1xi32>
        %squeeze3A_814 = vector.extract %slice3A_813[0] : i32 from vector<1xi32>
        %lt3A_815 = arith.constant 64 : i32
        %lt3A_816 = arith.cmpi slt, %while3A_735, %lt3A_815 : i32
        %add3A_817 = arith.addi %while3A_735, %squeeze3A_811 : i32
        %select_n3A_818 = arith.select %lt3A_816, %add3A_817, %while3A_735 : i32
        %lt3A_819 = arith.constant 64 : i32
        %lt3A_820 = arith.cmpi slt, %while3A_736, %lt3A_819 : i32
        %add3A_821 = arith.addi %while3A_736, %squeeze3A_814 : i32
        %select_n3A_822 = arith.select %lt3A_820, %add3A_821, %while3A_736 : i32
        %add3A_823 = arith.constant 16 : i32
        %add3A_824 = arith.addi %while3A_734, %add3A_823 : i32
        scf.yield %add3A_824, %select_n3A_818, %select_n3A_822 : i32, i32, i32
      }
      %eq3A_115 = arith.constant 1 : i32
      %eq3A_116 = vector.broadcast %eq3A_115 : i32 to vector<16xi32>
      %eq3A_117 = arith.cmpi eq, %iota3A, %eq3A_116 : vector<16xi32>
      %min3A_118 = arith.constant 64 : i32
      %min3A_119 = arith.minsi %while3A_114#1, %min3A_118 : i32
      %broadcast_in_dim3A_120 = vector.broadcast %min3A_119 : i32 to vector<16xi32>
      %select_n3A_121 = arith.select %eq3A_117, %broadcast_in_dim3A_120, %select_n3A : vector<16xi1>, vector<16xi32>
      %min3A_122 = arith.constant 64 : i32
      %min3A_123 = arith.minsi %while3A_114#2, %min3A_122 : i32
      %broadcast_in_dim3A_124 = vector.broadcast %min3A_123 : i32 to vector<16xi32>
      %select_n3A_125 = arith.select %eq3A_117, %broadcast_in_dim3A_124, %select_n3A_83 : vector<16xi1>, vector<16xi32>
      %slice3A_126 = vector.extract_strided_slice %get3A_22 {offsets = [2], sizes = [1], strides = [1]} : vector<16xf32> to vector<1xf32>
      %squeeze3A_127 = vector.extract %slice3A_126[0] : f32 from vector<1xf32>
      %slice3A_128 = vector.extract_strided_slice %get3A_25 {offsets = [2], sizes = [1], strides = [1]} : vector<16xf32> to vector<1xf32>
      %squeeze3A_129 = vector.extract %slice3A_128[0] : f32 from vector<1xf32>
      %slice3A_130 = vector.extract_strided_slice %get3A_28 {offsets = [2], sizes = [1], strides = [1]} : vector<16xf32> to vector<1xf32>
      %squeeze3A_131 = vector.extract %slice3A_130[0] : f32 from vector<1xf32>
      %slice3A_132 = vector.extract_strided_slice %get3A_31 {offsets = [2], sizes = [1], strides = [1]} : vector<16xf32> to vector<1xf32>
      %squeeze3A_133 = vector.extract %slice3A_132[0] : f32 from vector<1xf32>
      %slice3A_134 = vector.extract_strided_slice %get3A_34 {offsets = [2], sizes = [1], strides = [1]} : vector<16xf32> to vector<1xf32>
      %squeeze3A_135 = vector.extract %slice3A_134[0] : f32 from vector<1xf32>
      %slice3A_136 = vector.extract_strided_slice %get3A_37 {offsets = [2], sizes = [1], strides = [1]} : vector<16xf32> to vector<1xf32>
      %squeeze3A_137 = vector.extract %slice3A_136[0] : f32 from vector<1xf32>
      %slice3A_138 = vector.extract_strided_slice %get3A_40 {offsets = [2], sizes = [1], strides = [1]} : vector<16xf32> to vector<1xf32>
      %squeeze3A_139 = vector.extract %slice3A_138[0] : f32 from vector<1xf32>
      %slice3A_140 = vector.extract_strided_slice %get3A_42 {offsets = [2], sizes = [1], strides = [1]} : vector<16xi32> to vector<1xi32>
      %squeeze3A_141 = vector.extract %slice3A_140[0] : i32 from vector<1xi32>
      %slice3A_142 = vector.extract_strided_slice %get3A_44 {offsets = [2], sizes = [1], strides = [1]} : vector<16xi32> to vector<1xi32>
      %squeeze3A_143 = vector.extract %slice3A_142[0] : i32 from vector<1xi32>
      %swap3A_144 = arith.constant 160 : index
      %swap3A_145 = tpu.vector_load %arg32[%swap3A_144] {strides = array<i32>} : memref<1280xi32, #tpu.memory_space<vmem>>, vector<16xi32>,
      tpu.vector_store %arg32[%swap3A_144], %broadcast_in_dim3A_9 {strides = array<i32>} : memref<1280xi32, #tpu.memory_space<vmem>>, vector<16xi32>,
      %swap3A_146 = arith.constant 176 : index
      %swap3A_147 = tpu.vector_load %arg32[%swap3A_146] {strides = array<i32>} : memref<1280xi32, #tpu.memory_space<vmem>>, vector<16xi32>,
      tpu.vector_store %arg32[%swap3A_146], %broadcast_in_dim3A_9 {strides = array<i32>} : memref<1280xi32, #tpu.memory_space<vmem>>, vector<16xi32>,
      %swap3A_148 = arith.constant 192 : index
      %swap3A_149 = tpu.vector_load %arg32[%swap3A_148] {strides = array<i32>} : memref<1280xi32, #tpu.memory_space<vmem>>, vector<16xi32>,
      tpu.vector_store %arg32[%swap3A_148], %broadcast_in_dim3A_9 {strides = array<i32>} : memref<1280xi32, #tpu.memory_space<vmem>>, vector<16xi32>,
      %swap3A_150 = arith.constant 208 : index
      %swap3A_151 = tpu.vector_load %arg32[%swap3A_150] {strides = array<i32>} : memref<1280xi32, #tpu.memory_space<vmem>>, vector<16xi32>,
      tpu.vector_store %arg32[%swap3A_150], %broadcast_in_dim3A_9 {strides = array<i32>} : memref<1280xi32, #tpu.memory_space<vmem>>, vector<16xi32>,
      %swap3A_152 = arith.constant 224 : index
      %swap3A_153 = tpu.vector_load %arg32[%swap3A_152] {strides = array<i32>} : memref<1280xi32, #tpu.memory_space<vmem>>, vector<16xi32>,
      tpu.vector_store %arg32[%swap3A_152], %broadcast_in_dim3A_9 {strides = array<i32>} : memref<1280xi32, #tpu.memory_space<vmem>>, vector<16xi32>,
      %while3A_154 = arith.constant 0 : i32
      %while3A_155 = arith.constant 0 : i32
      %while3A_156:3 = scf.while (%while3A_734 = %squeeze3A_141, %while3A_735 = %while3A_154, %while3A_736 = %while3A_155) : (i32, i32, i32) -> (i32, i32, i32) {
        %lt3A = arith.cmpi slt, %while3A_734, %squeeze3A_143 : i32
        scf.condition(%lt3A) %while3A_734, %while3A_735, %while3A_736 : i32, i32, i32
      } do {
      ^bb0(%while3A_734: i32, %while3A_735: i32, %while3A_736: i32):
        %get3A_737 = arith.index_cast %while3A_734 : i32 to index
        %get3A_738 = tpu.vector_load %arg20[%get3A_737] {strides = array<i32>} : memref<8192xf32, #tpu.memory_space<vmem>>, vector<16xf32>,
        %get3A_739 = arith.index_cast %while3A_734 : i32 to index
        %get3A_740 = tpu.vector_load %arg21[%get3A_739] {strides = array<i32>} : memref<8192xf32, #tpu.memory_space<vmem>>, vector<16xf32>,
        %get3A_741 = arith.index_cast %while3A_734 : i32 to index
        %get3A_742 = tpu.vector_load %arg22[%get3A_741] {strides = array<i32>} : memref<8192xf32, #tpu.memory_space<vmem>>, vector<16xf32>,
        %get3A_743 = arith.index_cast %while3A_734 : i32 to index
        %get3A_744 = tpu.vector_load %arg23[%get3A_743] {strides = array<i32>} : memref<8192xf32, #tpu.memory_space<vmem>>, vector<16xf32>,
        %mul3A_745 = vector.broadcast %squeeze3A_133 : f32 to vector<16xf32>
        %mul3A_746 = arith.mulf %mul3A_745, %get3A_738 : vector<16xf32>
        %mul3A_747 = vector.broadcast %squeeze3A_135 : f32 to vector<16xf32>
        %mul3A_748 = arith.mulf %mul3A_747, %get3A_740 : vector<16xf32>
        %add3A_749 = arith.addf %mul3A_746, %mul3A_748 : vector<16xf32>
        %mul3A_750 = vector.broadcast %squeeze3A_137 : f32 to vector<16xf32>
        %mul3A_751 = arith.mulf %mul3A_750, %get3A_742 : vector<16xf32>
        %add3A_752 = arith.addf %add3A_749, %mul3A_751 : vector<16xf32>
        %add3A_753 = vector.broadcast %squeeze3A_139 : f32 to vector<16xf32>
        %add3A_754 = arith.addf %add3A_753, %get3A_744 : vector<16xf32>
        %mul3A_755 = arith.constant 2.000000e+00 : f32
        %mul3A_756 = vector.broadcast %mul3A_755 : f32 to vector<16xf32>
        %mul3A_757 = arith.mulf %mul3A_756, %add3A_752 : vector<16xf32>
        %sub3A = arith.subf %add3A_754, %mul3A_757 : vector<16xf32>
        %sub3A_758 = arith.subi %squeeze3A_143, %while3A_734 : i32
        %lt3A = vector.broadcast %sub3A_758 : i32 to vector<16xi32>
        %lt3A_759 = arith.cmpi slt, %iota3A, %lt3A : vector<16xi32>
        %le3A = arith.constant 4.000000e-02 : f32
        %le3A_760 = vector.broadcast %le3A : f32 to vector<16xf32>
        %le3A_761 = arith.cmpf ole, %sub3A, %le3A_760 : vector<16xf32>
        %and3A = arith.andi %le3A_761, %lt3A_759 : vector<16xi1>
        %le3A_762 = arith.constant 1.600000e-01 : f32
        %le3A_763 = vector.broadcast %le3A_762 : f32 to vector<16xf32>
        %le3A_764 = arith.cmpf ole, %sub3A, %le3A_763 : vector<16xf32>
        %and3A_765 = arith.andi %le3A_764, %lt3A_759 : vector<16xi1>
        %get3A_766 = arith.index_cast %while3A_734 : i32 to index
        %get3A_767 = tpu.vector_load %arg17[%get3A_766] {strides = array<i32>} : memref<8192xf32, #tpu.memory_space<vmem>>, vector<16xf32>,
        %sub3A_768 = vector.broadcast %squeeze3A_127 : f32 to vector<16xf32>
        %sub3A_769 = arith.subf %get3A_767, %sub3A_768 : vector<16xf32>
        %get3A_770 = arith.index_cast %while3A_734 : i32 to index
        %get3A_771 = tpu.vector_load %arg18[%get3A_770] {strides = array<i32>} : memref<8192xf32, #tpu.memory_space<vmem>>, vector<16xf32>,
        %sub3A_772 = vector.broadcast %squeeze3A_129 : f32 to vector<16xf32>
        %sub3A_773 = arith.subf %get3A_771, %sub3A_772 : vector<16xf32>
        %get3A_774 = arith.index_cast %while3A_734 : i32 to index
        %get3A_775 = tpu.vector_load %arg19[%get3A_774] {strides = array<i32>} : memref<8192xf32, #tpu.memory_space<vmem>>, vector<16xf32>,
        %sub3A_776 = vector.broadcast %squeeze3A_131 : f32 to vector<16xf32>
        %sub3A_777 = arith.subf %get3A_775, %sub3A_776 : vector<16xf32>
        %add3A_778 = vector.broadcast %while3A_734 : i32 to vector<16xi32>
        %add3A_779 = arith.addi %add3A_778, %iota3A : vector<16xi32>
        %lt3A_780 = arith.constant 64 : i32
        %lt3A_781 = arith.cmpi slt, %while3A_735, %lt3A_780 : i32
        %and3A_782 = vector.broadcast %lt3A_781 : i1 to vector<16xi1>
        %and3A_783 = arith.andi %and3A, %and3A_782 : vector<16xi1>
        %lt3A_784 = arith.constant 64 : i32
        %lt3A_785 = arith.cmpi slt, %while3A_736, %lt3A_784 : i32
        %and3A_786 = vector.broadcast %lt3A_785 : i1 to vector<16xi1>
        %and3A_787 = arith.andi %and3A_765, %and3A_786 : vector<16xi1>
        %min3A_788 = arith.constant 64 : i32
        %min3A_789 = arith.minsi %while3A_735, %min3A_788 : i32
        %add3A_790 = arith.constant 160 : i32
        %add3A_791 = arith.addi %add3A_790, %min3A_789 : i32
        %min3A_792 = arith.constant 64 : i32
        %min3A_793 = arith.minsi %while3A_736, %min3A_792 : i32
        %add3A_794 = arith.constant 160 : i32
        %add3A_795 = arith.addi %add3A_794, %min3A_793 : i32
        %swap3A_796 = arith.index_cast %add3A_791 : i32 to index
        %swap3A_797 = tpu.vector_load %arg26[%swap3A_796] masked %and3A_783 {strides = array<i32>} : memref<1280xf32, #tpu.memory_space<vmem>>, vector<16xf32>, vector<16xi1>
        tpu.vector_store %arg26[%swap3A_796], %sub3A_769 masked %and3A_783 {strides = array<i32>} : memref<1280xf32, #tpu.memory_space<vmem>>, vector<16xf32>, vector<16xi1>
        %swap3A_798 = arith.index_cast %add3A_791 : i32 to index
        %swap3A_799 = tpu.vector_load %arg27[%swap3A_798] masked %and3A_783 {strides = array<i32>} : memref<1280xf32, #tpu.memory_space<vmem>>, vector<16xf32>, vector<16xi1>
        tpu.vector_store %arg27[%swap3A_798], %sub3A_773 masked %and3A_783 {strides = array<i32>} : memref<1280xf32, #tpu.memory_space<vmem>>, vector<16xf32>, vector<16xi1>
        %swap3A_800 = arith.index_cast %add3A_791 : i32 to index
        %swap3A_801 = tpu.vector_load %arg28[%swap3A_800] masked %and3A_783 {strides = array<i32>} : memref<1280xf32, #tpu.memory_space<vmem>>, vector<16xf32>, vector<16xi1>
        tpu.vector_store %arg28[%swap3A_800], %sub3A_777 masked %and3A_783 {strides = array<i32>} : memref<1280xf32, #tpu.memory_space<vmem>>, vector<16xf32>, vector<16xi1>
        %swap3A_802 = arith.index_cast %add3A_795 : i32 to index
        %swap3A_803 = tpu.vector_load %arg29[%swap3A_802] masked %and3A_787 {strides = array<i32>} : memref<1280xf32, #tpu.memory_space<vmem>>, vector<16xf32>, vector<16xi1>
        tpu.vector_store %arg29[%swap3A_802], %sub3A_769 masked %and3A_787 {strides = array<i32>} : memref<1280xf32, #tpu.memory_space<vmem>>, vector<16xf32>, vector<16xi1>
        %swap3A_804 = arith.index_cast %add3A_795 : i32 to index
        %swap3A_805 = tpu.vector_load %arg30[%swap3A_804] masked %and3A_787 {strides = array<i32>} : memref<1280xf32, #tpu.memory_space<vmem>>, vector<16xf32>, vector<16xi1>
        tpu.vector_store %arg30[%swap3A_804], %sub3A_773 masked %and3A_787 {strides = array<i32>} : memref<1280xf32, #tpu.memory_space<vmem>>, vector<16xf32>, vector<16xi1>
        %swap3A_806 = arith.index_cast %add3A_795 : i32 to index
        %swap3A_807 = tpu.vector_load %arg31[%swap3A_806] masked %and3A_787 {strides = array<i32>} : memref<1280xf32, #tpu.memory_space<vmem>>, vector<16xf32>, vector<16xi1>
        tpu.vector_store %arg31[%swap3A_806], %sub3A_777 masked %and3A_787 {strides = array<i32>} : memref<1280xf32, #tpu.memory_space<vmem>>, vector<16xf32>, vector<16xi1>
        %swap3A_808 = arith.index_cast %add3A_795 : i32 to index
        %swap3A_809 = tpu.vector_load %arg32[%swap3A_808] masked %and3A_787 {strides = array<i32>} : memref<1280xi32, #tpu.memory_space<vmem>>, vector<16xi32>, vector<16xi1>
        tpu.vector_store %arg32[%swap3A_808], %add3A_779 masked %and3A_787 {strides = array<i32>} : memref<1280xi32, #tpu.memory_space<vmem>>, vector<16xi32>, vector<16xi1>
        %all_reduce_population_count3A = tpu.all_reduce %and3A {dim = 0 : i64, kind = #tpu.reduction_kind<sum>} : vector<16xi1> -> vector<16xi32>
        %slice3A_810 = vector.extract_strided_slice %all_reduce_population_count3A {offsets = [0], sizes = [1], strides = [1]} : vector<16xi32> to vector<1xi32>
        %squeeze3A_811 = vector.extract %slice3A_810[0] : i32 from vector<1xi32>
        %all_reduce_population_count3A_812 = tpu.all_reduce %and3A_765 {dim = 0 : i64, kind = #tpu.reduction_kind<sum>} : vector<16xi1> -> vector<16xi32>
        %slice3A_813 = vector.extract_strided_slice %all_reduce_population_count3A_812 {offsets = [0], sizes = [1], strides = [1]} : vector<16xi32> to vector<1xi32>
        %squeeze3A_814 = vector.extract %slice3A_813[0] : i32 from vector<1xi32>
        %lt3A_815 = arith.constant 64 : i32
        %lt3A_816 = arith.cmpi slt, %while3A_735, %lt3A_815 : i32
        %add3A_817 = arith.addi %while3A_735, %squeeze3A_811 : i32
        %select_n3A_818 = arith.select %lt3A_816, %add3A_817, %while3A_735 : i32
        %lt3A_819 = arith.constant 64 : i32
        %lt3A_820 = arith.cmpi slt, %while3A_736, %lt3A_819 : i32
        %add3A_821 = arith.addi %while3A_736, %squeeze3A_814 : i32
        %select_n3A_822 = arith.select %lt3A_820, %add3A_821, %while3A_736 : i32
        %add3A_823 = arith.constant 16 : i32
        %add3A_824 = arith.addi %while3A_734, %add3A_823 : i32
        scf.yield %add3A_824, %select_n3A_818, %select_n3A_822 : i32, i32, i32
      }
      %eq3A_157 = arith.constant 2 : i32
      %eq3A_158 = vector.broadcast %eq3A_157 : i32 to vector<16xi32>
      %eq3A_159 = arith.cmpi eq, %iota3A, %eq3A_158 : vector<16xi32>
      %min3A_160 = arith.constant 64 : i32
      %min3A_161 = arith.minsi %while3A_156#1, %min3A_160 : i32
      %broadcast_in_dim3A_162 = vector.broadcast %min3A_161 : i32 to vector<16xi32>
      %select_n3A_163 = arith.select %eq3A_159, %broadcast_in_dim3A_162, %select_n3A_121 : vector<16xi1>, vector<16xi32>
      %min3A_164 = arith.constant 64 : i32
      %min3A_165 = arith.minsi %while3A_156#2, %min3A_164 : i32
      %broadcast_in_dim3A_166 = vector.broadcast %min3A_165 : i32 to vector<16xi32>
      %select_n3A_167 = arith.select %eq3A_159, %broadcast_in_dim3A_166, %select_n3A_125 : vector<16xi1>, vector<16xi32>
      %slice3A_168 = vector.extract_strided_slice %get3A_22 {offsets = [3], sizes = [1], strides = [1]} : vector<16xf32> to vector<1xf32>
      %squeeze3A_169 = vector.extract %slice3A_168[0] : f32 from vector<1xf32>
      %slice3A_170 = vector.extract_strided_slice %get3A_25 {offsets = [3], sizes = [1], strides = [1]} : vector<16xf32> to vector<1xf32>
      %squeeze3A_171 = vector.extract %slice3A_170[0] : f32 from vector<1xf32>
      %slice3A_172 = vector.extract_strided_slice %get3A_28 {offsets = [3], sizes = [1], strides = [1]} : vector<16xf32> to vector<1xf32>
      %squeeze3A_173 = vector.extract %slice3A_172[0] : f32 from vector<1xf32>
      %slice3A_174 = vector.extract_strided_slice %get3A_31 {offsets = [3], sizes = [1], strides = [1]} : vector<16xf32> to vector<1xf32>
      %squeeze3A_175 = vector.extract %slice3A_174[0] : f32 from vector<1xf32>
      %slice3A_176 = vector.extract_strided_slice %get3A_34 {offsets = [3], sizes = [1], strides = [1]} : vector<16xf32> to vector<1xf32>
      %squeeze3A_177 = vector.extract %slice3A_176[0] : f32 from vector<1xf32>
      %slice3A_178 = vector.extract_strided_slice %get3A_37 {offsets = [3], sizes = [1], strides = [1]} : vector<16xf32> to vector<1xf32>
      %squeeze3A_179 = vector.extract %slice3A_178[0] : f32 from vector<1xf32>
      %slice3A_180 = vector.extract_strided_slice %get3A_40 {offsets = [3], sizes = [1], strides = [1]} : vector<16xf32> to vector<1xf32>
      %squeeze3A_181 = vector.extract %slice3A_180[0] : f32 from vector<1xf32>
      %slice3A_182 = vector.extract_strided_slice %get3A_42 {offsets = [3], sizes = [1], strides = [1]} : vector<16xi32> to vector<1xi32>
      %squeeze3A_183 = vector.extract %slice3A_182[0] : i32 from vector<1xi32>
      %slice3A_184 = vector.extract_strided_slice %get3A_44 {offsets = [3], sizes = [1], strides = [1]} : vector<16xi32> to vector<1xi32>
      %squeeze3A_185 = vector.extract %slice3A_184[0] : i32 from vector<1xi32>
      %swap3A_186 = arith.constant 240 : index
      %swap3A_187 = tpu.vector_load %arg32[%swap3A_186] {strides = array<i32>} : memref<1280xi32, #tpu.memory_space<vmem>>, vector<16xi32>,
      tpu.vector_store %arg32[%swap3A_186], %broadcast_in_dim3A_9 {strides = array<i32>} : memref<1280xi32, #tpu.memory_space<vmem>>, vector<16xi32>,
      %swap3A_188 = arith.constant 256 : index
      %swap3A_189 = tpu.vector_load %arg32[%swap3A_188] {strides = array<i32>} : memref<1280xi32, #tpu.memory_space<vmem>>, vector<16xi32>,
      tpu.vector_store %arg32[%swap3A_188], %broadcast_in_dim3A_9 {strides = array<i32>} : memref<1280xi32, #tpu.memory_space<vmem>>, vector<16xi32>,
      %swap3A_190 = arith.constant 272 : index
      %swap3A_191 = tpu.vector_load %arg32[%swap3A_190] {strides = array<i32>} : memref<1280xi32, #tpu.memory_space<vmem>>, vector<16xi32>,
      tpu.vector_store %arg32[%swap3A_190], %broadcast_in_dim3A_9 {strides = array<i32>} : memref<1280xi32, #tpu.memory_space<vmem>>, vector<16xi32>,
      %swap3A_192 = arith.constant 288 : index
      %swap3A_193 = tpu.vector_load %arg32[%swap3A_192] {strides = array<i32>} : memref<1280xi32, #tpu.memory_space<vmem>>, vector<16xi32>,
      tpu.vector_store %arg32[%swap3A_192], %broadcast_in_dim3A_9 {strides = array<i32>} : memref<1280xi32, #tpu.memory_space<vmem>>, vector<16xi32>,
      %swap3A_194 = arith.constant 304 : index
      %swap3A_195 = tpu.vector_load %arg32[%swap3A_194] {strides = array<i32>} : memref<1280xi32, #tpu.memory_space<vmem>>, vector<16xi32>,
      tpu.vector_store %arg32[%swap3A_194], %broadcast_in_dim3A_9 {strides = array<i32>} : memref<1280xi32, #tpu.memory_space<vmem>>, vector<16xi32>,
      %while3A_196 = arith.constant 0 : i32
      %while3A_197 = arith.constant 0 : i32
      %while3A_198:3 = scf.while (%while3A_734 = %squeeze3A_183, %while3A_735 = %while3A_196, %while3A_736 = %while3A_197) : (i32, i32, i32) -> (i32, i32, i32) {
        %lt3A = arith.cmpi slt, %while3A_734, %squeeze3A_185 : i32
        scf.condition(%lt3A) %while3A_734, %while3A_735, %while3A_736 : i32, i32, i32
      } do {
      ^bb0(%while3A_734: i32, %while3A_735: i32, %while3A_736: i32):
        %get3A_737 = arith.index_cast %while3A_734 : i32 to index
        %get3A_738 = tpu.vector_load %arg20[%get3A_737] {strides = array<i32>} : memref<8192xf32, #tpu.memory_space<vmem>>, vector<16xf32>,
        %get3A_739 = arith.index_cast %while3A_734 : i32 to index
        %get3A_740 = tpu.vector_load %arg21[%get3A_739] {strides = array<i32>} : memref<8192xf32, #tpu.memory_space<vmem>>, vector<16xf32>,
        %get3A_741 = arith.index_cast %while3A_734 : i32 to index
        %get3A_742 = tpu.vector_load %arg22[%get3A_741] {strides = array<i32>} : memref<8192xf32, #tpu.memory_space<vmem>>, vector<16xf32>,
        %get3A_743 = arith.index_cast %while3A_734 : i32 to index
        %get3A_744 = tpu.vector_load %arg23[%get3A_743] {strides = array<i32>} : memref<8192xf32, #tpu.memory_space<vmem>>, vector<16xf32>,
        %mul3A_745 = vector.broadcast %squeeze3A_175 : f32 to vector<16xf32>
        %mul3A_746 = arith.mulf %mul3A_745, %get3A_738 : vector<16xf32>
        %mul3A_747 = vector.broadcast %squeeze3A_177 : f32 to vector<16xf32>
        %mul3A_748 = arith.mulf %mul3A_747, %get3A_740 : vector<16xf32>
        %add3A_749 = arith.addf %mul3A_746, %mul3A_748 : vector<16xf32>
        %mul3A_750 = vector.broadcast %squeeze3A_179 : f32 to vector<16xf32>
        %mul3A_751 = arith.mulf %mul3A_750, %get3A_742 : vector<16xf32>
        %add3A_752 = arith.addf %add3A_749, %mul3A_751 : vector<16xf32>
        %add3A_753 = vector.broadcast %squeeze3A_181 : f32 to vector<16xf32>
        %add3A_754 = arith.addf %add3A_753, %get3A_744 : vector<16xf32>
        %mul3A_755 = arith.constant 2.000000e+00 : f32
        %mul3A_756 = vector.broadcast %mul3A_755 : f32 to vector<16xf32>
        %mul3A_757 = arith.mulf %mul3A_756, %add3A_752 : vector<16xf32>
        %sub3A = arith.subf %add3A_754, %mul3A_757 : vector<16xf32>
        %sub3A_758 = arith.subi %squeeze3A_185, %while3A_734 : i32
        %lt3A = vector.broadcast %sub3A_758 : i32 to vector<16xi32>
        %lt3A_759 = arith.cmpi slt, %iota3A, %lt3A : vector<16xi32>
        %le3A = arith.constant 4.000000e-02 : f32
        %le3A_760 = vector.broadcast %le3A : f32 to vector<16xf32>
        %le3A_761 = arith.cmpf ole, %sub3A, %le3A_760 : vector<16xf32>
        %and3A = arith.andi %le3A_761, %lt3A_759 : vector<16xi1>
        %le3A_762 = arith.constant 1.600000e-01 : f32
        %le3A_763 = vector.broadcast %le3A_762 : f32 to vector<16xf32>
        %le3A_764 = arith.cmpf ole, %sub3A, %le3A_763 : vector<16xf32>
        %and3A_765 = arith.andi %le3A_764, %lt3A_759 : vector<16xi1>
        %get3A_766 = arith.index_cast %while3A_734 : i32 to index
        %get3A_767 = tpu.vector_load %arg17[%get3A_766] {strides = array<i32>} : memref<8192xf32, #tpu.memory_space<vmem>>, vector<16xf32>,
        %sub3A_768 = vector.broadcast %squeeze3A_169 : f32 to vector<16xf32>
        %sub3A_769 = arith.subf %get3A_767, %sub3A_768 : vector<16xf32>
        %get3A_770 = arith.index_cast %while3A_734 : i32 to index
        %get3A_771 = tpu.vector_load %arg18[%get3A_770] {strides = array<i32>} : memref<8192xf32, #tpu.memory_space<vmem>>, vector<16xf32>,
        %sub3A_772 = vector.broadcast %squeeze3A_171 : f32 to vector<16xf32>
        %sub3A_773 = arith.subf %get3A_771, %sub3A_772 : vector<16xf32>
        %get3A_774 = arith.index_cast %while3A_734 : i32 to index
        %get3A_775 = tpu.vector_load %arg19[%get3A_774] {strides = array<i32>} : memref<8192xf32, #tpu.memory_space<vmem>>, vector<16xf32>,
        %sub3A_776 = vector.broadcast %squeeze3A_173 : f32 to vector<16xf32>
        %sub3A_777 = arith.subf %get3A_775, %sub3A_776 : vector<16xf32>
        %add3A_778 = vector.broadcast %while3A_734 : i32 to vector<16xi32>
        %add3A_779 = arith.addi %add3A_778, %iota3A : vector<16xi32>
        %lt3A_780 = arith.constant 64 : i32
        %lt3A_781 = arith.cmpi slt, %while3A_735, %lt3A_780 : i32
        %and3A_782 = vector.broadcast %lt3A_781 : i1 to vector<16xi1>
        %and3A_783 = arith.andi %and3A, %and3A_782 : vector<16xi1>
        %lt3A_784 = arith.constant 64 : i32
        %lt3A_785 = arith.cmpi slt, %while3A_736, %lt3A_784 : i32
        %and3A_786 = vector.broadcast %lt3A_785 : i1 to vector<16xi1>
        %and3A_787 = arith.andi %and3A_765, %and3A_786 : vector<16xi1>
        %min3A_788 = arith.constant 64 : i32
        %min3A_789 = arith.minsi %while3A_735, %min3A_788 : i32
        %add3A_790 = arith.constant 240 : i32
        %add3A_791 = arith.addi %add3A_790, %min3A_789 : i32
        %min3A_792 = arith.constant 64 : i32
        %min3A_793 = arith.minsi %while3A_736, %min3A_792 : i32
        %add3A_794 = arith.constant 240 : i32
        %add3A_795 = arith.addi %add3A_794, %min3A_793 : i32
        %swap3A_796 = arith.index_cast %add3A_791 : i32 to index
        %swap3A_797 = tpu.vector_load %arg26[%swap3A_796] masked %and3A_783 {strides = array<i32>} : memref<1280xf32, #tpu.memory_space<vmem>>, vector<16xf32>, vector<16xi1>
        tpu.vector_store %arg26[%swap3A_796], %sub3A_769 masked %and3A_783 {strides = array<i32>} : memref<1280xf32, #tpu.memory_space<vmem>>, vector<16xf32>, vector<16xi1>
        %swap3A_798 = arith.index_cast %add3A_791 : i32 to index
        %swap3A_799 = tpu.vector_load %arg27[%swap3A_798] masked %and3A_783 {strides = array<i32>} : memref<1280xf32, #tpu.memory_space<vmem>>, vector<16xf32>, vector<16xi1>
        tpu.vector_store %arg27[%swap3A_798], %sub3A_773 masked %and3A_783 {strides = array<i32>} : memref<1280xf32, #tpu.memory_space<vmem>>, vector<16xf32>, vector<16xi1>
        %swap3A_800 = arith.index_cast %add3A_791 : i32 to index
        %swap3A_801 = tpu.vector_load %arg28[%swap3A_800] masked %and3A_783 {strides = array<i32>} : memref<1280xf32, #tpu.memory_space<vmem>>, vector<16xf32>, vector<16xi1>
        tpu.vector_store %arg28[%swap3A_800], %sub3A_777 masked %and3A_783 {strides = array<i32>} : memref<1280xf32, #tpu.memory_space<vmem>>, vector<16xf32>, vector<16xi1>
        %swap3A_802 = arith.index_cast %add3A_795 : i32 to index
        %swap3A_803 = tpu.vector_load %arg29[%swap3A_802] masked %and3A_787 {strides = array<i32>} : memref<1280xf32, #tpu.memory_space<vmem>>, vector<16xf32>, vector<16xi1>
        tpu.vector_store %arg29[%swap3A_802], %sub3A_769 masked %and3A_787 {strides = array<i32>} : memref<1280xf32, #tpu.memory_space<vmem>>, vector<16xf32>, vector<16xi1>
        %swap3A_804 = arith.index_cast %add3A_795 : i32 to index
        %swap3A_805 = tpu.vector_load %arg30[%swap3A_804] masked %and3A_787 {strides = array<i32>} : memref<1280xf32, #tpu.memory_space<vmem>>, vector<16xf32>, vector<16xi1>
        tpu.vector_store %arg30[%swap3A_804], %sub3A_773 masked %and3A_787 {strides = array<i32>} : memref<1280xf32, #tpu.memory_space<vmem>>, vector<16xf32>, vector<16xi1>
        %swap3A_806 = arith.index_cast %add3A_795 : i32 to index
        %swap3A_807 = tpu.vector_load %arg31[%swap3A_806] masked %and3A_787 {strides = array<i32>} : memref<1280xf32, #tpu.memory_space<vmem>>, vector<16xf32>, vector<16xi1>
        tpu.vector_store %arg31[%swap3A_806], %sub3A_777 masked %and3A_787 {strides = array<i32>} : memref<1280xf32, #tpu.memory_space<vmem>>, vector<16xf32>, vector<16xi1>
        %swap3A_808 = arith.index_cast %add3A_795 : i32 to index
        %swap3A_809 = tpu.vector_load %arg32[%swap3A_808] masked %and3A_787 {strides = array<i32>} : memref<1280xi32, #tpu.memory_space<vmem>>, vector<16xi32>, vector<16xi1>
        tpu.vector_store %arg32[%swap3A_808], %add3A_779 masked %and3A_787 {strides = array<i32>} : memref<1280xi32, #tpu.memory_space<vmem>>, vector<16xi32>, vector<16xi1>
        %all_reduce_population_count3A = tpu.all_reduce %and3A {dim = 0 : i64, kind = #tpu.reduction_kind<sum>} : vector<16xi1> -> vector<16xi32>
        %slice3A_810 = vector.extract_strided_slice %all_reduce_population_count3A {offsets = [0], sizes = [1], strides = [1]} : vector<16xi32> to vector<1xi32>
        %squeeze3A_811 = vector.extract %slice3A_810[0] : i32 from vector<1xi32>
        %all_reduce_population_count3A_812 = tpu.all_reduce %and3A_765 {dim = 0 : i64, kind = #tpu.reduction_kind<sum>} : vector<16xi1> -> vector<16xi32>
        %slice3A_813 = vector.extract_strided_slice %all_reduce_population_count3A_812 {offsets = [0], sizes = [1], strides = [1]} : vector<16xi32> to vector<1xi32>
        %squeeze3A_814 = vector.extract %slice3A_813[0] : i32 from vector<1xi32>
        %lt3A_815 = arith.constant 64 : i32
        %lt3A_816 = arith.cmpi slt, %while3A_735, %lt3A_815 : i32
        %add3A_817 = arith.addi %while3A_735, %squeeze3A_811 : i32
        %select_n3A_818 = arith.select %lt3A_816, %add3A_817, %while3A_735 : i32
        %lt3A_819 = arith.constant 64 : i32
        %lt3A_820 = arith.cmpi slt, %while3A_736, %lt3A_819 : i32
        %add3A_821 = arith.addi %while3A_736, %squeeze3A_814 : i32
        %select_n3A_822 = arith.select %lt3A_820, %add3A_821, %while3A_736 : i32
        %add3A_823 = arith.constant 16 : i32
        %add3A_824 = arith.addi %while3A_734, %add3A_823 : i32
        scf.yield %add3A_824, %select_n3A_818, %select_n3A_822 : i32, i32, i32
      }
      %eq3A_199 = arith.constant 3 : i32
      %eq3A_200 = vector.broadcast %eq3A_199 : i32 to vector<16xi32>
      %eq3A_201 = arith.cmpi eq, %iota3A, %eq3A_200 : vector<16xi32>
      %min3A_202 = arith.constant 64 : i32
      %min3A_203 = arith.minsi %while3A_198#1, %min3A_202 : i32
      %broadcast_in_dim3A_204 = vector.broadcast %min3A_203 : i32 to vector<16xi32>
      %select_n3A_205 = arith.select %eq3A_201, %broadcast_in_dim3A_204, %select_n3A_163 : vector<16xi1>, vector<16xi32>
      %min3A_206 = arith.constant 64 : i32
      %min3A_207 = arith.minsi %while3A_198#2, %min3A_206 : i32
      %broadcast_in_dim3A_208 = vector.broadcast %min3A_207 : i32 to vector<16xi32>
      %select_n3A_209 = arith.select %eq3A_201, %broadcast_in_dim3A_208, %select_n3A_167 : vector<16xi1>, vector<16xi32>
      %slice3A_210 = vector.extract_strided_slice %get3A_22 {offsets = [4], sizes = [1], strides = [1]} : vector<16xf32> to vector<1xf32>
      %squeeze3A_211 = vector.extract %slice3A_210[0] : f32 from vector<1xf32>
      %slice3A_212 = vector.extract_strided_slice %get3A_25 {offsets = [4], sizes = [1], strides = [1]} : vector<16xf32> to vector<1xf32>
      %squeeze3A_213 = vector.extract %slice3A_212[0] : f32 from vector<1xf32>
      %slice3A_214 = vector.extract_strided_slice %get3A_28 {offsets = [4], sizes = [1], strides = [1]} : vector<16xf32> to vector<1xf32>
      %squeeze3A_215 = vector.extract %slice3A_214[0] : f32 from vector<1xf32>
      %slice3A_216 = vector.extract_strided_slice %get3A_31 {offsets = [4], sizes = [1], strides = [1]} : vector<16xf32> to vector<1xf32>
      %squeeze3A_217 = vector.extract %slice3A_216[0] : f32 from vector<1xf32>
      %slice3A_218 = vector.extract_strided_slice %get3A_34 {offsets = [4], sizes = [1], strides = [1]} : vector<16xf32> to vector<1xf32>
      %squeeze3A_219 = vector.extract %slice3A_218[0] : f32 from vector<1xf32>
      %slice3A_220 = vector.extract_strided_slice %get3A_37 {offsets = [4], sizes = [1], strides = [1]} : vector<16xf32> to vector<1xf32>
      %squeeze3A_221 = vector.extract %slice3A_220[0] : f32 from vector<1xf32>
      %slice3A_222 = vector.extract_strided_slice %get3A_40 {offsets = [4], sizes = [1], strides = [1]} : vector<16xf32> to vector<1xf32>
      %squeeze3A_223 = vector.extract %slice3A_222[0] : f32 from vector<1xf32>
      %slice3A_224 = vector.extract_strided_slice %get3A_42 {offsets = [4], sizes = [1], strides = [1]} : vector<16xi32> to vector<1xi32>
      %squeeze3A_225 = vector.extract %slice3A_224[0] : i32 from vector<1xi32>
      %slice3A_226 = vector.extract_strided_slice %get3A_44 {offsets = [4], sizes = [1], strides = [1]} : vector<16xi32> to vector<1xi32>
      %squeeze3A_227 = vector.extract %slice3A_226[0] : i32 from vector<1xi32>
      %swap3A_228 = arith.constant 320 : index
      %swap3A_229 = tpu.vector_load %arg32[%swap3A_228] {strides = array<i32>} : memref<1280xi32, #tpu.memory_space<vmem>>, vector<16xi32>,
      tpu.vector_store %arg32[%swap3A_228], %broadcast_in_dim3A_9 {strides = array<i32>} : memref<1280xi32, #tpu.memory_space<vmem>>, vector<16xi32>,
      %swap3A_230 = arith.constant 336 : index
      %swap3A_231 = tpu.vector_load %arg32[%swap3A_230] {strides = array<i32>} : memref<1280xi32, #tpu.memory_space<vmem>>, vector<16xi32>,
      tpu.vector_store %arg32[%swap3A_230], %broadcast_in_dim3A_9 {strides = array<i32>} : memref<1280xi32, #tpu.memory_space<vmem>>, vector<16xi32>,
      %swap3A_232 = arith.constant 352 : index
      %swap3A_233 = tpu.vector_load %arg32[%swap3A_232] {strides = array<i32>} : memref<1280xi32, #tpu.memory_space<vmem>>, vector<16xi32>,
      tpu.vector_store %arg32[%swap3A_232], %broadcast_in_dim3A_9 {strides = array<i32>} : memref<1280xi32, #tpu.memory_space<vmem>>, vector<16xi32>,
      %swap3A_234 = arith.constant 368 : index
      %swap3A_235 = tpu.vector_load %arg32[%swap3A_234] {strides = array<i32>} : memref<1280xi32, #tpu.memory_space<vmem>>, vector<16xi32>,
      tpu.vector_store %arg32[%swap3A_234], %broadcast_in_dim3A_9 {strides = array<i32>} : memref<1280xi32, #tpu.memory_space<vmem>>, vector<16xi32>,
      %swap3A_236 = arith.constant 384 : index
      %swap3A_237 = tpu.vector_load %arg32[%swap3A_236] {strides = array<i32>} : memref<1280xi32, #tpu.memory_space<vmem>>, vector<16xi32>,
      tpu.vector_store %arg32[%swap3A_236], %broadcast_in_dim3A_9 {strides = array<i32>} : memref<1280xi32, #tpu.memory_space<vmem>>, vector<16xi32>,
      %while3A_238 = arith.constant 0 : i32
      %while3A_239 = arith.constant 0 : i32
      %while3A_240:3 = scf.while (%while3A_734 = %squeeze3A_225, %while3A_735 = %while3A_238, %while3A_736 = %while3A_239) : (i32, i32, i32) -> (i32, i32, i32) {
        %lt3A = arith.cmpi slt, %while3A_734, %squeeze3A_227 : i32
        scf.condition(%lt3A) %while3A_734, %while3A_735, %while3A_736 : i32, i32, i32
      } do {
      ^bb0(%while3A_734: i32, %while3A_735: i32, %while3A_736: i32):
        %get3A_737 = arith.index_cast %while3A_734 : i32 to index
        %get3A_738 = tpu.vector_load %arg20[%get3A_737] {strides = array<i32>} : memref<8192xf32, #tpu.memory_space<vmem>>, vector<16xf32>,
        %get3A_739 = arith.index_cast %while3A_734 : i32 to index
        %get3A_740 = tpu.vector_load %arg21[%get3A_739] {strides = array<i32>} : memref<8192xf32, #tpu.memory_space<vmem>>, vector<16xf32>,
        %get3A_741 = arith.index_cast %while3A_734 : i32 to index
        %get3A_742 = tpu.vector_load %arg22[%get3A_741] {strides = array<i32>} : memref<8192xf32, #tpu.memory_space<vmem>>, vector<16xf32>,
        %get3A_743 = arith.index_cast %while3A_734 : i32 to index
        %get3A_744 = tpu.vector_load %arg23[%get3A_743] {strides = array<i32>} : memref<8192xf32, #tpu.memory_space<vmem>>, vector<16xf32>,
        %mul3A_745 = vector.broadcast %squeeze3A_217 : f32 to vector<16xf32>
        %mul3A_746 = arith.mulf %mul3A_745, %get3A_738 : vector<16xf32>
        %mul3A_747 = vector.broadcast %squeeze3A_219 : f32 to vector<16xf32>
        %mul3A_748 = arith.mulf %mul3A_747, %get3A_740 : vector<16xf32>
        %add3A_749 = arith.addf %mul3A_746, %mul3A_748 : vector<16xf32>
        %mul3A_750 = vector.broadcast %squeeze3A_221 : f32 to vector<16xf32>
        %mul3A_751 = arith.mulf %mul3A_750, %get3A_742 : vector<16xf32>
        %add3A_752 = arith.addf %add3A_749, %mul3A_751 : vector<16xf32>
        %add3A_753 = vector.broadcast %squeeze3A_223 : f32 to vector<16xf32>
        %add3A_754 = arith.addf %add3A_753, %get3A_744 : vector<16xf32>
        %mul3A_755 = arith.constant 2.000000e+00 : f32
        %mul3A_756 = vector.broadcast %mul3A_755 : f32 to vector<16xf32>
        %mul3A_757 = arith.mulf %mul3A_756, %add3A_752 : vector<16xf32>
        %sub3A = arith.subf %add3A_754, %mul3A_757 : vector<16xf32>
        %sub3A_758 = arith.subi %squeeze3A_227, %while3A_734 : i32
        %lt3A = vector.broadcast %sub3A_758 : i32 to vector<16xi32>
        %lt3A_759 = arith.cmpi slt, %iota3A, %lt3A : vector<16xi32>
        %le3A = arith.constant 4.000000e-02 : f32
        %le3A_760 = vector.broadcast %le3A : f32 to vector<16xf32>
        %le3A_761 = arith.cmpf ole, %sub3A, %le3A_760 : vector<16xf32>
        %and3A = arith.andi %le3A_761, %lt3A_759 : vector<16xi1>
        %le3A_762 = arith.constant 1.600000e-01 : f32
        %le3A_763 = vector.broadcast %le3A_762 : f32 to vector<16xf32>
        %le3A_764 = arith.cmpf ole, %sub3A, %le3A_763 : vector<16xf32>
        %and3A_765 = arith.andi %le3A_764, %lt3A_759 : vector<16xi1>
        %get3A_766 = arith.index_cast %while3A_734 : i32 to index
        %get3A_767 = tpu.vector_load %arg17[%get3A_766] {strides = array<i32>} : memref<8192xf32, #tpu.memory_space<vmem>>, vector<16xf32>,
        %sub3A_768 = vector.broadcast %squeeze3A_211 : f32 to vector<16xf32>
        %sub3A_769 = arith.subf %get3A_767, %sub3A_768 : vector<16xf32>
        %get3A_770 = arith.index_cast %while3A_734 : i32 to index
        %get3A_771 = tpu.vector_load %arg18[%get3A_770] {strides = array<i32>} : memref<8192xf32, #tpu.memory_space<vmem>>, vector<16xf32>,
        %sub3A_772 = vector.broadcast %squeeze3A_213 : f32 to vector<16xf32>
        %sub3A_773 = arith.subf %get3A_771, %sub3A_772 : vector<16xf32>
        %get3A_774 = arith.index_cast %while3A_734 : i32 to index
        %get3A_775 = tpu.vector_load %arg19[%get3A_774] {strides = array<i32>} : memref<8192xf32, #tpu.memory_space<vmem>>, vector<16xf32>,
        %sub3A_776 = vector.broadcast %squeeze3A_215 : f32 to vector<16xf32>
        %sub3A_777 = arith.subf %get3A_775, %sub3A_776 : vector<16xf32>
        %add3A_778 = vector.broadcast %while3A_734 : i32 to vector<16xi32>
        %add3A_779 = arith.addi %add3A_778, %iota3A : vector<16xi32>
        %lt3A_780 = arith.constant 64 : i32
        %lt3A_781 = arith.cmpi slt, %while3A_735, %lt3A_780 : i32
        %and3A_782 = vector.broadcast %lt3A_781 : i1 to vector<16xi1>
        %and3A_783 = arith.andi %and3A, %and3A_782 : vector<16xi1>
        %lt3A_784 = arith.constant 64 : i32
        %lt3A_785 = arith.cmpi slt, %while3A_736, %lt3A_784 : i32
        %and3A_786 = vector.broadcast %lt3A_785 : i1 to vector<16xi1>
        %and3A_787 = arith.andi %and3A_765, %and3A_786 : vector<16xi1>
        %min3A_788 = arith.constant 64 : i32
        %min3A_789 = arith.minsi %while3A_735, %min3A_788 : i32
        %add3A_790 = arith.constant 320 : i32
        %add3A_791 = arith.addi %add3A_790, %min3A_789 : i32
        %min3A_792 = arith.constant 64 : i32
        %min3A_793 = arith.minsi %while3A_736, %min3A_792 : i32
        %add3A_794 = arith.constant 320 : i32
        %add3A_795 = arith.addi %add3A_794, %min3A_793 : i32
        %swap3A_796 = arith.index_cast %add3A_791 : i32 to index
        %swap3A_797 = tpu.vector_load %arg26[%swap3A_796] masked %and3A_783 {strides = array<i32>} : memref<1280xf32, #tpu.memory_space<vmem>>, vector<16xf32>, vector<16xi1>
        tpu.vector_store %arg26[%swap3A_796], %sub3A_769 masked %and3A_783 {strides = array<i32>} : memref<1280xf32, #tpu.memory_space<vmem>>, vector<16xf32>, vector<16xi1>
        %swap3A_798 = arith.index_cast %add3A_791 : i32 to index
        %swap3A_799 = tpu.vector_load %arg27[%swap3A_798] masked %and3A_783 {strides = array<i32>} : memref<1280xf32, #tpu.memory_space<vmem>>, vector<16xf32>, vector<16xi1>
        tpu.vector_store %arg27[%swap3A_798], %sub3A_773 masked %and3A_783 {strides = array<i32>} : memref<1280xf32, #tpu.memory_space<vmem>>, vector<16xf32>, vector<16xi1>
        %swap3A_800 = arith.index_cast %add3A_791 : i32 to index
        %swap3A_801 = tpu.vector_load %arg28[%swap3A_800] masked %and3A_783 {strides = array<i32>} : memref<1280xf32, #tpu.memory_space<vmem>>, vector<16xf32>, vector<16xi1>
        tpu.vector_store %arg28[%swap3A_800], %sub3A_777 masked %and3A_783 {strides = array<i32>} : memref<1280xf32, #tpu.memory_space<vmem>>, vector<16xf32>, vector<16xi1>
        %swap3A_802 = arith.index_cast %add3A_795 : i32 to index
        %swap3A_803 = tpu.vector_load %arg29[%swap3A_802] masked %and3A_787 {strides = array<i32>} : memref<1280xf32, #tpu.memory_space<vmem>>, vector<16xf32>, vector<16xi1>
        tpu.vector_store %arg29[%swap3A_802], %sub3A_769 masked %and3A_787 {strides = array<i32>} : memref<1280xf32, #tpu.memory_space<vmem>>, vector<16xf32>, vector<16xi1>
        %swap3A_804 = arith.index_cast %add3A_795 : i32 to index
        %swap3A_805 = tpu.vector_load %arg30[%swap3A_804] masked %and3A_787 {strides = array<i32>} : memref<1280xf32, #tpu.memory_space<vmem>>, vector<16xf32>, vector<16xi1>
        tpu.vector_store %arg30[%swap3A_804], %sub3A_773 masked %and3A_787 {strides = array<i32>} : memref<1280xf32, #tpu.memory_space<vmem>>, vector<16xf32>, vector<16xi1>
        %swap3A_806 = arith.index_cast %add3A_795 : i32 to index
        %swap3A_807 = tpu.vector_load %arg31[%swap3A_806] masked %and3A_787 {strides = array<i32>} : memref<1280xf32, #tpu.memory_space<vmem>>, vector<16xf32>, vector<16xi1>
        tpu.vector_store %arg31[%swap3A_806], %sub3A_777 masked %and3A_787 {strides = array<i32>} : memref<1280xf32, #tpu.memory_space<vmem>>, vector<16xf32>, vector<16xi1>
        %swap3A_808 = arith.index_cast %add3A_795 : i32 to index
        %swap3A_809 = tpu.vector_load %arg32[%swap3A_808] masked %and3A_787 {strides = array<i32>} : memref<1280xi32, #tpu.memory_space<vmem>>, vector<16xi32>, vector<16xi1>
        tpu.vector_store %arg32[%swap3A_808], %add3A_779 masked %and3A_787 {strides = array<i32>} : memref<1280xi32, #tpu.memory_space<vmem>>, vector<16xi32>, vector<16xi1>
        %all_reduce_population_count3A = tpu.all_reduce %and3A {dim = 0 : i64, kind = #tpu.reduction_kind<sum>} : vector<16xi1> -> vector<16xi32>
        %slice3A_810 = vector.extract_strided_slice %all_reduce_population_count3A {offsets = [0], sizes = [1], strides = [1]} : vector<16xi32> to vector<1xi32>
        %squeeze3A_811 = vector.extract %slice3A_810[0] : i32 from vector<1xi32>
        %all_reduce_population_count3A_812 = tpu.all_reduce %and3A_765 {dim = 0 : i64, kind = #tpu.reduction_kind<sum>} : vector<16xi1> -> vector<16xi32>
        %slice3A_813 = vector.extract_strided_slice %all_reduce_population_count3A_812 {offsets = [0], sizes = [1], strides = [1]} : vector<16xi32> to vector<1xi32>
        %squeeze3A_814 = vector.extract %slice3A_813[0] : i32 from vector<1xi32>
        %lt3A_815 = arith.constant 64 : i32
        %lt3A_816 = arith.cmpi slt, %while3A_735, %lt3A_815 : i32
        %add3A_817 = arith.addi %while3A_735, %squeeze3A_811 : i32
        %select_n3A_818 = arith.select %lt3A_816, %add3A_817, %while3A_735 : i32
        %lt3A_819 = arith.constant 64 : i32
        %lt3A_820 = arith.cmpi slt, %while3A_736, %lt3A_819 : i32
        %add3A_821 = arith.addi %while3A_736, %squeeze3A_814 : i32
        %select_n3A_822 = arith.select %lt3A_820, %add3A_821, %while3A_736 : i32
        %add3A_823 = arith.constant 16 : i32
        %add3A_824 = arith.addi %while3A_734, %add3A_823 : i32
        scf.yield %add3A_824, %select_n3A_818, %select_n3A_822 : i32, i32, i32
      }
      %eq3A_241 = arith.constant 4 : i32
      %eq3A_242 = vector.broadcast %eq3A_241 : i32 to vector<16xi32>
      %eq3A_243 = arith.cmpi eq, %iota3A, %eq3A_242 : vector<16xi32>
      %min3A_244 = arith.constant 64 : i32
      %min3A_245 = arith.minsi %while3A_240#1, %min3A_244 : i32
      %broadcast_in_dim3A_246 = vector.broadcast %min3A_245 : i32 to vector<16xi32>
      %select_n3A_247 = arith.select %eq3A_243, %broadcast_in_dim3A_246, %select_n3A_205 : vector<16xi1>, vector<16xi32>
      %min3A_248 = arith.constant 64 : i32
      %min3A_249 = arith.minsi %while3A_240#2, %min3A_248 : i32
      %broadcast_in_dim3A_250 = vector.broadcast %min3A_249 : i32 to vector<16xi32>
      %select_n3A_251 = arith.select %eq3A_243, %broadcast_in_dim3A_250, %select_n3A_209 : vector<16xi1>, vector<16xi32>
      %slice3A_252 = vector.extract_strided_slice %get3A_22 {offsets = [5], sizes = [1], strides = [1]} : vector<16xf32> to vector<1xf32>
      %squeeze3A_253 = vector.extract %slice3A_252[0] : f32 from vector<1xf32>
      %slice3A_254 = vector.extract_strided_slice %get3A_25 {offsets = [5], sizes = [1], strides = [1]} : vector<16xf32> to vector<1xf32>
      %squeeze3A_255 = vector.extract %slice3A_254[0] : f32 from vector<1xf32>
      %slice3A_256 = vector.extract_strided_slice %get3A_28 {offsets = [5], sizes = [1], strides = [1]} : vector<16xf32> to vector<1xf32>
      %squeeze3A_257 = vector.extract %slice3A_256[0] : f32 from vector<1xf32>
      %slice3A_258 = vector.extract_strided_slice %get3A_31 {offsets = [5], sizes = [1], strides = [1]} : vector<16xf32> to vector<1xf32>
      %squeeze3A_259 = vector.extract %slice3A_258[0] : f32 from vector<1xf32>
      %slice3A_260 = vector.extract_strided_slice %get3A_34 {offsets = [5], sizes = [1], strides = [1]} : vector<16xf32> to vector<1xf32>
      %squeeze3A_261 = vector.extract %slice3A_260[0] : f32 from vector<1xf32>
      %slice3A_262 = vector.extract_strided_slice %get3A_37 {offsets = [5], sizes = [1], strides = [1]} : vector<16xf32> to vector<1xf32>
      %squeeze3A_263 = vector.extract %slice3A_262[0] : f32 from vector<1xf32>
      %slice3A_264 = vector.extract_strided_slice %get3A_40 {offsets = [5], sizes = [1], strides = [1]} : vector<16xf32> to vector<1xf32>
      %squeeze3A_265 = vector.extract %slice3A_264[0] : f32 from vector<1xf32>
      %slice3A_266 = vector.extract_strided_slice %get3A_42 {offsets = [5], sizes = [1], strides = [1]} : vector<16xi32> to vector<1xi32>
      %squeeze3A_267 = vector.extract %slice3A_266[0] : i32 from vector<1xi32>
      %slice3A_268 = vector.extract_strided_slice %get3A_44 {offsets = [5], sizes = [1], strides = [1]} : vector<16xi32> to vector<1xi32>
      %squeeze3A_269 = vector.extract %slice3A_268[0] : i32 from vector<1xi32>
      %swap3A_270 = arith.constant 400 : index
      %swap3A_271 = tpu.vector_load %arg32[%swap3A_270] {strides = array<i32>} : memref<1280xi32, #tpu.memory_space<vmem>>, vector<16xi32>,
      tpu.vector_store %arg32[%swap3A_270], %broadcast_in_dim3A_9 {strides = array<i32>} : memref<1280xi32, #tpu.memory_space<vmem>>, vector<16xi32>,
      %swap3A_272 = arith.constant 416 : index
      %swap3A_273 = tpu.vector_load %arg32[%swap3A_272] {strides = array<i32>} : memref<1280xi32, #tpu.memory_space<vmem>>, vector<16xi32>,
      tpu.vector_store %arg32[%swap3A_272], %broadcast_in_dim3A_9 {strides = array<i32>} : memref<1280xi32, #tpu.memory_space<vmem>>, vector<16xi32>,
      %swap3A_274 = arith.constant 432 : index
      %swap3A_275 = tpu.vector_load %arg32[%swap3A_274] {strides = array<i32>} : memref<1280xi32, #tpu.memory_space<vmem>>, vector<16xi32>,
      tpu.vector_store %arg32[%swap3A_274], %broadcast_in_dim3A_9 {strides = array<i32>} : memref<1280xi32, #tpu.memory_space<vmem>>, vector<16xi32>,
      %swap3A_276 = arith.constant 448 : index
      %swap3A_277 = tpu.vector_load %arg32[%swap3A_276] {strides = array<i32>} : memref<1280xi32, #tpu.memory_space<vmem>>, vector<16xi32>,
      tpu.vector_store %arg32[%swap3A_276], %broadcast_in_dim3A_9 {strides = array<i32>} : memref<1280xi32, #tpu.memory_space<vmem>>, vector<16xi32>,
      %swap3A_278 = arith.constant 464 : index
      %swap3A_279 = tpu.vector_load %arg32[%swap3A_278] {strides = array<i32>} : memref<1280xi32, #tpu.memory_space<vmem>>, vector<16xi32>,
      tpu.vector_store %arg32[%swap3A_278], %broadcast_in_dim3A_9 {strides = array<i32>} : memref<1280xi32, #tpu.memory_space<vmem>>, vector<16xi32>,
      %while3A_280 = arith.constant 0 : i32
      %while3A_281 = arith.constant 0 : i32
      %while3A_282:3 = scf.while (%while3A_734 = %squeeze3A_267, %while3A_735 = %while3A_280, %while3A_736 = %while3A_281) : (i32, i32, i32) -> (i32, i32, i32) {
        %lt3A = arith.cmpi slt, %while3A_734, %squeeze3A_269 : i32
        scf.condition(%lt3A) %while3A_734, %while3A_735, %while3A_736 : i32, i32, i32
      } do {
      ^bb0(%while3A_734: i32, %while3A_735: i32, %while3A_736: i32):
        %get3A_737 = arith.index_cast %while3A_734 : i32 to index
        %get3A_738 = tpu.vector_load %arg20[%get3A_737] {strides = array<i32>} : memref<8192xf32, #tpu.memory_space<vmem>>, vector<16xf32>,
        %get3A_739 = arith.index_cast %while3A_734 : i32 to index
        %get3A_740 = tpu.vector_load %arg21[%get3A_739] {strides = array<i32>} : memref<8192xf32, #tpu.memory_space<vmem>>, vector<16xf32>,
        %get3A_741 = arith.index_cast %while3A_734 : i32 to index
        %get3A_742 = tpu.vector_load %arg22[%get3A_741] {strides = array<i32>} : memref<8192xf32, #tpu.memory_space<vmem>>, vector<16xf32>,
        %get3A_743 = arith.index_cast %while3A_734 : i32 to index
        %get3A_744 = tpu.vector_load %arg23[%get3A_743] {strides = array<i32>} : memref<8192xf32, #tpu.memory_space<vmem>>, vector<16xf32>,
        %mul3A_745 = vector.broadcast %squeeze3A_259 : f32 to vector<16xf32>
        %mul3A_746 = arith.mulf %mul3A_745, %get3A_738 : vector<16xf32>
        %mul3A_747 = vector.broadcast %squeeze3A_261 : f32 to vector<16xf32>
        %mul3A_748 = arith.mulf %mul3A_747, %get3A_740 : vector<16xf32>
        %add3A_749 = arith.addf %mul3A_746, %mul3A_748 : vector<16xf32>
        %mul3A_750 = vector.broadcast %squeeze3A_263 : f32 to vector<16xf32>
        %mul3A_751 = arith.mulf %mul3A_750, %get3A_742 : vector<16xf32>
        %add3A_752 = arith.addf %add3A_749, %mul3A_751 : vector<16xf32>
        %add3A_753 = vector.broadcast %squeeze3A_265 : f32 to vector<16xf32>
        %add3A_754 = arith.addf %add3A_753, %get3A_744 : vector<16xf32>
        %mul3A_755 = arith.constant 2.000000e+00 : f32
        %mul3A_756 = vector.broadcast %mul3A_755 : f32 to vector<16xf32>
        %mul3A_757 = arith.mulf %mul3A_756, %add3A_752 : vector<16xf32>
        %sub3A = arith.subf %add3A_754, %mul3A_757 : vector<16xf32>
        %sub3A_758 = arith.subi %squeeze3A_269, %while3A_734 : i32
        %lt3A = vector.broadcast %sub3A_758 : i32 to vector<16xi32>
        %lt3A_759 = arith.cmpi slt, %iota3A, %lt3A : vector<16xi32>
        %le3A = arith.constant 4.000000e-02 : f32
        %le3A_760 = vector.broadcast %le3A : f32 to vector<16xf32>
        %le3A_761 = arith.cmpf ole, %sub3A, %le3A_760 : vector<16xf32>
        %and3A = arith.andi %le3A_761, %lt3A_759 : vector<16xi1>
        %le3A_762 = arith.constant 1.600000e-01 : f32
        %le3A_763 = vector.broadcast %le3A_762 : f32 to vector<16xf32>
        %le3A_764 = arith.cmpf ole, %sub3A, %le3A_763 : vector<16xf32>
        %and3A_765 = arith.andi %le3A_764, %lt3A_759 : vector<16xi1>
        %get3A_766 = arith.index_cast %while3A_734 : i32 to index
        %get3A_767 = tpu.vector_load %arg17[%get3A_766] {strides = array<i32>} : memref<8192xf32, #tpu.memory_space<vmem>>, vector<16xf32>,
        %sub3A_768 = vector.broadcast %squeeze3A_253 : f32 to vector<16xf32>
        %sub3A_769 = arith.subf %get3A_767, %sub3A_768 : vector<16xf32>
        %get3A_770 = arith.index_cast %while3A_734 : i32 to index
        %get3A_771 = tpu.vector_load %arg18[%get3A_770] {strides = array<i32>} : memref<8192xf32, #tpu.memory_space<vmem>>, vector<16xf32>,
        %sub3A_772 = vector.broadcast %squeeze3A_255 : f32 to vector<16xf32>
        %sub3A_773 = arith.subf %get3A_771, %sub3A_772 : vector<16xf32>
        %get3A_774 = arith.index_cast %while3A_734 : i32 to index
        %get3A_775 = tpu.vector_load %arg19[%get3A_774] {strides = array<i32>} : memref<8192xf32, #tpu.memory_space<vmem>>, vector<16xf32>,
        %sub3A_776 = vector.broadcast %squeeze3A_257 : f32 to vector<16xf32>
        %sub3A_777 = arith.subf %get3A_775, %sub3A_776 : vector<16xf32>
        %add3A_778 = vector.broadcast %while3A_734 : i32 to vector<16xi32>
        %add3A_779 = arith.addi %add3A_778, %iota3A : vector<16xi32>
        %lt3A_780 = arith.constant 64 : i32
        %lt3A_781 = arith.cmpi slt, %while3A_735, %lt3A_780 : i32
        %and3A_782 = vector.broadcast %lt3A_781 : i1 to vector<16xi1>
        %and3A_783 = arith.andi %and3A, %and3A_782 : vector<16xi1>
        %lt3A_784 = arith.constant 64 : i32
        %lt3A_785 = arith.cmpi slt, %while3A_736, %lt3A_784 : i32
        %and3A_786 = vector.broadcast %lt3A_785 : i1 to vector<16xi1>
        %and3A_787 = arith.andi %and3A_765, %and3A_786 : vector<16xi1>
        %min3A_788 = arith.constant 64 : i32
        %min3A_789 = arith.minsi %while3A_735, %min3A_788 : i32
        %add3A_790 = arith.constant 400 : i32
        %add3A_791 = arith.addi %add3A_790, %min3A_789 : i32
        %min3A_792 = arith.constant 64 : i32
        %min3A_793 = arith.minsi %while3A_736, %min3A_792 : i32
        %add3A_794 = arith.constant 400 : i32
        %add3A_795 = arith.addi %add3A_794, %min3A_793 : i32
        %swap3A_796 = arith.index_cast %add3A_791 : i32 to index
        %swap3A_797 = tpu.vector_load %arg26[%swap3A_796] masked %and3A_783 {strides = array<i32>} : memref<1280xf32, #tpu.memory_space<vmem>>, vector<16xf32>, vector<16xi1>
        tpu.vector_store %arg26[%swap3A_796], %sub3A_769 masked %and3A_783 {strides = array<i32>} : memref<1280xf32, #tpu.memory_space<vmem>>, vector<16xf32>, vector<16xi1>
        %swap3A_798 = arith.index_cast %add3A_791 : i32 to index
        %swap3A_799 = tpu.vector_load %arg27[%swap3A_798] masked %and3A_783 {strides = array<i32>} : memref<1280xf32, #tpu.memory_space<vmem>>, vector<16xf32>, vector<16xi1>
        tpu.vector_store %arg27[%swap3A_798], %sub3A_773 masked %and3A_783 {strides = array<i32>} : memref<1280xf32, #tpu.memory_space<vmem>>, vector<16xf32>, vector<16xi1>
        %swap3A_800 = arith.index_cast %add3A_791 : i32 to index
        %swap3A_801 = tpu.vector_load %arg28[%swap3A_800] masked %and3A_783 {strides = array<i32>} : memref<1280xf32, #tpu.memory_space<vmem>>, vector<16xf32>, vector<16xi1>
        tpu.vector_store %arg28[%swap3A_800], %sub3A_777 masked %and3A_783 {strides = array<i32>} : memref<1280xf32, #tpu.memory_space<vmem>>, vector<16xf32>, vector<16xi1>
        %swap3A_802 = arith.index_cast %add3A_795 : i32 to index
        %swap3A_803 = tpu.vector_load %arg29[%swap3A_802] masked %and3A_787 {strides = array<i32>} : memref<1280xf32, #tpu.memory_space<vmem>>, vector<16xf32>, vector<16xi1>
        tpu.vector_store %arg29[%swap3A_802], %sub3A_769 masked %and3A_787 {strides = array<i32>} : memref<1280xf32, #tpu.memory_space<vmem>>, vector<16xf32>, vector<16xi1>
        %swap3A_804 = arith.index_cast %add3A_795 : i32 to index
        %swap3A_805 = tpu.vector_load %arg30[%swap3A_804] masked %and3A_787 {strides = array<i32>} : memref<1280xf32, #tpu.memory_space<vmem>>, vector<16xf32>, vector<16xi1>
        tpu.vector_store %arg30[%swap3A_804], %sub3A_773 masked %and3A_787 {strides = array<i32>} : memref<1280xf32, #tpu.memory_space<vmem>>, vector<16xf32>, vector<16xi1>
        %swap3A_806 = arith.index_cast %add3A_795 : i32 to index
        %swap3A_807 = tpu.vector_load %arg31[%swap3A_806] masked %and3A_787 {strides = array<i32>} : memref<1280xf32, #tpu.memory_space<vmem>>, vector<16xf32>, vector<16xi1>
        tpu.vector_store %arg31[%swap3A_806], %sub3A_777 masked %and3A_787 {strides = array<i32>} : memref<1280xf32, #tpu.memory_space<vmem>>, vector<16xf32>, vector<16xi1>
        %swap3A_808 = arith.index_cast %add3A_795 : i32 to index
        %swap3A_809 = tpu.vector_load %arg32[%swap3A_808] masked %and3A_787 {strides = array<i32>} : memref<1280xi32, #tpu.memory_space<vmem>>, vector<16xi32>, vector<16xi1>
        tpu.vector_store %arg32[%swap3A_808], %add3A_779 masked %and3A_787 {strides = array<i32>} : memref<1280xi32, #tpu.memory_space<vmem>>, vector<16xi32>, vector<16xi1>
        %all_reduce_population_count3A = tpu.all_reduce %and3A {dim = 0 : i64, kind = #tpu.reduction_kind<sum>} : vector<16xi1> -> vector<16xi32>
        %slice3A_810 = vector.extract_strided_slice %all_reduce_population_count3A {offsets = [0], sizes = [1], strides = [1]} : vector<16xi32> to vector<1xi32>
        %squeeze3A_811 = vector.extract %slice3A_810[0] : i32 from vector<1xi32>
        %all_reduce_population_count3A_812 = tpu.all_reduce %and3A_765 {dim = 0 : i64, kind = #tpu.reduction_kind<sum>} : vector<16xi1> -> vector<16xi32>
        %slice3A_813 = vector.extract_strided_slice %all_reduce_population_count3A_812 {offsets = [0], sizes = [1], strides = [1]} : vector<16xi32> to vector<1xi32>
        %squeeze3A_814 = vector.extract %slice3A_813[0] : i32 from vector<1xi32>
        %lt3A_815 = arith.constant 64 : i32
        %lt3A_816 = arith.cmpi slt, %while3A_735, %lt3A_815 : i32
        %add3A_817 = arith.addi %while3A_735, %squeeze3A_811 : i32
        %select_n3A_818 = arith.select %lt3A_816, %add3A_817, %while3A_735 : i32
        %lt3A_819 = arith.constant 64 : i32
        %lt3A_820 = arith.cmpi slt, %while3A_736, %lt3A_819 : i32
        %add3A_821 = arith.addi %while3A_736, %squeeze3A_814 : i32
        %select_n3A_822 = arith.select %lt3A_820, %add3A_821, %while3A_736 : i32
        %add3A_823 = arith.constant 16 : i32
        %add3A_824 = arith.addi %while3A_734, %add3A_823 : i32
        scf.yield %add3A_824, %select_n3A_818, %select_n3A_822 : i32, i32, i32
      }
      %eq3A_283 = arith.constant 5 : i32
      %eq3A_284 = vector.broadcast %eq3A_283 : i32 to vector<16xi32>
      %eq3A_285 = arith.cmpi eq, %iota3A, %eq3A_284 : vector<16xi32>
      %min3A_286 = arith.constant 64 : i32
      %min3A_287 = arith.minsi %while3A_282#1, %min3A_286 : i32
      %broadcast_in_dim3A_288 = vector.broadcast %min3A_287 : i32 to vector<16xi32>
      %select_n3A_289 = arith.select %eq3A_285, %broadcast_in_dim3A_288, %select_n3A_247 : vector<16xi1>, vector<16xi32>
      %min3A_290 = arith.constant 64 : i32
      %min3A_291 = arith.minsi %while3A_282#2, %min3A_290 : i32
      %broadcast_in_dim3A_292 = vector.broadcast %min3A_291 : i32 to vector<16xi32>
      %select_n3A_293 = arith.select %eq3A_285, %broadcast_in_dim3A_292, %select_n3A_251 : vector<16xi1>, vector<16xi32>
      %slice3A_294 = vector.extract_strided_slice %get3A_22 {offsets = [6], sizes = [1], strides = [1]} : vector<16xf32> to vector<1xf32>
      %squeeze3A_295 = vector.extract %slice3A_294[0] : f32 from vector<1xf32>
      %slice3A_296 = vector.extract_strided_slice %get3A_25 {offsets = [6], sizes = [1], strides = [1]} : vector<16xf32> to vector<1xf32>
      %squeeze3A_297 = vector.extract %slice3A_296[0] : f32 from vector<1xf32>
      %slice3A_298 = vector.extract_strided_slice %get3A_28 {offsets = [6], sizes = [1], strides = [1]} : vector<16xf32> to vector<1xf32>
      %squeeze3A_299 = vector.extract %slice3A_298[0] : f32 from vector<1xf32>
      %slice3A_300 = vector.extract_strided_slice %get3A_31 {offsets = [6], sizes = [1], strides = [1]} : vector<16xf32> to vector<1xf32>
      %squeeze3A_301 = vector.extract %slice3A_300[0] : f32 from vector<1xf32>
      %slice3A_302 = vector.extract_strided_slice %get3A_34 {offsets = [6], sizes = [1], strides = [1]} : vector<16xf32> to vector<1xf32>
      %squeeze3A_303 = vector.extract %slice3A_302[0] : f32 from vector<1xf32>
      %slice3A_304 = vector.extract_strided_slice %get3A_37 {offsets = [6], sizes = [1], strides = [1]} : vector<16xf32> to vector<1xf32>
      %squeeze3A_305 = vector.extract %slice3A_304[0] : f32 from vector<1xf32>
      %slice3A_306 = vector.extract_strided_slice %get3A_40 {offsets = [6], sizes = [1], strides = [1]} : vector<16xf32> to vector<1xf32>
      %squeeze3A_307 = vector.extract %slice3A_306[0] : f32 from vector<1xf32>
      %slice3A_308 = vector.extract_strided_slice %get3A_42 {offsets = [6], sizes = [1], strides = [1]} : vector<16xi32> to vector<1xi32>
      %squeeze3A_309 = vector.extract %slice3A_308[0] : i32 from vector<1xi32>
      %slice3A_310 = vector.extract_strided_slice %get3A_44 {offsets = [6], sizes = [1], strides = [1]} : vector<16xi32> to vector<1xi32>
      %squeeze3A_311 = vector.extract %slice3A_310[0] : i32 from vector<1xi32>
      %swap3A_312 = arith.constant 480 : index
      %swap3A_313 = tpu.vector_load %arg32[%swap3A_312] {strides = array<i32>} : memref<1280xi32, #tpu.memory_space<vmem>>, vector<16xi32>,
      tpu.vector_store %arg32[%swap3A_312], %broadcast_in_dim3A_9 {strides = array<i32>} : memref<1280xi32, #tpu.memory_space<vmem>>, vector<16xi32>,
      %swap3A_314 = arith.constant 496 : index
      %swap3A_315 = tpu.vector_load %arg32[%swap3A_314] {strides = array<i32>} : memref<1280xi32, #tpu.memory_space<vmem>>, vector<16xi32>,
      tpu.vector_store %arg32[%swap3A_314], %broadcast_in_dim3A_9 {strides = array<i32>} : memref<1280xi32, #tpu.memory_space<vmem>>, vector<16xi32>,
      %swap3A_316 = arith.constant 512 : index
      %swap3A_317 = tpu.vector_load %arg32[%swap3A_316] {strides = array<i32>} : memref<1280xi32, #tpu.memory_space<vmem>>, vector<16xi32>,
      tpu.vector_store %arg32[%swap3A_316], %broadcast_in_dim3A_9 {strides = array<i32>} : memref<1280xi32, #tpu.memory_space<vmem>>, vector<16xi32>,
      %swap3A_318 = arith.constant 528 : index
      %swap3A_319 = tpu.vector_load %arg32[%swap3A_318] {strides = array<i32>} : memref<1280xi32, #tpu.memory_space<vmem>>, vector<16xi32>,
      tpu.vector_store %arg32[%swap3A_318], %broadcast_in_dim3A_9 {strides = array<i32>} : memref<1280xi32, #tpu.memory_space<vmem>>, vector<16xi32>,
      %swap3A_320 = arith.constant 544 : index
      %swap3A_321 = tpu.vector_load %arg32[%swap3A_320] {strides = array<i32>} : memref<1280xi32, #tpu.memory_space<vmem>>, vector<16xi32>,
      tpu.vector_store %arg32[%swap3A_320], %broadcast_in_dim3A_9 {strides = array<i32>} : memref<1280xi32, #tpu.memory_space<vmem>>, vector<16xi32>,
      %while3A_322 = arith.constant 0 : i32
      %while3A_323 = arith.constant 0 : i32
      %while3A_324:3 = scf.while (%while3A_734 = %squeeze3A_309, %while3A_735 = %while3A_322, %while3A_736 = %while3A_323) : (i32, i32, i32) -> (i32, i32, i32) {
        %lt3A = arith.cmpi slt, %while3A_734, %squeeze3A_311 : i32
        scf.condition(%lt3A) %while3A_734, %while3A_735, %while3A_736 : i32, i32, i32
      } do {
      ^bb0(%while3A_734: i32, %while3A_735: i32, %while3A_736: i32):
        %get3A_737 = arith.index_cast %while3A_734 : i32 to index
        %get3A_738 = tpu.vector_load %arg20[%get3A_737] {strides = array<i32>} : memref<8192xf32, #tpu.memory_space<vmem>>, vector<16xf32>,
        %get3A_739 = arith.index_cast %while3A_734 : i32 to index
        %get3A_740 = tpu.vector_load %arg21[%get3A_739] {strides = array<i32>} : memref<8192xf32, #tpu.memory_space<vmem>>, vector<16xf32>,
        %get3A_741 = arith.index_cast %while3A_734 : i32 to index
        %get3A_742 = tpu.vector_load %arg22[%get3A_741] {strides = array<i32>} : memref<8192xf32, #tpu.memory_space<vmem>>, vector<16xf32>,
        %get3A_743 = arith.index_cast %while3A_734 : i32 to index
        %get3A_744 = tpu.vector_load %arg23[%get3A_743] {strides = array<i32>} : memref<8192xf32, #tpu.memory_space<vmem>>, vector<16xf32>,
        %mul3A_745 = vector.broadcast %squeeze3A_301 : f32 to vector<16xf32>
        %mul3A_746 = arith.mulf %mul3A_745, %get3A_738 : vector<16xf32>
        %mul3A_747 = vector.broadcast %squeeze3A_303 : f32 to vector<16xf32>
        %mul3A_748 = arith.mulf %mul3A_747, %get3A_740 : vector<16xf32>
        %add3A_749 = arith.addf %mul3A_746, %mul3A_748 : vector<16xf32>
        %mul3A_750 = vector.broadcast %squeeze3A_305 : f32 to vector<16xf32>
        %mul3A_751 = arith.mulf %mul3A_750, %get3A_742 : vector<16xf32>
        %add3A_752 = arith.addf %add3A_749, %mul3A_751 : vector<16xf32>
        %add3A_753 = vector.broadcast %squeeze3A_307 : f32 to vector<16xf32>
        %add3A_754 = arith.addf %add3A_753, %get3A_744 : vector<16xf32>
        %mul3A_755 = arith.constant 2.000000e+00 : f32
        %mul3A_756 = vector.broadcast %mul3A_755 : f32 to vector<16xf32>
        %mul3A_757 = arith.mulf %mul3A_756, %add3A_752 : vector<16xf32>
        %sub3A = arith.subf %add3A_754, %mul3A_757 : vector<16xf32>
        %sub3A_758 = arith.subi %squeeze3A_311, %while3A_734 : i32
        %lt3A = vector.broadcast %sub3A_758 : i32 to vector<16xi32>
        %lt3A_759 = arith.cmpi slt, %iota3A, %lt3A : vector<16xi32>
        %le3A = arith.constant 4.000000e-02 : f32
        %le3A_760 = vector.broadcast %le3A : f32 to vector<16xf32>
        %le3A_761 = arith.cmpf ole, %sub3A, %le3A_760 : vector<16xf32>
        %and3A = arith.andi %le3A_761, %lt3A_759 : vector<16xi1>
        %le3A_762 = arith.constant 1.600000e-01 : f32
        %le3A_763 = vector.broadcast %le3A_762 : f32 to vector<16xf32>
        %le3A_764 = arith.cmpf ole, %sub3A, %le3A_763 : vector<16xf32>
        %and3A_765 = arith.andi %le3A_764, %lt3A_759 : vector<16xi1>
        %get3A_766 = arith.index_cast %while3A_734 : i32 to index
        %get3A_767 = tpu.vector_load %arg17[%get3A_766] {strides = array<i32>} : memref<8192xf32, #tpu.memory_space<vmem>>, vector<16xf32>,
        %sub3A_768 = vector.broadcast %squeeze3A_295 : f32 to vector<16xf32>
        %sub3A_769 = arith.subf %get3A_767, %sub3A_768 : vector<16xf32>
        %get3A_770 = arith.index_cast %while3A_734 : i32 to index
        %get3A_771 = tpu.vector_load %arg18[%get3A_770] {strides = array<i32>} : memref<8192xf32, #tpu.memory_space<vmem>>, vector<16xf32>,
        %sub3A_772 = vector.broadcast %squeeze3A_297 : f32 to vector<16xf32>
        %sub3A_773 = arith.subf %get3A_771, %sub3A_772 : vector<16xf32>
        %get3A_774 = arith.index_cast %while3A_734 : i32 to index
        %get3A_775 = tpu.vector_load %arg19[%get3A_774] {strides = array<i32>} : memref<8192xf32, #tpu.memory_space<vmem>>, vector<16xf32>,
        %sub3A_776 = vector.broadcast %squeeze3A_299 : f32 to vector<16xf32>
        %sub3A_777 = arith.subf %get3A_775, %sub3A_776 : vector<16xf32>
        %add3A_778 = vector.broadcast %while3A_734 : i32 to vector<16xi32>
        %add3A_779 = arith.addi %add3A_778, %iota3A : vector<16xi32>
        %lt3A_780 = arith.constant 64 : i32
        %lt3A_781 = arith.cmpi slt, %while3A_735, %lt3A_780 : i32
        %and3A_782 = vector.broadcast %lt3A_781 : i1 to vector<16xi1>
        %and3A_783 = arith.andi %and3A, %and3A_782 : vector<16xi1>
        %lt3A_784 = arith.constant 64 : i32
        %lt3A_785 = arith.cmpi slt, %while3A_736, %lt3A_784 : i32
        %and3A_786 = vector.broadcast %lt3A_785 : i1 to vector<16xi1>
        %and3A_787 = arith.andi %and3A_765, %and3A_786 : vector<16xi1>
        %min3A_788 = arith.constant 64 : i32
        %min3A_789 = arith.minsi %while3A_735, %min3A_788 : i32
        %add3A_790 = arith.constant 480 : i32
        %add3A_791 = arith.addi %add3A_790, %min3A_789 : i32
        %min3A_792 = arith.constant 64 : i32
        %min3A_793 = arith.minsi %while3A_736, %min3A_792 : i32
        %add3A_794 = arith.constant 480 : i32
        %add3A_795 = arith.addi %add3A_794, %min3A_793 : i32
        %swap3A_796 = arith.index_cast %add3A_791 : i32 to index
        %swap3A_797 = tpu.vector_load %arg26[%swap3A_796] masked %and3A_783 {strides = array<i32>} : memref<1280xf32, #tpu.memory_space<vmem>>, vector<16xf32>, vector<16xi1>
        tpu.vector_store %arg26[%swap3A_796], %sub3A_769 masked %and3A_783 {strides = array<i32>} : memref<1280xf32, #tpu.memory_space<vmem>>, vector<16xf32>, vector<16xi1>
        %swap3A_798 = arith.index_cast %add3A_791 : i32 to index
        %swap3A_799 = tpu.vector_load %arg27[%swap3A_798] masked %and3A_783 {strides = array<i32>} : memref<1280xf32, #tpu.memory_space<vmem>>, vector<16xf32>, vector<16xi1>
        tpu.vector_store %arg27[%swap3A_798], %sub3A_773 masked %and3A_783 {strides = array<i32>} : memref<1280xf32, #tpu.memory_space<vmem>>, vector<16xf32>, vector<16xi1>
        %swap3A_800 = arith.index_cast %add3A_791 : i32 to index
        %swap3A_801 = tpu.vector_load %arg28[%swap3A_800] masked %and3A_783 {strides = array<i32>} : memref<1280xf32, #tpu.memory_space<vmem>>, vector<16xf32>, vector<16xi1>
        tpu.vector_store %arg28[%swap3A_800], %sub3A_777 masked %and3A_783 {strides = array<i32>} : memref<1280xf32, #tpu.memory_space<vmem>>, vector<16xf32>, vector<16xi1>
        %swap3A_802 = arith.index_cast %add3A_795 : i32 to index
        %swap3A_803 = tpu.vector_load %arg29[%swap3A_802] masked %and3A_787 {strides = array<i32>} : memref<1280xf32, #tpu.memory_space<vmem>>, vector<16xf32>, vector<16xi1>
        tpu.vector_store %arg29[%swap3A_802], %sub3A_769 masked %and3A_787 {strides = array<i32>} : memref<1280xf32, #tpu.memory_space<vmem>>, vector<16xf32>, vector<16xi1>
        %swap3A_804 = arith.index_cast %add3A_795 : i32 to index
        %swap3A_805 = tpu.vector_load %arg30[%swap3A_804] masked %and3A_787 {strides = array<i32>} : memref<1280xf32, #tpu.memory_space<vmem>>, vector<16xf32>, vector<16xi1>
        tpu.vector_store %arg30[%swap3A_804], %sub3A_773 masked %and3A_787 {strides = array<i32>} : memref<1280xf32, #tpu.memory_space<vmem>>, vector<16xf32>, vector<16xi1>
        %swap3A_806 = arith.index_cast %add3A_795 : i32 to index
        %swap3A_807 = tpu.vector_load %arg31[%swap3A_806] masked %and3A_787 {strides = array<i32>} : memref<1280xf32, #tpu.memory_space<vmem>>, vector<16xf32>, vector<16xi1>
        tpu.vector_store %arg31[%swap3A_806], %sub3A_777 masked %and3A_787 {strides = array<i32>} : memref<1280xf32, #tpu.memory_space<vmem>>, vector<16xf32>, vector<16xi1>
        %swap3A_808 = arith.index_cast %add3A_795 : i32 to index
        %swap3A_809 = tpu.vector_load %arg32[%swap3A_808] masked %and3A_787 {strides = array<i32>} : memref<1280xi32, #tpu.memory_space<vmem>>, vector<16xi32>, vector<16xi1>
        tpu.vector_store %arg32[%swap3A_808], %add3A_779 masked %and3A_787 {strides = array<i32>} : memref<1280xi32, #tpu.memory_space<vmem>>, vector<16xi32>, vector<16xi1>
        %all_reduce_population_count3A = tpu.all_reduce %and3A {dim = 0 : i64, kind = #tpu.reduction_kind<sum>} : vector<16xi1> -> vector<16xi32>
        %slice3A_810 = vector.extract_strided_slice %all_reduce_population_count3A {offsets = [0], sizes = [1], strides = [1]} : vector<16xi32> to vector<1xi32>
        %squeeze3A_811 = vector.extract %slice3A_810[0] : i32 from vector<1xi32>
        %all_reduce_population_count3A_812 = tpu.all_reduce %and3A_765 {dim = 0 : i64, kind = #tpu.reduction_kind<sum>} : vector<16xi1> -> vector<16xi32>
        %slice3A_813 = vector.extract_strided_slice %all_reduce_population_count3A_812 {offsets = [0], sizes = [1], strides = [1]} : vector<16xi32> to vector<1xi32>
        %squeeze3A_814 = vector.extract %slice3A_813[0] : i32 from vector<1xi32>
        %lt3A_815 = arith.constant 64 : i32
        %lt3A_816 = arith.cmpi slt, %while3A_735, %lt3A_815 : i32
        %add3A_817 = arith.addi %while3A_735, %squeeze3A_811 : i32
        %select_n3A_818 = arith.select %lt3A_816, %add3A_817, %while3A_735 : i32
        %lt3A_819 = arith.constant 64 : i32
        %lt3A_820 = arith.cmpi slt, %while3A_736, %lt3A_819 : i32
        %add3A_821 = arith.addi %while3A_736, %squeeze3A_814 : i32
        %select_n3A_822 = arith.select %lt3A_820, %add3A_821, %while3A_736 : i32
        %add3A_823 = arith.constant 16 : i32
        %add3A_824 = arith.addi %while3A_734, %add3A_823 : i32
        scf.yield %add3A_824, %select_n3A_818, %select_n3A_822 : i32, i32, i32
      }
      %eq3A_325 = arith.constant 6 : i32
      %eq3A_326 = vector.broadcast %eq3A_325 : i32 to vector<16xi32>
      %eq3A_327 = arith.cmpi eq, %iota3A, %eq3A_326 : vector<16xi32>
      %min3A_328 = arith.constant 64 : i32
      %min3A_329 = arith.minsi %while3A_324#1, %min3A_328 : i32
      %broadcast_in_dim3A_330 = vector.broadcast %min3A_329 : i32 to vector<16xi32>
      %select_n3A_331 = arith.select %eq3A_327, %broadcast_in_dim3A_330, %select_n3A_289 : vector<16xi1>, vector<16xi32>
      %min3A_332 = arith.constant 64 : i32
      %min3A_333 = arith.minsi %while3A_324#2, %min3A_332 : i32
      %broadcast_in_dim3A_334 = vector.broadcast %min3A_333 : i32 to vector<16xi32>
      %select_n3A_335 = arith.select %eq3A_327, %broadcast_in_dim3A_334, %select_n3A_293 : vector<16xi1>, vector<16xi32>
      %slice3A_336 = vector.extract_strided_slice %get3A_22 {offsets = [7], sizes = [1], strides = [1]} : vector<16xf32> to vector<1xf32>
      %squeeze3A_337 = vector.extract %slice3A_336[0] : f32 from vector<1xf32>
      %slice3A_338 = vector.extract_strided_slice %get3A_25 {offsets = [7], sizes = [1], strides = [1]} : vector<16xf32> to vector<1xf32>
      %squeeze3A_339 = vector.extract %slice3A_338[0] : f32 from vector<1xf32>
      %slice3A_340 = vector.extract_strided_slice %get3A_28 {offsets = [7], sizes = [1], strides = [1]} : vector<16xf32> to vector<1xf32>
      %squeeze3A_341 = vector.extract %slice3A_340[0] : f32 from vector<1xf32>
      %slice3A_342 = vector.extract_strided_slice %get3A_31 {offsets = [7], sizes = [1], strides = [1]} : vector<16xf32> to vector<1xf32>
      %squeeze3A_343 = vector.extract %slice3A_342[0] : f32 from vector<1xf32>
      %slice3A_344 = vector.extract_strided_slice %get3A_34 {offsets = [7], sizes = [1], strides = [1]} : vector<16xf32> to vector<1xf32>
      %squeeze3A_345 = vector.extract %slice3A_344[0] : f32 from vector<1xf32>
      %slice3A_346 = vector.extract_strided_slice %get3A_37 {offsets = [7], sizes = [1], strides = [1]} : vector<16xf32> to vector<1xf32>
      %squeeze3A_347 = vector.extract %slice3A_346[0] : f32 from vector<1xf32>
      %slice3A_348 = vector.extract_strided_slice %get3A_40 {offsets = [7], sizes = [1], strides = [1]} : vector<16xf32> to vector<1xf32>
      %squeeze3A_349 = vector.extract %slice3A_348[0] : f32 from vector<1xf32>
      %slice3A_350 = vector.extract_strided_slice %get3A_42 {offsets = [7], sizes = [1], strides = [1]} : vector<16xi32> to vector<1xi32>
      %squeeze3A_351 = vector.extract %slice3A_350[0] : i32 from vector<1xi32>
      %slice3A_352 = vector.extract_strided_slice %get3A_44 {offsets = [7], sizes = [1], strides = [1]} : vector<16xi32> to vector<1xi32>
      %squeeze3A_353 = vector.extract %slice3A_352[0] : i32 from vector<1xi32>
      %swap3A_354 = arith.constant 560 : index
      %swap3A_355 = tpu.vector_load %arg32[%swap3A_354] {strides = array<i32>} : memref<1280xi32, #tpu.memory_space<vmem>>, vector<16xi32>,
      tpu.vector_store %arg32[%swap3A_354], %broadcast_in_dim3A_9 {strides = array<i32>} : memref<1280xi32, #tpu.memory_space<vmem>>, vector<16xi32>,
      %swap3A_356 = arith.constant 576 : index
      %swap3A_357 = tpu.vector_load %arg32[%swap3A_356] {strides = array<i32>} : memref<1280xi32, #tpu.memory_space<vmem>>, vector<16xi32>,
      tpu.vector_store %arg32[%swap3A_356], %broadcast_in_dim3A_9 {strides = array<i32>} : memref<1280xi32, #tpu.memory_space<vmem>>, vector<16xi32>,
      %swap3A_358 = arith.constant 592 : index
      %swap3A_359 = tpu.vector_load %arg32[%swap3A_358] {strides = array<i32>} : memref<1280xi32, #tpu.memory_space<vmem>>, vector<16xi32>,
      tpu.vector_store %arg32[%swap3A_358], %broadcast_in_dim3A_9 {strides = array<i32>} : memref<1280xi32, #tpu.memory_space<vmem>>, vector<16xi32>,
      %swap3A_360 = arith.constant 608 : index
      %swap3A_361 = tpu.vector_load %arg32[%swap3A_360] {strides = array<i32>} : memref<1280xi32, #tpu.memory_space<vmem>>, vector<16xi32>,
      tpu.vector_store %arg32[%swap3A_360], %broadcast_in_dim3A_9 {strides = array<i32>} : memref<1280xi32, #tpu.memory_space<vmem>>, vector<16xi32>,
      %swap3A_362 = arith.constant 624 : index
      %swap3A_363 = tpu.vector_load %arg32[%swap3A_362] {strides = array<i32>} : memref<1280xi32, #tpu.memory_space<vmem>>, vector<16xi32>,
      tpu.vector_store %arg32[%swap3A_362], %broadcast_in_dim3A_9 {strides = array<i32>} : memref<1280xi32, #tpu.memory_space<vmem>>, vector<16xi32>,
      %while3A_364 = arith.constant 0 : i32
      %while3A_365 = arith.constant 0 : i32
      %while3A_366:3 = scf.while (%while3A_734 = %squeeze3A_351, %while3A_735 = %while3A_364, %while3A_736 = %while3A_365) : (i32, i32, i32) -> (i32, i32, i32) {
        %lt3A = arith.cmpi slt, %while3A_734, %squeeze3A_353 : i32
        scf.condition(%lt3A) %while3A_734, %while3A_735, %while3A_736 : i32, i32, i32
      } do {
      ^bb0(%while3A_734: i32, %while3A_735: i32, %while3A_736: i32):
        %get3A_737 = arith.index_cast %while3A_734 : i32 to index
        %get3A_738 = tpu.vector_load %arg20[%get3A_737] {strides = array<i32>} : memref<8192xf32, #tpu.memory_space<vmem>>, vector<16xf32>,
        %get3A_739 = arith.index_cast %while3A_734 : i32 to index
        %get3A_740 = tpu.vector_load %arg21[%get3A_739] {strides = array<i32>} : memref<8192xf32, #tpu.memory_space<vmem>>, vector<16xf32>,
        %get3A_741 = arith.index_cast %while3A_734 : i32 to index
        %get3A_742 = tpu.vector_load %arg22[%get3A_741] {strides = array<i32>} : memref<8192xf32, #tpu.memory_space<vmem>>, vector<16xf32>,
        %get3A_743 = arith.index_cast %while3A_734 : i32 to index
        %get3A_744 = tpu.vector_load %arg23[%get3A_743] {strides = array<i32>} : memref<8192xf32, #tpu.memory_space<vmem>>, vector<16xf32>,
        %mul3A_745 = vector.broadcast %squeeze3A_343 : f32 to vector<16xf32>
        %mul3A_746 = arith.mulf %mul3A_745, %get3A_738 : vector<16xf32>
        %mul3A_747 = vector.broadcast %squeeze3A_345 : f32 to vector<16xf32>
        %mul3A_748 = arith.mulf %mul3A_747, %get3A_740 : vector<16xf32>
        %add3A_749 = arith.addf %mul3A_746, %mul3A_748 : vector<16xf32>
        %mul3A_750 = vector.broadcast %squeeze3A_347 : f32 to vector<16xf32>
        %mul3A_751 = arith.mulf %mul3A_750, %get3A_742 : vector<16xf32>
        %add3A_752 = arith.addf %add3A_749, %mul3A_751 : vector<16xf32>
        %add3A_753 = vector.broadcast %squeeze3A_349 : f32 to vector<16xf32>
        %add3A_754 = arith.addf %add3A_753, %get3A_744 : vector<16xf32>
        %mul3A_755 = arith.constant 2.000000e+00 : f32
        %mul3A_756 = vector.broadcast %mul3A_755 : f32 to vector<16xf32>
        %mul3A_757 = arith.mulf %mul3A_756, %add3A_752 : vector<16xf32>
        %sub3A = arith.subf %add3A_754, %mul3A_757 : vector<16xf32>
        %sub3A_758 = arith.subi %squeeze3A_353, %while3A_734 : i32
        %lt3A = vector.broadcast %sub3A_758 : i32 to vector<16xi32>
        %lt3A_759 = arith.cmpi slt, %iota3A, %lt3A : vector<16xi32>
        %le3A = arith.constant 4.000000e-02 : f32
        %le3A_760 = vector.broadcast %le3A : f32 to vector<16xf32>
        %le3A_761 = arith.cmpf ole, %sub3A, %le3A_760 : vector<16xf32>
        %and3A = arith.andi %le3A_761, %lt3A_759 : vector<16xi1>
        %le3A_762 = arith.constant 1.600000e-01 : f32
        %le3A_763 = vector.broadcast %le3A_762 : f32 to vector<16xf32>
        %le3A_764 = arith.cmpf ole, %sub3A, %le3A_763 : vector<16xf32>
        %and3A_765 = arith.andi %le3A_764, %lt3A_759 : vector<16xi1>
        %get3A_766 = arith.index_cast %while3A_734 : i32 to index
        %get3A_767 = tpu.vector_load %arg17[%get3A_766] {strides = array<i32>} : memref<8192xf32, #tpu.memory_space<vmem>>, vector<16xf32>,
        %sub3A_768 = vector.broadcast %squeeze3A_337 : f32 to vector<16xf32>
        %sub3A_769 = arith.subf %get3A_767, %sub3A_768 : vector<16xf32>
        %get3A_770 = arith.index_cast %while3A_734 : i32 to index
        %get3A_771 = tpu.vector_load %arg18[%get3A_770] {strides = array<i32>} : memref<8192xf32, #tpu.memory_space<vmem>>, vector<16xf32>,
        %sub3A_772 = vector.broadcast %squeeze3A_339 : f32 to vector<16xf32>
        %sub3A_773 = arith.subf %get3A_771, %sub3A_772 : vector<16xf32>
        %get3A_774 = arith.index_cast %while3A_734 : i32 to index
        %get3A_775 = tpu.vector_load %arg19[%get3A_774] {strides = array<i32>} : memref<8192xf32, #tpu.memory_space<vmem>>, vector<16xf32>,
        %sub3A_776 = vector.broadcast %squeeze3A_341 : f32 to vector<16xf32>
        %sub3A_777 = arith.subf %get3A_775, %sub3A_776 : vector<16xf32>
        %add3A_778 = vector.broadcast %while3A_734 : i32 to vector<16xi32>
        %add3A_779 = arith.addi %add3A_778, %iota3A : vector<16xi32>
        %lt3A_780 = arith.constant 64 : i32
        %lt3A_781 = arith.cmpi slt, %while3A_735, %lt3A_780 : i32
        %and3A_782 = vector.broadcast %lt3A_781 : i1 to vector<16xi1>
        %and3A_783 = arith.andi %and3A, %and3A_782 : vector<16xi1>
        %lt3A_784 = arith.constant 64 : i32
        %lt3A_785 = arith.cmpi slt, %while3A_736, %lt3A_784 : i32
        %and3A_786 = vector.broadcast %lt3A_785 : i1 to vector<16xi1>
        %and3A_787 = arith.andi %and3A_765, %and3A_786 : vector<16xi1>
        %min3A_788 = arith.constant 64 : i32
        %min3A_789 = arith.minsi %while3A_735, %min3A_788 : i32
        %add3A_790 = arith.constant 560 : i32
        %add3A_791 = arith.addi %add3A_790, %min3A_789 : i32
        %min3A_792 = arith.constant 64 : i32
        %min3A_793 = arith.minsi %while3A_736, %min3A_792 : i32
        %add3A_794 = arith.constant 560 : i32
        %add3A_795 = arith.addi %add3A_794, %min3A_793 : i32
        %swap3A_796 = arith.index_cast %add3A_791 : i32 to index
        %swap3A_797 = tpu.vector_load %arg26[%swap3A_796] masked %and3A_783 {strides = array<i32>} : memref<1280xf32, #tpu.memory_space<vmem>>, vector<16xf32>, vector<16xi1>
        tpu.vector_store %arg26[%swap3A_796], %sub3A_769 masked %and3A_783 {strides = array<i32>} : memref<1280xf32, #tpu.memory_space<vmem>>, vector<16xf32>, vector<16xi1>
        %swap3A_798 = arith.index_cast %add3A_791 : i32 to index
        %swap3A_799 = tpu.vector_load %arg27[%swap3A_798] masked %and3A_783 {strides = array<i32>} : memref<1280xf32, #tpu.memory_space<vmem>>, vector<16xf32>, vector<16xi1>
        tpu.vector_store %arg27[%swap3A_798], %sub3A_773 masked %and3A_783 {strides = array<i32>} : memref<1280xf32, #tpu.memory_space<vmem>>, vector<16xf32>, vector<16xi1>
        %swap3A_800 = arith.index_cast %add3A_791 : i32 to index
        %swap3A_801 = tpu.vector_load %arg28[%swap3A_800] masked %and3A_783 {strides = array<i32>} : memref<1280xf32, #tpu.memory_space<vmem>>, vector<16xf32>, vector<16xi1>
        tpu.vector_store %arg28[%swap3A_800], %sub3A_777 masked %and3A_783 {strides = array<i32>} : memref<1280xf32, #tpu.memory_space<vmem>>, vector<16xf32>, vector<16xi1>
        %swap3A_802 = arith.index_cast %add3A_795 : i32 to index
        %swap3A_803 = tpu.vector_load %arg29[%swap3A_802] masked %and3A_787 {strides = array<i32>} : memref<1280xf32, #tpu.memory_space<vmem>>, vector<16xf32>, vector<16xi1>
        tpu.vector_store %arg29[%swap3A_802], %sub3A_769 masked %and3A_787 {strides = array<i32>} : memref<1280xf32, #tpu.memory_space<vmem>>, vector<16xf32>, vector<16xi1>
        %swap3A_804 = arith.index_cast %add3A_795 : i32 to index
        %swap3A_805 = tpu.vector_load %arg30[%swap3A_804] masked %and3A_787 {strides = array<i32>} : memref<1280xf32, #tpu.memory_space<vmem>>, vector<16xf32>, vector<16xi1>
        tpu.vector_store %arg30[%swap3A_804], %sub3A_773 masked %and3A_787 {strides = array<i32>} : memref<1280xf32, #tpu.memory_space<vmem>>, vector<16xf32>, vector<16xi1>
        %swap3A_806 = arith.index_cast %add3A_795 : i32 to index
        %swap3A_807 = tpu.vector_load %arg31[%swap3A_806] masked %and3A_787 {strides = array<i32>} : memref<1280xf32, #tpu.memory_space<vmem>>, vector<16xf32>, vector<16xi1>
        tpu.vector_store %arg31[%swap3A_806], %sub3A_777 masked %and3A_787 {strides = array<i32>} : memref<1280xf32, #tpu.memory_space<vmem>>, vector<16xf32>, vector<16xi1>
        %swap3A_808 = arith.index_cast %add3A_795 : i32 to index
        %swap3A_809 = tpu.vector_load %arg32[%swap3A_808] masked %and3A_787 {strides = array<i32>} : memref<1280xi32, #tpu.memory_space<vmem>>, vector<16xi32>, vector<16xi1>
        tpu.vector_store %arg32[%swap3A_808], %add3A_779 masked %and3A_787 {strides = array<i32>} : memref<1280xi32, #tpu.memory_space<vmem>>, vector<16xi32>, vector<16xi1>
        %all_reduce_population_count3A = tpu.all_reduce %and3A {dim = 0 : i64, kind = #tpu.reduction_kind<sum>} : vector<16xi1> -> vector<16xi32>
        %slice3A_810 = vector.extract_strided_slice %all_reduce_population_count3A {offsets = [0], sizes = [1], strides = [1]} : vector<16xi32> to vector<1xi32>
        %squeeze3A_811 = vector.extract %slice3A_810[0] : i32 from vector<1xi32>
        %all_reduce_population_count3A_812 = tpu.all_reduce %and3A_765 {dim = 0 : i64, kind = #tpu.reduction_kind<sum>} : vector<16xi1> -> vector<16xi32>
        %slice3A_813 = vector.extract_strided_slice %all_reduce_population_count3A_812 {offsets = [0], sizes = [1], strides = [1]} : vector<16xi32> to vector<1xi32>
        %squeeze3A_814 = vector.extract %slice3A_813[0] : i32 from vector<1xi32>
        %lt3A_815 = arith.constant 64 : i32
        %lt3A_816 = arith.cmpi slt, %while3A_735, %lt3A_815 : i32
        %add3A_817 = arith.addi %while3A_735, %squeeze3A_811 : i32
        %select_n3A_818 = arith.select %lt3A_816, %add3A_817, %while3A_735 : i32
        %lt3A_819 = arith.constant 64 : i32
        %lt3A_820 = arith.cmpi slt, %while3A_736, %lt3A_819 : i32
        %add3A_821 = arith.addi %while3A_736, %squeeze3A_814 : i32
        %select_n3A_822 = arith.select %lt3A_820, %add3A_821, %while3A_736 : i32
        %add3A_823 = arith.constant 16 : i32
        %add3A_824 = arith.addi %while3A_734, %add3A_823 : i32
        scf.yield %add3A_824, %select_n3A_818, %select_n3A_822 : i32, i32, i32
      }
      %eq3A_367 = arith.constant 7 : i32
      %eq3A_368 = vector.broadcast %eq3A_367 : i32 to vector<16xi32>
      %eq3A_369 = arith.cmpi eq, %iota3A, %eq3A_368 : vector<16xi32>
      %min3A_370 = arith.constant 64 : i32
      %min3A_371 = arith.minsi %while3A_366#1, %min3A_370 : i32
      %broadcast_in_dim3A_372 = vector.broadcast %min3A_371 : i32 to vector<16xi32>
      %select_n3A_373 = arith.select %eq3A_369, %broadcast_in_dim3A_372, %select_n3A_331 : vector<16xi1>, vector<16xi32>
      %min3A_374 = arith.constant 64 : i32
      %min3A_375 = arith.minsi %while3A_366#2, %min3A_374 : i32
      %broadcast_in_dim3A_376 = vector.broadcast %min3A_375 : i32 to vector<16xi32>
      %select_n3A_377 = arith.select %eq3A_369, %broadcast_in_dim3A_376, %select_n3A_335 : vector<16xi1>, vector<16xi32>
      %slice3A_378 = vector.extract_strided_slice %get3A_22 {offsets = [8], sizes = [1], strides = [1]} : vector<16xf32> to vector<1xf32>
      %squeeze3A_379 = vector.extract %slice3A_378[0] : f32 from vector<1xf32>
      %slice3A_380 = vector.extract_strided_slice %get3A_25 {offsets = [8], sizes = [1], strides = [1]} : vector<16xf32> to vector<1xf32>
      %squeeze3A_381 = vector.extract %slice3A_380[0] : f32 from vector<1xf32>
      %slice3A_382 = vector.extract_strided_slice %get3A_28 {offsets = [8], sizes = [1], strides = [1]} : vector<16xf32> to vector<1xf32>
      %squeeze3A_383 = vector.extract %slice3A_382[0] : f32 from vector<1xf32>
      %slice3A_384 = vector.extract_strided_slice %get3A_31 {offsets = [8], sizes = [1], strides = [1]} : vector<16xf32> to vector<1xf32>
      %squeeze3A_385 = vector.extract %slice3A_384[0] : f32 from vector<1xf32>
      %slice3A_386 = vector.extract_strided_slice %get3A_34 {offsets = [8], sizes = [1], strides = [1]} : vector<16xf32> to vector<1xf32>
      %squeeze3A_387 = vector.extract %slice3A_386[0] : f32 from vector<1xf32>
      %slice3A_388 = vector.extract_strided_slice %get3A_37 {offsets = [8], sizes = [1], strides = [1]} : vector<16xf32> to vector<1xf32>
      %squeeze3A_389 = vector.extract %slice3A_388[0] : f32 from vector<1xf32>
      %slice3A_390 = vector.extract_strided_slice %get3A_40 {offsets = [8], sizes = [1], strides = [1]} : vector<16xf32> to vector<1xf32>
      %squeeze3A_391 = vector.extract %slice3A_390[0] : f32 from vector<1xf32>
      %slice3A_392 = vector.extract_strided_slice %get3A_42 {offsets = [8], sizes = [1], strides = [1]} : vector<16xi32> to vector<1xi32>
      %squeeze3A_393 = vector.extract %slice3A_392[0] : i32 from vector<1xi32>
      %slice3A_394 = vector.extract_strided_slice %get3A_44 {offsets = [8], sizes = [1], strides = [1]} : vector<16xi32> to vector<1xi32>
      %squeeze3A_395 = vector.extract %slice3A_394[0] : i32 from vector<1xi32>
      %swap3A_396 = arith.constant 640 : index
      %swap3A_397 = tpu.vector_load %arg32[%swap3A_396] {strides = array<i32>} : memref<1280xi32, #tpu.memory_space<vmem>>, vector<16xi32>,
      tpu.vector_store %arg32[%swap3A_396], %broadcast_in_dim3A_9 {strides = array<i32>} : memref<1280xi32, #tpu.memory_space<vmem>>, vector<16xi32>,
      %swap3A_398 = arith.constant 656 : index
      %swap3A_399 = tpu.vector_load %arg32[%swap3A_398] {strides = array<i32>} : memref<1280xi32, #tpu.memory_space<vmem>>, vector<16xi32>,
      tpu.vector_store %arg32[%swap3A_398], %broadcast_in_dim3A_9 {strides = array<i32>} : memref<1280xi32, #tpu.memory_space<vmem>>, vector<16xi32>,
      %swap3A_400 = arith.constant 672 : index
      %swap3A_401 = tpu.vector_load %arg32[%swap3A_400] {strides = array<i32>} : memref<1280xi32, #tpu.memory_space<vmem>>, vector<16xi32>,
      tpu.vector_store %arg32[%swap3A_400], %broadcast_in_dim3A_9 {strides = array<i32>} : memref<1280xi32, #tpu.memory_space<vmem>>, vector<16xi32>,
      %swap3A_402 = arith.constant 688 : index
      %swap3A_403 = tpu.vector_load %arg32[%swap3A_402] {strides = array<i32>} : memref<1280xi32, #tpu.memory_space<vmem>>, vector<16xi32>,
      tpu.vector_store %arg32[%swap3A_402], %broadcast_in_dim3A_9 {strides = array<i32>} : memref<1280xi32, #tpu.memory_space<vmem>>, vector<16xi32>,
      %swap3A_404 = arith.constant 704 : index
      %swap3A_405 = tpu.vector_load %arg32[%swap3A_404] {strides = array<i32>} : memref<1280xi32, #tpu.memory_space<vmem>>, vector<16xi32>,
      tpu.vector_store %arg32[%swap3A_404], %broadcast_in_dim3A_9 {strides = array<i32>} : memref<1280xi32, #tpu.memory_space<vmem>>, vector<16xi32>,
      %while3A_406 = arith.constant 0 : i32
      %while3A_407 = arith.constant 0 : i32
      %while3A_408:3 = scf.while (%while3A_734 = %squeeze3A_393, %while3A_735 = %while3A_406, %while3A_736 = %while3A_407) : (i32, i32, i32) -> (i32, i32, i32) {
        %lt3A = arith.cmpi slt, %while3A_734, %squeeze3A_395 : i32
        scf.condition(%lt3A) %while3A_734, %while3A_735, %while3A_736 : i32, i32, i32
      } do {
      ^bb0(%while3A_734: i32, %while3A_735: i32, %while3A_736: i32):
        %get3A_737 = arith.index_cast %while3A_734 : i32 to index
        %get3A_738 = tpu.vector_load %arg20[%get3A_737] {strides = array<i32>} : memref<8192xf32, #tpu.memory_space<vmem>>, vector<16xf32>,
        %get3A_739 = arith.index_cast %while3A_734 : i32 to index
        %get3A_740 = tpu.vector_load %arg21[%get3A_739] {strides = array<i32>} : memref<8192xf32, #tpu.memory_space<vmem>>, vector<16xf32>,
        %get3A_741 = arith.index_cast %while3A_734 : i32 to index
        %get3A_742 = tpu.vector_load %arg22[%get3A_741] {strides = array<i32>} : memref<8192xf32, #tpu.memory_space<vmem>>, vector<16xf32>,
        %get3A_743 = arith.index_cast %while3A_734 : i32 to index
        %get3A_744 = tpu.vector_load %arg23[%get3A_743] {strides = array<i32>} : memref<8192xf32, #tpu.memory_space<vmem>>, vector<16xf32>,
        %mul3A_745 = vector.broadcast %squeeze3A_385 : f32 to vector<16xf32>
        %mul3A_746 = arith.mulf %mul3A_745, %get3A_738 : vector<16xf32>
        %mul3A_747 = vector.broadcast %squeeze3A_387 : f32 to vector<16xf32>
        %mul3A_748 = arith.mulf %mul3A_747, %get3A_740 : vector<16xf32>
        %add3A_749 = arith.addf %mul3A_746, %mul3A_748 : vector<16xf32>
        %mul3A_750 = vector.broadcast %squeeze3A_389 : f32 to vector<16xf32>
        %mul3A_751 = arith.mulf %mul3A_750, %get3A_742 : vector<16xf32>
        %add3A_752 = arith.addf %add3A_749, %mul3A_751 : vector<16xf32>
        %add3A_753 = vector.broadcast %squeeze3A_391 : f32 to vector<16xf32>
        %add3A_754 = arith.addf %add3A_753, %get3A_744 : vector<16xf32>
        %mul3A_755 = arith.constant 2.000000e+00 : f32
        %mul3A_756 = vector.broadcast %mul3A_755 : f32 to vector<16xf32>
        %mul3A_757 = arith.mulf %mul3A_756, %add3A_752 : vector<16xf32>
        %sub3A = arith.subf %add3A_754, %mul3A_757 : vector<16xf32>
        %sub3A_758 = arith.subi %squeeze3A_395, %while3A_734 : i32
        %lt3A = vector.broadcast %sub3A_758 : i32 to vector<16xi32>
        %lt3A_759 = arith.cmpi slt, %iota3A, %lt3A : vector<16xi32>
        %le3A = arith.constant 4.000000e-02 : f32
        %le3A_760 = vector.broadcast %le3A : f32 to vector<16xf32>
        %le3A_761 = arith.cmpf ole, %sub3A, %le3A_760 : vector<16xf32>
        %and3A = arith.andi %le3A_761, %lt3A_759 : vector<16xi1>
        %le3A_762 = arith.constant 1.600000e-01 : f32
        %le3A_763 = vector.broadcast %le3A_762 : f32 to vector<16xf32>
        %le3A_764 = arith.cmpf ole, %sub3A, %le3A_763 : vector<16xf32>
        %and3A_765 = arith.andi %le3A_764, %lt3A_759 : vector<16xi1>
        %get3A_766 = arith.index_cast %while3A_734 : i32 to index
        %get3A_767 = tpu.vector_load %arg17[%get3A_766] {strides = array<i32>} : memref<8192xf32, #tpu.memory_space<vmem>>, vector<16xf32>,
        %sub3A_768 = vector.broadcast %squeeze3A_379 : f32 to vector<16xf32>
        %sub3A_769 = arith.subf %get3A_767, %sub3A_768 : vector<16xf32>
        %get3A_770 = arith.index_cast %while3A_734 : i32 to index
        %get3A_771 = tpu.vector_load %arg18[%get3A_770] {strides = array<i32>} : memref<8192xf32, #tpu.memory_space<vmem>>, vector<16xf32>,
        %sub3A_772 = vector.broadcast %squeeze3A_381 : f32 to vector<16xf32>
        %sub3A_773 = arith.subf %get3A_771, %sub3A_772 : vector<16xf32>
        %get3A_774 = arith.index_cast %while3A_734 : i32 to index
        %get3A_775 = tpu.vector_load %arg19[%get3A_774] {strides = array<i32>} : memref<8192xf32, #tpu.memory_space<vmem>>, vector<16xf32>,
        %sub3A_776 = vector.broadcast %squeeze3A_383 : f32 to vector<16xf32>
        %sub3A_777 = arith.subf %get3A_775, %sub3A_776 : vector<16xf32>
        %add3A_778 = vector.broadcast %while3A_734 : i32 to vector<16xi32>
        %add3A_779 = arith.addi %add3A_778, %iota3A : vector<16xi32>
        %lt3A_780 = arith.constant 64 : i32
        %lt3A_781 = arith.cmpi slt, %while3A_735, %lt3A_780 : i32
        %and3A_782 = vector.broadcast %lt3A_781 : i1 to vector<16xi1>
        %and3A_783 = arith.andi %and3A, %and3A_782 : vector<16xi1>
        %lt3A_784 = arith.constant 64 : i32
        %lt3A_785 = arith.cmpi slt, %while3A_736, %lt3A_784 : i32
        %and3A_786 = vector.broadcast %lt3A_785 : i1 to vector<16xi1>
        %and3A_787 = arith.andi %and3A_765, %and3A_786 : vector<16xi1>
        %min3A_788 = arith.constant 64 : i32
        %min3A_789 = arith.minsi %while3A_735, %min3A_788 : i32
        %add3A_790 = arith.constant 640 : i32
        %add3A_791 = arith.addi %add3A_790, %min3A_789 : i32
        %min3A_792 = arith.constant 64 : i32
        %min3A_793 = arith.minsi %while3A_736, %min3A_792 : i32
        %add3A_794 = arith.constant 640 : i32
        %add3A_795 = arith.addi %add3A_794, %min3A_793 : i32
        %swap3A_796 = arith.index_cast %add3A_791 : i32 to index
        %swap3A_797 = tpu.vector_load %arg26[%swap3A_796] masked %and3A_783 {strides = array<i32>} : memref<1280xf32, #tpu.memory_space<vmem>>, vector<16xf32>, vector<16xi1>
        tpu.vector_store %arg26[%swap3A_796], %sub3A_769 masked %and3A_783 {strides = array<i32>} : memref<1280xf32, #tpu.memory_space<vmem>>, vector<16xf32>, vector<16xi1>
        %swap3A_798 = arith.index_cast %add3A_791 : i32 to index
        %swap3A_799 = tpu.vector_load %arg27[%swap3A_798] masked %and3A_783 {strides = array<i32>} : memref<1280xf32, #tpu.memory_space<vmem>>, vector<16xf32>, vector<16xi1>
        tpu.vector_store %arg27[%swap3A_798], %sub3A_773 masked %and3A_783 {strides = array<i32>} : memref<1280xf32, #tpu.memory_space<vmem>>, vector<16xf32>, vector<16xi1>
        %swap3A_800 = arith.index_cast %add3A_791 : i32 to index
        %swap3A_801 = tpu.vector_load %arg28[%swap3A_800] masked %and3A_783 {strides = array<i32>} : memref<1280xf32, #tpu.memory_space<vmem>>, vector<16xf32>, vector<16xi1>
        tpu.vector_store %arg28[%swap3A_800], %sub3A_777 masked %and3A_783 {strides = array<i32>} : memref<1280xf32, #tpu.memory_space<vmem>>, vector<16xf32>, vector<16xi1>
        %swap3A_802 = arith.index_cast %add3A_795 : i32 to index
        %swap3A_803 = tpu.vector_load %arg29[%swap3A_802] masked %and3A_787 {strides = array<i32>} : memref<1280xf32, #tpu.memory_space<vmem>>, vector<16xf32>, vector<16xi1>
        tpu.vector_store %arg29[%swap3A_802], %sub3A_769 masked %and3A_787 {strides = array<i32>} : memref<1280xf32, #tpu.memory_space<vmem>>, vector<16xf32>, vector<16xi1>
        %swap3A_804 = arith.index_cast %add3A_795 : i32 to index
        %swap3A_805 = tpu.vector_load %arg30[%swap3A_804] masked %and3A_787 {strides = array<i32>} : memref<1280xf32, #tpu.memory_space<vmem>>, vector<16xf32>, vector<16xi1>
        tpu.vector_store %arg30[%swap3A_804], %sub3A_773 masked %and3A_787 {strides = array<i32>} : memref<1280xf32, #tpu.memory_space<vmem>>, vector<16xf32>, vector<16xi1>
        %swap3A_806 = arith.index_cast %add3A_795 : i32 to index
        %swap3A_807 = tpu.vector_load %arg31[%swap3A_806] masked %and3A_787 {strides = array<i32>} : memref<1280xf32, #tpu.memory_space<vmem>>, vector<16xf32>, vector<16xi1>
        tpu.vector_store %arg31[%swap3A_806], %sub3A_777 masked %and3A_787 {strides = array<i32>} : memref<1280xf32, #tpu.memory_space<vmem>>, vector<16xf32>, vector<16xi1>
        %swap3A_808 = arith.index_cast %add3A_795 : i32 to index
        %swap3A_809 = tpu.vector_load %arg32[%swap3A_808] masked %and3A_787 {strides = array<i32>} : memref<1280xi32, #tpu.memory_space<vmem>>, vector<16xi32>, vector<16xi1>
        tpu.vector_store %arg32[%swap3A_808], %add3A_779 masked %and3A_787 {strides = array<i32>} : memref<1280xi32, #tpu.memory_space<vmem>>, vector<16xi32>, vector<16xi1>
        %all_reduce_population_count3A = tpu.all_reduce %and3A {dim = 0 : i64, kind = #tpu.reduction_kind<sum>} : vector<16xi1> -> vector<16xi32>
        %slice3A_810 = vector.extract_strided_slice %all_reduce_population_count3A {offsets = [0], sizes = [1], strides = [1]} : vector<16xi32> to vector<1xi32>
        %squeeze3A_811 = vector.extract %slice3A_810[0] : i32 from vector<1xi32>
        %all_reduce_population_count3A_812 = tpu.all_reduce %and3A_765 {dim = 0 : i64, kind = #tpu.reduction_kind<sum>} : vector<16xi1> -> vector<16xi32>
        %slice3A_813 = vector.extract_strided_slice %all_reduce_population_count3A_812 {offsets = [0], sizes = [1], strides = [1]} : vector<16xi32> to vector<1xi32>
        %squeeze3A_814 = vector.extract %slice3A_813[0] : i32 from vector<1xi32>
        %lt3A_815 = arith.constant 64 : i32
        %lt3A_816 = arith.cmpi slt, %while3A_735, %lt3A_815 : i32
        %add3A_817 = arith.addi %while3A_735, %squeeze3A_811 : i32
        %select_n3A_818 = arith.select %lt3A_816, %add3A_817, %while3A_735 : i32
        %lt3A_819 = arith.constant 64 : i32
        %lt3A_820 = arith.cmpi slt, %while3A_736, %lt3A_819 : i32
        %add3A_821 = arith.addi %while3A_736, %squeeze3A_814 : i32
        %select_n3A_822 = arith.select %lt3A_820, %add3A_821, %while3A_736 : i32
        %add3A_823 = arith.constant 16 : i32
        %add3A_824 = arith.addi %while3A_734, %add3A_823 : i32
        scf.yield %add3A_824, %select_n3A_818, %select_n3A_822 : i32, i32, i32
      }
      %eq3A_409 = arith.constant 8 : i32
      %eq3A_410 = vector.broadcast %eq3A_409 : i32 to vector<16xi32>
      %eq3A_411 = arith.cmpi eq, %iota3A, %eq3A_410 : vector<16xi32>
      %min3A_412 = arith.constant 64 : i32
      %min3A_413 = arith.minsi %while3A_408#1, %min3A_412 : i32
      %broadcast_in_dim3A_414 = vector.broadcast %min3A_413 : i32 to vector<16xi32>
      %select_n3A_415 = arith.select %eq3A_411, %broadcast_in_dim3A_414, %select_n3A_373 : vector<16xi1>, vector<16xi32>
      %min3A_416 = arith.constant 64 : i32
      %min3A_417 = arith.minsi %while3A_408#2, %min3A_416 : i32
      %broadcast_in_dim3A_418 = vector.broadcast %min3A_417 : i32 to vector<16xi32>
      %select_n3A_419 = arith.select %eq3A_411, %broadcast_in_dim3A_418, %select_n3A_377 : vector<16xi1>, vector<16xi32>
      %slice3A_420 = vector.extract_strided_slice %get3A_22 {offsets = [9], sizes = [1], strides = [1]} : vector<16xf32> to vector<1xf32>
      %squeeze3A_421 = vector.extract %slice3A_420[0] : f32 from vector<1xf32>
      %slice3A_422 = vector.extract_strided_slice %get3A_25 {offsets = [9], sizes = [1], strides = [1]} : vector<16xf32> to vector<1xf32>
      %squeeze3A_423 = vector.extract %slice3A_422[0] : f32 from vector<1xf32>
      %slice3A_424 = vector.extract_strided_slice %get3A_28 {offsets = [9], sizes = [1], strides = [1]} : vector<16xf32> to vector<1xf32>
      %squeeze3A_425 = vector.extract %slice3A_424[0] : f32 from vector<1xf32>
      %slice3A_426 = vector.extract_strided_slice %get3A_31 {offsets = [9], sizes = [1], strides = [1]} : vector<16xf32> to vector<1xf32>
      %squeeze3A_427 = vector.extract %slice3A_426[0] : f32 from vector<1xf32>
      %slice3A_428 = vector.extract_strided_slice %get3A_34 {offsets = [9], sizes = [1], strides = [1]} : vector<16xf32> to vector<1xf32>
      %squeeze3A_429 = vector.extract %slice3A_428[0] : f32 from vector<1xf32>
      %slice3A_430 = vector.extract_strided_slice %get3A_37 {offsets = [9], sizes = [1], strides = [1]} : vector<16xf32> to vector<1xf32>
      %squeeze3A_431 = vector.extract %slice3A_430[0] : f32 from vector<1xf32>
      %slice3A_432 = vector.extract_strided_slice %get3A_40 {offsets = [9], sizes = [1], strides = [1]} : vector<16xf32> to vector<1xf32>
      %squeeze3A_433 = vector.extract %slice3A_432[0] : f32 from vector<1xf32>
      %slice3A_434 = vector.extract_strided_slice %get3A_42 {offsets = [9], sizes = [1], strides = [1]} : vector<16xi32> to vector<1xi32>
      %squeeze3A_435 = vector.extract %slice3A_434[0] : i32 from vector<1xi32>
      %slice3A_436 = vector.extract_strided_slice %get3A_44 {offsets = [9], sizes = [1], strides = [1]} : vector<16xi32> to vector<1xi32>
      %squeeze3A_437 = vector.extract %slice3A_436[0] : i32 from vector<1xi32>
      %swap3A_438 = arith.constant 720 : index
      %swap3A_439 = tpu.vector_load %arg32[%swap3A_438] {strides = array<i32>} : memref<1280xi32, #tpu.memory_space<vmem>>, vector<16xi32>,
      tpu.vector_store %arg32[%swap3A_438], %broadcast_in_dim3A_9 {strides = array<i32>} : memref<1280xi32, #tpu.memory_space<vmem>>, vector<16xi32>,
      %swap3A_440 = arith.constant 736 : index
      %swap3A_441 = tpu.vector_load %arg32[%swap3A_440] {strides = array<i32>} : memref<1280xi32, #tpu.memory_space<vmem>>, vector<16xi32>,
      tpu.vector_store %arg32[%swap3A_440], %broadcast_in_dim3A_9 {strides = array<i32>} : memref<1280xi32, #tpu.memory_space<vmem>>, vector<16xi32>,
      %swap3A_442 = arith.constant 752 : index
      %swap3A_443 = tpu.vector_load %arg32[%swap3A_442] {strides = array<i32>} : memref<1280xi32, #tpu.memory_space<vmem>>, vector<16xi32>,
      tpu.vector_store %arg32[%swap3A_442], %broadcast_in_dim3A_9 {strides = array<i32>} : memref<1280xi32, #tpu.memory_space<vmem>>, vector<16xi32>,
      %swap3A_444 = arith.constant 768 : index
      %swap3A_445 = tpu.vector_load %arg32[%swap3A_444] {strides = array<i32>} : memref<1280xi32, #tpu.memory_space<vmem>>, vector<16xi32>,
      tpu.vector_store %arg32[%swap3A_444], %broadcast_in_dim3A_9 {strides = array<i32>} : memref<1280xi32, #tpu.memory_space<vmem>>, vector<16xi32>,
      %swap3A_446 = arith.constant 784 : index
      %swap3A_447 = tpu.vector_load %arg32[%swap3A_446] {strides = array<i32>} : memref<1280xi32, #tpu.memory_space<vmem>>, vector<16xi32>,
      tpu.vector_store %arg32[%swap3A_446], %broadcast_in_dim3A_9 {strides = array<i32>} : memref<1280xi32, #tpu.memory_space<vmem>>, vector<16xi32>,
      %while3A_448 = arith.constant 0 : i32
      %while3A_449 = arith.constant 0 : i32
      %while3A_450:3 = scf.while (%while3A_734 = %squeeze3A_435, %while3A_735 = %while3A_448, %while3A_736 = %while3A_449) : (i32, i32, i32) -> (i32, i32, i32) {
        %lt3A = arith.cmpi slt, %while3A_734, %squeeze3A_437 : i32
        scf.condition(%lt3A) %while3A_734, %while3A_735, %while3A_736 : i32, i32, i32
      } do {
      ^bb0(%while3A_734: i32, %while3A_735: i32, %while3A_736: i32):
        %get3A_737 = arith.index_cast %while3A_734 : i32 to index
        %get3A_738 = tpu.vector_load %arg20[%get3A_737] {strides = array<i32>} : memref<8192xf32, #tpu.memory_space<vmem>>, vector<16xf32>,
        %get3A_739 = arith.index_cast %while3A_734 : i32 to index
        %get3A_740 = tpu.vector_load %arg21[%get3A_739] {strides = array<i32>} : memref<8192xf32, #tpu.memory_space<vmem>>, vector<16xf32>,
        %get3A_741 = arith.index_cast %while3A_734 : i32 to index
        %get3A_742 = tpu.vector_load %arg22[%get3A_741] {strides = array<i32>} : memref<8192xf32, #tpu.memory_space<vmem>>, vector<16xf32>,
        %get3A_743 = arith.index_cast %while3A_734 : i32 to index
        %get3A_744 = tpu.vector_load %arg23[%get3A_743] {strides = array<i32>} : memref<8192xf32, #tpu.memory_space<vmem>>, vector<16xf32>,
        %mul3A_745 = vector.broadcast %squeeze3A_427 : f32 to vector<16xf32>
        %mul3A_746 = arith.mulf %mul3A_745, %get3A_738 : vector<16xf32>
        %mul3A_747 = vector.broadcast %squeeze3A_429 : f32 to vector<16xf32>
        %mul3A_748 = arith.mulf %mul3A_747, %get3A_740 : vector<16xf32>
        %add3A_749 = arith.addf %mul3A_746, %mul3A_748 : vector<16xf32>
        %mul3A_750 = vector.broadcast %squeeze3A_431 : f32 to vector<16xf32>
        %mul3A_751 = arith.mulf %mul3A_750, %get3A_742 : vector<16xf32>
        %add3A_752 = arith.addf %add3A_749, %mul3A_751 : vector<16xf32>
        %add3A_753 = vector.broadcast %squeeze3A_433 : f32 to vector<16xf32>
        %add3A_754 = arith.addf %add3A_753, %get3A_744 : vector<16xf32>
        %mul3A_755 = arith.constant 2.000000e+00 : f32
        %mul3A_756 = vector.broadcast %mul3A_755 : f32 to vector<16xf32>
        %mul3A_757 = arith.mulf %mul3A_756, %add3A_752 : vector<16xf32>
        %sub3A = arith.subf %add3A_754, %mul3A_757 : vector<16xf32>
        %sub3A_758 = arith.subi %squeeze3A_437, %while3A_734 : i32
        %lt3A = vector.broadcast %sub3A_758 : i32 to vector<16xi32>
        %lt3A_759 = arith.cmpi slt, %iota3A, %lt3A : vector<16xi32>
        %le3A = arith.constant 4.000000e-02 : f32
        %le3A_760 = vector.broadcast %le3A : f32 to vector<16xf32>
        %le3A_761 = arith.cmpf ole, %sub3A, %le3A_760 : vector<16xf32>
        %and3A = arith.andi %le3A_761, %lt3A_759 : vector<16xi1>
        %le3A_762 = arith.constant 1.600000e-01 : f32
        %le3A_763 = vector.broadcast %le3A_762 : f32 to vector<16xf32>
        %le3A_764 = arith.cmpf ole, %sub3A, %le3A_763 : vector<16xf32>
        %and3A_765 = arith.andi %le3A_764, %lt3A_759 : vector<16xi1>
        %get3A_766 = arith.index_cast %while3A_734 : i32 to index
        %get3A_767 = tpu.vector_load %arg17[%get3A_766] {strides = array<i32>} : memref<8192xf32, #tpu.memory_space<vmem>>, vector<16xf32>,
        %sub3A_768 = vector.broadcast %squeeze3A_421 : f32 to vector<16xf32>
        %sub3A_769 = arith.subf %get3A_767, %sub3A_768 : vector<16xf32>
        %get3A_770 = arith.index_cast %while3A_734 : i32 to index
        %get3A_771 = tpu.vector_load %arg18[%get3A_770] {strides = array<i32>} : memref<8192xf32, #tpu.memory_space<vmem>>, vector<16xf32>,
        %sub3A_772 = vector.broadcast %squeeze3A_423 : f32 to vector<16xf32>
        %sub3A_773 = arith.subf %get3A_771, %sub3A_772 : vector<16xf32>
        %get3A_774 = arith.index_cast %while3A_734 : i32 to index
        %get3A_775 = tpu.vector_load %arg19[%get3A_774] {strides = array<i32>} : memref<8192xf32, #tpu.memory_space<vmem>>, vector<16xf32>,
        %sub3A_776 = vector.broadcast %squeeze3A_425 : f32 to vector<16xf32>
        %sub3A_777 = arith.subf %get3A_775, %sub3A_776 : vector<16xf32>
        %add3A_778 = vector.broadcast %while3A_734 : i32 to vector<16xi32>
        %add3A_779 = arith.addi %add3A_778, %iota3A : vector<16xi32>
        %lt3A_780 = arith.constant 64 : i32
        %lt3A_781 = arith.cmpi slt, %while3A_735, %lt3A_780 : i32
        %and3A_782 = vector.broadcast %lt3A_781 : i1 to vector<16xi1>
        %and3A_783 = arith.andi %and3A, %and3A_782 : vector<16xi1>
        %lt3A_784 = arith.constant 64 : i32
        %lt3A_785 = arith.cmpi slt, %while3A_736, %lt3A_784 : i32
        %and3A_786 = vector.broadcast %lt3A_785 : i1 to vector<16xi1>
        %and3A_787 = arith.andi %and3A_765, %and3A_786 : vector<16xi1>
        %min3A_788 = arith.constant 64 : i32
        %min3A_789 = arith.minsi %while3A_735, %min3A_788 : i32
        %add3A_790 = arith.constant 720 : i32
        %add3A_791 = arith.addi %add3A_790, %min3A_789 : i32
        %min3A_792 = arith.constant 64 : i32
        %min3A_793 = arith.minsi %while3A_736, %min3A_792 : i32
        %add3A_794 = arith.constant 720 : i32
        %add3A_795 = arith.addi %add3A_794, %min3A_793 : i32
        %swap3A_796 = arith.index_cast %add3A_791 : i32 to index
        %swap3A_797 = tpu.vector_load %arg26[%swap3A_796] masked %and3A_783 {strides = array<i32>} : memref<1280xf32, #tpu.memory_space<vmem>>, vector<16xf32>, vector<16xi1>
        tpu.vector_store %arg26[%swap3A_796], %sub3A_769 masked %and3A_783 {strides = array<i32>} : memref<1280xf32, #tpu.memory_space<vmem>>, vector<16xf32>, vector<16xi1>
        %swap3A_798 = arith.index_cast %add3A_791 : i32 to index
        %swap3A_799 = tpu.vector_load %arg27[%swap3A_798] masked %and3A_783 {strides = array<i32>} : memref<1280xf32, #tpu.memory_space<vmem>>, vector<16xf32>, vector<16xi1>
        tpu.vector_store %arg27[%swap3A_798], %sub3A_773 masked %and3A_783 {strides = array<i32>} : memref<1280xf32, #tpu.memory_space<vmem>>, vector<16xf32>, vector<16xi1>
        %swap3A_800 = arith.index_cast %add3A_791 : i32 to index
        %swap3A_801 = tpu.vector_load %arg28[%swap3A_800] masked %and3A_783 {strides = array<i32>} : memref<1280xf32, #tpu.memory_space<vmem>>, vector<16xf32>, vector<16xi1>
        tpu.vector_store %arg28[%swap3A_800], %sub3A_777 masked %and3A_783 {strides = array<i32>} : memref<1280xf32, #tpu.memory_space<vmem>>, vector<16xf32>, vector<16xi1>
        %swap3A_802 = arith.index_cast %add3A_795 : i32 to index
        %swap3A_803 = tpu.vector_load %arg29[%swap3A_802] masked %and3A_787 {strides = array<i32>} : memref<1280xf32, #tpu.memory_space<vmem>>, vector<16xf32>, vector<16xi1>
        tpu.vector_store %arg29[%swap3A_802], %sub3A_769 masked %and3A_787 {strides = array<i32>} : memref<1280xf32, #tpu.memory_space<vmem>>, vector<16xf32>, vector<16xi1>
        %swap3A_804 = arith.index_cast %add3A_795 : i32 to index
        %swap3A_805 = tpu.vector_load %arg30[%swap3A_804] masked %and3A_787 {strides = array<i32>} : memref<1280xf32, #tpu.memory_space<vmem>>, vector<16xf32>, vector<16xi1>
        tpu.vector_store %arg30[%swap3A_804], %sub3A_773 masked %and3A_787 {strides = array<i32>} : memref<1280xf32, #tpu.memory_space<vmem>>, vector<16xf32>, vector<16xi1>
        %swap3A_806 = arith.index_cast %add3A_795 : i32 to index
        %swap3A_807 = tpu.vector_load %arg31[%swap3A_806] masked %and3A_787 {strides = array<i32>} : memref<1280xf32, #tpu.memory_space<vmem>>, vector<16xf32>, vector<16xi1>
        tpu.vector_store %arg31[%swap3A_806], %sub3A_777 masked %and3A_787 {strides = array<i32>} : memref<1280xf32, #tpu.memory_space<vmem>>, vector<16xf32>, vector<16xi1>
        %swap3A_808 = arith.index_cast %add3A_795 : i32 to index
        %swap3A_809 = tpu.vector_load %arg32[%swap3A_808] masked %and3A_787 {strides = array<i32>} : memref<1280xi32, #tpu.memory_space<vmem>>, vector<16xi32>, vector<16xi1>
        tpu.vector_store %arg32[%swap3A_808], %add3A_779 masked %and3A_787 {strides = array<i32>} : memref<1280xi32, #tpu.memory_space<vmem>>, vector<16xi32>, vector<16xi1>
        %all_reduce_population_count3A = tpu.all_reduce %and3A {dim = 0 : i64, kind = #tpu.reduction_kind<sum>} : vector<16xi1> -> vector<16xi32>
        %slice3A_810 = vector.extract_strided_slice %all_reduce_population_count3A {offsets = [0], sizes = [1], strides = [1]} : vector<16xi32> to vector<1xi32>
        %squeeze3A_811 = vector.extract %slice3A_810[0] : i32 from vector<1xi32>
        %all_reduce_population_count3A_812 = tpu.all_reduce %and3A_765 {dim = 0 : i64, kind = #tpu.reduction_kind<sum>} : vector<16xi1> -> vector<16xi32>
        %slice3A_813 = vector.extract_strided_slice %all_reduce_population_count3A_812 {offsets = [0], sizes = [1], strides = [1]} : vector<16xi32> to vector<1xi32>
        %squeeze3A_814 = vector.extract %slice3A_813[0] : i32 from vector<1xi32>
        %lt3A_815 = arith.constant 64 : i32
        %lt3A_816 = arith.cmpi slt, %while3A_735, %lt3A_815 : i32
        %add3A_817 = arith.addi %while3A_735, %squeeze3A_811 : i32
        %select_n3A_818 = arith.select %lt3A_816, %add3A_817, %while3A_735 : i32
        %lt3A_819 = arith.constant 64 : i32
        %lt3A_820 = arith.cmpi slt, %while3A_736, %lt3A_819 : i32
        %add3A_821 = arith.addi %while3A_736, %squeeze3A_814 : i32
        %select_n3A_822 = arith.select %lt3A_820, %add3A_821, %while3A_736 : i32
        %add3A_823 = arith.constant 16 : i32
        %add3A_824 = arith.addi %while3A_734, %add3A_823 : i32
        scf.yield %add3A_824, %select_n3A_818, %select_n3A_822 : i32, i32, i32
      }
      %eq3A_451 = arith.constant 9 : i32
      %eq3A_452 = vector.broadcast %eq3A_451 : i32 to vector<16xi32>
      %eq3A_453 = arith.cmpi eq, %iota3A, %eq3A_452 : vector<16xi32>
      %min3A_454 = arith.constant 64 : i32
      %min3A_455 = arith.minsi %while3A_450#1, %min3A_454 : i32
      %broadcast_in_dim3A_456 = vector.broadcast %min3A_455 : i32 to vector<16xi32>
      %select_n3A_457 = arith.select %eq3A_453, %broadcast_in_dim3A_456, %select_n3A_415 : vector<16xi1>, vector<16xi32>
      %min3A_458 = arith.constant 64 : i32
      %min3A_459 = arith.minsi %while3A_450#2, %min3A_458 : i32
      %broadcast_in_dim3A_460 = vector.broadcast %min3A_459 : i32 to vector<16xi32>
      %select_n3A_461 = arith.select %eq3A_453, %broadcast_in_dim3A_460, %select_n3A_419 : vector<16xi1>, vector<16xi32>
      %slice3A_462 = vector.extract_strided_slice %get3A_22 {offsets = [10], sizes = [1], strides = [1]} : vector<16xf32> to vector<1xf32>
      %squeeze3A_463 = vector.extract %slice3A_462[0] : f32 from vector<1xf32>
      %slice3A_464 = vector.extract_strided_slice %get3A_25 {offsets = [10], sizes = [1], strides = [1]} : vector<16xf32> to vector<1xf32>
      %squeeze3A_465 = vector.extract %slice3A_464[0] : f32 from vector<1xf32>
      %slice3A_466 = vector.extract_strided_slice %get3A_28 {offsets = [10], sizes = [1], strides = [1]} : vector<16xf32> to vector<1xf32>
      %squeeze3A_467 = vector.extract %slice3A_466[0] : f32 from vector<1xf32>
      %slice3A_468 = vector.extract_strided_slice %get3A_31 {offsets = [10], sizes = [1], strides = [1]} : vector<16xf32> to vector<1xf32>
      %squeeze3A_469 = vector.extract %slice3A_468[0] : f32 from vector<1xf32>
      %slice3A_470 = vector.extract_strided_slice %get3A_34 {offsets = [10], sizes = [1], strides = [1]} : vector<16xf32> to vector<1xf32>
      %squeeze3A_471 = vector.extract %slice3A_470[0] : f32 from vector<1xf32>
      %slice3A_472 = vector.extract_strided_slice %get3A_37 {offsets = [10], sizes = [1], strides = [1]} : vector<16xf32> to vector<1xf32>
      %squeeze3A_473 = vector.extract %slice3A_472[0] : f32 from vector<1xf32>
      %slice3A_474 = vector.extract_strided_slice %get3A_40 {offsets = [10], sizes = [1], strides = [1]} : vector<16xf32> to vector<1xf32>
      %squeeze3A_475 = vector.extract %slice3A_474[0] : f32 from vector<1xf32>
      %slice3A_476 = vector.extract_strided_slice %get3A_42 {offsets = [10], sizes = [1], strides = [1]} : vector<16xi32> to vector<1xi32>
      %squeeze3A_477 = vector.extract %slice3A_476[0] : i32 from vector<1xi32>
      %slice3A_478 = vector.extract_strided_slice %get3A_44 {offsets = [10], sizes = [1], strides = [1]} : vector<16xi32> to vector<1xi32>
      %squeeze3A_479 = vector.extract %slice3A_478[0] : i32 from vector<1xi32>
      %swap3A_480 = arith.constant 800 : index
      %swap3A_481 = tpu.vector_load %arg32[%swap3A_480] {strides = array<i32>} : memref<1280xi32, #tpu.memory_space<vmem>>, vector<16xi32>,
      tpu.vector_store %arg32[%swap3A_480], %broadcast_in_dim3A_9 {strides = array<i32>} : memref<1280xi32, #tpu.memory_space<vmem>>, vector<16xi32>,
      %swap3A_482 = arith.constant 816 : index
      %swap3A_483 = tpu.vector_load %arg32[%swap3A_482] {strides = array<i32>} : memref<1280xi32, #tpu.memory_space<vmem>>, vector<16xi32>,
      tpu.vector_store %arg32[%swap3A_482], %broadcast_in_dim3A_9 {strides = array<i32>} : memref<1280xi32, #tpu.memory_space<vmem>>, vector<16xi32>,
      %swap3A_484 = arith.constant 832 : index
      %swap3A_485 = tpu.vector_load %arg32[%swap3A_484] {strides = array<i32>} : memref<1280xi32, #tpu.memory_space<vmem>>, vector<16xi32>,
      tpu.vector_store %arg32[%swap3A_484], %broadcast_in_dim3A_9 {strides = array<i32>} : memref<1280xi32, #tpu.memory_space<vmem>>, vector<16xi32>,
      %swap3A_486 = arith.constant 848 : index
      %swap3A_487 = tpu.vector_load %arg32[%swap3A_486] {strides = array<i32>} : memref<1280xi32, #tpu.memory_space<vmem>>, vector<16xi32>,
      tpu.vector_store %arg32[%swap3A_486], %broadcast_in_dim3A_9 {strides = array<i32>} : memref<1280xi32, #tpu.memory_space<vmem>>, vector<16xi32>,
      %swap3A_488 = arith.constant 864 : index
      %swap3A_489 = tpu.vector_load %arg32[%swap3A_488] {strides = array<i32>} : memref<1280xi32, #tpu.memory_space<vmem>>, vector<16xi32>,
      tpu.vector_store %arg32[%swap3A_488], %broadcast_in_dim3A_9 {strides = array<i32>} : memref<1280xi32, #tpu.memory_space<vmem>>, vector<16xi32>,
      %while3A_490 = arith.constant 0 : i32
      %while3A_491 = arith.constant 0 : i32
      %while3A_492:3 = scf.while (%while3A_734 = %squeeze3A_477, %while3A_735 = %while3A_490, %while3A_736 = %while3A_491) : (i32, i32, i32) -> (i32, i32, i32) {
        %lt3A = arith.cmpi slt, %while3A_734, %squeeze3A_479 : i32
        scf.condition(%lt3A) %while3A_734, %while3A_735, %while3A_736 : i32, i32, i32
      } do {
      ^bb0(%while3A_734: i32, %while3A_735: i32, %while3A_736: i32):
        %get3A_737 = arith.index_cast %while3A_734 : i32 to index
        %get3A_738 = tpu.vector_load %arg20[%get3A_737] {strides = array<i32>} : memref<8192xf32, #tpu.memory_space<vmem>>, vector<16xf32>,
        %get3A_739 = arith.index_cast %while3A_734 : i32 to index
        %get3A_740 = tpu.vector_load %arg21[%get3A_739] {strides = array<i32>} : memref<8192xf32, #tpu.memory_space<vmem>>, vector<16xf32>,
        %get3A_741 = arith.index_cast %while3A_734 : i32 to index
        %get3A_742 = tpu.vector_load %arg22[%get3A_741] {strides = array<i32>} : memref<8192xf32, #tpu.memory_space<vmem>>, vector<16xf32>,
        %get3A_743 = arith.index_cast %while3A_734 : i32 to index
        %get3A_744 = tpu.vector_load %arg23[%get3A_743] {strides = array<i32>} : memref<8192xf32, #tpu.memory_space<vmem>>, vector<16xf32>,
        %mul3A_745 = vector.broadcast %squeeze3A_469 : f32 to vector<16xf32>
        %mul3A_746 = arith.mulf %mul3A_745, %get3A_738 : vector<16xf32>
        %mul3A_747 = vector.broadcast %squeeze3A_471 : f32 to vector<16xf32>
        %mul3A_748 = arith.mulf %mul3A_747, %get3A_740 : vector<16xf32>
        %add3A_749 = arith.addf %mul3A_746, %mul3A_748 : vector<16xf32>
        %mul3A_750 = vector.broadcast %squeeze3A_473 : f32 to vector<16xf32>
        %mul3A_751 = arith.mulf %mul3A_750, %get3A_742 : vector<16xf32>
        %add3A_752 = arith.addf %add3A_749, %mul3A_751 : vector<16xf32>
        %add3A_753 = vector.broadcast %squeeze3A_475 : f32 to vector<16xf32>
        %add3A_754 = arith.addf %add3A_753, %get3A_744 : vector<16xf32>
        %mul3A_755 = arith.constant 2.000000e+00 : f32
        %mul3A_756 = vector.broadcast %mul3A_755 : f32 to vector<16xf32>
        %mul3A_757 = arith.mulf %mul3A_756, %add3A_752 : vector<16xf32>
        %sub3A = arith.subf %add3A_754, %mul3A_757 : vector<16xf32>
        %sub3A_758 = arith.subi %squeeze3A_479, %while3A_734 : i32
        %lt3A = vector.broadcast %sub3A_758 : i32 to vector<16xi32>
        %lt3A_759 = arith.cmpi slt, %iota3A, %lt3A : vector<16xi32>
        %le3A = arith.constant 4.000000e-02 : f32
        %le3A_760 = vector.broadcast %le3A : f32 to vector<16xf32>
        %le3A_761 = arith.cmpf ole, %sub3A, %le3A_760 : vector<16xf32>
        %and3A = arith.andi %le3A_761, %lt3A_759 : vector<16xi1>
        %le3A_762 = arith.constant 1.600000e-01 : f32
        %le3A_763 = vector.broadcast %le3A_762 : f32 to vector<16xf32>
        %le3A_764 = arith.cmpf ole, %sub3A, %le3A_763 : vector<16xf32>
        %and3A_765 = arith.andi %le3A_764, %lt3A_759 : vector<16xi1>
        %get3A_766 = arith.index_cast %while3A_734 : i32 to index
        %get3A_767 = tpu.vector_load %arg17[%get3A_766] {strides = array<i32>} : memref<8192xf32, #tpu.memory_space<vmem>>, vector<16xf32>,
        %sub3A_768 = vector.broadcast %squeeze3A_463 : f32 to vector<16xf32>
        %sub3A_769 = arith.subf %get3A_767, %sub3A_768 : vector<16xf32>
        %get3A_770 = arith.index_cast %while3A_734 : i32 to index
        %get3A_771 = tpu.vector_load %arg18[%get3A_770] {strides = array<i32>} : memref<8192xf32, #tpu.memory_space<vmem>>, vector<16xf32>,
        %sub3A_772 = vector.broadcast %squeeze3A_465 : f32 to vector<16xf32>
        %sub3A_773 = arith.subf %get3A_771, %sub3A_772 : vector<16xf32>
        %get3A_774 = arith.index_cast %while3A_734 : i32 to index
        %get3A_775 = tpu.vector_load %arg19[%get3A_774] {strides = array<i32>} : memref<8192xf32, #tpu.memory_space<vmem>>, vector<16xf32>,
        %sub3A_776 = vector.broadcast %squeeze3A_467 : f32 to vector<16xf32>
        %sub3A_777 = arith.subf %get3A_775, %sub3A_776 : vector<16xf32>
        %add3A_778 = vector.broadcast %while3A_734 : i32 to vector<16xi32>
        %add3A_779 = arith.addi %add3A_778, %iota3A : vector<16xi32>
        %lt3A_780 = arith.constant 64 : i32
        %lt3A_781 = arith.cmpi slt, %while3A_735, %lt3A_780 : i32
        %and3A_782 = vector.broadcast %lt3A_781 : i1 to vector<16xi1>
        %and3A_783 = arith.andi %and3A, %and3A_782 : vector<16xi1>
        %lt3A_784 = arith.constant 64 : i32
        %lt3A_785 = arith.cmpi slt, %while3A_736, %lt3A_784 : i32
        %and3A_786 = vector.broadcast %lt3A_785 : i1 to vector<16xi1>
        %and3A_787 = arith.andi %and3A_765, %and3A_786 : vector<16xi1>
        %min3A_788 = arith.constant 64 : i32
        %min3A_789 = arith.minsi %while3A_735, %min3A_788 : i32
        %add3A_790 = arith.constant 800 : i32
        %add3A_791 = arith.addi %add3A_790, %min3A_789 : i32
        %min3A_792 = arith.constant 64 : i32
        %min3A_793 = arith.minsi %while3A_736, %min3A_792 : i32
        %add3A_794 = arith.constant 800 : i32
        %add3A_795 = arith.addi %add3A_794, %min3A_793 : i32
        %swap3A_796 = arith.index_cast %add3A_791 : i32 to index
        %swap3A_797 = tpu.vector_load %arg26[%swap3A_796] masked %and3A_783 {strides = array<i32>} : memref<1280xf32, #tpu.memory_space<vmem>>, vector<16xf32>, vector<16xi1>
        tpu.vector_store %arg26[%swap3A_796], %sub3A_769 masked %and3A_783 {strides = array<i32>} : memref<1280xf32, #tpu.memory_space<vmem>>, vector<16xf32>, vector<16xi1>
        %swap3A_798 = arith.index_cast %add3A_791 : i32 to index
        %swap3A_799 = tpu.vector_load %arg27[%swap3A_798] masked %and3A_783 {strides = array<i32>} : memref<1280xf32, #tpu.memory_space<vmem>>, vector<16xf32>, vector<16xi1>
        tpu.vector_store %arg27[%swap3A_798], %sub3A_773 masked %and3A_783 {strides = array<i32>} : memref<1280xf32, #tpu.memory_space<vmem>>, vector<16xf32>, vector<16xi1>
        %swap3A_800 = arith.index_cast %add3A_791 : i32 to index
        %swap3A_801 = tpu.vector_load %arg28[%swap3A_800] masked %and3A_783 {strides = array<i32>} : memref<1280xf32, #tpu.memory_space<vmem>>, vector<16xf32>, vector<16xi1>
        tpu.vector_store %arg28[%swap3A_800], %sub3A_777 masked %and3A_783 {strides = array<i32>} : memref<1280xf32, #tpu.memory_space<vmem>>, vector<16xf32>, vector<16xi1>
        %swap3A_802 = arith.index_cast %add3A_795 : i32 to index
        %swap3A_803 = tpu.vector_load %arg29[%swap3A_802] masked %and3A_787 {strides = array<i32>} : memref<1280xf32, #tpu.memory_space<vmem>>, vector<16xf32>, vector<16xi1>
        tpu.vector_store %arg29[%swap3A_802], %sub3A_769 masked %and3A_787 {strides = array<i32>} : memref<1280xf32, #tpu.memory_space<vmem>>, vector<16xf32>, vector<16xi1>
        %swap3A_804 = arith.index_cast %add3A_795 : i32 to index
        %swap3A_805 = tpu.vector_load %arg30[%swap3A_804] masked %and3A_787 {strides = array<i32>} : memref<1280xf32, #tpu.memory_space<vmem>>, vector<16xf32>, vector<16xi1>
        tpu.vector_store %arg30[%swap3A_804], %sub3A_773 masked %and3A_787 {strides = array<i32>} : memref<1280xf32, #tpu.memory_space<vmem>>, vector<16xf32>, vector<16xi1>
        %swap3A_806 = arith.index_cast %add3A_795 : i32 to index
        %swap3A_807 = tpu.vector_load %arg31[%swap3A_806] masked %and3A_787 {strides = array<i32>} : memref<1280xf32, #tpu.memory_space<vmem>>, vector<16xf32>, vector<16xi1>
        tpu.vector_store %arg31[%swap3A_806], %sub3A_777 masked %and3A_787 {strides = array<i32>} : memref<1280xf32, #tpu.memory_space<vmem>>, vector<16xf32>, vector<16xi1>
        %swap3A_808 = arith.index_cast %add3A_795 : i32 to index
        %swap3A_809 = tpu.vector_load %arg32[%swap3A_808] masked %and3A_787 {strides = array<i32>} : memref<1280xi32, #tpu.memory_space<vmem>>, vector<16xi32>, vector<16xi1>
        tpu.vector_store %arg32[%swap3A_808], %add3A_779 masked %and3A_787 {strides = array<i32>} : memref<1280xi32, #tpu.memory_space<vmem>>, vector<16xi32>, vector<16xi1>
        %all_reduce_population_count3A = tpu.all_reduce %and3A {dim = 0 : i64, kind = #tpu.reduction_kind<sum>} : vector<16xi1> -> vector<16xi32>
        %slice3A_810 = vector.extract_strided_slice %all_reduce_population_count3A {offsets = [0], sizes = [1], strides = [1]} : vector<16xi32> to vector<1xi32>
        %squeeze3A_811 = vector.extract %slice3A_810[0] : i32 from vector<1xi32>
        %all_reduce_population_count3A_812 = tpu.all_reduce %and3A_765 {dim = 0 : i64, kind = #tpu.reduction_kind<sum>} : vector<16xi1> -> vector<16xi32>
        %slice3A_813 = vector.extract_strided_slice %all_reduce_population_count3A_812 {offsets = [0], sizes = [1], strides = [1]} : vector<16xi32> to vector<1xi32>
        %squeeze3A_814 = vector.extract %slice3A_813[0] : i32 from vector<1xi32>
        %lt3A_815 = arith.constant 64 : i32
        %lt3A_816 = arith.cmpi slt, %while3A_735, %lt3A_815 : i32
        %add3A_817 = arith.addi %while3A_735, %squeeze3A_811 : i32
        %select_n3A_818 = arith.select %lt3A_816, %add3A_817, %while3A_735 : i32
        %lt3A_819 = arith.constant 64 : i32
        %lt3A_820 = arith.cmpi slt, %while3A_736, %lt3A_819 : i32
        %add3A_821 = arith.addi %while3A_736, %squeeze3A_814 : i32
        %select_n3A_822 = arith.select %lt3A_820, %add3A_821, %while3A_736 : i32
        %add3A_823 = arith.constant 16 : i32
        %add3A_824 = arith.addi %while3A_734, %add3A_823 : i32
        scf.yield %add3A_824, %select_n3A_818, %select_n3A_822 : i32, i32, i32
      }
      %eq3A_493 = arith.constant 10 : i32
      %eq3A_494 = vector.broadcast %eq3A_493 : i32 to vector<16xi32>
      %eq3A_495 = arith.cmpi eq, %iota3A, %eq3A_494 : vector<16xi32>
      %min3A_496 = arith.constant 64 : i32
      %min3A_497 = arith.minsi %while3A_492#1, %min3A_496 : i32
      %broadcast_in_dim3A_498 = vector.broadcast %min3A_497 : i32 to vector<16xi32>
      %select_n3A_499 = arith.select %eq3A_495, %broadcast_in_dim3A_498, %select_n3A_457 : vector<16xi1>, vector<16xi32>
      %min3A_500 = arith.constant 64 : i32
      %min3A_501 = arith.minsi %while3A_492#2, %min3A_500 : i32
      %broadcast_in_dim3A_502 = vector.broadcast %min3A_501 : i32 to vector<16xi32>
      %select_n3A_503 = arith.select %eq3A_495, %broadcast_in_dim3A_502, %select_n3A_461 : vector<16xi1>, vector<16xi32>
      %slice3A_504 = vector.extract_strided_slice %get3A_22 {offsets = [11], sizes = [1], strides = [1]} : vector<16xf32> to vector<1xf32>
      %squeeze3A_505 = vector.extract %slice3A_504[0] : f32 from vector<1xf32>
      %slice3A_506 = vector.extract_strided_slice %get3A_25 {offsets = [11], sizes = [1], strides = [1]} : vector<16xf32> to vector<1xf32>
      %squeeze3A_507 = vector.extract %slice3A_506[0] : f32 from vector<1xf32>
      %slice3A_508 = vector.extract_strided_slice %get3A_28 {offsets = [11], sizes = [1], strides = [1]} : vector<16xf32> to vector<1xf32>
      %squeeze3A_509 = vector.extract %slice3A_508[0] : f32 from vector<1xf32>
      %slice3A_510 = vector.extract_strided_slice %get3A_31 {offsets = [11], sizes = [1], strides = [1]} : vector<16xf32> to vector<1xf32>
      %squeeze3A_511 = vector.extract %slice3A_510[0] : f32 from vector<1xf32>
      %slice3A_512 = vector.extract_strided_slice %get3A_34 {offsets = [11], sizes = [1], strides = [1]} : vector<16xf32> to vector<1xf32>
      %squeeze3A_513 = vector.extract %slice3A_512[0] : f32 from vector<1xf32>
      %slice3A_514 = vector.extract_strided_slice %get3A_37 {offsets = [11], sizes = [1], strides = [1]} : vector<16xf32> to vector<1xf32>
      %squeeze3A_515 = vector.extract %slice3A_514[0] : f32 from vector<1xf32>
      %slice3A_516 = vector.extract_strided_slice %get3A_40 {offsets = [11], sizes = [1], strides = [1]} : vector<16xf32> to vector<1xf32>
      %squeeze3A_517 = vector.extract %slice3A_516[0] : f32 from vector<1xf32>
      %slice3A_518 = vector.extract_strided_slice %get3A_42 {offsets = [11], sizes = [1], strides = [1]} : vector<16xi32> to vector<1xi32>
      %squeeze3A_519 = vector.extract %slice3A_518[0] : i32 from vector<1xi32>
      %slice3A_520 = vector.extract_strided_slice %get3A_44 {offsets = [11], sizes = [1], strides = [1]} : vector<16xi32> to vector<1xi32>
      %squeeze3A_521 = vector.extract %slice3A_520[0] : i32 from vector<1xi32>
      %swap3A_522 = arith.constant 880 : index
      %swap3A_523 = tpu.vector_load %arg32[%swap3A_522] {strides = array<i32>} : memref<1280xi32, #tpu.memory_space<vmem>>, vector<16xi32>,
      tpu.vector_store %arg32[%swap3A_522], %broadcast_in_dim3A_9 {strides = array<i32>} : memref<1280xi32, #tpu.memory_space<vmem>>, vector<16xi32>,
      %swap3A_524 = arith.constant 896 : index
      %swap3A_525 = tpu.vector_load %arg32[%swap3A_524] {strides = array<i32>} : memref<1280xi32, #tpu.memory_space<vmem>>, vector<16xi32>,
      tpu.vector_store %arg32[%swap3A_524], %broadcast_in_dim3A_9 {strides = array<i32>} : memref<1280xi32, #tpu.memory_space<vmem>>, vector<16xi32>,
      %swap3A_526 = arith.constant 912 : index
      %swap3A_527 = tpu.vector_load %arg32[%swap3A_526] {strides = array<i32>} : memref<1280xi32, #tpu.memory_space<vmem>>, vector<16xi32>,
      tpu.vector_store %arg32[%swap3A_526], %broadcast_in_dim3A_9 {strides = array<i32>} : memref<1280xi32, #tpu.memory_space<vmem>>, vector<16xi32>,
      %swap3A_528 = arith.constant 928 : index
      %swap3A_529 = tpu.vector_load %arg32[%swap3A_528] {strides = array<i32>} : memref<1280xi32, #tpu.memory_space<vmem>>, vector<16xi32>,
      tpu.vector_store %arg32[%swap3A_528], %broadcast_in_dim3A_9 {strides = array<i32>} : memref<1280xi32, #tpu.memory_space<vmem>>, vector<16xi32>,
      %swap3A_530 = arith.constant 944 : index
      %swap3A_531 = tpu.vector_load %arg32[%swap3A_530] {strides = array<i32>} : memref<1280xi32, #tpu.memory_space<vmem>>, vector<16xi32>,
      tpu.vector_store %arg32[%swap3A_530], %broadcast_in_dim3A_9 {strides = array<i32>} : memref<1280xi32, #tpu.memory_space<vmem>>, vector<16xi32>,
      %while3A_532 = arith.constant 0 : i32
      %while3A_533 = arith.constant 0 : i32
      %while3A_534:3 = scf.while (%while3A_734 = %squeeze3A_519, %while3A_735 = %while3A_532, %while3A_736 = %while3A_533) : (i32, i32, i32) -> (i32, i32, i32) {
        %lt3A = arith.cmpi slt, %while3A_734, %squeeze3A_521 : i32
        scf.condition(%lt3A) %while3A_734, %while3A_735, %while3A_736 : i32, i32, i32
      } do {
      ^bb0(%while3A_734: i32, %while3A_735: i32, %while3A_736: i32):
        %get3A_737 = arith.index_cast %while3A_734 : i32 to index
        %get3A_738 = tpu.vector_load %arg20[%get3A_737] {strides = array<i32>} : memref<8192xf32, #tpu.memory_space<vmem>>, vector<16xf32>,
        %get3A_739 = arith.index_cast %while3A_734 : i32 to index
        %get3A_740 = tpu.vector_load %arg21[%get3A_739] {strides = array<i32>} : memref<8192xf32, #tpu.memory_space<vmem>>, vector<16xf32>,
        %get3A_741 = arith.index_cast %while3A_734 : i32 to index
        %get3A_742 = tpu.vector_load %arg22[%get3A_741] {strides = array<i32>} : memref<8192xf32, #tpu.memory_space<vmem>>, vector<16xf32>,
        %get3A_743 = arith.index_cast %while3A_734 : i32 to index
        %get3A_744 = tpu.vector_load %arg23[%get3A_743] {strides = array<i32>} : memref<8192xf32, #tpu.memory_space<vmem>>, vector<16xf32>,
        %mul3A_745 = vector.broadcast %squeeze3A_511 : f32 to vector<16xf32>
        %mul3A_746 = arith.mulf %mul3A_745, %get3A_738 : vector<16xf32>
        %mul3A_747 = vector.broadcast %squeeze3A_513 : f32 to vector<16xf32>
        %mul3A_748 = arith.mulf %mul3A_747, %get3A_740 : vector<16xf32>
        %add3A_749 = arith.addf %mul3A_746, %mul3A_748 : vector<16xf32>
        %mul3A_750 = vector.broadcast %squeeze3A_515 : f32 to vector<16xf32>
        %mul3A_751 = arith.mulf %mul3A_750, %get3A_742 : vector<16xf32>
        %add3A_752 = arith.addf %add3A_749, %mul3A_751 : vector<16xf32>
        %add3A_753 = vector.broadcast %squeeze3A_517 : f32 to vector<16xf32>
        %add3A_754 = arith.addf %add3A_753, %get3A_744 : vector<16xf32>
        %mul3A_755 = arith.constant 2.000000e+00 : f32
        %mul3A_756 = vector.broadcast %mul3A_755 : f32 to vector<16xf32>
        %mul3A_757 = arith.mulf %mul3A_756, %add3A_752 : vector<16xf32>
        %sub3A = arith.subf %add3A_754, %mul3A_757 : vector<16xf32>
        %sub3A_758 = arith.subi %squeeze3A_521, %while3A_734 : i32
        %lt3A = vector.broadcast %sub3A_758 : i32 to vector<16xi32>
        %lt3A_759 = arith.cmpi slt, %iota3A, %lt3A : vector<16xi32>
        %le3A = arith.constant 4.000000e-02 : f32
        %le3A_760 = vector.broadcast %le3A : f32 to vector<16xf32>
        %le3A_761 = arith.cmpf ole, %sub3A, %le3A_760 : vector<16xf32>
        %and3A = arith.andi %le3A_761, %lt3A_759 : vector<16xi1>
        %le3A_762 = arith.constant 1.600000e-01 : f32
        %le3A_763 = vector.broadcast %le3A_762 : f32 to vector<16xf32>
        %le3A_764 = arith.cmpf ole, %sub3A, %le3A_763 : vector<16xf32>
        %and3A_765 = arith.andi %le3A_764, %lt3A_759 : vector<16xi1>
        %get3A_766 = arith.index_cast %while3A_734 : i32 to index
        %get3A_767 = tpu.vector_load %arg17[%get3A_766] {strides = array<i32>} : memref<8192xf32, #tpu.memory_space<vmem>>, vector<16xf32>,
        %sub3A_768 = vector.broadcast %squeeze3A_505 : f32 to vector<16xf32>
        %sub3A_769 = arith.subf %get3A_767, %sub3A_768 : vector<16xf32>
        %get3A_770 = arith.index_cast %while3A_734 : i32 to index
        %get3A_771 = tpu.vector_load %arg18[%get3A_770] {strides = array<i32>} : memref<8192xf32, #tpu.memory_space<vmem>>, vector<16xf32>,
        %sub3A_772 = vector.broadcast %squeeze3A_507 : f32 to vector<16xf32>
        %sub3A_773 = arith.subf %get3A_771, %sub3A_772 : vector<16xf32>
        %get3A_774 = arith.index_cast %while3A_734 : i32 to index
        %get3A_775 = tpu.vector_load %arg19[%get3A_774] {strides = array<i32>} : memref<8192xf32, #tpu.memory_space<vmem>>, vector<16xf32>,
        %sub3A_776 = vector.broadcast %squeeze3A_509 : f32 to vector<16xf32>
        %sub3A_777 = arith.subf %get3A_775, %sub3A_776 : vector<16xf32>
        %add3A_778 = vector.broadcast %while3A_734 : i32 to vector<16xi32>
        %add3A_779 = arith.addi %add3A_778, %iota3A : vector<16xi32>
        %lt3A_780 = arith.constant 64 : i32
        %lt3A_781 = arith.cmpi slt, %while3A_735, %lt3A_780 : i32
        %and3A_782 = vector.broadcast %lt3A_781 : i1 to vector<16xi1>
        %and3A_783 = arith.andi %and3A, %and3A_782 : vector<16xi1>
        %lt3A_784 = arith.constant 64 : i32
        %lt3A_785 = arith.cmpi slt, %while3A_736, %lt3A_784 : i32
        %and3A_786 = vector.broadcast %lt3A_785 : i1 to vector<16xi1>
        %and3A_787 = arith.andi %and3A_765, %and3A_786 : vector<16xi1>
        %min3A_788 = arith.constant 64 : i32
        %min3A_789 = arith.minsi %while3A_735, %min3A_788 : i32
        %add3A_790 = arith.constant 880 : i32
        %add3A_791 = arith.addi %add3A_790, %min3A_789 : i32
        %min3A_792 = arith.constant 64 : i32
        %min3A_793 = arith.minsi %while3A_736, %min3A_792 : i32
        %add3A_794 = arith.constant 880 : i32
        %add3A_795 = arith.addi %add3A_794, %min3A_793 : i32
        %swap3A_796 = arith.index_cast %add3A_791 : i32 to index
        %swap3A_797 = tpu.vector_load %arg26[%swap3A_796] masked %and3A_783 {strides = array<i32>} : memref<1280xf32, #tpu.memory_space<vmem>>, vector<16xf32>, vector<16xi1>
        tpu.vector_store %arg26[%swap3A_796], %sub3A_769 masked %and3A_783 {strides = array<i32>} : memref<1280xf32, #tpu.memory_space<vmem>>, vector<16xf32>, vector<16xi1>
        %swap3A_798 = arith.index_cast %add3A_791 : i32 to index
        %swap3A_799 = tpu.vector_load %arg27[%swap3A_798] masked %and3A_783 {strides = array<i32>} : memref<1280xf32, #tpu.memory_space<vmem>>, vector<16xf32>, vector<16xi1>
        tpu.vector_store %arg27[%swap3A_798], %sub3A_773 masked %and3A_783 {strides = array<i32>} : memref<1280xf32, #tpu.memory_space<vmem>>, vector<16xf32>, vector<16xi1>
        %swap3A_800 = arith.index_cast %add3A_791 : i32 to index
        %swap3A_801 = tpu.vector_load %arg28[%swap3A_800] masked %and3A_783 {strides = array<i32>} : memref<1280xf32, #tpu.memory_space<vmem>>, vector<16xf32>, vector<16xi1>
        tpu.vector_store %arg28[%swap3A_800], %sub3A_777 masked %and3A_783 {strides = array<i32>} : memref<1280xf32, #tpu.memory_space<vmem>>, vector<16xf32>, vector<16xi1>
        %swap3A_802 = arith.index_cast %add3A_795 : i32 to index
        %swap3A_803 = tpu.vector_load %arg29[%swap3A_802] masked %and3A_787 {strides = array<i32>} : memref<1280xf32, #tpu.memory_space<vmem>>, vector<16xf32>, vector<16xi1>
        tpu.vector_store %arg29[%swap3A_802], %sub3A_769 masked %and3A_787 {strides = array<i32>} : memref<1280xf32, #tpu.memory_space<vmem>>, vector<16xf32>, vector<16xi1>
        %swap3A_804 = arith.index_cast %add3A_795 : i32 to index
        %swap3A_805 = tpu.vector_load %arg30[%swap3A_804] masked %and3A_787 {strides = array<i32>} : memref<1280xf32, #tpu.memory_space<vmem>>, vector<16xf32>, vector<16xi1>
        tpu.vector_store %arg30[%swap3A_804], %sub3A_773 masked %and3A_787 {strides = array<i32>} : memref<1280xf32, #tpu.memory_space<vmem>>, vector<16xf32>, vector<16xi1>
        %swap3A_806 = arith.index_cast %add3A_795 : i32 to index
        %swap3A_807 = tpu.vector_load %arg31[%swap3A_806] masked %and3A_787 {strides = array<i32>} : memref<1280xf32, #tpu.memory_space<vmem>>, vector<16xf32>, vector<16xi1>
        tpu.vector_store %arg31[%swap3A_806], %sub3A_777 masked %and3A_787 {strides = array<i32>} : memref<1280xf32, #tpu.memory_space<vmem>>, vector<16xf32>, vector<16xi1>
        %swap3A_808 = arith.index_cast %add3A_795 : i32 to index
        %swap3A_809 = tpu.vector_load %arg32[%swap3A_808] masked %and3A_787 {strides = array<i32>} : memref<1280xi32, #tpu.memory_space<vmem>>, vector<16xi32>, vector<16xi1>
        tpu.vector_store %arg32[%swap3A_808], %add3A_779 masked %and3A_787 {strides = array<i32>} : memref<1280xi32, #tpu.memory_space<vmem>>, vector<16xi32>, vector<16xi1>
        %all_reduce_population_count3A = tpu.all_reduce %and3A {dim = 0 : i64, kind = #tpu.reduction_kind<sum>} : vector<16xi1> -> vector<16xi32>
        %slice3A_810 = vector.extract_strided_slice %all_reduce_population_count3A {offsets = [0], sizes = [1], strides = [1]} : vector<16xi32> to vector<1xi32>
        %squeeze3A_811 = vector.extract %slice3A_810[0] : i32 from vector<1xi32>
        %all_reduce_population_count3A_812 = tpu.all_reduce %and3A_765 {dim = 0 : i64, kind = #tpu.reduction_kind<sum>} : vector<16xi1> -> vector<16xi32>
        %slice3A_813 = vector.extract_strided_slice %all_reduce_population_count3A_812 {offsets = [0], sizes = [1], strides = [1]} : vector<16xi32> to vector<1xi32>
        %squeeze3A_814 = vector.extract %slice3A_813[0] : i32 from vector<1xi32>
        %lt3A_815 = arith.constant 64 : i32
        %lt3A_816 = arith.cmpi slt, %while3A_735, %lt3A_815 : i32
        %add3A_817 = arith.addi %while3A_735, %squeeze3A_811 : i32
        %select_n3A_818 = arith.select %lt3A_816, %add3A_817, %while3A_735 : i32
        %lt3A_819 = arith.constant 64 : i32
        %lt3A_820 = arith.cmpi slt, %while3A_736, %lt3A_819 : i32
        %add3A_821 = arith.addi %while3A_736, %squeeze3A_814 : i32
        %select_n3A_822 = arith.select %lt3A_820, %add3A_821, %while3A_736 : i32
        %add3A_823 = arith.constant 16 : i32
        %add3A_824 = arith.addi %while3A_734, %add3A_823 : i32
        scf.yield %add3A_824, %select_n3A_818, %select_n3A_822 : i32, i32, i32
      }
      %eq3A_535 = arith.constant 11 : i32
      %eq3A_536 = vector.broadcast %eq3A_535 : i32 to vector<16xi32>
      %eq3A_537 = arith.cmpi eq, %iota3A, %eq3A_536 : vector<16xi32>
      %min3A_538 = arith.constant 64 : i32
      %min3A_539 = arith.minsi %while3A_534#1, %min3A_538 : i32
      %broadcast_in_dim3A_540 = vector.broadcast %min3A_539 : i32 to vector<16xi32>
      %select_n3A_541 = arith.select %eq3A_537, %broadcast_in_dim3A_540, %select_n3A_499 : vector<16xi1>, vector<16xi32>
      %min3A_542 = arith.constant 64 : i32
      %min3A_543 = arith.minsi %while3A_534#2, %min3A_542 : i32
      %broadcast_in_dim3A_544 = vector.broadcast %min3A_543 : i32 to vector<16xi32>
      %select_n3A_545 = arith.select %eq3A_537, %broadcast_in_dim3A_544, %select_n3A_503 : vector<16xi1>, vector<16xi32>
      %slice3A_546 = vector.extract_strided_slice %get3A_22 {offsets = [12], sizes = [1], strides = [1]} : vector<16xf32> to vector<1xf32>
      %squeeze3A_547 = vector.extract %slice3A_546[0] : f32 from vector<1xf32>
      %slice3A_548 = vector.extract_strided_slice %get3A_25 {offsets = [12], sizes = [1], strides = [1]} : vector<16xf32> to vector<1xf32>
      %squeeze3A_549 = vector.extract %slice3A_548[0] : f32 from vector<1xf32>
      %slice3A_550 = vector.extract_strided_slice %get3A_28 {offsets = [12], sizes = [1], strides = [1]} : vector<16xf32> to vector<1xf32>
      %squeeze3A_551 = vector.extract %slice3A_550[0] : f32 from vector<1xf32>
      %slice3A_552 = vector.extract_strided_slice %get3A_31 {offsets = [12], sizes = [1], strides = [1]} : vector<16xf32> to vector<1xf32>
      %squeeze3A_553 = vector.extract %slice3A_552[0] : f32 from vector<1xf32>
      %slice3A_554 = vector.extract_strided_slice %get3A_34 {offsets = [12], sizes = [1], strides = [1]} : vector<16xf32> to vector<1xf32>
      %squeeze3A_555 = vector.extract %slice3A_554[0] : f32 from vector<1xf32>
      %slice3A_556 = vector.extract_strided_slice %get3A_37 {offsets = [12], sizes = [1], strides = [1]} : vector<16xf32> to vector<1xf32>
      %squeeze3A_557 = vector.extract %slice3A_556[0] : f32 from vector<1xf32>
      %slice3A_558 = vector.extract_strided_slice %get3A_40 {offsets = [12], sizes = [1], strides = [1]} : vector<16xf32> to vector<1xf32>
      %squeeze3A_559 = vector.extract %slice3A_558[0] : f32 from vector<1xf32>
      %slice3A_560 = vector.extract_strided_slice %get3A_42 {offsets = [12], sizes = [1], strides = [1]} : vector<16xi32> to vector<1xi32>
      %squeeze3A_561 = vector.extract %slice3A_560[0] : i32 from vector<1xi32>
      %slice3A_562 = vector.extract_strided_slice %get3A_44 {offsets = [12], sizes = [1], strides = [1]} : vector<16xi32> to vector<1xi32>
      %squeeze3A_563 = vector.extract %slice3A_562[0] : i32 from vector<1xi32>
      %swap3A_564 = arith.constant 960 : index
      %swap3A_565 = tpu.vector_load %arg32[%swap3A_564] {strides = array<i32>} : memref<1280xi32, #tpu.memory_space<vmem>>, vector<16xi32>,
      tpu.vector_store %arg32[%swap3A_564], %broadcast_in_dim3A_9 {strides = array<i32>} : memref<1280xi32, #tpu.memory_space<vmem>>, vector<16xi32>,
      %swap3A_566 = arith.constant 976 : index
      %swap3A_567 = tpu.vector_load %arg32[%swap3A_566] {strides = array<i32>} : memref<1280xi32, #tpu.memory_space<vmem>>, vector<16xi32>,
      tpu.vector_store %arg32[%swap3A_566], %broadcast_in_dim3A_9 {strides = array<i32>} : memref<1280xi32, #tpu.memory_space<vmem>>, vector<16xi32>,
      %swap3A_568 = arith.constant 992 : index
      %swap3A_569 = tpu.vector_load %arg32[%swap3A_568] {strides = array<i32>} : memref<1280xi32, #tpu.memory_space<vmem>>, vector<16xi32>,
      tpu.vector_store %arg32[%swap3A_568], %broadcast_in_dim3A_9 {strides = array<i32>} : memref<1280xi32, #tpu.memory_space<vmem>>, vector<16xi32>,
      %swap3A_570 = arith.constant 1008 : index
      %swap3A_571 = tpu.vector_load %arg32[%swap3A_570] {strides = array<i32>} : memref<1280xi32, #tpu.memory_space<vmem>>, vector<16xi32>,
      tpu.vector_store %arg32[%swap3A_570], %broadcast_in_dim3A_9 {strides = array<i32>} : memref<1280xi32, #tpu.memory_space<vmem>>, vector<16xi32>,
      %swap3A_572 = arith.constant 1024 : index
      %swap3A_573 = tpu.vector_load %arg32[%swap3A_572] {strides = array<i32>} : memref<1280xi32, #tpu.memory_space<vmem>>, vector<16xi32>,
      tpu.vector_store %arg32[%swap3A_572], %broadcast_in_dim3A_9 {strides = array<i32>} : memref<1280xi32, #tpu.memory_space<vmem>>, vector<16xi32>,
      %while3A_574 = arith.constant 0 : i32
      %while3A_575 = arith.constant 0 : i32
      %while3A_576:3 = scf.while (%while3A_734 = %squeeze3A_561, %while3A_735 = %while3A_574, %while3A_736 = %while3A_575) : (i32, i32, i32) -> (i32, i32, i32) {
        %lt3A = arith.cmpi slt, %while3A_734, %squeeze3A_563 : i32
        scf.condition(%lt3A) %while3A_734, %while3A_735, %while3A_736 : i32, i32, i32
      } do {
      ^bb0(%while3A_734: i32, %while3A_735: i32, %while3A_736: i32):
        %get3A_737 = arith.index_cast %while3A_734 : i32 to index
        %get3A_738 = tpu.vector_load %arg20[%get3A_737] {strides = array<i32>} : memref<8192xf32, #tpu.memory_space<vmem>>, vector<16xf32>,
        %get3A_739 = arith.index_cast %while3A_734 : i32 to index
        %get3A_740 = tpu.vector_load %arg21[%get3A_739] {strides = array<i32>} : memref<8192xf32, #tpu.memory_space<vmem>>, vector<16xf32>,
        %get3A_741 = arith.index_cast %while3A_734 : i32 to index
        %get3A_742 = tpu.vector_load %arg22[%get3A_741] {strides = array<i32>} : memref<8192xf32, #tpu.memory_space<vmem>>, vector<16xf32>,
        %get3A_743 = arith.index_cast %while3A_734 : i32 to index
        %get3A_744 = tpu.vector_load %arg23[%get3A_743] {strides = array<i32>} : memref<8192xf32, #tpu.memory_space<vmem>>, vector<16xf32>,
        %mul3A_745 = vector.broadcast %squeeze3A_553 : f32 to vector<16xf32>
        %mul3A_746 = arith.mulf %mul3A_745, %get3A_738 : vector<16xf32>
        %mul3A_747 = vector.broadcast %squeeze3A_555 : f32 to vector<16xf32>
        %mul3A_748 = arith.mulf %mul3A_747, %get3A_740 : vector<16xf32>
        %add3A_749 = arith.addf %mul3A_746, %mul3A_748 : vector<16xf32>
        %mul3A_750 = vector.broadcast %squeeze3A_557 : f32 to vector<16xf32>
        %mul3A_751 = arith.mulf %mul3A_750, %get3A_742 : vector<16xf32>
        %add3A_752 = arith.addf %add3A_749, %mul3A_751 : vector<16xf32>
        %add3A_753 = vector.broadcast %squeeze3A_559 : f32 to vector<16xf32>
        %add3A_754 = arith.addf %add3A_753, %get3A_744 : vector<16xf32>
        %mul3A_755 = arith.constant 2.000000e+00 : f32
        %mul3A_756 = vector.broadcast %mul3A_755 : f32 to vector<16xf32>
        %mul3A_757 = arith.mulf %mul3A_756, %add3A_752 : vector<16xf32>
        %sub3A = arith.subf %add3A_754, %mul3A_757 : vector<16xf32>
        %sub3A_758 = arith.subi %squeeze3A_563, %while3A_734 : i32
        %lt3A = vector.broadcast %sub3A_758 : i32 to vector<16xi32>
        %lt3A_759 = arith.cmpi slt, %iota3A, %lt3A : vector<16xi32>
        %le3A = arith.constant 4.000000e-02 : f32
        %le3A_760 = vector.broadcast %le3A : f32 to vector<16xf32>
        %le3A_761 = arith.cmpf ole, %sub3A, %le3A_760 : vector<16xf32>
        %and3A = arith.andi %le3A_761, %lt3A_759 : vector<16xi1>
        %le3A_762 = arith.constant 1.600000e-01 : f32
        %le3A_763 = vector.broadcast %le3A_762 : f32 to vector<16xf32>
        %le3A_764 = arith.cmpf ole, %sub3A, %le3A_763 : vector<16xf32>
        %and3A_765 = arith.andi %le3A_764, %lt3A_759 : vector<16xi1>
        %get3A_766 = arith.index_cast %while3A_734 : i32 to index
        %get3A_767 = tpu.vector_load %arg17[%get3A_766] {strides = array<i32>} : memref<8192xf32, #tpu.memory_space<vmem>>, vector<16xf32>,
        %sub3A_768 = vector.broadcast %squeeze3A_547 : f32 to vector<16xf32>
        %sub3A_769 = arith.subf %get3A_767, %sub3A_768 : vector<16xf32>
        %get3A_770 = arith.index_cast %while3A_734 : i32 to index
        %get3A_771 = tpu.vector_load %arg18[%get3A_770] {strides = array<i32>} : memref<8192xf32, #tpu.memory_space<vmem>>, vector<16xf32>,
        %sub3A_772 = vector.broadcast %squeeze3A_549 : f32 to vector<16xf32>
        %sub3A_773 = arith.subf %get3A_771, %sub3A_772 : vector<16xf32>
        %get3A_774 = arith.index_cast %while3A_734 : i32 to index
        %get3A_775 = tpu.vector_load %arg19[%get3A_774] {strides = array<i32>} : memref<8192xf32, #tpu.memory_space<vmem>>, vector<16xf32>,
        %sub3A_776 = vector.broadcast %squeeze3A_551 : f32 to vector<16xf32>
        %sub3A_777 = arith.subf %get3A_775, %sub3A_776 : vector<16xf32>
        %add3A_778 = vector.broadcast %while3A_734 : i32 to vector<16xi32>
        %add3A_779 = arith.addi %add3A_778, %iota3A : vector<16xi32>
        %lt3A_780 = arith.constant 64 : i32
        %lt3A_781 = arith.cmpi slt, %while3A_735, %lt3A_780 : i32
        %and3A_782 = vector.broadcast %lt3A_781 : i1 to vector<16xi1>
        %and3A_783 = arith.andi %and3A, %and3A_782 : vector<16xi1>
        %lt3A_784 = arith.constant 64 : i32
        %lt3A_785 = arith.cmpi slt, %while3A_736, %lt3A_784 : i32
        %and3A_786 = vector.broadcast %lt3A_785 : i1 to vector<16xi1>
        %and3A_787 = arith.andi %and3A_765, %and3A_786 : vector<16xi1>
        %min3A_788 = arith.constant 64 : i32
        %min3A_789 = arith.minsi %while3A_735, %min3A_788 : i32
        %add3A_790 = arith.constant 960 : i32
        %add3A_791 = arith.addi %add3A_790, %min3A_789 : i32
        %min3A_792 = arith.constant 64 : i32
        %min3A_793 = arith.minsi %while3A_736, %min3A_792 : i32
        %add3A_794 = arith.constant 960 : i32
        %add3A_795 = arith.addi %add3A_794, %min3A_793 : i32
        %swap3A_796 = arith.index_cast %add3A_791 : i32 to index
        %swap3A_797 = tpu.vector_load %arg26[%swap3A_796] masked %and3A_783 {strides = array<i32>} : memref<1280xf32, #tpu.memory_space<vmem>>, vector<16xf32>, vector<16xi1>
        tpu.vector_store %arg26[%swap3A_796], %sub3A_769 masked %and3A_783 {strides = array<i32>} : memref<1280xf32, #tpu.memory_space<vmem>>, vector<16xf32>, vector<16xi1>
        %swap3A_798 = arith.index_cast %add3A_791 : i32 to index
        %swap3A_799 = tpu.vector_load %arg27[%swap3A_798] masked %and3A_783 {strides = array<i32>} : memref<1280xf32, #tpu.memory_space<vmem>>, vector<16xf32>, vector<16xi1>
        tpu.vector_store %arg27[%swap3A_798], %sub3A_773 masked %and3A_783 {strides = array<i32>} : memref<1280xf32, #tpu.memory_space<vmem>>, vector<16xf32>, vector<16xi1>
        %swap3A_800 = arith.index_cast %add3A_791 : i32 to index
        %swap3A_801 = tpu.vector_load %arg28[%swap3A_800] masked %and3A_783 {strides = array<i32>} : memref<1280xf32, #tpu.memory_space<vmem>>, vector<16xf32>, vector<16xi1>
        tpu.vector_store %arg28[%swap3A_800], %sub3A_777 masked %and3A_783 {strides = array<i32>} : memref<1280xf32, #tpu.memory_space<vmem>>, vector<16xf32>, vector<16xi1>
        %swap3A_802 = arith.index_cast %add3A_795 : i32 to index
        %swap3A_803 = tpu.vector_load %arg29[%swap3A_802] masked %and3A_787 {strides = array<i32>} : memref<1280xf32, #tpu.memory_space<vmem>>, vector<16xf32>, vector<16xi1>
        tpu.vector_store %arg29[%swap3A_802], %sub3A_769 masked %and3A_787 {strides = array<i32>} : memref<1280xf32, #tpu.memory_space<vmem>>, vector<16xf32>, vector<16xi1>
        %swap3A_804 = arith.index_cast %add3A_795 : i32 to index
        %swap3A_805 = tpu.vector_load %arg30[%swap3A_804] masked %and3A_787 {strides = array<i32>} : memref<1280xf32, #tpu.memory_space<vmem>>, vector<16xf32>, vector<16xi1>
        tpu.vector_store %arg30[%swap3A_804], %sub3A_773 masked %and3A_787 {strides = array<i32>} : memref<1280xf32, #tpu.memory_space<vmem>>, vector<16xf32>, vector<16xi1>
        %swap3A_806 = arith.index_cast %add3A_795 : i32 to index
        %swap3A_807 = tpu.vector_load %arg31[%swap3A_806] masked %and3A_787 {strides = array<i32>} : memref<1280xf32, #tpu.memory_space<vmem>>, vector<16xf32>, vector<16xi1>
        tpu.vector_store %arg31[%swap3A_806], %sub3A_777 masked %and3A_787 {strides = array<i32>} : memref<1280xf32, #tpu.memory_space<vmem>>, vector<16xf32>, vector<16xi1>
        %swap3A_808 = arith.index_cast %add3A_795 : i32 to index
        %swap3A_809 = tpu.vector_load %arg32[%swap3A_808] masked %and3A_787 {strides = array<i32>} : memref<1280xi32, #tpu.memory_space<vmem>>, vector<16xi32>, vector<16xi1>
        tpu.vector_store %arg32[%swap3A_808], %add3A_779 masked %and3A_787 {strides = array<i32>} : memref<1280xi32, #tpu.memory_space<vmem>>, vector<16xi32>, vector<16xi1>
        %all_reduce_population_count3A = tpu.all_reduce %and3A {dim = 0 : i64, kind = #tpu.reduction_kind<sum>} : vector<16xi1> -> vector<16xi32>
        %slice3A_810 = vector.extract_strided_slice %all_reduce_population_count3A {offsets = [0], sizes = [1], strides = [1]} : vector<16xi32> to vector<1xi32>
        %squeeze3A_811 = vector.extract %slice3A_810[0] : i32 from vector<1xi32>
        %all_reduce_population_count3A_812 = tpu.all_reduce %and3A_765 {dim = 0 : i64, kind = #tpu.reduction_kind<sum>} : vector<16xi1> -> vector<16xi32>
        %slice3A_813 = vector.extract_strided_slice %all_reduce_population_count3A_812 {offsets = [0], sizes = [1], strides = [1]} : vector<16xi32> to vector<1xi32>
        %squeeze3A_814 = vector.extract %slice3A_813[0] : i32 from vector<1xi32>
        %lt3A_815 = arith.constant 64 : i32
        %lt3A_816 = arith.cmpi slt, %while3A_735, %lt3A_815 : i32
        %add3A_817 = arith.addi %while3A_735, %squeeze3A_811 : i32
        %select_n3A_818 = arith.select %lt3A_816, %add3A_817, %while3A_735 : i32
        %lt3A_819 = arith.constant 64 : i32
        %lt3A_820 = arith.cmpi slt, %while3A_736, %lt3A_819 : i32
        %add3A_821 = arith.addi %while3A_736, %squeeze3A_814 : i32
        %select_n3A_822 = arith.select %lt3A_820, %add3A_821, %while3A_736 : i32
        %add3A_823 = arith.constant 16 : i32
        %add3A_824 = arith.addi %while3A_734, %add3A_823 : i32
        scf.yield %add3A_824, %select_n3A_818, %select_n3A_822 : i32, i32, i32
      }
      %eq3A_577 = arith.constant 12 : i32
      %eq3A_578 = vector.broadcast %eq3A_577 : i32 to vector<16xi32>
      %eq3A_579 = arith.cmpi eq, %iota3A, %eq3A_578 : vector<16xi32>
      %min3A_580 = arith.constant 64 : i32
      %min3A_581 = arith.minsi %while3A_576#1, %min3A_580 : i32
      %broadcast_in_dim3A_582 = vector.broadcast %min3A_581 : i32 to vector<16xi32>
      %select_n3A_583 = arith.select %eq3A_579, %broadcast_in_dim3A_582, %select_n3A_541 : vector<16xi1>, vector<16xi32>
      %min3A_584 = arith.constant 64 : i32
      %min3A_585 = arith.minsi %while3A_576#2, %min3A_584 : i32
      %broadcast_in_dim3A_586 = vector.broadcast %min3A_585 : i32 to vector<16xi32>
      %select_n3A_587 = arith.select %eq3A_579, %broadcast_in_dim3A_586, %select_n3A_545 : vector<16xi1>, vector<16xi32>
      %slice3A_588 = vector.extract_strided_slice %get3A_22 {offsets = [13], sizes = [1], strides = [1]} : vector<16xf32> to vector<1xf32>
      %squeeze3A_589 = vector.extract %slice3A_588[0] : f32 from vector<1xf32>
      %slice3A_590 = vector.extract_strided_slice %get3A_25 {offsets = [13], sizes = [1], strides = [1]} : vector<16xf32> to vector<1xf32>
      %squeeze3A_591 = vector.extract %slice3A_590[0] : f32 from vector<1xf32>
      %slice3A_592 = vector.extract_strided_slice %get3A_28 {offsets = [13], sizes = [1], strides = [1]} : vector<16xf32> to vector<1xf32>
      %squeeze3A_593 = vector.extract %slice3A_592[0] : f32 from vector<1xf32>
      %slice3A_594 = vector.extract_strided_slice %get3A_31 {offsets = [13], sizes = [1], strides = [1]} : vector<16xf32> to vector<1xf32>
      %squeeze3A_595 = vector.extract %slice3A_594[0] : f32 from vector<1xf32>
      %slice3A_596 = vector.extract_strided_slice %get3A_34 {offsets = [13], sizes = [1], strides = [1]} : vector<16xf32> to vector<1xf32>
      %squeeze3A_597 = vector.extract %slice3A_596[0] : f32 from vector<1xf32>
      %slice3A_598 = vector.extract_strided_slice %get3A_37 {offsets = [13], sizes = [1], strides = [1]} : vector<16xf32> to vector<1xf32>
      %squeeze3A_599 = vector.extract %slice3A_598[0] : f32 from vector<1xf32>
      %slice3A_600 = vector.extract_strided_slice %get3A_40 {offsets = [13], sizes = [1], strides = [1]} : vector<16xf32> to vector<1xf32>
      %squeeze3A_601 = vector.extract %slice3A_600[0] : f32 from vector<1xf32>
      %slice3A_602 = vector.extract_strided_slice %get3A_42 {offsets = [13], sizes = [1], strides = [1]} : vector<16xi32> to vector<1xi32>
      %squeeze3A_603 = vector.extract %slice3A_602[0] : i32 from vector<1xi32>
      %slice3A_604 = vector.extract_strided_slice %get3A_44 {offsets = [13], sizes = [1], strides = [1]} : vector<16xi32> to vector<1xi32>
      %squeeze3A_605 = vector.extract %slice3A_604[0] : i32 from vector<1xi32>
      %swap3A_606 = arith.constant 1040 : index
      %swap3A_607 = tpu.vector_load %arg32[%swap3A_606] {strides = array<i32>} : memref<1280xi32, #tpu.memory_space<vmem>>, vector<16xi32>,
      tpu.vector_store %arg32[%swap3A_606], %broadcast_in_dim3A_9 {strides = array<i32>} : memref<1280xi32, #tpu.memory_space<vmem>>, vector<16xi32>,
      %swap3A_608 = arith.constant 1056 : index
      %swap3A_609 = tpu.vector_load %arg32[%swap3A_608] {strides = array<i32>} : memref<1280xi32, #tpu.memory_space<vmem>>, vector<16xi32>,
      tpu.vector_store %arg32[%swap3A_608], %broadcast_in_dim3A_9 {strides = array<i32>} : memref<1280xi32, #tpu.memory_space<vmem>>, vector<16xi32>,
      %swap3A_610 = arith.constant 1072 : index
      %swap3A_611 = tpu.vector_load %arg32[%swap3A_610] {strides = array<i32>} : memref<1280xi32, #tpu.memory_space<vmem>>, vector<16xi32>,
      tpu.vector_store %arg32[%swap3A_610], %broadcast_in_dim3A_9 {strides = array<i32>} : memref<1280xi32, #tpu.memory_space<vmem>>, vector<16xi32>,
      %swap3A_612 = arith.constant 1088 : index
      %swap3A_613 = tpu.vector_load %arg32[%swap3A_612] {strides = array<i32>} : memref<1280xi32, #tpu.memory_space<vmem>>, vector<16xi32>,
      tpu.vector_store %arg32[%swap3A_612], %broadcast_in_dim3A_9 {strides = array<i32>} : memref<1280xi32, #tpu.memory_space<vmem>>, vector<16xi32>,
      %swap3A_614 = arith.constant 1104 : index
      %swap3A_615 = tpu.vector_load %arg32[%swap3A_614] {strides = array<i32>} : memref<1280xi32, #tpu.memory_space<vmem>>, vector<16xi32>,
      tpu.vector_store %arg32[%swap3A_614], %broadcast_in_dim3A_9 {strides = array<i32>} : memref<1280xi32, #tpu.memory_space<vmem>>, vector<16xi32>,
      %while3A_616 = arith.constant 0 : i32
      %while3A_617 = arith.constant 0 : i32
      %while3A_618:3 = scf.while (%while3A_734 = %squeeze3A_603, %while3A_735 = %while3A_616, %while3A_736 = %while3A_617) : (i32, i32, i32) -> (i32, i32, i32) {
        %lt3A = arith.cmpi slt, %while3A_734, %squeeze3A_605 : i32
        scf.condition(%lt3A) %while3A_734, %while3A_735, %while3A_736 : i32, i32, i32
      } do {
      ^bb0(%while3A_734: i32, %while3A_735: i32, %while3A_736: i32):
        %get3A_737 = arith.index_cast %while3A_734 : i32 to index
        %get3A_738 = tpu.vector_load %arg20[%get3A_737] {strides = array<i32>} : memref<8192xf32, #tpu.memory_space<vmem>>, vector<16xf32>,
        %get3A_739 = arith.index_cast %while3A_734 : i32 to index
        %get3A_740 = tpu.vector_load %arg21[%get3A_739] {strides = array<i32>} : memref<8192xf32, #tpu.memory_space<vmem>>, vector<16xf32>,
        %get3A_741 = arith.index_cast %while3A_734 : i32 to index
        %get3A_742 = tpu.vector_load %arg22[%get3A_741] {strides = array<i32>} : memref<8192xf32, #tpu.memory_space<vmem>>, vector<16xf32>,
        %get3A_743 = arith.index_cast %while3A_734 : i32 to index
        %get3A_744 = tpu.vector_load %arg23[%get3A_743] {strides = array<i32>} : memref<8192xf32, #tpu.memory_space<vmem>>, vector<16xf32>,
        %mul3A_745 = vector.broadcast %squeeze3A_595 : f32 to vector<16xf32>
        %mul3A_746 = arith.mulf %mul3A_745, %get3A_738 : vector<16xf32>
        %mul3A_747 = vector.broadcast %squeeze3A_597 : f32 to vector<16xf32>
        %mul3A_748 = arith.mulf %mul3A_747, %get3A_740 : vector<16xf32>
        %add3A_749 = arith.addf %mul3A_746, %mul3A_748 : vector<16xf32>
        %mul3A_750 = vector.broadcast %squeeze3A_599 : f32 to vector<16xf32>
        %mul3A_751 = arith.mulf %mul3A_750, %get3A_742 : vector<16xf32>
        %add3A_752 = arith.addf %add3A_749, %mul3A_751 : vector<16xf32>
        %add3A_753 = vector.broadcast %squeeze3A_601 : f32 to vector<16xf32>
        %add3A_754 = arith.addf %add3A_753, %get3A_744 : vector<16xf32>
        %mul3A_755 = arith.constant 2.000000e+00 : f32
        %mul3A_756 = vector.broadcast %mul3A_755 : f32 to vector<16xf32>
        %mul3A_757 = arith.mulf %mul3A_756, %add3A_752 : vector<16xf32>
        %sub3A = arith.subf %add3A_754, %mul3A_757 : vector<16xf32>
        %sub3A_758 = arith.subi %squeeze3A_605, %while3A_734 : i32
        %lt3A = vector.broadcast %sub3A_758 : i32 to vector<16xi32>
        %lt3A_759 = arith.cmpi slt, %iota3A, %lt3A : vector<16xi32>
        %le3A = arith.constant 4.000000e-02 : f32
        %le3A_760 = vector.broadcast %le3A : f32 to vector<16xf32>
        %le3A_761 = arith.cmpf ole, %sub3A, %le3A_760 : vector<16xf32>
        %and3A = arith.andi %le3A_761, %lt3A_759 : vector<16xi1>
        %le3A_762 = arith.constant 1.600000e-01 : f32
        %le3A_763 = vector.broadcast %le3A_762 : f32 to vector<16xf32>
        %le3A_764 = arith.cmpf ole, %sub3A, %le3A_763 : vector<16xf32>
        %and3A_765 = arith.andi %le3A_764, %lt3A_759 : vector<16xi1>
        %get3A_766 = arith.index_cast %while3A_734 : i32 to index
        %get3A_767 = tpu.vector_load %arg17[%get3A_766] {strides = array<i32>} : memref<8192xf32, #tpu.memory_space<vmem>>, vector<16xf32>,
        %sub3A_768 = vector.broadcast %squeeze3A_589 : f32 to vector<16xf32>
        %sub3A_769 = arith.subf %get3A_767, %sub3A_768 : vector<16xf32>
        %get3A_770 = arith.index_cast %while3A_734 : i32 to index
        %get3A_771 = tpu.vector_load %arg18[%get3A_770] {strides = array<i32>} : memref<8192xf32, #tpu.memory_space<vmem>>, vector<16xf32>,
        %sub3A_772 = vector.broadcast %squeeze3A_591 : f32 to vector<16xf32>
        %sub3A_773 = arith.subf %get3A_771, %sub3A_772 : vector<16xf32>
        %get3A_774 = arith.index_cast %while3A_734 : i32 to index
        %get3A_775 = tpu.vector_load %arg19[%get3A_774] {strides = array<i32>} : memref<8192xf32, #tpu.memory_space<vmem>>, vector<16xf32>,
        %sub3A_776 = vector.broadcast %squeeze3A_593 : f32 to vector<16xf32>
        %sub3A_777 = arith.subf %get3A_775, %sub3A_776 : vector<16xf32>
        %add3A_778 = vector.broadcast %while3A_734 : i32 to vector<16xi32>
        %add3A_779 = arith.addi %add3A_778, %iota3A : vector<16xi32>
        %lt3A_780 = arith.constant 64 : i32
        %lt3A_781 = arith.cmpi slt, %while3A_735, %lt3A_780 : i32
        %and3A_782 = vector.broadcast %lt3A_781 : i1 to vector<16xi1>
        %and3A_783 = arith.andi %and3A, %and3A_782 : vector<16xi1>
        %lt3A_784 = arith.constant 64 : i32
        %lt3A_785 = arith.cmpi slt, %while3A_736, %lt3A_784 : i32
        %and3A_786 = vector.broadcast %lt3A_785 : i1 to vector<16xi1>
        %and3A_787 = arith.andi %and3A_765, %and3A_786 : vector<16xi1>
        %min3A_788 = arith.constant 64 : i32
        %min3A_789 = arith.minsi %while3A_735, %min3A_788 : i32
        %add3A_790 = arith.constant 1040 : i32
        %add3A_791 = arith.addi %add3A_790, %min3A_789 : i32
        %min3A_792 = arith.constant 64 : i32
        %min3A_793 = arith.minsi %while3A_736, %min3A_792 : i32
        %add3A_794 = arith.constant 1040 : i32
        %add3A_795 = arith.addi %add3A_794, %min3A_793 : i32
        %swap3A_796 = arith.index_cast %add3A_791 : i32 to index
        %swap3A_797 = tpu.vector_load %arg26[%swap3A_796] masked %and3A_783 {strides = array<i32>} : memref<1280xf32, #tpu.memory_space<vmem>>, vector<16xf32>, vector<16xi1>
        tpu.vector_store %arg26[%swap3A_796], %sub3A_769 masked %and3A_783 {strides = array<i32>} : memref<1280xf32, #tpu.memory_space<vmem>>, vector<16xf32>, vector<16xi1>
        %swap3A_798 = arith.index_cast %add3A_791 : i32 to index
        %swap3A_799 = tpu.vector_load %arg27[%swap3A_798] masked %and3A_783 {strides = array<i32>} : memref<1280xf32, #tpu.memory_space<vmem>>, vector<16xf32>, vector<16xi1>
        tpu.vector_store %arg27[%swap3A_798], %sub3A_773 masked %and3A_783 {strides = array<i32>} : memref<1280xf32, #tpu.memory_space<vmem>>, vector<16xf32>, vector<16xi1>
        %swap3A_800 = arith.index_cast %add3A_791 : i32 to index
        %swap3A_801 = tpu.vector_load %arg28[%swap3A_800] masked %and3A_783 {strides = array<i32>} : memref<1280xf32, #tpu.memory_space<vmem>>, vector<16xf32>, vector<16xi1>
        tpu.vector_store %arg28[%swap3A_800], %sub3A_777 masked %and3A_783 {strides = array<i32>} : memref<1280xf32, #tpu.memory_space<vmem>>, vector<16xf32>, vector<16xi1>
        %swap3A_802 = arith.index_cast %add3A_795 : i32 to index
        %swap3A_803 = tpu.vector_load %arg29[%swap3A_802] masked %and3A_787 {strides = array<i32>} : memref<1280xf32, #tpu.memory_space<vmem>>, vector<16xf32>, vector<16xi1>
        tpu.vector_store %arg29[%swap3A_802], %sub3A_769 masked %and3A_787 {strides = array<i32>} : memref<1280xf32, #tpu.memory_space<vmem>>, vector<16xf32>, vector<16xi1>
        %swap3A_804 = arith.index_cast %add3A_795 : i32 to index
        %swap3A_805 = tpu.vector_load %arg30[%swap3A_804] masked %and3A_787 {strides = array<i32>} : memref<1280xf32, #tpu.memory_space<vmem>>, vector<16xf32>, vector<16xi1>
        tpu.vector_store %arg30[%swap3A_804], %sub3A_773 masked %and3A_787 {strides = array<i32>} : memref<1280xf32, #tpu.memory_space<vmem>>, vector<16xf32>, vector<16xi1>
        %swap3A_806 = arith.index_cast %add3A_795 : i32 to index
        %swap3A_807 = tpu.vector_load %arg31[%swap3A_806] masked %and3A_787 {strides = array<i32>} : memref<1280xf32, #tpu.memory_space<vmem>>, vector<16xf32>, vector<16xi1>
        tpu.vector_store %arg31[%swap3A_806], %sub3A_777 masked %and3A_787 {strides = array<i32>} : memref<1280xf32, #tpu.memory_space<vmem>>, vector<16xf32>, vector<16xi1>
        %swap3A_808 = arith.index_cast %add3A_795 : i32 to index
        %swap3A_809 = tpu.vector_load %arg32[%swap3A_808] masked %and3A_787 {strides = array<i32>} : memref<1280xi32, #tpu.memory_space<vmem>>, vector<16xi32>, vector<16xi1>
        tpu.vector_store %arg32[%swap3A_808], %add3A_779 masked %and3A_787 {strides = array<i32>} : memref<1280xi32, #tpu.memory_space<vmem>>, vector<16xi32>, vector<16xi1>
        %all_reduce_population_count3A = tpu.all_reduce %and3A {dim = 0 : i64, kind = #tpu.reduction_kind<sum>} : vector<16xi1> -> vector<16xi32>
        %slice3A_810 = vector.extract_strided_slice %all_reduce_population_count3A {offsets = [0], sizes = [1], strides = [1]} : vector<16xi32> to vector<1xi32>
        %squeeze3A_811 = vector.extract %slice3A_810[0] : i32 from vector<1xi32>
        %all_reduce_population_count3A_812 = tpu.all_reduce %and3A_765 {dim = 0 : i64, kind = #tpu.reduction_kind<sum>} : vector<16xi1> -> vector<16xi32>
        %slice3A_813 = vector.extract_strided_slice %all_reduce_population_count3A_812 {offsets = [0], sizes = [1], strides = [1]} : vector<16xi32> to vector<1xi32>
        %squeeze3A_814 = vector.extract %slice3A_813[0] : i32 from vector<1xi32>
        %lt3A_815 = arith.constant 64 : i32
        %lt3A_816 = arith.cmpi slt, %while3A_735, %lt3A_815 : i32
        %add3A_817 = arith.addi %while3A_735, %squeeze3A_811 : i32
        %select_n3A_818 = arith.select %lt3A_816, %add3A_817, %while3A_735 : i32
        %lt3A_819 = arith.constant 64 : i32
        %lt3A_820 = arith.cmpi slt, %while3A_736, %lt3A_819 : i32
        %add3A_821 = arith.addi %while3A_736, %squeeze3A_814 : i32
        %select_n3A_822 = arith.select %lt3A_820, %add3A_821, %while3A_736 : i32
        %add3A_823 = arith.constant 16 : i32
        %add3A_824 = arith.addi %while3A_734, %add3A_823 : i32
        scf.yield %add3A_824, %select_n3A_818, %select_n3A_822 : i32, i32, i32
      }
      %eq3A_619 = arith.constant 13 : i32
      %eq3A_620 = vector.broadcast %eq3A_619 : i32 to vector<16xi32>
      %eq3A_621 = arith.cmpi eq, %iota3A, %eq3A_620 : vector<16xi32>
      %min3A_622 = arith.constant 64 : i32
      %min3A_623 = arith.minsi %while3A_618#1, %min3A_622 : i32
      %broadcast_in_dim3A_624 = vector.broadcast %min3A_623 : i32 to vector<16xi32>
      %select_n3A_625 = arith.select %eq3A_621, %broadcast_in_dim3A_624, %select_n3A_583 : vector<16xi1>, vector<16xi32>
      %min3A_626 = arith.constant 64 : i32
      %min3A_627 = arith.minsi %while3A_618#2, %min3A_626 : i32
      %broadcast_in_dim3A_628 = vector.broadcast %min3A_627 : i32 to vector<16xi32>
      %select_n3A_629 = arith.select %eq3A_621, %broadcast_in_dim3A_628, %select_n3A_587 : vector<16xi1>, vector<16xi32>
      %slice3A_630 = vector.extract_strided_slice %get3A_22 {offsets = [14], sizes = [1], strides = [1]} : vector<16xf32> to vector<1xf32>
      %squeeze3A_631 = vector.extract %slice3A_630[0] : f32 from vector<1xf32>
      %slice3A_632 = vector.extract_strided_slice %get3A_25 {offsets = [14], sizes = [1], strides = [1]} : vector<16xf32> to vector<1xf32>
      %squeeze3A_633 = vector.extract %slice3A_632[0] : f32 from vector<1xf32>
      %slice3A_634 = vector.extract_strided_slice %get3A_28 {offsets = [14], sizes = [1], strides = [1]} : vector<16xf32> to vector<1xf32>
      %squeeze3A_635 = vector.extract %slice3A_634[0] : f32 from vector<1xf32>
      %slice3A_636 = vector.extract_strided_slice %get3A_31 {offsets = [14], sizes = [1], strides = [1]} : vector<16xf32> to vector<1xf32>
      %squeeze3A_637 = vector.extract %slice3A_636[0] : f32 from vector<1xf32>
      %slice3A_638 = vector.extract_strided_slice %get3A_34 {offsets = [14], sizes = [1], strides = [1]} : vector<16xf32> to vector<1xf32>
      %squeeze3A_639 = vector.extract %slice3A_638[0] : f32 from vector<1xf32>
      %slice3A_640 = vector.extract_strided_slice %get3A_37 {offsets = [14], sizes = [1], strides = [1]} : vector<16xf32> to vector<1xf32>
      %squeeze3A_641 = vector.extract %slice3A_640[0] : f32 from vector<1xf32>
      %slice3A_642 = vector.extract_strided_slice %get3A_40 {offsets = [14], sizes = [1], strides = [1]} : vector<16xf32> to vector<1xf32>
      %squeeze3A_643 = vector.extract %slice3A_642[0] : f32 from vector<1xf32>
      %slice3A_644 = vector.extract_strided_slice %get3A_42 {offsets = [14], sizes = [1], strides = [1]} : vector<16xi32> to vector<1xi32>
      %squeeze3A_645 = vector.extract %slice3A_644[0] : i32 from vector<1xi32>
      %slice3A_646 = vector.extract_strided_slice %get3A_44 {offsets = [14], sizes = [1], strides = [1]} : vector<16xi32> to vector<1xi32>
      %squeeze3A_647 = vector.extract %slice3A_646[0] : i32 from vector<1xi32>
      %swap3A_648 = arith.constant 1120 : index
      %swap3A_649 = tpu.vector_load %arg32[%swap3A_648] {strides = array<i32>} : memref<1280xi32, #tpu.memory_space<vmem>>, vector<16xi32>,
      tpu.vector_store %arg32[%swap3A_648], %broadcast_in_dim3A_9 {strides = array<i32>} : memref<1280xi32, #tpu.memory_space<vmem>>, vector<16xi32>,
      %swap3A_650 = arith.constant 1136 : index
      %swap3A_651 = tpu.vector_load %arg32[%swap3A_650] {strides = array<i32>} : memref<1280xi32, #tpu.memory_space<vmem>>, vector<16xi32>,
      tpu.vector_store %arg32[%swap3A_650], %broadcast_in_dim3A_9 {strides = array<i32>} : memref<1280xi32, #tpu.memory_space<vmem>>, vector<16xi32>,
      %swap3A_652 = arith.constant 1152 : index
      %swap3A_653 = tpu.vector_load %arg32[%swap3A_652] {strides = array<i32>} : memref<1280xi32, #tpu.memory_space<vmem>>, vector<16xi32>,
      tpu.vector_store %arg32[%swap3A_652], %broadcast_in_dim3A_9 {strides = array<i32>} : memref<1280xi32, #tpu.memory_space<vmem>>, vector<16xi32>,
      %swap3A_654 = arith.constant 1168 : index
      %swap3A_655 = tpu.vector_load %arg32[%swap3A_654] {strides = array<i32>} : memref<1280xi32, #tpu.memory_space<vmem>>, vector<16xi32>,
      tpu.vector_store %arg32[%swap3A_654], %broadcast_in_dim3A_9 {strides = array<i32>} : memref<1280xi32, #tpu.memory_space<vmem>>, vector<16xi32>,
      %swap3A_656 = arith.constant 1184 : index
      %swap3A_657 = tpu.vector_load %arg32[%swap3A_656] {strides = array<i32>} : memref<1280xi32, #tpu.memory_space<vmem>>, vector<16xi32>,
      tpu.vector_store %arg32[%swap3A_656], %broadcast_in_dim3A_9 {strides = array<i32>} : memref<1280xi32, #tpu.memory_space<vmem>>, vector<16xi32>,
      %while3A_658 = arith.constant 0 : i32
      %while3A_659 = arith.constant 0 : i32
      %while3A_660:3 = scf.while (%while3A_734 = %squeeze3A_645, %while3A_735 = %while3A_658, %while3A_736 = %while3A_659) : (i32, i32, i32) -> (i32, i32, i32) {
        %lt3A = arith.cmpi slt, %while3A_734, %squeeze3A_647 : i32
        scf.condition(%lt3A) %while3A_734, %while3A_735, %while3A_736 : i32, i32, i32
      } do {
      ^bb0(%while3A_734: i32, %while3A_735: i32, %while3A_736: i32):
        %get3A_737 = arith.index_cast %while3A_734 : i32 to index
        %get3A_738 = tpu.vector_load %arg20[%get3A_737] {strides = array<i32>} : memref<8192xf32, #tpu.memory_space<vmem>>, vector<16xf32>,
        %get3A_739 = arith.index_cast %while3A_734 : i32 to index
        %get3A_740 = tpu.vector_load %arg21[%get3A_739] {strides = array<i32>} : memref<8192xf32, #tpu.memory_space<vmem>>, vector<16xf32>,
        %get3A_741 = arith.index_cast %while3A_734 : i32 to index
        %get3A_742 = tpu.vector_load %arg22[%get3A_741] {strides = array<i32>} : memref<8192xf32, #tpu.memory_space<vmem>>, vector<16xf32>,
        %get3A_743 = arith.index_cast %while3A_734 : i32 to index
        %get3A_744 = tpu.vector_load %arg23[%get3A_743] {strides = array<i32>} : memref<8192xf32, #tpu.memory_space<vmem>>, vector<16xf32>,
        %mul3A_745 = vector.broadcast %squeeze3A_637 : f32 to vector<16xf32>
        %mul3A_746 = arith.mulf %mul3A_745, %get3A_738 : vector<16xf32>
        %mul3A_747 = vector.broadcast %squeeze3A_639 : f32 to vector<16xf32>
        %mul3A_748 = arith.mulf %mul3A_747, %get3A_740 : vector<16xf32>
        %add3A_749 = arith.addf %mul3A_746, %mul3A_748 : vector<16xf32>
        %mul3A_750 = vector.broadcast %squeeze3A_641 : f32 to vector<16xf32>
        %mul3A_751 = arith.mulf %mul3A_750, %get3A_742 : vector<16xf32>
        %add3A_752 = arith.addf %add3A_749, %mul3A_751 : vector<16xf32>
        %add3A_753 = vector.broadcast %squeeze3A_643 : f32 to vector<16xf32>
        %add3A_754 = arith.addf %add3A_753, %get3A_744 : vector<16xf32>
        %mul3A_755 = arith.constant 2.000000e+00 : f32
        %mul3A_756 = vector.broadcast %mul3A_755 : f32 to vector<16xf32>
        %mul3A_757 = arith.mulf %mul3A_756, %add3A_752 : vector<16xf32>
        %sub3A = arith.subf %add3A_754, %mul3A_757 : vector<16xf32>
        %sub3A_758 = arith.subi %squeeze3A_647, %while3A_734 : i32
        %lt3A = vector.broadcast %sub3A_758 : i32 to vector<16xi32>
        %lt3A_759 = arith.cmpi slt, %iota3A, %lt3A : vector<16xi32>
        %le3A = arith.constant 4.000000e-02 : f32
        %le3A_760 = vector.broadcast %le3A : f32 to vector<16xf32>
        %le3A_761 = arith.cmpf ole, %sub3A, %le3A_760 : vector<16xf32>
        %and3A = arith.andi %le3A_761, %lt3A_759 : vector<16xi1>
        %le3A_762 = arith.constant 1.600000e-01 : f32
        %le3A_763 = vector.broadcast %le3A_762 : f32 to vector<16xf32>
        %le3A_764 = arith.cmpf ole, %sub3A, %le3A_763 : vector<16xf32>
        %and3A_765 = arith.andi %le3A_764, %lt3A_759 : vector<16xi1>
        %get3A_766 = arith.index_cast %while3A_734 : i32 to index
        %get3A_767 = tpu.vector_load %arg17[%get3A_766] {strides = array<i32>} : memref<8192xf32, #tpu.memory_space<vmem>>, vector<16xf32>,
        %sub3A_768 = vector.broadcast %squeeze3A_631 : f32 to vector<16xf32>
        %sub3A_769 = arith.subf %get3A_767, %sub3A_768 : vector<16xf32>
        %get3A_770 = arith.index_cast %while3A_734 : i32 to index
        %get3A_771 = tpu.vector_load %arg18[%get3A_770] {strides = array<i32>} : memref<8192xf32, #tpu.memory_space<vmem>>, vector<16xf32>,
        %sub3A_772 = vector.broadcast %squeeze3A_633 : f32 to vector<16xf32>
        %sub3A_773 = arith.subf %get3A_771, %sub3A_772 : vector<16xf32>
        %get3A_774 = arith.index_cast %while3A_734 : i32 to index
        %get3A_775 = tpu.vector_load %arg19[%get3A_774] {strides = array<i32>} : memref<8192xf32, #tpu.memory_space<vmem>>, vector<16xf32>,
        %sub3A_776 = vector.broadcast %squeeze3A_635 : f32 to vector<16xf32>
        %sub3A_777 = arith.subf %get3A_775, %sub3A_776 : vector<16xf32>
        %add3A_778 = vector.broadcast %while3A_734 : i32 to vector<16xi32>
        %add3A_779 = arith.addi %add3A_778, %iota3A : vector<16xi32>
        %lt3A_780 = arith.constant 64 : i32
        %lt3A_781 = arith.cmpi slt, %while3A_735, %lt3A_780 : i32
        %and3A_782 = vector.broadcast %lt3A_781 : i1 to vector<16xi1>
        %and3A_783 = arith.andi %and3A, %and3A_782 : vector<16xi1>
        %lt3A_784 = arith.constant 64 : i32
        %lt3A_785 = arith.cmpi slt, %while3A_736, %lt3A_784 : i32
        %and3A_786 = vector.broadcast %lt3A_785 : i1 to vector<16xi1>
        %and3A_787 = arith.andi %and3A_765, %and3A_786 : vector<16xi1>
        %min3A_788 = arith.constant 64 : i32
        %min3A_789 = arith.minsi %while3A_735, %min3A_788 : i32
        %add3A_790 = arith.constant 1120 : i32
        %add3A_791 = arith.addi %add3A_790, %min3A_789 : i32
        %min3A_792 = arith.constant 64 : i32
        %min3A_793 = arith.minsi %while3A_736, %min3A_792 : i32
        %add3A_794 = arith.constant 1120 : i32
        %add3A_795 = arith.addi %add3A_794, %min3A_793 : i32
        %swap3A_796 = arith.index_cast %add3A_791 : i32 to index
        %swap3A_797 = tpu.vector_load %arg26[%swap3A_796] masked %and3A_783 {strides = array<i32>} : memref<1280xf32, #tpu.memory_space<vmem>>, vector<16xf32>, vector<16xi1>
        tpu.vector_store %arg26[%swap3A_796], %sub3A_769 masked %and3A_783 {strides = array<i32>} : memref<1280xf32, #tpu.memory_space<vmem>>, vector<16xf32>, vector<16xi1>
        %swap3A_798 = arith.index_cast %add3A_791 : i32 to index
        %swap3A_799 = tpu.vector_load %arg27[%swap3A_798] masked %and3A_783 {strides = array<i32>} : memref<1280xf32, #tpu.memory_space<vmem>>, vector<16xf32>, vector<16xi1>
        tpu.vector_store %arg27[%swap3A_798], %sub3A_773 masked %and3A_783 {strides = array<i32>} : memref<1280xf32, #tpu.memory_space<vmem>>, vector<16xf32>, vector<16xi1>
        %swap3A_800 = arith.index_cast %add3A_791 : i32 to index
        %swap3A_801 = tpu.vector_load %arg28[%swap3A_800] masked %and3A_783 {strides = array<i32>} : memref<1280xf32, #tpu.memory_space<vmem>>, vector<16xf32>, vector<16xi1>
        tpu.vector_store %arg28[%swap3A_800], %sub3A_777 masked %and3A_783 {strides = array<i32>} : memref<1280xf32, #tpu.memory_space<vmem>>, vector<16xf32>, vector<16xi1>
        %swap3A_802 = arith.index_cast %add3A_795 : i32 to index
        %swap3A_803 = tpu.vector_load %arg29[%swap3A_802] masked %and3A_787 {strides = array<i32>} : memref<1280xf32, #tpu.memory_space<vmem>>, vector<16xf32>, vector<16xi1>
        tpu.vector_store %arg29[%swap3A_802], %sub3A_769 masked %and3A_787 {strides = array<i32>} : memref<1280xf32, #tpu.memory_space<vmem>>, vector<16xf32>, vector<16xi1>
        %swap3A_804 = arith.index_cast %add3A_795 : i32 to index
        %swap3A_805 = tpu.vector_load %arg30[%swap3A_804] masked %and3A_787 {strides = array<i32>} : memref<1280xf32, #tpu.memory_space<vmem>>, vector<16xf32>, vector<16xi1>
        tpu.vector_store %arg30[%swap3A_804], %sub3A_773 masked %and3A_787 {strides = array<i32>} : memref<1280xf32, #tpu.memory_space<vmem>>, vector<16xf32>, vector<16xi1>
        %swap3A_806 = arith.index_cast %add3A_795 : i32 to index
        %swap3A_807 = tpu.vector_load %arg31[%swap3A_806] masked %and3A_787 {strides = array<i32>} : memref<1280xf32, #tpu.memory_space<vmem>>, vector<16xf32>, vector<16xi1>
        tpu.vector_store %arg31[%swap3A_806], %sub3A_777 masked %and3A_787 {strides = array<i32>} : memref<1280xf32, #tpu.memory_space<vmem>>, vector<16xf32>, vector<16xi1>
        %swap3A_808 = arith.index_cast %add3A_795 : i32 to index
        %swap3A_809 = tpu.vector_load %arg32[%swap3A_808] masked %and3A_787 {strides = array<i32>} : memref<1280xi32, #tpu.memory_space<vmem>>, vector<16xi32>, vector<16xi1>
        tpu.vector_store %arg32[%swap3A_808], %add3A_779 masked %and3A_787 {strides = array<i32>} : memref<1280xi32, #tpu.memory_space<vmem>>, vector<16xi32>, vector<16xi1>
        %all_reduce_population_count3A = tpu.all_reduce %and3A {dim = 0 : i64, kind = #tpu.reduction_kind<sum>} : vector<16xi1> -> vector<16xi32>
        %slice3A_810 = vector.extract_strided_slice %all_reduce_population_count3A {offsets = [0], sizes = [1], strides = [1]} : vector<16xi32> to vector<1xi32>
        %squeeze3A_811 = vector.extract %slice3A_810[0] : i32 from vector<1xi32>
        %all_reduce_population_count3A_812 = tpu.all_reduce %and3A_765 {dim = 0 : i64, kind = #tpu.reduction_kind<sum>} : vector<16xi1> -> vector<16xi32>
        %slice3A_813 = vector.extract_strided_slice %all_reduce_population_count3A_812 {offsets = [0], sizes = [1], strides = [1]} : vector<16xi32> to vector<1xi32>
        %squeeze3A_814 = vector.extract %slice3A_813[0] : i32 from vector<1xi32>
        %lt3A_815 = arith.constant 64 : i32
        %lt3A_816 = arith.cmpi slt, %while3A_735, %lt3A_815 : i32
        %add3A_817 = arith.addi %while3A_735, %squeeze3A_811 : i32
        %select_n3A_818 = arith.select %lt3A_816, %add3A_817, %while3A_735 : i32
        %lt3A_819 = arith.constant 64 : i32
        %lt3A_820 = arith.cmpi slt, %while3A_736, %lt3A_819 : i32
        %add3A_821 = arith.addi %while3A_736, %squeeze3A_814 : i32
        %select_n3A_822 = arith.select %lt3A_820, %add3A_821, %while3A_736 : i32
        %add3A_823 = arith.constant 16 : i32
        %add3A_824 = arith.addi %while3A_734, %add3A_823 : i32
        scf.yield %add3A_824, %select_n3A_818, %select_n3A_822 : i32, i32, i32
      }
      %eq3A_661 = arith.constant 14 : i32
      %eq3A_662 = vector.broadcast %eq3A_661 : i32 to vector<16xi32>
      %eq3A_663 = arith.cmpi eq, %iota3A, %eq3A_662 : vector<16xi32>
      %min3A_664 = arith.constant 64 : i32
      %min3A_665 = arith.minsi %while3A_660#1, %min3A_664 : i32
      %broadcast_in_dim3A_666 = vector.broadcast %min3A_665 : i32 to vector<16xi32>
      %select_n3A_667 = arith.select %eq3A_663, %broadcast_in_dim3A_666, %select_n3A_625 : vector<16xi1>, vector<16xi32>
      %min3A_668 = arith.constant 64 : i32
      %min3A_669 = arith.minsi %while3A_660#2, %min3A_668 : i32
      %broadcast_in_dim3A_670 = vector.broadcast %min3A_669 : i32 to vector<16xi32>
      %select_n3A_671 = arith.select %eq3A_663, %broadcast_in_dim3A_670, %select_n3A_629 : vector<16xi1>, vector<16xi32>
      %slice3A_672 = vector.extract_strided_slice %get3A_22 {offsets = [15], sizes = [1], strides = [1]} : vector<16xf32> to vector<1xf32>
      %squeeze3A_673 = vector.extract %slice3A_672[0] : f32 from vector<1xf32>
      %slice3A_674 = vector.extract_strided_slice %get3A_25 {offsets = [15], sizes = [1], strides = [1]} : vector<16xf32> to vector<1xf32>
      %squeeze3A_675 = vector.extract %slice3A_674[0] : f32 from vector<1xf32>
      %slice3A_676 = vector.extract_strided_slice %get3A_28 {offsets = [15], sizes = [1], strides = [1]} : vector<16xf32> to vector<1xf32>
      %squeeze3A_677 = vector.extract %slice3A_676[0] : f32 from vector<1xf32>
      %slice3A_678 = vector.extract_strided_slice %get3A_31 {offsets = [15], sizes = [1], strides = [1]} : vector<16xf32> to vector<1xf32>
      %squeeze3A_679 = vector.extract %slice3A_678[0] : f32 from vector<1xf32>
      %slice3A_680 = vector.extract_strided_slice %get3A_34 {offsets = [15], sizes = [1], strides = [1]} : vector<16xf32> to vector<1xf32>
      %squeeze3A_681 = vector.extract %slice3A_680[0] : f32 from vector<1xf32>
      %slice3A_682 = vector.extract_strided_slice %get3A_37 {offsets = [15], sizes = [1], strides = [1]} : vector<16xf32> to vector<1xf32>
      %squeeze3A_683 = vector.extract %slice3A_682[0] : f32 from vector<1xf32>
      %slice3A_684 = vector.extract_strided_slice %get3A_40 {offsets = [15], sizes = [1], strides = [1]} : vector<16xf32> to vector<1xf32>
      %squeeze3A_685 = vector.extract %slice3A_684[0] : f32 from vector<1xf32>
      %slice3A_686 = vector.extract_strided_slice %get3A_42 {offsets = [15], sizes = [1], strides = [1]} : vector<16xi32> to vector<1xi32>
      %squeeze3A_687 = vector.extract %slice3A_686[0] : i32 from vector<1xi32>
      %slice3A_688 = vector.extract_strided_slice %get3A_44 {offsets = [15], sizes = [1], strides = [1]} : vector<16xi32> to vector<1xi32>
      %squeeze3A_689 = vector.extract %slice3A_688[0] : i32 from vector<1xi32>
      %swap3A_690 = arith.constant 1200 : index
      %swap3A_691 = tpu.vector_load %arg32[%swap3A_690] {strides = array<i32>} : memref<1280xi32, #tpu.memory_space<vmem>>, vector<16xi32>,
      tpu.vector_store %arg32[%swap3A_690], %broadcast_in_dim3A_9 {strides = array<i32>} : memref<1280xi32, #tpu.memory_space<vmem>>, vector<16xi32>,
      %swap3A_692 = arith.constant 1216 : index
      %swap3A_693 = tpu.vector_load %arg32[%swap3A_692] {strides = array<i32>} : memref<1280xi32, #tpu.memory_space<vmem>>, vector<16xi32>,
      tpu.vector_store %arg32[%swap3A_692], %broadcast_in_dim3A_9 {strides = array<i32>} : memref<1280xi32, #tpu.memory_space<vmem>>, vector<16xi32>,
      %swap3A_694 = arith.constant 1232 : index
      %swap3A_695 = tpu.vector_load %arg32[%swap3A_694] {strides = array<i32>} : memref<1280xi32, #tpu.memory_space<vmem>>, vector<16xi32>,
      tpu.vector_store %arg32[%swap3A_694], %broadcast_in_dim3A_9 {strides = array<i32>} : memref<1280xi32, #tpu.memory_space<vmem>>, vector<16xi32>,
      %swap3A_696 = arith.constant 1248 : index
      %swap3A_697 = tpu.vector_load %arg32[%swap3A_696] {strides = array<i32>} : memref<1280xi32, #tpu.memory_space<vmem>>, vector<16xi32>,
      tpu.vector_store %arg32[%swap3A_696], %broadcast_in_dim3A_9 {strides = array<i32>} : memref<1280xi32, #tpu.memory_space<vmem>>, vector<16xi32>,
      %swap3A_698 = arith.constant 1264 : index
      %swap3A_699 = tpu.vector_load %arg32[%swap3A_698] {strides = array<i32>} : memref<1280xi32, #tpu.memory_space<vmem>>, vector<16xi32>,
      tpu.vector_store %arg32[%swap3A_698], %broadcast_in_dim3A_9 {strides = array<i32>} : memref<1280xi32, #tpu.memory_space<vmem>>, vector<16xi32>,
      %while3A_700 = arith.constant 0 : i32
      %while3A_701 = arith.constant 0 : i32
      %while3A_702:3 = scf.while (%while3A_734 = %squeeze3A_687, %while3A_735 = %while3A_700, %while3A_736 = %while3A_701) : (i32, i32, i32) -> (i32, i32, i32) {
        %lt3A = arith.cmpi slt, %while3A_734, %squeeze3A_689 : i32
        scf.condition(%lt3A) %while3A_734, %while3A_735, %while3A_736 : i32, i32, i32
      } do {
      ^bb0(%while3A_734: i32, %while3A_735: i32, %while3A_736: i32):
        %get3A_737 = arith.index_cast %while3A_734 : i32 to index
        %get3A_738 = tpu.vector_load %arg20[%get3A_737] {strides = array<i32>} : memref<8192xf32, #tpu.memory_space<vmem>>, vector<16xf32>,
        %get3A_739 = arith.index_cast %while3A_734 : i32 to index
        %get3A_740 = tpu.vector_load %arg21[%get3A_739] {strides = array<i32>} : memref<8192xf32, #tpu.memory_space<vmem>>, vector<16xf32>,
        %get3A_741 = arith.index_cast %while3A_734 : i32 to index
        %get3A_742 = tpu.vector_load %arg22[%get3A_741] {strides = array<i32>} : memref<8192xf32, #tpu.memory_space<vmem>>, vector<16xf32>,
        %get3A_743 = arith.index_cast %while3A_734 : i32 to index
        %get3A_744 = tpu.vector_load %arg23[%get3A_743] {strides = array<i32>} : memref<8192xf32, #tpu.memory_space<vmem>>, vector<16xf32>,
        %mul3A_745 = vector.broadcast %squeeze3A_679 : f32 to vector<16xf32>
        %mul3A_746 = arith.mulf %mul3A_745, %get3A_738 : vector<16xf32>
        %mul3A_747 = vector.broadcast %squeeze3A_681 : f32 to vector<16xf32>
        %mul3A_748 = arith.mulf %mul3A_747, %get3A_740 : vector<16xf32>
        %add3A_749 = arith.addf %mul3A_746, %mul3A_748 : vector<16xf32>
        %mul3A_750 = vector.broadcast %squeeze3A_683 : f32 to vector<16xf32>
        %mul3A_751 = arith.mulf %mul3A_750, %get3A_742 : vector<16xf32>
        %add3A_752 = arith.addf %add3A_749, %mul3A_751 : vector<16xf32>
        %add3A_753 = vector.broadcast %squeeze3A_685 : f32 to vector<16xf32>
        %add3A_754 = arith.addf %add3A_753, %get3A_744 : vector<16xf32>
        %mul3A_755 = arith.constant 2.000000e+00 : f32
        %mul3A_756 = vector.broadcast %mul3A_755 : f32 to vector<16xf32>
        %mul3A_757 = arith.mulf %mul3A_756, %add3A_752 : vector<16xf32>
        %sub3A = arith.subf %add3A_754, %mul3A_757 : vector<16xf32>
        %sub3A_758 = arith.subi %squeeze3A_689, %while3A_734 : i32
        %lt3A = vector.broadcast %sub3A_758 : i32 to vector<16xi32>
        %lt3A_759 = arith.cmpi slt, %iota3A, %lt3A : vector<16xi32>
        %le3A = arith.constant 4.000000e-02 : f32
        %le3A_760 = vector.broadcast %le3A : f32 to vector<16xf32>
        %le3A_761 = arith.cmpf ole, %sub3A, %le3A_760 : vector<16xf32>
        %and3A = arith.andi %le3A_761, %lt3A_759 : vector<16xi1>
        %le3A_762 = arith.constant 1.600000e-01 : f32
        %le3A_763 = vector.broadcast %le3A_762 : f32 to vector<16xf32>
        %le3A_764 = arith.cmpf ole, %sub3A, %le3A_763 : vector<16xf32>
        %and3A_765 = arith.andi %le3A_764, %lt3A_759 : vector<16xi1>
        %get3A_766 = arith.index_cast %while3A_734 : i32 to index
        %get3A_767 = tpu.vector_load %arg17[%get3A_766] {strides = array<i32>} : memref<8192xf32, #tpu.memory_space<vmem>>, vector<16xf32>,
        %sub3A_768 = vector.broadcast %squeeze3A_673 : f32 to vector<16xf32>
        %sub3A_769 = arith.subf %get3A_767, %sub3A_768 : vector<16xf32>
        %get3A_770 = arith.index_cast %while3A_734 : i32 to index
        %get3A_771 = tpu.vector_load %arg18[%get3A_770] {strides = array<i32>} : memref<8192xf32, #tpu.memory_space<vmem>>, vector<16xf32>,
        %sub3A_772 = vector.broadcast %squeeze3A_675 : f32 to vector<16xf32>
        %sub3A_773 = arith.subf %get3A_771, %sub3A_772 : vector<16xf32>
        %get3A_774 = arith.index_cast %while3A_734 : i32 to index
        %get3A_775 = tpu.vector_load %arg19[%get3A_774] {strides = array<i32>} : memref<8192xf32, #tpu.memory_space<vmem>>, vector<16xf32>,
        %sub3A_776 = vector.broadcast %squeeze3A_677 : f32 to vector<16xf32>
        %sub3A_777 = arith.subf %get3A_775, %sub3A_776 : vector<16xf32>
        %add3A_778 = vector.broadcast %while3A_734 : i32 to vector<16xi32>
        %add3A_779 = arith.addi %add3A_778, %iota3A : vector<16xi32>
        %lt3A_780 = arith.constant 64 : i32
        %lt3A_781 = arith.cmpi slt, %while3A_735, %lt3A_780 : i32
        %and3A_782 = vector.broadcast %lt3A_781 : i1 to vector<16xi1>
        %and3A_783 = arith.andi %and3A, %and3A_782 : vector<16xi1>
        %lt3A_784 = arith.constant 64 : i32
        %lt3A_785 = arith.cmpi slt, %while3A_736, %lt3A_784 : i32
        %and3A_786 = vector.broadcast %lt3A_785 : i1 to vector<16xi1>
        %and3A_787 = arith.andi %and3A_765, %and3A_786 : vector<16xi1>
        %min3A_788 = arith.constant 64 : i32
        %min3A_789 = arith.minsi %while3A_735, %min3A_788 : i32
        %add3A_790 = arith.constant 1200 : i32
        %add3A_791 = arith.addi %add3A_790, %min3A_789 : i32
        %min3A_792 = arith.constant 64 : i32
        %min3A_793 = arith.minsi %while3A_736, %min3A_792 : i32
        %add3A_794 = arith.constant 1200 : i32
        %add3A_795 = arith.addi %add3A_794, %min3A_793 : i32
        %swap3A_796 = arith.index_cast %add3A_791 : i32 to index
        %swap3A_797 = tpu.vector_load %arg26[%swap3A_796] masked %and3A_783 {strides = array<i32>} : memref<1280xf32, #tpu.memory_space<vmem>>, vector<16xf32>, vector<16xi1>
        tpu.vector_store %arg26[%swap3A_796], %sub3A_769 masked %and3A_783 {strides = array<i32>} : memref<1280xf32, #tpu.memory_space<vmem>>, vector<16xf32>, vector<16xi1>
        %swap3A_798 = arith.index_cast %add3A_791 : i32 to index
        %swap3A_799 = tpu.vector_load %arg27[%swap3A_798] masked %and3A_783 {strides = array<i32>} : memref<1280xf32, #tpu.memory_space<vmem>>, vector<16xf32>, vector<16xi1>
        tpu.vector_store %arg27[%swap3A_798], %sub3A_773 masked %and3A_783 {strides = array<i32>} : memref<1280xf32, #tpu.memory_space<vmem>>, vector<16xf32>, vector<16xi1>
        %swap3A_800 = arith.index_cast %add3A_791 : i32 to index
        %swap3A_801 = tpu.vector_load %arg28[%swap3A_800] masked %and3A_783 {strides = array<i32>} : memref<1280xf32, #tpu.memory_space<vmem>>, vector<16xf32>, vector<16xi1>
        tpu.vector_store %arg28[%swap3A_800], %sub3A_777 masked %and3A_783 {strides = array<i32>} : memref<1280xf32, #tpu.memory_space<vmem>>, vector<16xf32>, vector<16xi1>
        %swap3A_802 = arith.index_cast %add3A_795 : i32 to index
        %swap3A_803 = tpu.vector_load %arg29[%swap3A_802] masked %and3A_787 {strides = array<i32>} : memref<1280xf32, #tpu.memory_space<vmem>>, vector<16xf32>, vector<16xi1>
        tpu.vector_store %arg29[%swap3A_802], %sub3A_769 masked %and3A_787 {strides = array<i32>} : memref<1280xf32, #tpu.memory_space<vmem>>, vector<16xf32>, vector<16xi1>
        %swap3A_804 = arith.index_cast %add3A_795 : i32 to index
        %swap3A_805 = tpu.vector_load %arg30[%swap3A_804] masked %and3A_787 {strides = array<i32>} : memref<1280xf32, #tpu.memory_space<vmem>>, vector<16xf32>, vector<16xi1>
        tpu.vector_store %arg30[%swap3A_804], %sub3A_773 masked %and3A_787 {strides = array<i32>} : memref<1280xf32, #tpu.memory_space<vmem>>, vector<16xf32>, vector<16xi1>
        %swap3A_806 = arith.index_cast %add3A_795 : i32 to index
        %swap3A_807 = tpu.vector_load %arg31[%swap3A_806] masked %and3A_787 {strides = array<i32>} : memref<1280xf32, #tpu.memory_space<vmem>>, vector<16xf32>, vector<16xi1>
        tpu.vector_store %arg31[%swap3A_806], %sub3A_777 masked %and3A_787 {strides = array<i32>} : memref<1280xf32, #tpu.memory_space<vmem>>, vector<16xf32>, vector<16xi1>
        %swap3A_808 = arith.index_cast %add3A_795 : i32 to index
        %swap3A_809 = tpu.vector_load %arg32[%swap3A_808] masked %and3A_787 {strides = array<i32>} : memref<1280xi32, #tpu.memory_space<vmem>>, vector<16xi32>, vector<16xi1>
        tpu.vector_store %arg32[%swap3A_808], %add3A_779 masked %and3A_787 {strides = array<i32>} : memref<1280xi32, #tpu.memory_space<vmem>>, vector<16xi32>, vector<16xi1>
        %all_reduce_population_count3A = tpu.all_reduce %and3A {dim = 0 : i64, kind = #tpu.reduction_kind<sum>} : vector<16xi1> -> vector<16xi32>
        %slice3A_810 = vector.extract_strided_slice %all_reduce_population_count3A {offsets = [0], sizes = [1], strides = [1]} : vector<16xi32> to vector<1xi32>
        %squeeze3A_811 = vector.extract %slice3A_810[0] : i32 from vector<1xi32>
        %all_reduce_population_count3A_812 = tpu.all_reduce %and3A_765 {dim = 0 : i64, kind = #tpu.reduction_kind<sum>} : vector<16xi1> -> vector<16xi32>
        %slice3A_813 = vector.extract_strided_slice %all_reduce_population_count3A_812 {offsets = [0], sizes = [1], strides = [1]} : vector<16xi32> to vector<1xi32>
        %squeeze3A_814 = vector.extract %slice3A_813[0] : i32 from vector<1xi32>
        %lt3A_815 = arith.constant 64 : i32
        %lt3A_816 = arith.cmpi slt, %while3A_735, %lt3A_815 : i32
        %add3A_817 = arith.addi %while3A_735, %squeeze3A_811 : i32
        %select_n3A_818 = arith.select %lt3A_816, %add3A_817, %while3A_735 : i32
        %lt3A_819 = arith.constant 64 : i32
        %lt3A_820 = arith.cmpi slt, %while3A_736, %lt3A_819 : i32
        %add3A_821 = arith.addi %while3A_736, %squeeze3A_814 : i32
        %select_n3A_822 = arith.select %lt3A_820, %add3A_821, %while3A_736 : i32
        %add3A_823 = arith.constant 16 : i32
        %add3A_824 = arith.addi %while3A_734, %add3A_823 : i32
        scf.yield %add3A_824, %select_n3A_818, %select_n3A_822 : i32, i32, i32
      }
      %eq3A_703 = arith.constant 15 : i32
      %eq3A_704 = vector.broadcast %eq3A_703 : i32 to vector<16xi32>
      %eq3A_705 = arith.cmpi eq, %iota3A, %eq3A_704 : vector<16xi32>
      %min3A_706 = arith.constant 64 : i32
      %min3A_707 = arith.minsi %while3A_702#1, %min3A_706 : i32
      %broadcast_in_dim3A_708 = vector.broadcast %min3A_707 : i32 to vector<16xi32>
      %select_n3A_709 = arith.select %eq3A_705, %broadcast_in_dim3A_708, %select_n3A_667 : vector<16xi1>, vector<16xi32>
      %min3A_710 = arith.constant 64 : i32
      %min3A_711 = arith.minsi %while3A_702#2, %min3A_710 : i32
      %broadcast_in_dim3A_712 = vector.broadcast %min3A_711 : i32 to vector<16xi32>
      %select_n3A_713 = arith.select %eq3A_705, %broadcast_in_dim3A_712, %select_n3A_671 : vector<16xi1>, vector<16xi32>
      %swap3A_714 = arith.constant 0 : index
      %swap3A_715 = tpu.vector_load %arg33[%swap3A_714] {strides = array<i32>} : memref<16xi32, #tpu.memory_space<vmem>>, vector<16xi32>,
      tpu.vector_store %arg33[%swap3A_714], %select_n3A_709 {strides = array<i32>} : memref<16xi32, #tpu.memory_space<vmem>>, vector<16xi32>,
      %swap3A_716 = arith.constant 0 : index
      %swap3A_717 = tpu.vector_load %arg34[%swap3A_716] {strides = array<i32>} : memref<16xi32, #tpu.memory_space<vmem>>, vector<16xi32>,
      tpu.vector_store %arg34[%swap3A_716], %select_n3A_713 {strides = array<i32>} : memref<16xi32, #tpu.memory_space<vmem>>, vector<16xi32>,
      %add3A_718 = arith.addi %mul3A_2, %mul3A_20 : i32
      %mul3A_719 = arith.constant 80 : i32
      %mul3A_720 = arith.muli %add3A_718, %mul3A_719 : i32
      "tpu.region"() ({
        %run_scoped3A = tpu.sem_alloc : memref<!tpu.dma_semaphore, #tpu.memory_space<semaphore_mem>>
        %dma_start3A = tpu.memref_slice %arg8[%mul3A_720] : memref<655360xf32, #tpu.memory_space<hbm>> -> memref<1280xf32, #tpu.memory_space<hbm>>
        %dma_start3A_734 = tpu.memref_slice %arg8[%mul3A_720] : memref<655360xf32, #tpu.memory_space<hbm>> -> memref<1280xf32, #tpu.memory_space<hbm>>
        tpu.enqueue_dma source(%arg26 : memref<1280xf32, #tpu.memory_space<vmem>>) target(%dma_start3A_734 : memref<1280xf32, #tpu.memory_space<hbm>>) target_semaphore(%run_scoped3A : memref<!tpu.dma_semaphore, #tpu.memory_space<semaphore_mem>>)
        %dma_wait3A = tpu.memref_slice %arg8[%mul3A_720] : memref<655360xf32, #tpu.memory_space<hbm>> -> memref<1280xf32, #tpu.memory_space<hbm>>
        %dma_wait3A_735 = tpu.memref_slice %arg8[%mul3A_720] : memref<655360xf32, #tpu.memory_space<hbm>> -> memref<1280xf32, #tpu.memory_space<hbm>>
        tpu.wait_dma2 semaphore(%run_scoped3A : memref<!tpu.dma_semaphore, #tpu.memory_space<semaphore_mem>>) src(%arg26 : memref<1280xf32, #tpu.memory_space<vmem>>) dst(%dma_wait3A_735 : memref<1280xf32, #tpu.memory_space<hbm>>)
        tpu.yield
      }) : () -> ()
      %mul3A_721 = arith.constant 80 : i32
      %mul3A_722 = arith.muli %add3A_718, %mul3A_721 : i32
      "tpu.region"() ({
        %run_scoped3A = tpu.sem_alloc : memref<!tpu.dma_semaphore, #tpu.memory_space<semaphore_mem>>
        %dma_start3A = tpu.memref_slice %arg9[%mul3A_722] : memref<655360xf32, #tpu.memory_space<hbm>> -> memref<1280xf32, #tpu.memory_space<hbm>>
        %dma_start3A_734 = tpu.memref_slice %arg9[%mul3A_722] : memref<655360xf32, #tpu.memory_space<hbm>> -> memref<1280xf32, #tpu.memory_space<hbm>>
        tpu.enqueue_dma source(%arg27 : memref<1280xf32, #tpu.memory_space<vmem>>) target(%dma_start3A_734 : memref<1280xf32, #tpu.memory_space<hbm>>) target_semaphore(%run_scoped3A : memref<!tpu.dma_semaphore, #tpu.memory_space<semaphore_mem>>)
        %dma_wait3A = tpu.memref_slice %arg9[%mul3A_722] : memref<655360xf32, #tpu.memory_space<hbm>> -> memref<1280xf32, #tpu.memory_space<hbm>>
        %dma_wait3A_735 = tpu.memref_slice %arg9[%mul3A_722] : memref<655360xf32, #tpu.memory_space<hbm>> -> memref<1280xf32, #tpu.memory_space<hbm>>
        tpu.wait_dma2 semaphore(%run_scoped3A : memref<!tpu.dma_semaphore, #tpu.memory_space<semaphore_mem>>) src(%arg27 : memref<1280xf32, #tpu.memory_space<vmem>>) dst(%dma_wait3A_735 : memref<1280xf32, #tpu.memory_space<hbm>>)
        tpu.yield
      }) : () -> ()
      %mul3A_723 = arith.constant 80 : i32
      %mul3A_724 = arith.muli %add3A_718, %mul3A_723 : i32
      "tpu.region"() ({
        %run_scoped3A = tpu.sem_alloc : memref<!tpu.dma_semaphore, #tpu.memory_space<semaphore_mem>>
        %dma_start3A = tpu.memref_slice %arg10[%mul3A_724] : memref<655360xf32, #tpu.memory_space<hbm>> -> memref<1280xf32, #tpu.memory_space<hbm>>
        %dma_start3A_734 = tpu.memref_slice %arg10[%mul3A_724] : memref<655360xf32, #tpu.memory_space<hbm>> -> memref<1280xf32, #tpu.memory_space<hbm>>
        tpu.enqueue_dma source(%arg28 : memref<1280xf32, #tpu.memory_space<vmem>>) target(%dma_start3A_734 : memref<1280xf32, #tpu.memory_space<hbm>>) target_semaphore(%run_scoped3A : memref<!tpu.dma_semaphore, #tpu.memory_space<semaphore_mem>>)
        %dma_wait3A = tpu.memref_slice %arg10[%mul3A_724] : memref<655360xf32, #tpu.memory_space<hbm>> -> memref<1280xf32, #tpu.memory_space<hbm>>
        %dma_wait3A_735 = tpu.memref_slice %arg10[%mul3A_724] : memref<655360xf32, #tpu.memory_space<hbm>> -> memref<1280xf32, #tpu.memory_space<hbm>>
        tpu.wait_dma2 semaphore(%run_scoped3A : memref<!tpu.dma_semaphore, #tpu.memory_space<semaphore_mem>>) src(%arg28 : memref<1280xf32, #tpu.memory_space<vmem>>) dst(%dma_wait3A_735 : memref<1280xf32, #tpu.memory_space<hbm>>)
        tpu.yield
      }) : () -> ()
      %mul3A_725 = arith.constant 80 : i32
      %mul3A_726 = arith.muli %add3A_718, %mul3A_725 : i32
      "tpu.region"() ({
        %run_scoped3A = tpu.sem_alloc : memref<!tpu.dma_semaphore, #tpu.memory_space<semaphore_mem>>
        %dma_start3A = tpu.memref_slice %arg11[%mul3A_726] : memref<655360xf32, #tpu.memory_space<hbm>> -> memref<1280xf32, #tpu.memory_space<hbm>>
        %dma_start3A_734 = tpu.memref_slice %arg11[%mul3A_726] : memref<655360xf32, #tpu.memory_space<hbm>> -> memref<1280xf32, #tpu.memory_space<hbm>>
        tpu.enqueue_dma source(%arg29 : memref<1280xf32, #tpu.memory_space<vmem>>) target(%dma_start3A_734 : memref<1280xf32, #tpu.memory_space<hbm>>) target_semaphore(%run_scoped3A : memref<!tpu.dma_semaphore, #tpu.memory_space<semaphore_mem>>)
        %dma_wait3A = tpu.memref_slice %arg11[%mul3A_726] : memref<655360xf32, #tpu.memory_space<hbm>> -> memref<1280xf32, #tpu.memory_space<hbm>>
        %dma_wait3A_735 = tpu.memref_slice %arg11[%mul3A_726] : memref<655360xf32, #tpu.memory_space<hbm>> -> memref<1280xf32, #tpu.memory_space<hbm>>
        tpu.wait_dma2 semaphore(%run_scoped3A : memref<!tpu.dma_semaphore, #tpu.memory_space<semaphore_mem>>) src(%arg29 : memref<1280xf32, #tpu.memory_space<vmem>>) dst(%dma_wait3A_735 : memref<1280xf32, #tpu.memory_space<hbm>>)
        tpu.yield
      }) : () -> ()
      %mul3A_727 = arith.constant 80 : i32
      %mul3A_728 = arith.muli %add3A_718, %mul3A_727 : i32
      "tpu.region"() ({
        %run_scoped3A = tpu.sem_alloc : memref<!tpu.dma_semaphore, #tpu.memory_space<semaphore_mem>>
        %dma_start3A = tpu.memref_slice %arg12[%mul3A_728] : memref<655360xf32, #tpu.memory_space<hbm>> -> memref<1280xf32, #tpu.memory_space<hbm>>
        %dma_start3A_734 = tpu.memref_slice %arg12[%mul3A_728] : memref<655360xf32, #tpu.memory_space<hbm>> -> memref<1280xf32, #tpu.memory_space<hbm>>
        tpu.enqueue_dma source(%arg30 : memref<1280xf32, #tpu.memory_space<vmem>>) target(%dma_start3A_734 : memref<1280xf32, #tpu.memory_space<hbm>>) target_semaphore(%run_scoped3A : memref<!tpu.dma_semaphore, #tpu.memory_space<semaphore_mem>>)
        %dma_wait3A = tpu.memref_slice %arg12[%mul3A_728] : memref<655360xf32, #tpu.memory_space<hbm>> -> memref<1280xf32, #tpu.memory_space<hbm>>
        %dma_wait3A_735 = tpu.memref_slice %arg12[%mul3A_728] : memref<655360xf32, #tpu.memory_space<hbm>> -> memref<1280xf32, #tpu.memory_space<hbm>>
        tpu.wait_dma2 semaphore(%run_scoped3A : memref<!tpu.dma_semaphore, #tpu.memory_space<semaphore_mem>>) src(%arg30 : memref<1280xf32, #tpu.memory_space<vmem>>) dst(%dma_wait3A_735 : memref<1280xf32, #tpu.memory_space<hbm>>)
        tpu.yield
      }) : () -> ()
      %mul3A_729 = arith.constant 80 : i32
      %mul3A_730 = arith.muli %add3A_718, %mul3A_729 : i32
      "tpu.region"() ({
        %run_scoped3A = tpu.sem_alloc : memref<!tpu.dma_semaphore, #tpu.memory_space<semaphore_mem>>
        %dma_start3A = tpu.memref_slice %arg13[%mul3A_730] : memref<655360xf32, #tpu.memory_space<hbm>> -> memref<1280xf32, #tpu.memory_space<hbm>>
        %dma_start3A_734 = tpu.memref_slice %arg13[%mul3A_730] : memref<655360xf32, #tpu.memory_space<hbm>> -> memref<1280xf32, #tpu.memory_space<hbm>>
        tpu.enqueue_dma source(%arg31 : memref<1280xf32, #tpu.memory_space<vmem>>) target(%dma_start3A_734 : memref<1280xf32, #tpu.memory_space<hbm>>) target_semaphore(%run_scoped3A : memref<!tpu.dma_semaphore, #tpu.memory_space<semaphore_mem>>)
        %dma_wait3A = tpu.memref_slice %arg13[%mul3A_730] : memref<655360xf32, #tpu.memory_space<hbm>> -> memref<1280xf32, #tpu.memory_space<hbm>>
        %dma_wait3A_735 = tpu.memref_slice %arg13[%mul3A_730] : memref<655360xf32, #tpu.memory_space<hbm>> -> memref<1280xf32, #tpu.memory_space<hbm>>
        tpu.wait_dma2 semaphore(%run_scoped3A : memref<!tpu.dma_semaphore, #tpu.memory_space<semaphore_mem>>) src(%arg31 : memref<1280xf32, #tpu.memory_space<vmem>>) dst(%dma_wait3A_735 : memref<1280xf32, #tpu.memory_space<hbm>>)
        tpu.yield
      }) : () -> ()
      %mul3A_731 = arith.constant 80 : i32
      %mul3A_732 = arith.muli %add3A_718, %mul3A_731 : i32
      "tpu.region"() ({
        %run_scoped3A = tpu.sem_alloc : memref<!tpu.dma_semaphore, #tpu.memory_space<semaphore_mem>>
        %dma_start3A = tpu.memref_slice %arg14[%mul3A_732] : memref<655360xi32, #tpu.memory_space<hbm>> -> memref<1280xi32, #tpu.memory_space<hbm>>
        %dma_start3A_734 = tpu.memref_slice %arg14[%mul3A_732] : memref<655360xi32, #tpu.memory_space<hbm>> -> memref<1280xi32, #tpu.memory_space<hbm>>
        tpu.enqueue_dma source(%arg32 : memref<1280xi32, #tpu.memory_space<vmem>>) target(%dma_start3A_734 : memref<1280xi32, #tpu.memory_space<hbm>>) target_semaphore(%run_scoped3A : memref<!tpu.dma_semaphore, #tpu.memory_space<semaphore_mem>>)
        %dma_wait3A = tpu.memref_slice %arg14[%mul3A_732] : memref<655360xi32, #tpu.memory_space<hbm>> -> memref<1280xi32, #tpu.memory_space<hbm>>
        %dma_wait3A_735 = tpu.memref_slice %arg14[%mul3A_732] : memref<655360xi32, #tpu.memory_space<hbm>> -> memref<1280xi32, #tpu.memory_space<hbm>>
        tpu.wait_dma2 semaphore(%run_scoped3A : memref<!tpu.dma_semaphore, #tpu.memory_space<semaphore_mem>>) src(%arg32 : memref<1280xi32, #tpu.memory_space<vmem>>) dst(%dma_wait3A_735 : memref<1280xi32, #tpu.memory_space<hbm>>)
        tpu.yield
      }) : () -> ()
      "tpu.region"() ({
        %run_scoped3A = tpu.sem_alloc : memref<!tpu.dma_semaphore, #tpu.memory_space<semaphore_mem>>
        %dma_start3A = tpu.memref_slice %arg15[%add3A_718] : memref<8192xi32, #tpu.memory_space<hbm>> -> memref<16xi32, #tpu.memory_space<hbm>>
        %dma_start3A_734 = tpu.memref_slice %arg15[%add3A_718] : memref<8192xi32, #tpu.memory_space<hbm>> -> memref<16xi32, #tpu.memory_space<hbm>>
        tpu.enqueue_dma source(%arg33 : memref<16xi32, #tpu.memory_space<vmem>>) target(%dma_start3A_734 : memref<16xi32, #tpu.memory_space<hbm>>) target_semaphore(%run_scoped3A : memref<!tpu.dma_semaphore, #tpu.memory_space<semaphore_mem>>)
        %dma_wait3A = tpu.memref_slice %arg15[%add3A_718] : memref<8192xi32, #tpu.memory_space<hbm>> -> memref<16xi32, #tpu.memory_space<hbm>>
        %dma_wait3A_735 = tpu.memref_slice %arg15[%add3A_718] : memref<8192xi32, #tpu.memory_space<hbm>> -> memref<16xi32, #tpu.memory_space<hbm>>
        tpu.wait_dma2 semaphore(%run_scoped3A : memref<!tpu.dma_semaphore, #tpu.memory_space<semaphore_mem>>) src(%arg33 : memref<16xi32, #tpu.memory_space<vmem>>) dst(%dma_wait3A_735 : memref<16xi32, #tpu.memory_space<hbm>>)
        tpu.yield
      }) : () -> ()
      "tpu.region"() ({
        %run_scoped3A = tpu.sem_alloc : memref<!tpu.dma_semaphore, #tpu.memory_space<semaphore_mem>>
        %dma_start3A = tpu.memref_slice %arg16[%add3A_718] : memref<8192xi32, #tpu.memory_space<hbm>> -> memref<16xi32, #tpu.memory_space<hbm>>
        %dma_start3A_734 = tpu.memref_slice %arg16[%add3A_718] : memref<8192xi32, #tpu.memory_space<hbm>> -> memref<16xi32, #tpu.memory_space<hbm>>
        tpu.enqueue_dma source(%arg34 : memref<16xi32, #tpu.memory_space<vmem>>) target(%dma_start3A_734 : memref<16xi32, #tpu.memory_space<hbm>>) target_semaphore(%run_scoped3A : memref<!tpu.dma_semaphore, #tpu.memory_space<semaphore_mem>>)
        %dma_wait3A = tpu.memref_slice %arg16[%add3A_718] : memref<8192xi32, #tpu.memory_space<hbm>> -> memref<16xi32, #tpu.memory_space<hbm>>
        %dma_wait3A_735 = tpu.memref_slice %arg16[%add3A_718] : memref<8192xi32, #tpu.memory_space<hbm>> -> memref<16xi32, #tpu.memory_space<hbm>>
        tpu.wait_dma2 semaphore(%run_scoped3A : memref<!tpu.dma_semaphore, #tpu.memory_space<semaphore_mem>>) src(%arg34 : memref<16xi32, #tpu.memory_space<vmem>>) dst(%dma_wait3A_735 : memref<16xi32, #tpu.memory_space<hbm>>)
        tpu.yield
      }) : () -> ()
      %scan3A_733 = arith.constant 0 : i32
      scf.yield %scan3A_733 : i32
    }
    %scan3A_16 = arith.constant 16 : i32
    return
  }
}

module attributes {stable_mosaic.version = 14 : i64} {
  func.func @_sa1_body(%arg0: i32, %arg1: memref<8192x3xf32, #tpu.memory_space<vmem>>, %arg2: memref<8192x1xf32, #tpu.memory_space<vmem>>, %arg3: memref<3x64xf32, #tpu.memory_space<vmem>>, %arg4: memref<1x64xf32, #tpu.memory_space<vmem>>, %arg5: memref<64x64xf32, #tpu.memory_space<vmem>>, %arg6: memref<1x64xf32, #tpu.memory_space<vmem>>, %arg7: memref<64x128xf32, #tpu.memory_space<vmem>>, %arg8: memref<1x128xf32, #tpu.memory_space<vmem>>, %arg9: memref<128x128xf32, #tpu.memory_space<vmem>>) attributes {dimension_semantics = [#tpu.dimension_semantics<arbitrary>], iteration_bounds = array<i64: 64>, scalar_prefetch = 0 : i64, scratch_operands = 0 : i64, tpu.core_type = #tpu.core_type<tc>, window_params = [{transform_indices = @transform_0, window_bounds = array<i64: 8192, 3>}, {transform_indices = @transform_1, window_bounds = array<i64: 8192, 1>}, {pipeline_mode = #tpu.pipeline_mode<synchronous>, transform_indices = @transform_2, window_bounds = array<i64: 3, 64>}, {pipeline_mode = #tpu.pipeline_mode<synchronous>, transform_indices = @transform_3, window_bounds = array<i64: 1, 64>}, {pipeline_mode = #tpu.pipeline_mode<synchronous>, transform_indices = @transform_4, window_bounds = array<i64: 64, 64>}, {pipeline_mode = #tpu.pipeline_mode<synchronous>, transform_indices = @transform_5, window_bounds = array<i64: 1, 64>}, {pipeline_mode = #tpu.pipeline_mode<synchronous>, transform_indices = @transform_6, window_bounds = array<i64: 64, 128>}, {pipeline_mode = #tpu.pipeline_mode<synchronous>, transform_indices = @transform_7, window_bounds = array<i64: 1, 128>}, {transform_indices = @transform_8, window_bounds = array<i64: 128, 128>}]} {
    %get3A = arith.constant 0 : index
    %get3A_0 = arith.constant 0 : index
    %get3A_1 = vector.load %arg1[%get3A, %get3A_0] : memref<8192x3xf32, #tpu.memory_space<vmem>>, vector<8192x3xf32>
    %get3A_2 = arith.constant 0 : index
    %get3A_3 = arith.constant 0 : index
    %get3A_4 = vector.load %arg3[%get3A_2, %get3A_3] : memref<3x64xf32, #tpu.memory_space<vmem>>, vector<3x64xf32>
    %dot_general3A = arith.constant dense<0.000000e+00> : vector<8192x64xf32>
    %dot_general3A_5 = tpu.matmul %get3A_1, %get3A_4, %dot_general3A {dimension_numbers = #tpu.dot_dimension_numbers<[1], [0], [0], [1], [0, 0, 1, 1], [], []>, transpose_lhs_hint = false} : vector<8192x3xf32>, vector<3x64xf32>, vector<8192x64xf32> -> vector<8192x64xf32>
    %get3A_6 = arith.constant 0 : index
    %get3A_7 = arith.constant 0 : index
    %get3A_8 = vector.load %arg4[%get3A_6, %get3A_7] : memref<1x64xf32, #tpu.memory_space<vmem>>, vector<1x64xf32>
    %add3A = vector.broadcast %get3A_8 : vector<1x64xf32> to vector<8192x64xf32>
    %add3A_9 = arith.addf %dot_general3A_5, %add3A : vector<8192x64xf32>
    %max3A = arith.constant 0.000000e+00 : f32
    %max3A_10 = vector.broadcast %max3A : f32 to vector<8192x64xf32>
    %max3A_11 = arith.maximumf %add3A_9, %max3A_10 : vector<8192x64xf32>
    %get3A_12 = arith.constant 0 : index
    %get3A_13 = arith.constant 0 : index
    %get3A_14 = vector.load %arg5[%get3A_12, %get3A_13] : memref<64x64xf32, #tpu.memory_space<vmem>>, vector<64x64xf32>
    %dot_general3A_15 = arith.constant dense<0.000000e+00> : vector<8192x64xf32>
    %dot_general3A_16 = tpu.matmul %max3A_11, %get3A_14, %dot_general3A_15 {dimension_numbers = #tpu.dot_dimension_numbers<[1], [0], [0], [1], [0, 0, 1, 1], [], []>, transpose_lhs_hint = false} : vector<8192x64xf32>, vector<64x64xf32>, vector<8192x64xf32> -> vector<8192x64xf32>
    %get3A_17 = arith.constant 0 : index
    %get3A_18 = arith.constant 0 : index
    %get3A_19 = vector.load %arg6[%get3A_17, %get3A_18] : memref<1x64xf32, #tpu.memory_space<vmem>>, vector<1x64xf32>
    %add3A_20 = vector.broadcast %get3A_19 : vector<1x64xf32> to vector<8192x64xf32>
    %add3A_21 = arith.addf %dot_general3A_16, %add3A_20 : vector<8192x64xf32>
    %max3A_22 = arith.constant 0.000000e+00 : f32
    %max3A_23 = vector.broadcast %max3A_22 : f32 to vector<8192x64xf32>
    %max3A_24 = arith.maximumf %add3A_21, %max3A_23 : vector<8192x64xf32>
    %get3A_25 = arith.constant 0 : index
    %get3A_26 = arith.constant 0 : index
    %get3A_27 = vector.load %arg7[%get3A_25, %get3A_26] : memref<64x128xf32, #tpu.memory_space<vmem>>, vector<64x128xf32>
    %dot_general3A_28 = arith.constant dense<0.000000e+00> : vector<8192x128xf32>
    %dot_general3A_29 = tpu.matmul %max3A_24, %get3A_27, %dot_general3A_28 {dimension_numbers = #tpu.dot_dimension_numbers<[1], [0], [0], [1], [0, 0, 1, 1], [], []>, transpose_lhs_hint = false} : vector<8192x64xf32>, vector<64x128xf32>, vector<8192x128xf32> -> vector<8192x128xf32>
    %get3A_30 = arith.constant 0 : index
    %get3A_31 = arith.constant 0 : index
    %get3A_32 = vector.load %arg8[%get3A_30, %get3A_31] : memref<1x128xf32, #tpu.memory_space<vmem>>, vector<1x128xf32>
    %add3A_33 = vector.broadcast %get3A_32 : vector<1x128xf32> to vector<8192x128xf32>
    %add3A_34 = arith.addf %dot_general3A_29, %add3A_33 : vector<8192x128xf32>
    %max3A_35 = arith.constant 0.000000e+00 : f32
    %max3A_36 = vector.broadcast %max3A_35 : f32 to vector<8192x128xf32>
    %max3A_37 = arith.maximumf %add3A_34, %max3A_36 : vector<8192x128xf32>
    %get3A_38 = arith.constant 0 : index
    %get3A_39 = arith.constant 0 : index
    %get3A_40 = vector.load %arg2[%get3A_38, %get3A_39] : memref<8192x1xf32, #tpu.memory_space<vmem>>, vector<8192x1xf32>
    %gt3A = arith.constant 5.000000e-01 : f32
    %gt3A_41 = vector.broadcast %gt3A : f32 to vector<8192x1xf32>
    %gt3A_42 = arith.cmpf ogt, %get3A_40, %gt3A_41 : vector<8192x1xf32>
    %jit3A = arith.constant 0xFF800000 : f32
    %broadcast_in_dim3A = vector.shape_cast %gt3A_42 : vector<8192x1xi1> to vector<8192x1xi1>
    %broadcast_in_dim3A_43 = vector.broadcast %broadcast_in_dim3A : vector<8192x1xi1> to vector<8192x128xi1>
    %broadcast_in_dim3A_44 = vector.broadcast %jit3A : f32 to vector<8192x128xf32>
    %select_n3A = arith.select %broadcast_in_dim3A_43, %max3A_37, %broadcast_in_dim3A_44 : vector<8192x128xi1>, vector<8192x128xf32>
    %reshape3A = vector.shape_cast %select_n3A : vector<8192x128xf32> to vector<128x64x128xf32>
    %reduce_max3A = arith.constant dense<0xFF800000> : vector<128x128xf32>
    %reduce_max3A_45 = vector.multi_reduction <maximumf>, %reshape3A, %reduce_max3A [1] : vector<128x64x128xf32> to vector<128x128xf32>
    %swap3A = arith.constant 0 : index
    %swap3A_46 = arith.constant 0 : index
    %swap3A_47 = vector.load %arg9[%swap3A, %swap3A_46] : memref<128x128xf32, #tpu.memory_space<vmem>>, vector<128x128xf32>
    tpu.vector_store %arg9[%swap3A, %swap3A_46], %reduce_max3A_45 {strides = array<i32>} : memref<128x128xf32, #tpu.memory_space<vmem>>, vector<128x128xf32>,
    return
  }
  func.func @transform_0(%arg0: i32) -> (i32, i32) {
    %c0_i32 = arith.constant 0 : i32
    %c0_i32_0 = arith.constant 0 : i32
    return %arg0, %c0_i32 : i32, i32
  }
  func.func @transform_1(%arg0: i32) -> (i32, i32) {
    %c0_i32 = arith.constant 0 : i32
    %c0_i32_0 = arith.constant 0 : i32
    return %arg0, %c0_i32 : i32, i32
  }
  func.func @transform_2(%arg0: i32) -> (i32, i32) {
    %c0_i32 = arith.constant 0 : i32
    %c0_i32_0 = arith.constant 0 : i32
    %c0_i32_1 = arith.constant 0 : i32
    return %c0_i32, %c0_i32_0 : i32, i32
  }
  func.func @transform_3(%arg0: i32) -> (i32, i32) {
    %c0_i32 = arith.constant 0 : i32
    %c0_i32_0 = arith.constant 0 : i32
    %c0_i32_1 = arith.constant 0 : i32
    return %c0_i32, %c0_i32_0 : i32, i32
  }
  func.func @transform_4(%arg0: i32) -> (i32, i32) {
    %c0_i32 = arith.constant 0 : i32
    %c0_i32_0 = arith.constant 0 : i32
    %c0_i32_1 = arith.constant 0 : i32
    return %c0_i32, %c0_i32_0 : i32, i32
  }
  func.func @transform_5(%arg0: i32) -> (i32, i32) {
    %c0_i32 = arith.constant 0 : i32
    %c0_i32_0 = arith.constant 0 : i32
    %c0_i32_1 = arith.constant 0 : i32
    return %c0_i32, %c0_i32_0 : i32, i32
  }
  func.func @transform_6(%arg0: i32) -> (i32, i32) {
    %c0_i32 = arith.constant 0 : i32
    %c0_i32_0 = arith.constant 0 : i32
    %c0_i32_1 = arith.constant 0 : i32
    return %c0_i32, %c0_i32_0 : i32, i32
  }
  func.func @transform_7(%arg0: i32) -> (i32, i32) {
    %c0_i32 = arith.constant 0 : i32
    %c0_i32_0 = arith.constant 0 : i32
    %c0_i32_1 = arith.constant 0 : i32
    return %c0_i32, %c0_i32_0 : i32, i32
  }
  func.func @transform_8(%arg0: i32) -> (i32, i32) {
    %c0_i32 = arith.constant 0 : i32
    %c0_i32_0 = arith.constant 0 : i32
    return %arg0, %c0_i32 : i32, i32
  }
}

module attributes {stable_mosaic.version = 14 : i64} {
  func.func @_sa2_body(%arg0: i32, %arg1: memref<4096x128xf32, #tpu.memory_space<vmem>>, %arg2: memref<4096x3xf32, #tpu.memory_space<vmem>>, %arg3: memref<4096x1xf32, #tpu.memory_space<vmem>>, %arg4: memref<64x3xf32, #tpu.memory_space<vmem>>, %arg5: memref<64x1xi32, #tpu.memory_space<vmem>>, %arg6: memref<128x128xf32, #tpu.memory_space<vmem>>, %arg7: memref<3x128xf32, #tpu.memory_space<vmem>>, %arg8: memref<1x128xf32, #tpu.memory_space<vmem>>, %arg9: memref<128x128xf32, #tpu.memory_space<vmem>>, %arg10: memref<1x128xf32, #tpu.memory_space<vmem>>, %arg11: memref<128x256xf32, #tpu.memory_space<vmem>>, %arg12: memref<1x256xf32, #tpu.memory_space<vmem>>, %arg13: memref<256x256xf32, #tpu.memory_space<vmem>>, %arg14: memref<3x256xf32, #tpu.memory_space<vmem>>, %arg15: memref<1x256xf32, #tpu.memory_space<vmem>>, %arg16: memref<256x512xf32, #tpu.memory_space<vmem>>, %arg17: memref<1x512xf32, #tpu.memory_space<vmem>>, %arg18: memref<512x1024xf32, #tpu.memory_space<vmem>>, %arg19: memref<1x1024xf32, #tpu.memory_space<vmem>>, %arg20: memref<64x256xf32, #tpu.memory_space<vmem>>, %arg21: memref<8x1024xf32, #tpu.memory_space<vmem>>, %arg22: memref<8x1024xf32, #tpu.memory_space<vmem>>) attributes {dimension_semantics = [#tpu.dimension_semantics<arbitrary>], iteration_bounds = array<i64: 128>, scalar_prefetch = 0 : i64, scratch_operands = 1 : i64, tpu.core_type = #tpu.core_type<tc>, window_params = [{transform_indices = @transform_0, window_bounds = array<i64: 4096, 128>}, {transform_indices = @transform_1, window_bounds = array<i64: 4096, 3>}, {transform_indices = @transform_2, window_bounds = array<i64: 4096, 1>}, {transform_indices = @transform_3, window_bounds = array<i64: 64, 3>}, {transform_indices = @transform_4, window_bounds = array<i64: 64, 1>}, {pipeline_mode = #tpu.pipeline_mode<synchronous>, transform_indices = @transform_5, window_bounds = array<i64: 128, 128>}, {pipeline_mode = #tpu.pipeline_mode<synchronous>, transform_indices = @transform_6, window_bounds = array<i64: 3, 128>}, {pipeline_mode = #tpu.pipeline_mode<synchronous>, transform_indices = @transform_7, window_bounds = array<i64: 1, 128>}, {pipeline_mode = #tpu.pipeline_mode<synchronous>, transform_indices = @transform_8, window_bounds = array<i64: 128, 128>}, {pipeline_mode = #tpu.pipeline_mode<synchronous>, transform_indices = @transform_9, window_bounds = array<i64: 1, 128>}, {pipeline_mode = #tpu.pipeline_mode<synchronous>, transform_indices = @transform_10, window_bounds = array<i64: 128, 256>}, {pipeline_mode = #tpu.pipeline_mode<synchronous>, transform_indices = @transform_11, window_bounds = array<i64: 1, 256>}, {pipeline_mode = #tpu.pipeline_mode<synchronous>, transform_indices = @transform_12, window_bounds = array<i64: 256, 256>}, {pipeline_mode = #tpu.pipeline_mode<synchronous>, transform_indices = @transform_13, window_bounds = array<i64: 3, 256>}, {pipeline_mode = #tpu.pipeline_mode<synchronous>, transform_indices = @transform_14, window_bounds = array<i64: 1, 256>}, {pipeline_mode = #tpu.pipeline_mode<synchronous>, transform_indices = @transform_15, window_bounds = array<i64: 256, 512>}, {pipeline_mode = #tpu.pipeline_mode<synchronous>, transform_indices = @transform_16, window_bounds = array<i64: 1, 512>}, {pipeline_mode = #tpu.pipeline_mode<synchronous>, transform_indices = @transform_17, window_bounds = array<i64: 512, 1024>}, {pipeline_mode = #tpu.pipeline_mode<synchronous>, transform_indices = @transform_18, window_bounds = array<i64: 1, 1024>}, {transform_indices = @transform_19, window_bounds = array<i64: 64, 256>}, {pipeline_mode = #tpu.pipeline_mode<synchronous>, transform_indices = @transform_20, window_bounds = array<i64: 8, 1024>}]} {
    %eq3A = arith.constant 0 : i32
    %eq3A_0 = arith.cmpi eq, %arg0, %eq3A : i32
    %convert_element_type3A = arith.extui %eq3A_0 : i1 to i32
    %cond3A = arith.constant 0 : i32
    %cond3A_1 = arith.cmpi ne, %convert_element_type3A, %cond3A : i32
    scf.if %cond3A_1 {
      %broadcast_in_dim3A_259 = arith.constant 0xFF800000 : f32
      %broadcast_in_dim3A_260 = vector.broadcast %broadcast_in_dim3A_259 : f32 to vector<8x1024xf32>
      %swap3A_261 = arith.constant 0 : index
      %swap3A_262 = arith.constant 0 : index
      %swap3A_263 = vector.load %arg22[%swap3A_261, %swap3A_262] : memref<8x1024xf32, #tpu.memory_space<vmem>>, vector<8x1024xf32>
      tpu.vector_store %arg22[%swap3A_261, %swap3A_262], %broadcast_in_dim3A_260 {strides = array<i32>} : memref<8x1024xf32, #tpu.memory_space<vmem>>, vector<8x1024xf32>,
    } else {
    }
    %get3A = arith.constant 0 : index
    %get3A_2 = arith.constant 0 : index
    %get3A_3 = vector.load %arg1[%get3A, %get3A_2] : memref<4096x128xf32, #tpu.memory_space<vmem>>, vector<4096x128xf32>
    %get3A_4 = arith.constant 0 : index
    %get3A_5 = arith.constant 0 : index
    %get3A_6 = vector.load %arg6[%get3A_4, %get3A_5] : memref<128x128xf32, #tpu.memory_space<vmem>>, vector<128x128xf32>
    %dot_general3A = arith.constant dense<0.000000e+00> : vector<4096x128xf32>
    %dot_general3A_7 = tpu.matmul %get3A_3, %get3A_6, %dot_general3A {dimension_numbers = #tpu.dot_dimension_numbers<[1], [0], [0], [1], [0, 0, 1, 1], [], []>, transpose_lhs_hint = false} : vector<4096x128xf32>, vector<128x128xf32>, vector<4096x128xf32> -> vector<4096x128xf32>
    %get3A_8 = arith.constant 0 : index
    %get3A_9 = arith.constant 0 : index
    %get3A_10 = vector.load %arg2[%get3A_8, %get3A_9] : memref<4096x3xf32, #tpu.memory_space<vmem>>, vector<4096x3xf32>
    %get3A_11 = arith.constant 0 : index
    %get3A_12 = arith.constant 0 : index
    %get3A_13 = vector.load %arg7[%get3A_11, %get3A_12] : memref<3x128xf32, #tpu.memory_space<vmem>>, vector<3x128xf32>
    %dot_general3A_14 = arith.constant dense<0.000000e+00> : vector<4096x128xf32>
    %dot_general3A_15 = tpu.matmul %get3A_10, %get3A_13, %dot_general3A_14 {dimension_numbers = #tpu.dot_dimension_numbers<[1], [0], [0], [1], [0, 0, 1, 1], [], []>, transpose_lhs_hint = false} : vector<4096x3xf32>, vector<3x128xf32>, vector<4096x128xf32> -> vector<4096x128xf32>
    %add3A = arith.addf %dot_general3A_7, %dot_general3A_15 : vector<4096x128xf32>
    %get3A_16 = arith.constant 0 : index
    %get3A_17 = arith.constant 0 : index
    %get3A_18 = vector.load %arg8[%get3A_16, %get3A_17] : memref<1x128xf32, #tpu.memory_space<vmem>>, vector<1x128xf32>
    %add3A_19 = vector.broadcast %get3A_18 : vector<1x128xf32> to vector<4096x128xf32>
    %add3A_20 = arith.addf %add3A, %add3A_19 : vector<4096x128xf32>
    %max3A = arith.constant 0.000000e+00 : f32
    %max3A_21 = vector.broadcast %max3A : f32 to vector<4096x128xf32>
    %max3A_22 = arith.maximumf %add3A_20, %max3A_21 : vector<4096x128xf32>
    %get3A_23 = arith.constant 0 : index
    %get3A_24 = arith.constant 0 : index
    %get3A_25 = vector.load %arg9[%get3A_23, %get3A_24] : memref<128x128xf32, #tpu.memory_space<vmem>>, vector<128x128xf32>
    %dot_general3A_26 = arith.constant dense<0.000000e+00> : vector<4096x128xf32>
    %dot_general3A_27 = tpu.matmul %max3A_22, %get3A_25, %dot_general3A_26 {dimension_numbers = #tpu.dot_dimension_numbers<[1], [0], [0], [1], [0, 0, 1, 1], [], []>, transpose_lhs_hint = false} : vector<4096x128xf32>, vector<128x128xf32>, vector<4096x128xf32> -> vector<4096x128xf32>
    %get3A_28 = arith.constant 0 : index
    %get3A_29 = arith.constant 0 : index
    %get3A_30 = vector.load %arg10[%get3A_28, %get3A_29] : memref<1x128xf32, #tpu.memory_space<vmem>>, vector<1x128xf32>
    %add3A_31 = vector.broadcast %get3A_30 : vector<1x128xf32> to vector<4096x128xf32>
    %add3A_32 = arith.addf %dot_general3A_27, %add3A_31 : vector<4096x128xf32>
    %max3A_33 = arith.constant 0.000000e+00 : f32
    %max3A_34 = vector.broadcast %max3A_33 : f32 to vector<4096x128xf32>
    %max3A_35 = arith.maximumf %add3A_32, %max3A_34 : vector<4096x128xf32>
    %get3A_36 = arith.constant 0 : index
    %get3A_37 = arith.constant 0 : index
    %get3A_38 = vector.load %arg11[%get3A_36, %get3A_37] : memref<128x256xf32, #tpu.memory_space<vmem>>, vector<128x256xf32>
    %dot_general3A_39 = arith.constant dense<0.000000e+00> : vector<4096x256xf32>
    %dot_general3A_40 = tpu.matmul %max3A_35, %get3A_38, %dot_general3A_39 {dimension_numbers = #tpu.dot_dimension_numbers<[1], [0], [0], [1], [0, 0, 1, 1], [], []>, transpose_lhs_hint = false} : vector<4096x128xf32>, vector<128x256xf32>, vector<4096x256xf32> -> vector<4096x256xf32>
    %get3A_41 = arith.constant 0 : index
    %get3A_42 = arith.constant 0 : index
    %get3A_43 = vector.load %arg12[%get3A_41, %get3A_42] : memref<1x256xf32, #tpu.memory_space<vmem>>, vector<1x256xf32>
    %add3A_44 = vector.broadcast %get3A_43 : vector<1x256xf32> to vector<4096x256xf32>
    %add3A_45 = arith.addf %dot_general3A_40, %add3A_44 : vector<4096x256xf32>
    %max3A_46 = arith.constant 0.000000e+00 : f32
    %max3A_47 = vector.broadcast %max3A_46 : f32 to vector<4096x256xf32>
    %max3A_48 = arith.maximumf %add3A_45, %max3A_47 : vector<4096x256xf32>
    %get3A_49 = arith.constant 0 : index
    %get3A_50 = arith.constant 0 : index
    %get3A_51 = vector.load %arg3[%get3A_49, %get3A_50] : memref<4096x1xf32, #tpu.memory_space<vmem>>, vector<4096x1xf32>
    %gt3A = arith.constant 5.000000e-01 : f32
    %gt3A_52 = vector.broadcast %gt3A : f32 to vector<4096x1xf32>
    %gt3A_53 = arith.cmpf ogt, %get3A_51, %gt3A_52 : vector<4096x1xf32>
    %jit3A = arith.constant 0xFF800000 : f32
    %broadcast_in_dim3A = vector.shape_cast %gt3A_53 : vector<4096x1xi1> to vector<4096x1xi1>
    %broadcast_in_dim3A_54 = vector.broadcast %broadcast_in_dim3A : vector<4096x1xi1> to vector<4096x256xi1>
    %broadcast_in_dim3A_55 = vector.broadcast %jit3A : f32 to vector<4096x256xf32>
    %select_n3A = arith.select %broadcast_in_dim3A_54, %max3A_48, %broadcast_in_dim3A_55 : vector<4096x256xi1>, vector<4096x256xf32>
    %reshape3A = vector.shape_cast %select_n3A : vector<4096x256xf32> to vector<64x64x256xf32>
    %reduce_max3A = arith.constant dense<0xFF800000> : vector<64x256xf32>
    %reduce_max3A_56 = vector.multi_reduction <maximumf>, %reshape3A, %reduce_max3A [1] : vector<64x64x256xf32> to vector<64x256xf32>
    %swap3A = arith.constant 0 : index
    %swap3A_57 = arith.constant 0 : index
    %swap3A_58 = vector.load %arg20[%swap3A, %swap3A_57] : memref<64x256xf32, #tpu.memory_space<vmem>>, vector<64x256xf32>
    tpu.vector_store %arg20[%swap3A, %swap3A_57], %reduce_max3A_56 {strides = array<i32>} : memref<64x256xf32, #tpu.memory_space<vmem>>, vector<64x256xf32>,
    %get3A_59 = arith.constant 0 : index
    %get3A_60 = arith.constant 0 : index
    %get3A_61 = vector.load %arg13[%get3A_59, %get3A_60] : memref<256x256xf32, #tpu.memory_space<vmem>>, vector<256x256xf32>
    %dot_general3A_62 = arith.constant dense<0.000000e+00> : vector<64x256xf32>
    %dot_general3A_63 = tpu.matmul %reduce_max3A_56, %get3A_61, %dot_general3A_62 {dimension_numbers = #tpu.dot_dimension_numbers<[1], [0], [0], [1], [0, 0, 1, 1], [], []>, transpose_lhs_hint = false} : vector<64x256xf32>, vector<256x256xf32>, vector<64x256xf32> -> vector<64x256xf32>
    %get3A_64 = arith.constant 0 : index
    %get3A_65 = arith.constant 0 : index
    %get3A_66 = vector.load %arg4[%get3A_64, %get3A_65] : memref<64x3xf32, #tpu.memory_space<vmem>>, vector<64x3xf32>
    %get3A_67 = arith.constant 0 : index
    %get3A_68 = arith.constant 0 : index
    %get3A_69 = vector.load %arg14[%get3A_67, %get3A_68] : memref<3x256xf32, #tpu.memory_space<vmem>>, vector<3x256xf32>
    %dot_general3A_70 = arith.constant dense<0.000000e+00> : vector<64x256xf32>
    %dot_general3A_71 = tpu.matmul %get3A_66, %get3A_69, %dot_general3A_70 {dimension_numbers = #tpu.dot_dimension_numbers<[1], [0], [0], [1], [0, 0, 1, 1], [], []>, transpose_lhs_hint = false} : vector<64x3xf32>, vector<3x256xf32>, vector<64x256xf32> -> vector<64x256xf32>
    %add3A_72 = arith.addf %dot_general3A_63, %dot_general3A_71 : vector<64x256xf32>
    %get3A_73 = arith.constant 0 : index
    %get3A_74 = arith.constant 0 : index
    %get3A_75 = vector.load %arg15[%get3A_73, %get3A_74] : memref<1x256xf32, #tpu.memory_space<vmem>>, vector<1x256xf32>
    %add3A_76 = vector.broadcast %get3A_75 : vector<1x256xf32> to vector<64x256xf32>
    %add3A_77 = arith.addf %add3A_72, %add3A_76 : vector<64x256xf32>
    %max3A_78 = arith.constant 0.000000e+00 : f32
    %max3A_79 = vector.broadcast %max3A_78 : f32 to vector<64x256xf32>
    %max3A_80 = arith.maximumf %add3A_77, %max3A_79 : vector<64x256xf32>
    %get3A_81 = arith.constant 0 : index
    %get3A_82 = arith.constant 0 : index
    %get3A_83 = vector.load %arg16[%get3A_81, %get3A_82] : memref<256x512xf32, #tpu.memory_space<vmem>>, vector<256x512xf32>
    %dot_general3A_84 = arith.constant dense<0.000000e+00> : vector<64x512xf32>
    %dot_general3A_85 = tpu.matmul %max3A_80, %get3A_83, %dot_general3A_84 {dimension_numbers = #tpu.dot_dimension_numbers<[1], [0], [0], [1], [0, 0, 1, 1], [], []>, transpose_lhs_hint = false} : vector<64x256xf32>, vector<256x512xf32>, vector<64x512xf32> -> vector<64x512xf32>
    %get3A_86 = arith.constant 0 : index
    %get3A_87 = arith.constant 0 : index
    %get3A_88 = vector.load %arg17[%get3A_86, %get3A_87] : memref<1x512xf32, #tpu.memory_space<vmem>>, vector<1x512xf32>
    %add3A_89 = vector.broadcast %get3A_88 : vector<1x512xf32> to vector<64x512xf32>
    %add3A_90 = arith.addf %dot_general3A_85, %add3A_89 : vector<64x512xf32>
    %max3A_91 = arith.constant 0.000000e+00 : f32
    %max3A_92 = vector.broadcast %max3A_91 : f32 to vector<64x512xf32>
    %max3A_93 = arith.maximumf %add3A_90, %max3A_92 : vector<64x512xf32>
    %get3A_94 = arith.constant 0 : index
    %get3A_95 = arith.constant 0 : index
    %get3A_96 = vector.load %arg18[%get3A_94, %get3A_95] : memref<512x1024xf32, #tpu.memory_space<vmem>>, vector<512x1024xf32>
    %dot_general3A_97 = arith.constant dense<0.000000e+00> : vector<64x1024xf32>
    %dot_general3A_98 = tpu.matmul %max3A_93, %get3A_96, %dot_general3A_97 {dimension_numbers = #tpu.dot_dimension_numbers<[1], [0], [0], [1], [0, 0, 1, 1], [], []>, transpose_lhs_hint = false} : vector<64x512xf32>, vector<512x1024xf32>, vector<64x1024xf32> -> vector<64x1024xf32>
    %get3A_99 = arith.constant 0 : index
    %get3A_100 = arith.constant 0 : index
    %get3A_101 = vector.load %arg19[%get3A_99, %get3A_100] : memref<1x1024xf32, #tpu.memory_space<vmem>>, vector<1x1024xf32>
    %add3A_102 = vector.broadcast %get3A_101 : vector<1x1024xf32> to vector<64x1024xf32>
    %add3A_103 = arith.addf %dot_general3A_98, %add3A_102 : vector<64x1024xf32>
    %max3A_104 = arith.constant 0.000000e+00 : f32
    %max3A_105 = vector.broadcast %max3A_104 : f32 to vector<64x1024xf32>
    %max3A_106 = arith.maximumf %add3A_103, %max3A_105 : vector<64x1024xf32>
    %get3A_107 = arith.constant 0 : index
    %get3A_108 = arith.constant 0 : index
    %get3A_109 = vector.load %arg5[%get3A_107, %get3A_108] : memref<64x1xi32, #tpu.memory_space<vmem>>, vector<64x1xi32>
    %eq3A_110 = arith.constant 0 : i32
    %eq3A_111 = vector.broadcast %eq3A_110 : i32 to vector<64x1xi32>
    %eq3A_112 = arith.cmpi eq, %get3A_109, %eq3A_111 : vector<64x1xi32>
    %jit3A_113 = arith.constant 0xFF800000 : f32
    %broadcast_in_dim3A_114 = vector.shape_cast %eq3A_112 : vector<64x1xi1> to vector<64x1xi1>
    %broadcast_in_dim3A_115 = vector.broadcast %broadcast_in_dim3A_114 : vector<64x1xi1> to vector<64x1024xi1>
    %broadcast_in_dim3A_116 = vector.broadcast %jit3A_113 : f32 to vector<64x1024xf32>
    %select_n3A_117 = arith.select %broadcast_in_dim3A_115, %max3A_106, %broadcast_in_dim3A_116 : vector<64x1024xi1>, vector<64x1024xf32>
    %get3A_118 = arith.constant 0 : index
    %get3A_119 = arith.constant 0 : index
    %get3A_120 = vector.load %arg22[%get3A_118, %get3A_119] : memref<8x1024xf32, #tpu.memory_space<vmem>>, vector<1x1024xf32>
    %reduce_max3A_121 = arith.constant dense<0xFF800000> : vector<1024xf32>
    %reduce_max3A_122 = vector.multi_reduction <maximumf>, %select_n3A_117, %reduce_max3A_121 [0] : vector<64x1024xf32> to vector<1024xf32>
    %broadcast_in_dim3A_123 = vector.shape_cast %reduce_max3A_122 : vector<1024xf32> to vector<1x1024xf32>
    %max3A_124 = arith.maximumf %get3A_120, %broadcast_in_dim3A_123 : vector<1x1024xf32>
    %swap3A_125 = arith.constant 0 : index
    %swap3A_126 = arith.constant 0 : index
    %swap3A_127 = vector.load %arg22[%swap3A_125, %swap3A_126] : memref<8x1024xf32, #tpu.memory_space<vmem>>, vector<1x1024xf32>
    tpu.vector_store %arg22[%swap3A_125, %swap3A_126], %max3A_124 {strides = array<i32>} : memref<8x1024xf32, #tpu.memory_space<vmem>>, vector<1x1024xf32>,
    %eq3A_128 = arith.constant 1 : i32
    %eq3A_129 = vector.broadcast %eq3A_128 : i32 to vector<64x1xi32>
    %eq3A_130 = arith.cmpi eq, %get3A_109, %eq3A_129 : vector<64x1xi32>
    %jit3A_131 = arith.constant 0xFF800000 : f32
    %broadcast_in_dim3A_132 = vector.shape_cast %eq3A_130 : vector<64x1xi1> to vector<64x1xi1>
    %broadcast_in_dim3A_133 = vector.broadcast %broadcast_in_dim3A_132 : vector<64x1xi1> to vector<64x1024xi1>
    %broadcast_in_dim3A_134 = vector.broadcast %jit3A_131 : f32 to vector<64x1024xf32>
    %select_n3A_135 = arith.select %broadcast_in_dim3A_133, %max3A_106, %broadcast_in_dim3A_134 : vector<64x1024xi1>, vector<64x1024xf32>
    %get3A_136 = arith.constant 1 : index
    %get3A_137 = arith.constant 0 : index
    %get3A_138 = vector.load %arg22[%get3A_136, %get3A_137] : memref<8x1024xf32, #tpu.memory_space<vmem>>, vector<1x1024xf32>
    %reduce_max3A_139 = arith.constant dense<0xFF800000> : vector<1024xf32>
    %reduce_max3A_140 = vector.multi_reduction <maximumf>, %select_n3A_135, %reduce_max3A_139 [0] : vector<64x1024xf32> to vector<1024xf32>
    %broadcast_in_dim3A_141 = vector.shape_cast %reduce_max3A_140 : vector<1024xf32> to vector<1x1024xf32>
    %max3A_142 = arith.maximumf %get3A_138, %broadcast_in_dim3A_141 : vector<1x1024xf32>
    %swap3A_143 = arith.constant 1 : index
    %swap3A_144 = arith.constant 0 : index
    %swap3A_145 = vector.load %arg22[%swap3A_143, %swap3A_144] : memref<8x1024xf32, #tpu.memory_space<vmem>>, vector<1x1024xf32>
    tpu.vector_store %arg22[%swap3A_143, %swap3A_144], %max3A_142 {strides = array<i32>} : memref<8x1024xf32, #tpu.memory_space<vmem>>, vector<1x1024xf32>,
    %eq3A_146 = arith.constant 2 : i32
    %eq3A_147 = vector.broadcast %eq3A_146 : i32 to vector<64x1xi32>
    %eq3A_148 = arith.cmpi eq, %get3A_109, %eq3A_147 : vector<64x1xi32>
    %jit3A_149 = arith.constant 0xFF800000 : f32
    %broadcast_in_dim3A_150 = vector.shape_cast %eq3A_148 : vector<64x1xi1> to vector<64x1xi1>
    %broadcast_in_dim3A_151 = vector.broadcast %broadcast_in_dim3A_150 : vector<64x1xi1> to vector<64x1024xi1>
    %broadcast_in_dim3A_152 = vector.broadcast %jit3A_149 : f32 to vector<64x1024xf32>
    %select_n3A_153 = arith.select %broadcast_in_dim3A_151, %max3A_106, %broadcast_in_dim3A_152 : vector<64x1024xi1>, vector<64x1024xf32>
    %get3A_154 = arith.constant 2 : index
    %get3A_155 = arith.constant 0 : index
    %get3A_156 = vector.load %arg22[%get3A_154, %get3A_155] : memref<8x1024xf32, #tpu.memory_space<vmem>>, vector<1x1024xf32>
    %reduce_max3A_157 = arith.constant dense<0xFF800000> : vector<1024xf32>
    %reduce_max3A_158 = vector.multi_reduction <maximumf>, %select_n3A_153, %reduce_max3A_157 [0] : vector<64x1024xf32> to vector<1024xf32>
    %broadcast_in_dim3A_159 = vector.shape_cast %reduce_max3A_158 : vector<1024xf32> to vector<1x1024xf32>
    %max3A_160 = arith.maximumf %get3A_156, %broadcast_in_dim3A_159 : vector<1x1024xf32>
    %swap3A_161 = arith.constant 2 : index
    %swap3A_162 = arith.constant 0 : index
    %swap3A_163 = vector.load %arg22[%swap3A_161, %swap3A_162] : memref<8x1024xf32, #tpu.memory_space<vmem>>, vector<1x1024xf32>
    tpu.vector_store %arg22[%swap3A_161, %swap3A_162], %max3A_160 {strides = array<i32>} : memref<8x1024xf32, #tpu.memory_space<vmem>>, vector<1x1024xf32>,
    %eq3A_164 = arith.constant 3 : i32
    %eq3A_165 = vector.broadcast %eq3A_164 : i32 to vector<64x1xi32>
    %eq3A_166 = arith.cmpi eq, %get3A_109, %eq3A_165 : vector<64x1xi32>
    %jit3A_167 = arith.constant 0xFF800000 : f32
    %broadcast_in_dim3A_168 = vector.shape_cast %eq3A_166 : vector<64x1xi1> to vector<64x1xi1>
    %broadcast_in_dim3A_169 = vector.broadcast %broadcast_in_dim3A_168 : vector<64x1xi1> to vector<64x1024xi1>
    %broadcast_in_dim3A_170 = vector.broadcast %jit3A_167 : f32 to vector<64x1024xf32>
    %select_n3A_171 = arith.select %broadcast_in_dim3A_169, %max3A_106, %broadcast_in_dim3A_170 : vector<64x1024xi1>, vector<64x1024xf32>
    %get3A_172 = arith.constant 3 : index
    %get3A_173 = arith.constant 0 : index
    %get3A_174 = vector.load %arg22[%get3A_172, %get3A_173] : memref<8x1024xf32, #tpu.memory_space<vmem>>, vector<1x1024xf32>
    %reduce_max3A_175 = arith.constant dense<0xFF800000> : vector<1024xf32>
    %reduce_max3A_176 = vector.multi_reduction <maximumf>, %select_n3A_171, %reduce_max3A_175 [0] : vector<64x1024xf32> to vector<1024xf32>
    %broadcast_in_dim3A_177 = vector.shape_cast %reduce_max3A_176 : vector<1024xf32> to vector<1x1024xf32>
    %max3A_178 = arith.maximumf %get3A_174, %broadcast_in_dim3A_177 : vector<1x1024xf32>
    %swap3A_179 = arith.constant 3 : index
    %swap3A_180 = arith.constant 0 : index
    %swap3A_181 = vector.load %arg22[%swap3A_179, %swap3A_180] : memref<8x1024xf32, #tpu.memory_space<vmem>>, vector<1x1024xf32>
    tpu.vector_store %arg22[%swap3A_179, %swap3A_180], %max3A_178 {strides = array<i32>} : memref<8x1024xf32, #tpu.memory_space<vmem>>, vector<1x1024xf32>,
    %eq3A_182 = arith.constant 4 : i32
    %eq3A_183 = vector.broadcast %eq3A_182 : i32 to vector<64x1xi32>
    %eq3A_184 = arith.cmpi eq, %get3A_109, %eq3A_183 : vector<64x1xi32>
    %jit3A_185 = arith.constant 0xFF800000 : f32
    %broadcast_in_dim3A_186 = vector.shape_cast %eq3A_184 : vector<64x1xi1> to vector<64x1xi1>
    %broadcast_in_dim3A_187 = vector.broadcast %broadcast_in_dim3A_186 : vector<64x1xi1> to vector<64x1024xi1>
    %broadcast_in_dim3A_188 = vector.broadcast %jit3A_185 : f32 to vector<64x1024xf32>
    %select_n3A_189 = arith.select %broadcast_in_dim3A_187, %max3A_106, %broadcast_in_dim3A_188 : vector<64x1024xi1>, vector<64x1024xf32>
    %get3A_190 = arith.constant 4 : index
    %get3A_191 = arith.constant 0 : index
    %get3A_192 = vector.load %arg22[%get3A_190, %get3A_191] : memref<8x1024xf32, #tpu.memory_space<vmem>>, vector<1x1024xf32>
    %reduce_max3A_193 = arith.constant dense<0xFF800000> : vector<1024xf32>
    %reduce_max3A_194 = vector.multi_reduction <maximumf>, %select_n3A_189, %reduce_max3A_193 [0] : vector<64x1024xf32> to vector<1024xf32>
    %broadcast_in_dim3A_195 = vector.shape_cast %reduce_max3A_194 : vector<1024xf32> to vector<1x1024xf32>
    %max3A_196 = arith.maximumf %get3A_192, %broadcast_in_dim3A_195 : vector<1x1024xf32>
    %swap3A_197 = arith.constant 4 : index
    %swap3A_198 = arith.constant 0 : index
    %swap3A_199 = vector.load %arg22[%swap3A_197, %swap3A_198] : memref<8x1024xf32, #tpu.memory_space<vmem>>, vector<1x1024xf32>
    tpu.vector_store %arg22[%swap3A_197, %swap3A_198], %max3A_196 {strides = array<i32>} : memref<8x1024xf32, #tpu.memory_space<vmem>>, vector<1x1024xf32>,
    %eq3A_200 = arith.constant 5 : i32
    %eq3A_201 = vector.broadcast %eq3A_200 : i32 to vector<64x1xi32>
    %eq3A_202 = arith.cmpi eq, %get3A_109, %eq3A_201 : vector<64x1xi32>
    %jit3A_203 = arith.constant 0xFF800000 : f32
    %broadcast_in_dim3A_204 = vector.shape_cast %eq3A_202 : vector<64x1xi1> to vector<64x1xi1>
    %broadcast_in_dim3A_205 = vector.broadcast %broadcast_in_dim3A_204 : vector<64x1xi1> to vector<64x1024xi1>
    %broadcast_in_dim3A_206 = vector.broadcast %jit3A_203 : f32 to vector<64x1024xf32>
    %select_n3A_207 = arith.select %broadcast_in_dim3A_205, %max3A_106, %broadcast_in_dim3A_206 : vector<64x1024xi1>, vector<64x1024xf32>
    %get3A_208 = arith.constant 5 : index
    %get3A_209 = arith.constant 0 : index
    %get3A_210 = vector.load %arg22[%get3A_208, %get3A_209] : memref<8x1024xf32, #tpu.memory_space<vmem>>, vector<1x1024xf32>
    %reduce_max3A_211 = arith.constant dense<0xFF800000> : vector<1024xf32>
    %reduce_max3A_212 = vector.multi_reduction <maximumf>, %select_n3A_207, %reduce_max3A_211 [0] : vector<64x1024xf32> to vector<1024xf32>
    %broadcast_in_dim3A_213 = vector.shape_cast %reduce_max3A_212 : vector<1024xf32> to vector<1x1024xf32>
    %max3A_214 = arith.maximumf %get3A_210, %broadcast_in_dim3A_213 : vector<1x1024xf32>
    %swap3A_215 = arith.constant 5 : index
    %swap3A_216 = arith.constant 0 : index
    %swap3A_217 = vector.load %arg22[%swap3A_215, %swap3A_216] : memref<8x1024xf32, #tpu.memory_space<vmem>>, vector<1x1024xf32>
    tpu.vector_store %arg22[%swap3A_215, %swap3A_216], %max3A_214 {strides = array<i32>} : memref<8x1024xf32, #tpu.memory_space<vmem>>, vector<1x1024xf32>,
    %eq3A_218 = arith.constant 6 : i32
    %eq3A_219 = vector.broadcast %eq3A_218 : i32 to vector<64x1xi32>
    %eq3A_220 = arith.cmpi eq, %get3A_109, %eq3A_219 : vector<64x1xi32>
    %jit3A_221 = arith.constant 0xFF800000 : f32
    %broadcast_in_dim3A_222 = vector.shape_cast %eq3A_220 : vector<64x1xi1> to vector<64x1xi1>
    %broadcast_in_dim3A_223 = vector.broadcast %broadcast_in_dim3A_222 : vector<64x1xi1> to vector<64x1024xi1>
    %broadcast_in_dim3A_224 = vector.broadcast %jit3A_221 : f32 to vector<64x1024xf32>
    %select_n3A_225 = arith.select %broadcast_in_dim3A_223, %max3A_106, %broadcast_in_dim3A_224 : vector<64x1024xi1>, vector<64x1024xf32>
    %get3A_226 = arith.constant 6 : index
    %get3A_227 = arith.constant 0 : index
    %get3A_228 = vector.load %arg22[%get3A_226, %get3A_227] : memref<8x1024xf32, #tpu.memory_space<vmem>>, vector<1x1024xf32>
    %reduce_max3A_229 = arith.constant dense<0xFF800000> : vector<1024xf32>
    %reduce_max3A_230 = vector.multi_reduction <maximumf>, %select_n3A_225, %reduce_max3A_229 [0] : vector<64x1024xf32> to vector<1024xf32>
    %broadcast_in_dim3A_231 = vector.shape_cast %reduce_max3A_230 : vector<1024xf32> to vector<1x1024xf32>
    %max3A_232 = arith.maximumf %get3A_228, %broadcast_in_dim3A_231 : vector<1x1024xf32>
    %swap3A_233 = arith.constant 6 : index
    %swap3A_234 = arith.constant 0 : index
    %swap3A_235 = vector.load %arg22[%swap3A_233, %swap3A_234] : memref<8x1024xf32, #tpu.memory_space<vmem>>, vector<1x1024xf32>
    tpu.vector_store %arg22[%swap3A_233, %swap3A_234], %max3A_232 {strides = array<i32>} : memref<8x1024xf32, #tpu.memory_space<vmem>>, vector<1x1024xf32>,
    %eq3A_236 = arith.constant 7 : i32
    %eq3A_237 = vector.broadcast %eq3A_236 : i32 to vector<64x1xi32>
    %eq3A_238 = arith.cmpi eq, %get3A_109, %eq3A_237 : vector<64x1xi32>
    %jit3A_239 = arith.constant 0xFF800000 : f32
    %broadcast_in_dim3A_240 = vector.shape_cast %eq3A_238 : vector<64x1xi1> to vector<64x1xi1>
    %broadcast_in_dim3A_241 = vector.broadcast %broadcast_in_dim3A_240 : vector<64x1xi1> to vector<64x1024xi1>
    %broadcast_in_dim3A_242 = vector.broadcast %jit3A_239 : f32 to vector<64x1024xf32>
    %select_n3A_243 = arith.select %broadcast_in_dim3A_241, %max3A_106, %broadcast_in_dim3A_242 : vector<64x1024xi1>, vector<64x1024xf32>
    %get3A_244 = arith.constant 7 : index
    %get3A_245 = arith.constant 0 : index
    %get3A_246 = vector.load %arg22[%get3A_244, %get3A_245] : memref<8x1024xf32, #tpu.memory_space<vmem>>, vector<1x1024xf32>
    %reduce_max3A_247 = arith.constant dense<0xFF800000> : vector<1024xf32>
    %reduce_max3A_248 = vector.multi_reduction <maximumf>, %select_n3A_243, %reduce_max3A_247 [0] : vector<64x1024xf32> to vector<1024xf32>
    %broadcast_in_dim3A_249 = vector.shape_cast %reduce_max3A_248 : vector<1024xf32> to vector<1x1024xf32>
    %max3A_250 = arith.maximumf %get3A_246, %broadcast_in_dim3A_249 : vector<1x1024xf32>
    %swap3A_251 = arith.constant 7 : index
    %swap3A_252 = arith.constant 0 : index
    %swap3A_253 = vector.load %arg22[%swap3A_251, %swap3A_252] : memref<8x1024xf32, #tpu.memory_space<vmem>>, vector<1x1024xf32>
    tpu.vector_store %arg22[%swap3A_251, %swap3A_252], %max3A_250 {strides = array<i32>} : memref<8x1024xf32, #tpu.memory_space<vmem>>, vector<1x1024xf32>,
    %eq3A_254 = arith.constant 127 : i32
    %eq3A_255 = arith.cmpi eq, %arg0, %eq3A_254 : i32
    %convert_element_type3A_256 = arith.extui %eq3A_255 : i1 to i32
    %cond3A_257 = arith.constant 0 : i32
    %cond3A_258 = arith.cmpi ne, %convert_element_type3A_256, %cond3A_257 : i32
    scf.if %cond3A_258 {
      %get3A_259 = arith.constant 0 : index
      %get3A_260 = arith.constant 0 : index
      %get3A_261 = vector.load %arg22[%get3A_259, %get3A_260] : memref<8x1024xf32, #tpu.memory_space<vmem>>, vector<8x1024xf32>
      %swap3A_262 = arith.constant 0 : index
      %swap3A_263 = arith.constant 0 : index
      %swap3A_264 = vector.load %arg21[%swap3A_262, %swap3A_263] : memref<8x1024xf32, #tpu.memory_space<vmem>>, vector<8x1024xf32>
      tpu.vector_store %arg21[%swap3A_262, %swap3A_263], %get3A_261 {strides = array<i32>} : memref<8x1024xf32, #tpu.memory_space<vmem>>, vector<8x1024xf32>,
    } else {
    }
    return
  }
  func.func @transform_0(%arg0: i32) -> (i32, i32) {
    %c0_i32 = arith.constant 0 : i32
    %c0_i32_0 = arith.constant 0 : i32
    return %arg0, %c0_i32 : i32, i32
  }
  func.func @transform_1(%arg0: i32) -> (i32, i32) {
    %c0_i32 = arith.constant 0 : i32
    %c0_i32_0 = arith.constant 0 : i32
    return %arg0, %c0_i32 : i32, i32
  }
  func.func @transform_2(%arg0: i32) -> (i32, i32) {
    %c0_i32 = arith.constant 0 : i32
    %c0_i32_0 = arith.constant 0 : i32
    return %arg0, %c0_i32 : i32, i32
  }
  func.func @transform_3(%arg0: i32) -> (i32, i32) {
    %c0_i32 = arith.constant 0 : i32
    %c0_i32_0 = arith.constant 0 : i32
    return %arg0, %c0_i32 : i32, i32
  }
  func.func @transform_4(%arg0: i32) -> (i32, i32) {
    %c0_i32 = arith.constant 0 : i32
    %c0_i32_0 = arith.constant 0 : i32
    return %arg0, %c0_i32 : i32, i32
  }
  func.func @transform_5(%arg0: i32) -> (i32, i32) {
    %c0_i32 = arith.constant 0 : i32
    %c0_i32_0 = arith.constant 0 : i32
    %c0_i32_1 = arith.constant 0 : i32
    return %c0_i32, %c0_i32_0 : i32, i32
  }
  func.func @transform_6(%arg0: i32) -> (i32, i32) {
    %c0_i32 = arith.constant 0 : i32
    %c0_i32_0 = arith.constant 0 : i32
    %c0_i32_1 = arith.constant 0 : i32
    return %c0_i32, %c0_i32_0 : i32, i32
  }
  func.func @transform_7(%arg0: i32) -> (i32, i32) {
    %c0_i32 = arith.constant 0 : i32
    %c0_i32_0 = arith.constant 0 : i32
    %c0_i32_1 = arith.constant 0 : i32
    return %c0_i32, %c0_i32_0 : i32, i32
  }
  func.func @transform_8(%arg0: i32) -> (i32, i32) {
    %c0_i32 = arith.constant 0 : i32
    %c0_i32_0 = arith.constant 0 : i32
    %c0_i32_1 = arith.constant 0 : i32
    return %c0_i32, %c0_i32_0 : i32, i32
  }
  func.func @transform_9(%arg0: i32) -> (i32, i32) {
    %c0_i32 = arith.constant 0 : i32
    %c0_i32_0 = arith.constant 0 : i32
    %c0_i32_1 = arith.constant 0 : i32
    return %c0_i32, %c0_i32_0 : i32, i32
  }
  func.func @transform_10(%arg0: i32) -> (i32, i32) {
    %c0_i32 = arith.constant 0 : i32
    %c0_i32_0 = arith.constant 0 : i32
    %c0_i32_1 = arith.constant 0 : i32
    return %c0_i32, %c0_i32_0 : i32, i32
  }
  func.func @transform_11(%arg0: i32) -> (i32, i32) {
    %c0_i32 = arith.constant 0 : i32
    %c0_i32_0 = arith.constant 0 : i32
    %c0_i32_1 = arith.constant 0 : i32
    return %c0_i32, %c0_i32_0 : i32, i32
  }
  func.func @transform_12(%arg0: i32) -> (i32, i32) {
    %c0_i32 = arith.constant 0 : i32
    %c0_i32_0 = arith.constant 0 : i32
    %c0_i32_1 = arith.constant 0 : i32
    return %c0_i32, %c0_i32_0 : i32, i32
  }
  func.func @transform_13(%arg0: i32) -> (i32, i32) {
    %c0_i32 = arith.constant 0 : i32
    %c0_i32_0 = arith.constant 0 : i32
    %c0_i32_1 = arith.constant 0 : i32
    return %c0_i32, %c0_i32_0 : i32, i32
  }
  func.func @transform_14(%arg0: i32) -> (i32, i32) {
    %c0_i32 = arith.constant 0 : i32
    %c0_i32_0 = arith.constant 0 : i32
    %c0_i32_1 = arith.constant 0 : i32
    return %c0_i32, %c0_i32_0 : i32, i32
  }
  func.func @transform_15(%arg0: i32) -> (i32, i32) {
    %c0_i32 = arith.constant 0 : i32
    %c0_i32_0 = arith.constant 0 : i32
    %c0_i32_1 = arith.constant 0 : i32
    return %c0_i32, %c0_i32_0 : i32, i32
  }
  func.func @transform_16(%arg0: i32) -> (i32, i32) {
    %c0_i32 = arith.constant 0 : i32
    %c0_i32_0 = arith.constant 0 : i32
    %c0_i32_1 = arith.constant 0 : i32
    return %c0_i32, %c0_i32_0 : i32, i32
  }
  func.func @transform_17(%arg0: i32) -> (i32, i32) {
    %c0_i32 = arith.constant 0 : i32
    %c0_i32_0 = arith.constant 0 : i32
    %c0_i32_1 = arith.constant 0 : i32
    return %c0_i32, %c0_i32_0 : i32, i32
  }
  func.func @transform_18(%arg0: i32) -> (i32, i32) {
    %c0_i32 = arith.constant 0 : i32
    %c0_i32_0 = arith.constant 0 : i32
    %c0_i32_1 = arith.constant 0 : i32
    return %c0_i32, %c0_i32_0 : i32, i32
  }
  func.func @transform_19(%arg0: i32) -> (i32, i32) {
    %c0_i32 = arith.constant 0 : i32
    %c0_i32_0 = arith.constant 0 : i32
    return %arg0, %c0_i32 : i32, i32
  }
  func.func @transform_20(%arg0: i32) -> (i32, i32) {
    %c0_i32 = arith.constant 0 : i32
    %c0_i32_0 = arith.constant 0 : i32
    %c0_i32_1 = arith.constant 0 : i32
    return %c0_i32, %c0_i32_0 : i32, i32
  }
}

module attributes {stable_mosaic.version = 14 : i64} {
  func.func @_edge_body(%arg0: i32, %arg1: memref<256x256xf32, #tpu.memory_space<vmem>>, %arg2: memref<8x1024xf32, #tpu.memory_space<vmem>>, %arg3: memref<256x1xi32, #tpu.memory_space<vmem>>, %arg4: memref<256x1280xf32, #tpu.memory_space<vmem>>) attributes {dimension_semantics = [#tpu.dimension_semantics<arbitrary>], iteration_bounds = array<i64: 32>, scalar_prefetch = 0 : i64, scratch_operands = 0 : i64, tpu.core_type = #tpu.core_type<tc>, window_params = [{transform_indices = @transform_0, window_bounds = array<i64: 256, 256>}, {pipeline_mode = #tpu.pipeline_mode<synchronous>, transform_indices = @transform_1, window_bounds = array<i64: 8, 1024>}, {transform_indices = @transform_2, window_bounds = array<i64: 256, 1>}, {transform_indices = @transform_3, window_bounds = array<i64: 256, 1280>}]} {
    %get3A = arith.constant 0 : index
    %get3A_0 = arith.constant 0 : index
    %get3A_1 = vector.load %arg3[%get3A, %get3A_0] : memref<256x1xi32, #tpu.memory_space<vmem>>, vector<256x1xi32>
    %get3A_2 = arith.constant 0 : index
    %get3A_3 = arith.constant 0 : index
    %get3A_4 = vector.load %arg2[%get3A_2, %get3A_3] : memref<8x1024xf32, #tpu.memory_space<vmem>>, vector<1x1024xf32>
    %broadcast_in_dim3A = vector.shape_cast %get3A_4 : vector<1x1024xf32> to vector<1x1024xf32>
    %broadcast_in_dim3A_5 = vector.broadcast %broadcast_in_dim3A : vector<1x1024xf32> to vector<256x1024xf32>
    %eq3A = arith.constant 1 : i32
    %eq3A_6 = vector.broadcast %eq3A : i32 to vector<256x1xi32>
    %eq3A_7 = arith.cmpi eq, %get3A_1, %eq3A_6 : vector<256x1xi32>
    %get3A_8 = arith.constant 1 : index
    %get3A_9 = arith.constant 0 : index
    %get3A_10 = vector.load %arg2[%get3A_8, %get3A_9] : memref<8x1024xf32, #tpu.memory_space<vmem>>, vector<1x1024xf32>
    %broadcast_in_dim3A_11 = vector.shape_cast %eq3A_7 : vector<256x1xi1> to vector<256x1xi1>
    %broadcast_in_dim3A_12 = vector.broadcast %broadcast_in_dim3A_11 : vector<256x1xi1> to vector<256x1024xi1>
    %broadcast_in_dim3A_13 = vector.shape_cast %get3A_10 : vector<1x1024xf32> to vector<1x1024xf32>
    %broadcast_in_dim3A_14 = vector.broadcast %broadcast_in_dim3A_13 : vector<1x1024xf32> to vector<256x1024xf32>
    %select_n3A = arith.select %broadcast_in_dim3A_12, %broadcast_in_dim3A_14, %broadcast_in_dim3A_5 : vector<256x1024xi1>, vector<256x1024xf32>
    %eq3A_15 = arith.constant 2 : i32
    %eq3A_16 = vector.broadcast %eq3A_15 : i32 to vector<256x1xi32>
    %eq3A_17 = arith.cmpi eq, %get3A_1, %eq3A_16 : vector<256x1xi32>
    %get3A_18 = arith.constant 2 : index
    %get3A_19 = arith.constant 0 : index
    %get3A_20 = vector.load %arg2[%get3A_18, %get3A_19] : memref<8x1024xf32, #tpu.memory_space<vmem>>, vector<1x1024xf32>
    %broadcast_in_dim3A_21 = vector.shape_cast %eq3A_17 : vector<256x1xi1> to vector<256x1xi1>
    %broadcast_in_dim3A_22 = vector.broadcast %broadcast_in_dim3A_21 : vector<256x1xi1> to vector<256x1024xi1>
    %broadcast_in_dim3A_23 = vector.shape_cast %get3A_20 : vector<1x1024xf32> to vector<1x1024xf32>
    %broadcast_in_dim3A_24 = vector.broadcast %broadcast_in_dim3A_23 : vector<1x1024xf32> to vector<256x1024xf32>
    %select_n3A_25 = arith.select %broadcast_in_dim3A_22, %broadcast_in_dim3A_24, %select_n3A : vector<256x1024xi1>, vector<256x1024xf32>
    %eq3A_26 = arith.constant 3 : i32
    %eq3A_27 = vector.broadcast %eq3A_26 : i32 to vector<256x1xi32>
    %eq3A_28 = arith.cmpi eq, %get3A_1, %eq3A_27 : vector<256x1xi32>
    %get3A_29 = arith.constant 3 : index
    %get3A_30 = arith.constant 0 : index
    %get3A_31 = vector.load %arg2[%get3A_29, %get3A_30] : memref<8x1024xf32, #tpu.memory_space<vmem>>, vector<1x1024xf32>
    %broadcast_in_dim3A_32 = vector.shape_cast %eq3A_28 : vector<256x1xi1> to vector<256x1xi1>
    %broadcast_in_dim3A_33 = vector.broadcast %broadcast_in_dim3A_32 : vector<256x1xi1> to vector<256x1024xi1>
    %broadcast_in_dim3A_34 = vector.shape_cast %get3A_31 : vector<1x1024xf32> to vector<1x1024xf32>
    %broadcast_in_dim3A_35 = vector.broadcast %broadcast_in_dim3A_34 : vector<1x1024xf32> to vector<256x1024xf32>
    %select_n3A_36 = arith.select %broadcast_in_dim3A_33, %broadcast_in_dim3A_35, %select_n3A_25 : vector<256x1024xi1>, vector<256x1024xf32>
    %eq3A_37 = arith.constant 4 : i32
    %eq3A_38 = vector.broadcast %eq3A_37 : i32 to vector<256x1xi32>
    %eq3A_39 = arith.cmpi eq, %get3A_1, %eq3A_38 : vector<256x1xi32>
    %get3A_40 = arith.constant 4 : index
    %get3A_41 = arith.constant 0 : index
    %get3A_42 = vector.load %arg2[%get3A_40, %get3A_41] : memref<8x1024xf32, #tpu.memory_space<vmem>>, vector<1x1024xf32>
    %broadcast_in_dim3A_43 = vector.shape_cast %eq3A_39 : vector<256x1xi1> to vector<256x1xi1>
    %broadcast_in_dim3A_44 = vector.broadcast %broadcast_in_dim3A_43 : vector<256x1xi1> to vector<256x1024xi1>
    %broadcast_in_dim3A_45 = vector.shape_cast %get3A_42 : vector<1x1024xf32> to vector<1x1024xf32>
    %broadcast_in_dim3A_46 = vector.broadcast %broadcast_in_dim3A_45 : vector<1x1024xf32> to vector<256x1024xf32>
    %select_n3A_47 = arith.select %broadcast_in_dim3A_44, %broadcast_in_dim3A_46, %select_n3A_36 : vector<256x1024xi1>, vector<256x1024xf32>
    %eq3A_48 = arith.constant 5 : i32
    %eq3A_49 = vector.broadcast %eq3A_48 : i32 to vector<256x1xi32>
    %eq3A_50 = arith.cmpi eq, %get3A_1, %eq3A_49 : vector<256x1xi32>
    %get3A_51 = arith.constant 5 : index
    %get3A_52 = arith.constant 0 : index
    %get3A_53 = vector.load %arg2[%get3A_51, %get3A_52] : memref<8x1024xf32, #tpu.memory_space<vmem>>, vector<1x1024xf32>
    %broadcast_in_dim3A_54 = vector.shape_cast %eq3A_50 : vector<256x1xi1> to vector<256x1xi1>
    %broadcast_in_dim3A_55 = vector.broadcast %broadcast_in_dim3A_54 : vector<256x1xi1> to vector<256x1024xi1>
    %broadcast_in_dim3A_56 = vector.shape_cast %get3A_53 : vector<1x1024xf32> to vector<1x1024xf32>
    %broadcast_in_dim3A_57 = vector.broadcast %broadcast_in_dim3A_56 : vector<1x1024xf32> to vector<256x1024xf32>
    %select_n3A_58 = arith.select %broadcast_in_dim3A_55, %broadcast_in_dim3A_57, %select_n3A_47 : vector<256x1024xi1>, vector<256x1024xf32>
    %eq3A_59 = arith.constant 6 : i32
    %eq3A_60 = vector.broadcast %eq3A_59 : i32 to vector<256x1xi32>
    %eq3A_61 = arith.cmpi eq, %get3A_1, %eq3A_60 : vector<256x1xi32>
    %get3A_62 = arith.constant 6 : index
    %get3A_63 = arith.constant 0 : index
    %get3A_64 = vector.load %arg2[%get3A_62, %get3A_63] : memref<8x1024xf32, #tpu.memory_space<vmem>>, vector<1x1024xf32>
    %broadcast_in_dim3A_65 = vector.shape_cast %eq3A_61 : vector<256x1xi1> to vector<256x1xi1>
    %broadcast_in_dim3A_66 = vector.broadcast %broadcast_in_dim3A_65 : vector<256x1xi1> to vector<256x1024xi1>
    %broadcast_in_dim3A_67 = vector.shape_cast %get3A_64 : vector<1x1024xf32> to vector<1x1024xf32>
    %broadcast_in_dim3A_68 = vector.broadcast %broadcast_in_dim3A_67 : vector<1x1024xf32> to vector<256x1024xf32>
    %select_n3A_69 = arith.select %broadcast_in_dim3A_66, %broadcast_in_dim3A_68, %select_n3A_58 : vector<256x1024xi1>, vector<256x1024xf32>
    %eq3A_70 = arith.constant 7 : i32
    %eq3A_71 = vector.broadcast %eq3A_70 : i32 to vector<256x1xi32>
    %eq3A_72 = arith.cmpi eq, %get3A_1, %eq3A_71 : vector<256x1xi32>
    %get3A_73 = arith.constant 7 : index
    %get3A_74 = arith.constant 0 : index
    %get3A_75 = vector.load %arg2[%get3A_73, %get3A_74] : memref<8x1024xf32, #tpu.memory_space<vmem>>, vector<1x1024xf32>
    %broadcast_in_dim3A_76 = vector.shape_cast %eq3A_72 : vector<256x1xi1> to vector<256x1xi1>
    %broadcast_in_dim3A_77 = vector.broadcast %broadcast_in_dim3A_76 : vector<256x1xi1> to vector<256x1024xi1>
    %broadcast_in_dim3A_78 = vector.shape_cast %get3A_75 : vector<1x1024xf32> to vector<1x1024xf32>
    %broadcast_in_dim3A_79 = vector.broadcast %broadcast_in_dim3A_78 : vector<1x1024xf32> to vector<256x1024xf32>
    %select_n3A_80 = arith.select %broadcast_in_dim3A_77, %broadcast_in_dim3A_79, %select_n3A_69 : vector<256x1024xi1>, vector<256x1024xf32>
    %get3A_81 = arith.constant 0 : index
    %get3A_82 = arith.constant 0 : index
    %get3A_83 = vector.load %arg1[%get3A_81, %get3A_82] : memref<256x256xf32, #tpu.memory_space<vmem>>, vector<256x256xf32>
    %swap3A = arith.constant 0 : index
    %swap3A_84 = arith.constant 0 : index
    %swap3A_85 = vector.load %arg4[%swap3A, %swap3A_84] : memref<256x1280xf32, #tpu.memory_space<vmem>>, vector<256x256xf32>
    tpu.vector_store %arg4[%swap3A, %swap3A_84], %get3A_83 {strides = array<i32>} : memref<256x1280xf32, #tpu.memory_space<vmem>>, vector<256x256xf32>,
    %swap3A_86 = arith.constant 0 : index
    %swap3A_87 = arith.constant 256 : index
    %swap3A_88 = vector.load %arg4[%swap3A_86, %swap3A_87] : memref<256x1280xf32, #tpu.memory_space<vmem>>, vector<256x1024xf32>
    tpu.vector_store %arg4[%swap3A_86, %swap3A_87], %select_n3A_80 {strides = array<i32>} : memref<256x1280xf32, #tpu.memory_space<vmem>>, vector<256x1024xf32>,
    return
  }
  func.func @transform_0(%arg0: i32) -> (i32, i32) {
    %c0_i32 = arith.constant 0 : i32
    %c0_i32_0 = arith.constant 0 : i32
    return %arg0, %c0_i32 : i32, i32
  }
  func.func @transform_1(%arg0: i32) -> (i32, i32) {
    %c0_i32 = arith.constant 0 : i32
    %c0_i32_0 = arith.constant 0 : i32
    %c0_i32_1 = arith.constant 0 : i32
    return %c0_i32, %c0_i32_0 : i32, i32
  }
  func.func @transform_2(%arg0: i32) -> (i32, i32) {
    %c0_i32 = arith.constant 0 : i32
    %c0_i32_0 = arith.constant 0 : i32
    return %arg0, %c0_i32 : i32, i32
  }
  func.func @transform_3(%arg0: i32) -> (i32, i32) {
    %c0_i32 = arith.constant 0 : i32
    %c0_i32_0 = arith.constant 0 : i32
    return %arg0, %c0_i32 : i32, i32
  }
}

</mosaic_0001>

<sc_bundles>
// kernel: kernel.10.cloned.1.call-start
scs
__scs_entry_jumppad:
0x0: {  	(pc) =	sbr.rel $0x88, $3  }
0x1: {  	(tag) =	ssettag $0x0;
	lr =	simm.s32 $0x1  }
0x2: {  	[smem:$0x3F8D] =	sst lr;
	_ =	strace $0xD0000000  }
0x3: {  	_ = 	snop  }
0x4: {  	_ = 	snop  }
0x5: {  	_ = 	snop  }
0x6: {  	_ = 	snop  }
0x7: {  	_ = 	snop  }
__scs_overlays_trampoline_lowered:
0x8: {  	[smem:$0x3F9C] =	sst s0  }
0x9: {  	[smem:$0x3F9D] =	sst s1  }
0xa: {  	[smem:$0x3F9E] =	sst s2  }
0xb: {  	[smem:$0x3F9F] =	sst s3  }
0xc: {  	[smem:$0x3FA0] =	sst s4  }
0xd: {  	[smem:$0x3FA1] =	sst s5  }
0xe: {  	[smem:$0x3FA2] =	sst s6  }
0xf: {  	[smem:$0x3FA3] =	sst s7  }
0x10: {  	[smem:$0x3FA4] =	sst s8  }
0x11: {  	[smem:$0x3FA5] =	sst s9;
	s0 =	simm.s32 @!p0 $0x0  }
0x12: {  	s1 =	sld [smem:$0x3F8B];
	s0 =	simm.s32 @p0 $0x1  }
0x13: {  	[smem:$0x3FA6] =	sst s0;
	s0 =	simm.s32 @!p1 $0x0  }
0x14: {  	s2 =	sld [smem:$0x3F8A];
	s0 =	simm.s32 @p1 $0x1  }
0x15: {  	[smem:$0x3FA7] =	sst s0;
	s0 =	simm.s32 @!p2 $0x0  }
0x16: {  	s3 =	sld [smem:$0x3FDB];
	s0 =	simm.s32 @p2 $0x1  }
0x17: {  	s4 =	simm.s32 $0x1BF5;
	[smem:$0x3FA9] =	sst s0  }
0x18: {  	s0 =	sld [smem:$0x3F8C];
	_ =	swait.ge [sflag:s4], $0x0  }
0x19: {  	s7 =	sld [smem:$0x3F8D]  }
0x1a: {  	s8 =	sadd.s32 $0xFFFFE003, lr  }
0x1b: {  	s9 =	sadd.s32 $0xFFFFFEF7, lr;
	s5 =	simm.s32 $0xFFFFFFFF;
	p2 =	slt.u32 s8, $0xFFFFF086  }
0x1c: {  	p1 =	slt.u32 s9, $0xF7A;
	s5 =	simm.s32 @!p2 $0x0  }
0x1d: {  	s5 =	simm.s32 @p1 $0x1;
	p0 =	seq.s32 s7, s2  }
0x1e: {  	s7 =	smul.u32 @!p0 $0xF7A, s2;
	p2 =	seq.s32 @!p0 s5, $0x0  }
0x1f: {  	s9 =	smul.u32 $0xF7A, s1;
	s8 =	simm.s32 @!p0 $0x1BF5;
	p2 =	por !p2, p0  }
0x20: {  	[sflag:s8] =	ssyncset.s32 @!p0 $0xFFFFF086;
	s6 =	sadd.s32 @!p0 s3, s7;
	s7 =	simm.s32 @!p0 $0x108  }
0x21: {  	s3 =	sadd.s32 s3, s9;
	s6 =	sadd.s32 @!p0 $0x88, s6;
	s7 =	simm.s32 @p2 $0x1082  }
0x22: {  	[simem:s7], [sflag:s8] =	dma.local @!p0 [hbm:s6], $0xF7A  }
0x23: {  	s9 =	sor.u32 $0xD0000000, s2;
	s6 =	simm.s32 $0x108;
	_ =	swait.ge @!p0 [sflag:s8], $0x0  }
0x24: {  	s3 =	sadd.s32 $0x88, s3;
	s6 =	simm.s32 @!p1 $0x1082;
	[sflag:s4] =	ssyncset.s32 $0xFFFFF086  }
0x25: {  	[simem:s6], [sflag:s4] =	dma.local [hbm:s3], $0xF7A  }
0x26: {  	[smem:$0x3F8D] =	sst s1;
	(tag) =	ssettag s2;
	_ =	strace s9  }
0x27: {  	s1 =	sld [smem:$0x3F9D]  }
0x28: {  	s2 =	sld [smem:$0x3F9E]  }
0x29: {  	s4 =	sld [smem:$0x3FA0]  }
0x2a: {  	p0 =	seq.s32 s5, $0x0;
	s5 =	sld [smem:$0x3FA1]  }
0x2b: {  	s6 =	sld [smem:$0x3FA2]  }
0x2c: {  	s7 =	sld [smem:$0x3FA3]  }
0x2d: {  	s3 =	simm.s32 $0x108;
	s8 =	sld [smem:$0x3FA4]  }
0x2e: {  	s3 =	simm.s32 @!p0 $0x1082;
	s9 =	sld [smem:$0x3FA5]  }
0x2f: {  	lr =	sadd.s32 s0, s3;
	s0 =	sld [smem:$0x3F9C]  }
0x30: {  	s3 =	sld [smem:$0x3F9F]  }
0x31: {  	[smem:$0x3FA8] =	sst s10  }
0x32: {  	s10 =	sld [smem:$0x3FA6];
	_ =	sdelay $0x3  }
0x33: {  	p0 =	seq.s32 s10, $0x1;
	s10 =	sld [smem:$0x3FA8];
	_ =	sdelay $0x3  }
0x34: {  	[smem:$0x3FA8] =	sst s10  }
0x35: {  	s10 =	sld [smem:$0x3FA7];
	_ =	sdelay $0x3  }
0x36: {  	p1 =	seq.s32 s10, $0x1;
	s10 =	sld [smem:$0x3FA8];
	_ =	sdelay $0x3  }
0x37: {  	[smem:$0x3FA8] =	sst s10  }
0x38: {  	s10 =	sld [smem:$0x3FA9]  }
0x39: {  	_ = 	snop;
	(pc) =	sbr.ind lr, $3  }
0x3a: {  	_ = 	snop  }
0x3b: {  	_ = 	snop  }
0x3c: {  	p2 =	seq.s32 s10, $0x1;
	s10 =	sld [smem:$0x3FA8]  }
0x3d: {  	_ =	shalt  }
0x3e: {  	_ =	shalt  }
0x3f: {  	_ =	shalt  }
0x40: {  	_ =	shalt  }
0x41: {  	_ =	shalt  }
0x42: {  	_ =	shalt  }
0x43: {  	_ =	shalt  }
0x44: {  	_ =	shalt  }
0x45: {  	_ =	shalt  }
0x46: {  	_ =	shalt  }
0x47: {  	_ =	shalt  }
0x48: {  	_ =	shalt  }
0x49: {  	_ =	shalt  }
0x4a: {  	_ =	shalt  }
0x4b: {  	_ =	shalt  }
0x4c: {  	_ =	shalt  }
0x4d: {  	_ =	shalt  }
0x4e: {  	_ =	shalt  }
0x4f: {  	_ =	shalt  }
0x50: {  	_ =	shalt  }
0x51: {  	_ =	shalt  }
0x52: {  	_ =	shalt  }
0x53: {  	_ =	shalt  }
0x54: {  	_ =	shalt  }
0x55: {  	_ =	shalt  }
0x56: {  	_ =	shalt  }
0x57: {  	_ =	shalt  }
0x58: {  	_ =	shalt  }
0x59: {  	_ =	shalt  }
0x5a: {  	_ =	shalt  }
0x5b: {  	_ =	shalt  }
0x5c: {  	_ =	shalt  }
0x5d: {  	_ =	shalt  }
0x5e: {  	_ =	shalt  }
0x5f: {  	_ =	shalt  }
0x60: {  	_ =	shalt  }
0x61: {  	_ =	shalt  }
0x62: {  	_ =	shalt  }
0x63: {  	_ =	shalt  }
0x64: {  	_ =	shalt  }
0x65: {  	_ =	shalt  }
0x66: {  	_ =	shalt  }
0x67: {  	_ =	shalt  }
0x68: {  	_ =	shalt  }
0x69: {  	_ =	shalt  }
0x6a: {  	_ =	shalt  }
0x6b: {  	_ =	shalt  }
0x6c: {  	_ =	shalt  }
0x6d: {  	_ =	shalt  }
0x6e: {  	_ =	shalt  }
0x6f: {  	_ =	shalt  }
0x70: {  	_ =	shalt  }
0x71: {  	_ =	shalt  }
0x72: {  	_ =	shalt  }
0x73: {  	_ =	shalt  }
0x74: {  	_ =	shalt  }
0x75: {  	_ =	shalt  }
0x76: {  	_ =	shalt  }
0x77: {  	_ =	shalt  }
0x78: {  	_ =	shalt  }
0x79: {  	_ =	shalt  }
0x7a: {  	_ =	shalt  }
0x7b: {  	_ =	shalt  }
0x7c: {  	_ =	shalt  }
0x7d: {  	_ =	shalt  }
0x7e: {  	_ =	shalt  }
0x7f: {  	_ =	shalt  }
0x80: {  	_ =	shalt  }
0x81: {  	_ =	shalt  }
0x82: {  	_ =	shalt  }
0x83: {  	_ =	shalt  }
0x84: {  	_ =	shalt  }
0x85: {  	_ =	shalt  }
0x86: {  	_ =	shalt  }
0x87: {  	_ =	shalt  }
.Lfunc_end0:
.L_simem_size_0:
called_computation.1_lowered:
.L_overlay_start_0:
0x88: {  	s2 =	sld [smem:$0x3FD9]  }
0x89: {  	s3 =	sld [smem:$0x3FFE];
	_ =	sdelay $0x1  }
0x8a: {  	s1 =	srdreg.scid  }
0x8b: {  	s0 =	sand.u32 $0x1, s1  }
0x8c: {  	s16 =	sshll.u32 s0, $0xA;
	s2 =	sadd.s32 s3, s2  }
0x8d: {  	s2 =	sadd.s32 s2, s16  }
0x8e: {  	[smem:$0x3FB4] =	sst s2  }
0x8f: {  	_ = 	snop  }
0x90: {  	(tm) =	ssettm $0x1  }
0x91: {  	s17 =	sld [smem:$0x3FFB];
	_ =	sdelay $0x3  }
0x92: {  	_ =	strace s17  }
0x93: {  	s2 =	sld [smem:$0x3FFC];
	_ =	sdelay $0x3  }
0x94: {  	_ =	strace s2  }
0x95: {  	s2 =	sld [smem:$0x3FFD];
	_ =	sdelay $0x3  }
0x96: {  	_ =	strace s2  }
0x97: {  	_ =	strace $0x8FFFFFFF  }
0x98: {  	s18 =	sld [smem:$0x3FDB];
	_ =	sdelay $0x1  }
0x99: {  	s19 =	simm.s32 $_scs_section_size  }
0x9a: {  	s4 =	simm.s32 $_size__tile_overlayer_lowered;
	s5 =	simm.s32 $_tile_overlayer_lowered  }
0x9b: {  	s22 =	simm.s32 $0x1BFF;
	s21 =	sshll.u32 s5, $0x1;
	s2 =	sadd.s32 s19, s18  }
0x9c: {  	s6 =	simm.s32 $0x0;
	s20 =	sshll.u32 s4, $0x1;
	s4 =	sadd.s32 s21, s2  }
0x9d: {  	[timem:s6], [sflag:s22] =	dma.local [hbm:s4], s20  }
0x9e: {  	_ =	swait.ge [sflag:s22], s20  }
0x9f: {  	s3 =	ssub.s32 $0x0, s20;
	[sflag:s22] =	ssyncset.done $0x0  }
0xa0: {  	[sflag:s22] =	ssyncadd.s32 s3;
	_ =	sdelay $0x1  }
0xa1: {  	s23 =	simm.s32 $0x1B8B  }
0xa2: {  	_ =	swait.ge [sflag:s23], $0x1  }
0xa3: {  	[sflag:s23] =	ssyncset.done $0x0  }
0xa4: {  	s25 =	simm.s32 $0x1B8E;
	s24 =	sld [smem:$0x3FFE];
	[sflag:s23] =	ssyncadd.s32 $0xFFFFFFFF  }
0xa5: {  	s26 =	simm.s32 $execute0_lowered;
	[smem:$0x3FD2] =	sst s25  }
0xa6: {  	s4 =	sshll.u32 s26, $0x1;
	_ =	strace $0x80000049;
	[dreg:$0x1] =	wrdreg $0xFFFFFFFF  }
0xa7: {  	s28 =	simm.s32 $_size_execute0_lowered;
	s2 =	sadd.s32 s2, s4;
	[dreg:$0x0] =	wrdreg $0x0  }
0xa8: {  	s4 =	sshll.u32 s28, $0x1;
	[dreg:$0x2] =	wrdreg s2  }
0xa9: {  	[dreg:$0x3] =	wrdreg s4  }
0xaa: {  	[dreg:$0x4] =	wrdreg $0xC0  }
0xab: {  	_ =	task [dreg:s6], $0x5FFFF  }
0xac: {  	[dreg:$0x1] =	wrdreg $0xFFFFFFFF  }
0xad: {  	[dreg:$0x0] =	wrdreg $0x60  }
0xae: {  	[dreg:$0x2] =	wrdreg s24  }
0xaf: {  	[dreg:$0x3] =	wrdreg $0x9  }
0xb0: {  	_ =	task.clear_ibuf [dreg:s6], $0x4FFFF;
	_ =	strace $0x90000049  }
0xb1: {  	s29 =	simm.s32 $0x9;
	_ =	strace $0x8000004B  }
0xb2: {  	_ =	swait.ge [sflag:s29], $0x1  }
0xb3: {  	[sflag:s29] =	ssyncadd.s32 $0xFFFFFFFF  }
0xb4: {  	_ =	strace $0x9000004B  }
0xb5: {  	_ =	sfence  }
0xb6: {  	s30 =	sld [smem:$0x0];
	_ =	sdelay $0x2  }
0xb7: {  	s31 =	sshll.u32 s1, $0xD;
	s1 =	sshrl.u32 s1, $0x2  }
0xb8: {  	s3 =	sand.u32 $0x4000, s31;
	s1 =	sadd.s32 s1, s30  }
0xb9: {  	s0 =	sor.u32 s3, s0;
	s1 =	sshll.u32 s1, $0x11  }
0xba: {  	s0 =	sor.u32 s1, s0  }
0xbb: {  	s0 =	sadd.s32 $0x8F2B, s0  }
0xbc: {  	[sflag:s0] =	ssyncadd.remote.s32 $0x1  }
0xbd: {  	_ =	sfence.sel $0xFFFF  }
0xbe: {  	[dreg:$0x0] =	wrdreg $0xFFFFFFFF;
	(pc) =	sbr.abs _section_cstart, $3  }
0xbf: {  	[dreg:$0x1] =	wrdreg $0xFFFFFFFF  }
0xc0: {  	_ =	task.clear_ibuf [dreg:s6], $0x2FFFF;
	_ =	strace $0x9FFFFFFF  }
0xc1: {  	(tm) =	ssettm $0x7FFFFFFF  }
tec
execute0_lowered:
.L_overlay_start_1:
0x0: {  	(tag) =	ssettag $0x1  }
0x1: {  	s4 =	rddreg [dreg:$0x0]  }
0x2: {  	s0 =	rddreg [dreg:$0x1];
	s3 =	srdreg.scid  }
0x3: {  	s2 =	simm.s32 $0x0;
	s1 =	stileid.u32;
	s10 =	simm.s32 $0x1  }
0x4: {  	s11 =	simm.s32 $0x2;
	s12 =	simm.s32 $0x0;
	s5 =	sand.u32 $0x1, s3  }
0x5: {  	[smem:$0x7FF] =	sst s2;
	s7 =	sshll.u32 s1, $0xE;
	s3 =	sadd.s32 $0x16200, s4  }
0x6: {  	s9 =	sshll.u32 s1, $0x12;
	s6 =	sshll.u32 s5, $0x12;
	_ =	strace $0x8000004A  }
0x7: {  	s30 =	sshll.u32 s5, $0x16;
	s5 =	ssub.s32 $0x2, s5;
	s6 =	sor.u32 s7, s6  }
0x8: {  	s7 =	sadd.s32 s30, s4;
	s8 =	sshrl.u32 s5, $0x1;
	s6 =	sshrl.u32 s6, $0x3  }
0x9: {  	s5 =	ssub.s32 s5, s8;
	s31 =	sadd.s32 s9, s7;
	s7 =	simm.s32 $0x3  }
0xa: {  	s8 =	simm.s32 $0x80;
	s9 =	simm.s32 $0x4000;
	s4 =	sadd.s32 s6, s4  }
0xb: {  	s5 =	smax.u32 s5, $0x1;
	s6 =	sadd.s32 $0x80000, s31;
	s4 =	sadd.s32 $0x6200, s4  }
.LBB2_1:
0xc: {  	[tilespmem:s2], [sflag:$0x3] =	stream.linear.gather [hbm4b:s4+s2], $0x4000, $0x38;
	[tilespmem:$0x8000] =	vst v63  }
0xd: {  	_ =	swait.ge [sflag:s7], $0x4000  }
0xe: {  	[sflag:s7] =	ssyncset.done $0x0  }
0xf: {  	s13 =	simm.s32 $0x0;
	[sflag:s7] =	ssyncadd.s32 $0xFFFFC000  }
0x10: {  	[tilespmem:s9], [sflag:$0x1] =	stream.indirect.gather [hbm4b:s3+s8], $0x80, s13, s8, $0xb8;
	[tilespmem:$0x8000] =	vst v63  }
0x11: {  	_ =	swait.ge [sflag:s10], $0x4000  }
0x12: {  	[sflag:s10] =	ssyncset.done $0x0  }
0x13: {  	[sflag:s10] =	ssyncadd.s32 $0xFFFFC000  }
0x14: {  	[hbm4b:s6+s2] =	stream.linear.scatter [tilespmem:s9], [sflag:$0x2], $0x4000, $0x38;
	[tilespmem:$0x8000] =	vst v63  }
0x15: {  	s14 =	simm.s32 $0x200;
	_ =	swait.ge [sflag:s11], $0x4000  }
0x16: {  	s15 =	simm.s32 $0x400;
	s13 =	sadd.s32 $0x800, s6;
	[sflag:s11] =	ssyncset.done $0x0  }
.LBB2_2:
0x17: {  	s16 =	sshra.s32 s14, $0x2  }
0x18: {  	[sflag:s11] =	ssyncadd.s32 $0xFFFFC000;
	s14 =	smov.u32 s15;
	s17 =	sadd.s32 $0x200, s15  }
0x19: {  	[tilespmem:s9], [sflag:$0x1] =	stream.indirect.gather [hbm4b:s3+s8], $0x80, s16, s8, $0xb8;
	[tilespmem:$0x8000] =	vst v63  }
0x1a: {  	p0 =	sne.s32 s15, $0xFE00;
	_ =	swait.ge [sflag:s10], $0x4000  }
.Ltmp0:
0x1b: {  	[sflag:s10] =	ssyncset.done $0x0;
	(pc) =	sbr.rel @p0 .LBB2_2-.Ltmp0, $4  }
0x1c: {  	[sflag:s10] =	ssyncadd.s32 $0xFFFFC000  }
0x1d: {  	[hbm4b:s13+s2] =	stream.linear.scatter [tilespmem:s9], [sflag:$0x2], $0x4000, $0x38;
	[tilespmem:$0x8000] =	vst v63  }
0x1e: {  	_ =	swait.ge [sflag:s11], $0x4000  }
0x1f: {  	s15 =	smov.u32 s17;
	s13 =	sadd.s32 $0x800, s13;
	[sflag:s11] =	ssyncset.done $0x0  }
0x20: {  	s14 =	sshra.s32 s14, $0x2;
	[sflag:s11] =	ssyncadd.s32 $0xFFFFC000  }
0x21: {  	[tilespmem:s9], [sflag:$0x1] =	stream.indirect.gather [hbm4b:s3+s8], $0x80, s14, s8, $0xb8;
	[tilespmem:$0x8000] =	vst v63  }
0x22: {  	s12 =	sadd.s32 $0x1, s12;
	_ =	swait.ge [sflag:s10], $0x4000  }
0x23: {  	p0 =	sne.s32 s12, s5;
	[sflag:s10] =	ssyncset.done $0x0  }
.Ltmp1:
0x24: {  	[sflag:s10] =	ssyncadd.s32 $0xFFFFC000;
	(pc) =	sbr.rel @p0 .LBB2_1-.Ltmp1, $4  }
0x25: {  	[hbm4b:s13+s2] =	stream.linear.scatter [tilespmem:s9], [sflag:$0x2], $0x4000, $0x38;
	[tilespmem:$0x8000] =	vst v63  }
0x26: {  	_ =	swait.ge [sflag:s11], $0x4000  }
0x27: {  	[sflag:s11] =	ssyncset.done $0x0  }
0x28: {  	[sflag:s11] =	ssyncadd.s32 $0xFFFFC000  }
0x29: {  	_ =	sfence.sel $0x180000  }
0x2a: {  	[bflag:$0x0] =	sbarrier.arrive $0xFFFF  }
0x2b: {  	p0 =	sne.s32 s1, $0x0;
	_ =	strace $0x9000004A  }
0x2c: {  	s0 =	sadd.s32 @!p0 $0x100000, s0;
	[bflag:$0x2] =	sbarrier.arrive $0xFFFF  }
0x2d: {  	[sflag:s0] =	ssyncadd.tile.s32 @!p0 $0x1;
	_ =	shalt  }
.Lfunc_end2:
_tile_overlayer_lowered:
.L_overlay_start_2:
0x2e: {  	(tag) =	ssettag $0x2  }
0x2f: {  	s0 =	rddreg [dreg:$0x0];
	s2 =	stileid.u32  }
0x30: {  	s1 =	rddreg [dreg:$0x1];
	p0 =	sne.s32 s2, $0x0  }
0x31: {  	s3 =	rddreg [dreg:$0x2];
	[bflag:$0x3] =	sbarrier.arrive $0xFFFF;
	s2 =	simm.s32 @!p0 $0x1C03  }
0x32: {  	[timem:s3], [sflag:s2] =	dma.local @!p0 [hbm:s0], s1  }
0x33: {  	s0 =	simm.s32 @!p0 $0x3  }
0x34: {  	_ =	swait.ge @!p0 [sflag:s0], s1  }
0x35: {  	s1 =	ssub.s32 @!p0 $0x0, s1;
	[sflag:s0] =	ssyncset.done @!p0 $0x0  }
0x36: {  	[sflag:s0] =	ssyncadd.s32 @!p0 s1  }
0x37: {  	[bflag:$0x3] =	sbarrier.arrive $0xFFFF  }
0x38: {  	_ =	shalt  }

// kernel: kernel.7.cloned.1.call-start
scs
__scs_entry_jumppad:
0x0: {  	(pc) =	sbr.rel $0x88, $3  }
0x1: {  	(tag) =	ssettag $0x0;
	lr =	simm.s32 $0x1  }
0x2: {  	[smem:$0x3F8D] =	sst lr;
	_ =	strace $0xD0000000  }
0x3: {  	_ = 	snop  }
0x4: {  	_ = 	snop  }
0x5: {  	_ = 	snop  }
0x6: {  	_ = 	snop  }
0x7: {  	_ = 	snop  }
__scs_overlays_trampoline_lowered:
0x8: {  	[smem:$0x3F9C] =	sst s0  }
0x9: {  	[smem:$0x3F9D] =	sst s1  }
0xa: {  	[smem:$0x3F9E] =	sst s2  }
0xb: {  	[smem:$0x3F9F] =	sst s3  }
0xc: {  	[smem:$0x3FA0] =	sst s4  }
0xd: {  	[smem:$0x3FA1] =	sst s5  }
0xe: {  	[smem:$0x3FA2] =	sst s6  }
0xf: {  	[smem:$0x3FA3] =	sst s7  }
0x10: {  	[smem:$0x3FA4] =	sst s8  }
0x11: {  	[smem:$0x3FA5] =	sst s9;
	s0 =	simm.s32 @!p0 $0x0  }
0x12: {  	s1 =	sld [smem:$0x3F8B];
	s0 =	simm.s32 @p0 $0x1  }
0x13: {  	[smem:$0x3FA6] =	sst s0;
	s0 =	simm.s32 @!p1 $0x0  }
0x14: {  	s2 =	sld [smem:$0x3F8A];
	s0 =	simm.s32 @p1 $0x1  }
0x15: {  	[smem:$0x3FA7] =	sst s0;
	s0 =	simm.s32 @!p2 $0x0  }
0x16: {  	s3 =	sld [smem:$0x3FDB];
	s0 =	simm.s32 @p2 $0x1  }
0x17: {  	s4 =	simm.s32 $0x1BF5;
	[smem:$0x3FA9] =	sst s0  }
0x18: {  	s0 =	sld [smem:$0x3F8C];
	_ =	swait.ge [sflag:s4], $0x0  }
0x19: {  	s7 =	sld [smem:$0x3F8D]  }
0x1a: {  	s8 =	sadd.s32 $0xFFFFE003, lr  }
0x1b: {  	s9 =	sadd.s32 $0xFFFFFEF7, lr;
	s5 =	simm.s32 $0xFFFFFFFF;
	p2 =	slt.u32 s8, $0xFFFFF086  }
0x1c: {  	p1 =	slt.u32 s9, $0xF7A;
	s5 =	simm.s32 @!p2 $0x0  }
0x1d: {  	s5 =	simm.s32 @p1 $0x1;
	p0 =	seq.s32 s7, s2  }
0x1e: {  	s7 =	smul.u32 @!p0 $0xF7A, s2;
	p2 =	seq.s32 @!p0 s5, $0x0  }
0x1f: {  	s9 =	smul.u32 $0xF7A, s1;
	s8 =	simm.s32 @!p0 $0x1BF5;
	p2 =	por !p2, p0  }
0x20: {  	[sflag:s8] =	ssyncset.s32 @!p0 $0xFFFFF086;
	s6 =	sadd.s32 @!p0 s3, s7;
	s7 =	simm.s32 @!p0 $0x108  }
0x21: {  	s3 =	sadd.s32 s3, s9;
	s6 =	sadd.s32 @!p0 $0x88, s6;
	s7 =	simm.s32 @p2 $0x1082  }
0x22: {  	[simem:s7], [sflag:s8] =	dma.local @!p0 [hbm:s6], $0xF7A  }
0x23: {  	s9 =	sor.u32 $0xD0000000, s2;
	s6 =	simm.s32 $0x108;
	_ =	swait.ge @!p0 [sflag:s8], $0x0  }
0x24: {  	s3 =	sadd.s32 $0x88, s3;
	s6 =	simm.s32 @!p1 $0x1082;
	[sflag:s4] =	ssyncset.s32 $0xFFFFF086  }
0x25: {  	[simem:s6], [sflag:s4] =	dma.local [hbm:s3], $0xF7A  }
0x26: {  	[smem:$0x3F8D] =	sst s1;
	(tag) =	ssettag s2;
	_ =	strace s9  }
0x27: {  	s1 =	sld [smem:$0x3F9D]  }
0x28: {  	s2 =	sld [smem:$0x3F9E]  }
0x29: {  	s4 =	sld [smem:$0x3FA0]  }
0x2a: {  	p0 =	seq.s32 s5, $0x0;
	s5 =	sld [smem:$0x3FA1]  }
0x2b: {  	s6 =	sld [smem:$0x3FA2]  }
0x2c: {  	s7 =	sld [smem:$0x3FA3]  }
0x2d: {  	s3 =	simm.s32 $0x108;
	s8 =	sld [smem:$0x3FA4]  }
0x2e: {  	s3 =	simm.s32 @!p0 $0x1082;
	s9 =	sld [smem:$0x3FA5]  }
0x2f: {  	lr =	sadd.s32 s0, s3;
	s0 =	sld [smem:$0x3F9C]  }
0x30: {  	s3 =	sld [smem:$0x3F9F]  }
0x31: {  	[smem:$0x3FA8] =	sst s10  }
0x32: {  	s10 =	sld [smem:$0x3FA6];
	_ =	sdelay $0x3  }
0x33: {  	p0 =	seq.s32 s10, $0x1;
	s10 =	sld [smem:$0x3FA8];
	_ =	sdelay $0x3  }
0x34: {  	[smem:$0x3FA8] =	sst s10  }
0x35: {  	s10 =	sld [smem:$0x3FA7];
	_ =	sdelay $0x3  }
0x36: {  	p1 =	seq.s32 s10, $0x1;
	s10 =	sld [smem:$0x3FA8];
	_ =	sdelay $0x3  }
0x37: {  	[smem:$0x3FA8] =	sst s10  }
0x38: {  	s10 =	sld [smem:$0x3FA9]  }
0x39: {  	_ = 	snop;
	(pc) =	sbr.ind lr, $3  }
0x3a: {  	_ = 	snop  }
0x3b: {  	_ = 	snop  }
0x3c: {  	p2 =	seq.s32 s10, $0x1;
	s10 =	sld [smem:$0x3FA8]  }
0x3d: {  	_ =	shalt  }
0x3e: {  	_ =	shalt  }
0x3f: {  	_ =	shalt  }
0x40: {  	_ =	shalt  }
0x41: {  	_ =	shalt  }
0x42: {  	_ =	shalt  }
0x43: {  	_ =	shalt  }
0x44: {  	_ =	shalt  }
0x45: {  	_ =	shalt  }
0x46: {  	_ =	shalt  }
0x47: {  	_ =	shalt  }
0x48: {  	_ =	shalt  }
0x49: {  	_ =	shalt  }
0x4a: {  	_ =	shalt  }
0x4b: {  	_ =	shalt  }
0x4c: {  	_ =	shalt  }
0x4d: {  	_ =	shalt  }
0x4e: {  	_ =	shalt  }
0x4f: {  	_ =	shalt  }
0x50: {  	_ =	shalt  }
0x51: {  	_ =	shalt  }
0x52: {  	_ =	shalt  }
0x53: {  	_ =	shalt  }
0x54: {  	_ =	shalt  }
0x55: {  	_ =	shalt  }
0x56: {  	_ =	shalt  }
0x57: {  	_ =	shalt  }
0x58: {  	_ =	shalt  }
0x59: {  	_ =	shalt  }
0x5a: {  	_ =	shalt  }
0x5b: {  	_ =	shalt  }
0x5c: {  	_ =	shalt  }
0x5d: {  	_ =	shalt  }
0x5e: {  	_ =	shalt  }
0x5f: {  	_ =	shalt  }
0x60: {  	_ =	shalt  }
0x61: {  	_ =	shalt  }
0x62: {  	_ =	shalt  }
0x63: {  	_ =	shalt  }
0x64: {  	_ =	shalt  }
0x65: {  	_ =	shalt  }
0x66: {  	_ =	shalt  }
0x67: {  	_ =	shalt  }
0x68: {  	_ =	shalt  }
0x69: {  	_ =	shalt  }
0x6a: {  	_ =	shalt  }
0x6b: {  	_ =	shalt  }
0x6c: {  	_ =	shalt  }
0x6d: {  	_ =	shalt  }
0x6e: {  	_ =	shalt  }
0x6f: {  	_ =	shalt  }
0x70: {  	_ =	shalt  }
0x71: {  	_ =	shalt  }
0x72: {  	_ =	shalt  }
0x73: {  	_ =	shalt  }
0x74: {  	_ =	shalt  }
0x75: {  	_ =	shalt  }
0x76: {  	_ =	shalt  }
0x77: {  	_ =	shalt  }
0x78: {  	_ =	shalt  }
0x79: {  	_ =	shalt  }
0x7a: {  	_ =	shalt  }
0x7b: {  	_ =	shalt  }
0x7c: {  	_ =	shalt  }
0x7d: {  	_ =	shalt  }
0x7e: {  	_ =	shalt  }
0x7f: {  	_ =	shalt  }
0x80: {  	_ =	shalt  }
0x81: {  	_ =	shalt  }
0x82: {  	_ =	shalt  }
0x83: {  	_ =	shalt  }
0x84: {  	_ =	shalt  }
0x85: {  	_ =	shalt  }
0x86: {  	_ =	shalt  }
0x87: {  	_ =	shalt  }
.Lfunc_end0:
.L_simem_size_0:
called_computation_lowered:
.L_overlay_start_0:
0x88: {  	s2 =	sld [smem:$0x3FD9]  }
0x89: {  	s3 =	sld [smem:$0x3FFE];
	_ =	sdelay $0x1  }
0x8a: {  	s1 =	srdreg.scid  }
0x8b: {  	s0 =	sand.u32 $0x1, s1  }
0x8c: {  	s14 =	sshll.u32 s0, $0xA;
	s2 =	sadd.s32 s3, s2  }
0x8d: {  	s2 =	sadd.s32 s2, s14  }
0x8e: {  	[smem:$0x3FB4] =	sst s2  }
0x8f: {  	_ = 	snop  }
0x90: {  	s2 =	sld [smem:$0x3FD0];
	_ =	sdelay $0x2  }
0x91: {  	s15 =	simm.s32 $0xA;
	s4 =	simm.s32 $0x10  }
0x92: {  	[smem:s4], [sflag:s15] =	dma.local [hbm:s2], $0x1  }
0x93: {  	_ =	swait.eq [sflag:s15], $0x1  }
0x94: {  	s16 =	sld [smem:$0x10];
	[sflag:s15] =	ssyncset.done $0x0  }
0x95: {  	s17 =	sld [smem:$0x11];
	[sflag:s15] =	ssyncadd.s32 $0xFFFFFFFF  }
0x96: {  	s18 =	sld [smem:$0x12];
	(tm) =	ssettm $0x1  }
0x97: {  	s5 =	sld [smem:$0x3FFB];
	_ =	sdelay $0x3  }
0x98: {  	_ =	strace s5  }
0x99: {  	s5 =	sld [smem:$0x3FFC];
	_ =	sdelay $0x3  }
0x9a: {  	_ =	strace s5  }
0x9b: {  	s5 =	sld [smem:$0x3FFD];
	_ =	sdelay $0x3  }
0x9c: {  	_ =	strace s5  }
0x9d: {  	_ =	strace $0x8FFFFFFF  }
0x9e: {  	s19 =	sld [smem:$0x3FDB];
	_ =	sdelay $0x1  }
0x9f: {  	s6 =	simm.s32 $_scs_section_size  }
0xa0: {  	s7 =	simm.s32 $_size__tile_overlayer_lowered;
	s8 =	simm.s32 $_tile_overlayer_lowered  }
0xa1: {  	s22 =	simm.s32 $0x1BFF;
	s21 =	sshll.u32 s8, $0x1;
	s5 =	sadd.s32 s6, s19  }
0xa2: {  	s9 =	simm.s32 $0x0;
	s20 =	sshll.u32 s7, $0x1;
	s7 =	sadd.s32 s21, s5  }
0xa3: {  	[timem:s9], [sflag:s22] =	dma.local [hbm:s7], s20  }
0xa4: {  	_ =	swait.ge [sflag:s22], s20  }
0xa5: {  	s6 =	ssub.s32 $0x0, s20;
	[sflag:s22] =	ssyncset.done $0x0  }
0xa6: {  	[sflag:s22] =	ssyncadd.s32 s6;
	_ =	sdelay $0x1  }
0xa7: {  	s23 =	simm.s32 $0x1B8B  }
0xa8: {  	_ =	swait.ge [sflag:s23], $0x1  }
0xa9: {  	[sflag:s23] =	ssyncset.done $0x0  }
0xaa: {  	s25 =	simm.s32 $0x1B8E;
	s24 =	sld [smem:$0x3FFE];
	[sflag:s23] =	ssyncadd.s32 $0xFFFFFFFF  }
0xab: {  	s26 =	simm.s32 $execute0_lowered;
	[smem:$0x3FD2] =	sst s25  }
0xac: {  	s7 =	sshll.u32 s26, $0x1;
	_ =	strace $0x80000046;
	[dreg:$0x1] =	wrdreg $0xFFFFFFFF  }
0xad: {  	s28 =	simm.s32 $_size_execute0_lowered;
	s5 =	sadd.s32 s5, s7;
	[dreg:$0x0] =	wrdreg $0x0  }
0xae: {  	s7 =	sshll.u32 s28, $0x1;
	[dreg:$0x2] =	wrdreg s5  }
0xaf: {  	[dreg:$0x3] =	wrdreg s7  }
0xb0: {  	[dreg:$0x4] =	wrdreg $0xC0  }
0xb1: {  	_ =	task [dreg:s9], $0x5FFFF  }
0xb2: {  	[dreg:$0x1] =	wrdreg $0xFFFFFFFF  }
0xb3: {  	[dreg:$0x0] =	wrdreg $0x60  }
0xb4: {  	[dreg:$0x2] =	wrdreg s24  }
0xb5: {  	[dreg:$0x3] =	wrdreg s16  }
0xb6: {  	[dreg:$0x4] =	wrdreg s18  }
0xb7: {  	[dreg:$0x5] =	wrdreg s17  }
0xb8: {  	[dreg:$0x6] =	wrdreg $0x9  }
0xb9: {  	_ =	task.clear_ibuf [dreg:s9], $0x7FFFF;
	_ =	strace $0x90000046  }
0xba: {  	s29 =	simm.s32 $0x9;
	_ =	strace $0x80000048  }
0xbb: {  	_ =	swait.ge [sflag:s29], $0x1  }
0xbc: {  	[sflag:s29] =	ssyncadd.s32 $0xFFFFFFFF  }
0xbd: {  	_ =	strace $0x90000048  }
0xbe: {  	_ =	sfence  }
0xbf: {  	s30 =	sld [smem:$0x0];
	_ =	sdelay $0x2  }
0xc0: {  	s31 =	sshll.u32 s1, $0xD;
	s1 =	sshrl.u32 s1, $0x2  }
0xc1: {  	s3 =	sand.u32 $0x4000, s31;
	s1 =	sadd.s32 s1, s30  }
0xc2: {  	s0 =	sor.u32 s3, s0;
	s1 =	sshll.u32 s1, $0x11  }
0xc3: {  	s0 =	sor.u32 s1, s0  }
0xc4: {  	s0 =	sadd.s32 $0x8F2B, s0  }
0xc5: {  	[sflag:s0] =	ssyncadd.remote.s32 $0x1  }
0xc6: {  	_ =	sfence.sel $0xFFFF  }
0xc7: {  	[dreg:$0x0] =	wrdreg $0xFFFFFFFF;
	(pc) =	sbr.abs _section_cstart, $3  }
0xc8: {  	[dreg:$0x1] =	wrdreg $0xFFFFFFFF  }
0xc9: {  	_ =	task.clear_ibuf [dreg:s9], $0x2FFFF;
	_ =	strace $0x9FFFFFFF  }
0xca: {  	(tm) =	ssettm $0x7FFFFFFF  }
0xcb: {  	_ =	shalt  }
tec
execute0_lowered:
.L_overlay_start_1:
0x0: {  	(tag) =	ssettag $0x1  }
0x1: {  	s0 =	rddreg [dreg:$0x0]  }
0x2: {  	s23 =	rddreg [dreg:$0x3];
	s4 =	simm.s32 $0x0  }
0x3: {  	[smem:$0x7FF] =	sst s4;
	s17 =	sadd.s32 $0x6200, s0  }
0x4: {  	s18 =	sadd.s32 $0x6600, s0;
	_ =	strace $0x80000047;
	[dreg:$0x6] =	wrdreg s17  }
0x5: {  	s19 =	sadd.s32 $0x8000, s0;
	[dreg:$0x7] =	wrdreg s18  }
0x6: {  	s20 =	sadd.s32 $0x1C000, s0;
	[dreg:$0x8] =	wrdreg s19  }
0x7: {  	s1 =	srdreg.scid;
	s21 =	sadd.s32 $0x44000, s0;
	[dreg:$0x9] =	wrdreg s20  }
0x8: {  	s3 =	stileid.u32;
	s22 =	sadd.s32 $0x58000, s0;
	[dreg:$0xa] =	wrdreg s21  }
0x9: {  	s1 =	sand.u32 $0x1, s1;
	s24 =	sadd.s32 $0x6C000, s0;
	[dreg:$0xb] =	wrdreg s22  }
0xa: {  	s3 =	sshll.u32 s3, $0x8;
	s25 =	sadd.s32 $0x30000, s0;
	[dreg:$0xc] =	wrdreg s24  }
0xb: {  	s26 =	sadd.s32 $0x6A00, s0;
	s2 =	sshll.u32 s1, $0xC;
	[dreg:$0xd] =	wrdreg s25  }
0xc: {  	[dreg:$0xe] =	wrdreg s26;
	s2 =	sor.u32 s3, s2  }
0xd: {  	s1 =	ssub.s32 $0x2, s1;
	[dreg:$0x5] =	wrdreg s2;
	s2 =	sshrl.u32 s2, $0x3  }
.Ltmp0:
0xe: {  	s2 =	sadd.s32 s2, s0;
	s0 =	sadd.s32 $0x6E00, s0;
	(pc) =	sbr.rel .LBB2_1-.Ltmp0, $4  }
0xf: {  	s28 =	sshrl.u32 s1, $0x1;
	[dreg:$0xf] =	wrdreg s0;
	s30 =	sadd.s32 $0x7C00, s2  }
0x10: {  	s29 =	ssub.s32 s1, s28;
	s31 =	sadd.s32 $0x7800, s2;
	[dreg:$0x10] =	wrdreg s30  }
0x11: {  	s0 =	smax.u32 s29, $0x1;
	[dreg:$0x11] =	wrdreg s31  }
0x12: {  	v0 =	vimm.s32 $0x0;
	v1 =	vlaneseq.u32;
	vm0 =	vmxor vm0, vm0;
	s20 =	simm.s32 $0x1;
	s1 =	simm.s32 $0x0;
	[dreg:$0x12] =	wrdreg s0  }
.LBB2_133:
0x13: {  	s1 =	rddreg [dreg:$0x13]  }
0x14: {  	s0 =	rddreg [dreg:$0x12];
	s1 =	sadd.s32 $0x1, s1  }
0x15: {  	p0 =	sne.s32 s1, s0  }
.Ltmp1:
0x16: {  	_ = 	snop;
	(pc) =	sbr.rel @!p0 .LBB2_134-.Ltmp1, $1  }
0x17: {  	_ =	sdelay $0x3  }
.LBB2_1:
0x18: {  	[dreg:$0x13] =	wrdreg s1  }
0x19: {  	s19 =	simm.s32 $0x0;
	s0 =	rddreg [dreg:$0x6]  }
0x1a: {  	[tilespmem:s19], [sflag:$0x1] =	stream.linear.gather [hbm4b:s0+s19], $0x2000, $0x38;
	[tilespmem:$0x10600] =	vst v63  }
0x1b: {  	_ =	swait.ge [sflag:s20], $0x2000  }
0x1c: {  	[sflag:s20] =	ssyncset.done $0x0  }
0x1d: {  	[sflag:s20] =	ssyncadd.s32 $0xFFFFE000  }
0x1e: {  	s2 =	simm.s32 $0x2000;
	s21 =	rddreg [dreg:$0x1]  }
0x1f: {  	[tilespmem:s2], [sflag:$0x1] =	stream.linear.gather [hbm4b:s21+s19], $0x2000, $0x38;
	[tilespmem:$0x10600] =	vst v63  }
0x20: {  	_ =	swait.ge [sflag:s20], $0x2000  }
0x21: {  	[sflag:s20] =	ssyncset.done $0x0  }
0x22: {  	[sflag:s20] =	ssyncadd.s32 $0xFFFFE000  }
0x23: {  	s24 =	simm.s32 $0x4000;
	s22 =	rddreg [dreg:$0x2]  }
0x24: {  	[tilespmem:s24], [sflag:$0x1] =	stream.linear.gather [hbm4b:s22+s19], $0x2000, $0x38;
	[tilespmem:$0x10600] =	vst v63  }
0x25: {  	_ =	swait.ge [sflag:s20], $0x2000  }
0x26: {  	[sflag:s20] =	ssyncset.done $0x0  }
0x27: {  	s26 =	simm.s32 $0xC000;
	s25 =	rddreg [dreg:$0x7];
	[sflag:s20] =	ssyncadd.s32 $0xFFFFE000  }
0x28: {  	[tilespmem:s26], [sflag:$0x1] =	stream.linear.gather [hbm4b:s25+s19], $0x2000, $0x38;
	[tilespmem:$0x10600] =	vst v63  }
0x29: {  	_ =	swait.ge [sflag:s20], $0x2000  }
0x2a: {  	[sflag:s20] =	ssyncset.done $0x0  }
0x2b: {  	s29 =	simm.s32 $0xE000;
	s28 =	rddreg [dreg:$0x10];
	[sflag:s20] =	ssyncadd.s32 $0xFFFFE000  }
0x2c: {  	[tilespmem:s29], [sflag:$0x1] =	stream.linear.gather [hbm4b:s28+s19], $0x100, $0x38;
	[tilespmem:$0x10600] =	vst v63  }
0x2d: {  	_ =	swait.ge [sflag:s20], $0x100  }
0x2e: {  	[sflag:s20] =	ssyncset.done $0x0  }
0x2f: {  	s31 =	simm.s32 $0xE100;
	s30 =	rddreg [dreg:$0x11];
	[sflag:s20] =	ssyncadd.s32 $0xFFFFFF00  }
0x30: {  	[tilespmem:s31], [sflag:$0x1] =	stream.linear.gather [hbm4b:s30+s19], $0x100, $0x38;
	[tilespmem:$0x10600] =	vst v63  }
0x31: {  	_ =	swait.ge [sflag:s20], $0x100  }
0x32: {  	[sflag:s20] =	ssyncset.done $0x0  }
0x33: {  	s1 =	simm.s32 $0x0;
	[sflag:s20] =	ssyncadd.s32 $0xFFFFFF00  }
0x34: {  	v3 =	vld [tilespmem:s1+$0x4000]  }
0x35: {  	v5 =	vld [tilespmem:s1+$0x0]  }
0x36: {  	v6 =	vld [tilespmem:s1+$0x2000];
	_ =	sdelay $0x2  }
0x37: {  	s0 =	simm.s32 $0x10;
	v2 =	vshrl.u32 v3, $0x10  }
0x38: {  	v4 =	vshrl.u32 v5, $0x10;
	v7 =	vand.u32 $0x1, v2;
	v2 =	vld [tilespmem:s0+$0x4000]  }
0x39: {  	v9 =	vshrl.u32 v6, $0x10;
	v8 =	vand.u32 $0x1, v4;
	v4 =	vld [tilespmem:s0+$0x0];
	v3 =	vadd.s32 v7, v3  }
0x3a: {  	v5 =	vadd.s32 v8, v5;
	v7 =	vand.u32 $0x1, v9;
	v8 =	vadd.s32 $0x7FFF, v3;
	v3 =	vld [tilespmem:s0+$0x2000]  }
0x3b: {  	v5 =	vadd.s32 $0x7FFF, v5;
	v6 =	vadd.s32 v7, v6;
	v7 =	vand.u32 $0xFFFF0000, v8  }
0x3c: {  	s2 =	simm.s32 $0x80;
	v5 =	vand.u32 $0xFFFF0000, v5;
	v6 =	vadd.s32 $0x7FFF, v6;
	[tilespmem:s1+$0xA000] =	vst v7  }
.LBB2_2:
0x3d: {  	s3 =	sshra.s32 s2, $0x2;
	p0 =	sne.s32 s2, $0x7FC0;
	s2 =	sadd.s32 $0x40, s2;
	v11 =	vshrl.u32 v2, $0x10;
	[tilespmem:s1+$0x6000] =	vst v5;
	v9 =	vand.u32 $0xFFFF0000, v6;
	v6 =	vmov v2  }
.Ltmp2:
0x3e: {  	v2 =	vld [tilespmem:s3+$0x4000];
	v8 =	vshrl.u32 v4, $0x10;
	v10 =	vand.u32 $0x1, v11;
	[tilespmem:s1+$0x8000] =	vst v9;
	v5 =	vmov v4;
	s1 =	smov.u32 s0;
	s0 =	smov.u32 s3;
	(pc) =	sbr.rel @p0 .LBB2_2-.Ltmp2, $4  }
0x3f: {  	v4 =	vld [tilespmem:s0+$0x0];
	v8 =	vand.u32 $0x1, v8;
	v9 =	vshrl.u32 v3, $0x10;
	v6 =	vadd.s32 v10, v6;
	v7 =	vmovc v3  }
0x40: {  	v3 =	vld [tilespmem:s0+$0x2000];
	v5 =	vadd.s32 v8, v5;
	v8 =	vand.u32 $0x1, v9;
	v6 =	vadd.s32 $0x7FFF, v6  }
0x41: {  	v5 =	vadd.s32 $0x7FFF, v5;
	v7 =	vadd.s32 v8, v7;
	v8 =	vand.u32 $0xFFFF0000, v6  }
0x42: {  	v5 =	vand.u32 $0xFFFF0000, v5;
	v6 =	vadd.s32 $0x7FFF, v7;
	[tilespmem:s1+$0xA000] =	vst v8  }
0x43: {  	v7 =	vshrl.u32 v2, $0x10  }
0x44: {  	v6 =	vand.u32 $0xFFFF0000, v6;
	v8 =	vshrl.u32 v4, $0x10;
	v7 =	vand.u32 $0x1, v7  }
0x45: {  	v8 =	vand.u32 $0x1, v8;
	v2 =	vadd.s32 v7, v2;
	v61 =	vshrl.u32 v3, $0x10  }
.Ltmp3:
0x46: {  	[tilespmem:s1+$0x6000] =	vst v5;
	v62 =	vadd.s32 v8, v4;
	v63 =	vand.u32 $0x1, v61;
	v2 =	vadd.s32 $0x7FFF, v2;
	(pc) =	sbr.rel .LBB2_4-.Ltmp3, $4  }
0x47: {  	[tilespmem:s1+$0x8000] =	vst v6;
	v4 =	vadd.s32 $0x7FFF, v62;
	v3 =	vadd.s32 v63, v3;
	v2 =	vand.u32 $0xFFFF0000, v2  }
0x48: {  	v4 =	vand.u32 $0xFFFF0000, v4;
	v3 =	vadd.s32 $0x7FFF, v3;
	[tilespmem:s0+$0xA000] =	vst v2  }
0x49: {  	[tilespmem:s0+$0x6000] =	vst v4;
	v2 =	vand.u32 $0xFFFF0000, v3  }
0x4a: {  	s30 =	simm.s32 $0x0;
	[tilespmem:s0+$0x8000] =	vst v2  }
.LBB2_126:
0x4b: {  	s9 =	smov.u32 s2  }
0x4c: {  	s11 =	smov.u32 s3;
	s10 =	simm.s32 $0x0;
	s8 =	simm.s32 $0x0  }
.LBB2_131:
0x4d: {  	v7 =	vmul.f32 v12, v7;
	_ =	sdelay $0x1  }
0x4e: {  	v8 =	vmul.f32 v13, v8;
	v7 =	vadd.f32 v14, v7;
	_ =	sdelay $0x1  }
0x4f: {  	v7 =	vadd.f32 v8, v7;
	_ =	sdelay $0x1  }
0x50: {  	v4 =	vadd.f32 v4, v6;
	v57 =	vadd.f32 v7, v7;
	_ =	sdelay $0x1  }
0x51: {  	v4 =	vsub.f32 v4, v57  }
0x52: {  	v58 =	vmov s5  }
0x53: {  	vm1 =	vgt.s32 v58, v1;
	vm2 =	vle.f32 v4, $3.999999910e-02  }
0x54: {  	vm3 =	vle.f32 v4, $1.599999960e-01;
	vm2 =	vmand vm1, vm2  }
0x55: {  	vm1 =	vmand vm1, vm3;
	v59 =	vmpcnt.ones.xlane vm2  }
0x56: {  	v60 =	vmpcnt.ones.xlane vm1  }
0x57: {  	(v2sf) =	vpush v59, $0x0  }
0x58: {  	(v2sf) =	vpush v60, $0x0;
	_ =	sdelay $0x4  }
0x59: {  	s5 =	sadd.s32 @p0 $0x10, s11;
	s6 =	sadd.s32 @p0 $0x10, s9  }
0x5a: {  	v61 =	vld [tilespmem:s1+$0x0];
	p1 =	por !p1, !p0;
	s4 =	spop @p0 (v2sf);
	s3 =	smov.u32 @p0 s5  }
0x5b: {  	s2 =	smov.u32 @p0 s6;
	v62 =	vld [tilespmem:s3+$0x0];
	s4 =	simm.s32 @p1 $0x0  }
0x5c: {  	v63 =	vld [tilespmem:s2+$0x0];
	s2 =	simm.s32 $0x0;
	s1 =	sadd.s32 @p0 s10, s4  }
0x5d: {  	s3 =	spop @p0 (v2sf);
	p1 =	por !p2, !p0;
	s2 =	smov.u32 @p0 s1  }
0x5e: {  	s3 =	simm.s32 @p1 $0x0;
	p1 =	slt.s32 s2, $0x40;
	vm3 =	vmmov vm0  }
0x5f: {  	s1 =	sadd.s32 @p0 s8, s3;
	s3 =	smov.u32 s2;
	v4 =	vsub.f32 v61, v5;
	vm3 =	vmneg @p1 vm3  }
0x60: {  	s0 =	smov.u32 @p0 s1;
	s3 =	simm.s32 @!p1 $0x40;
	v3 =	vsub.f32 v62, v3;
	vm2 =	vmand vm3, vm2  }
0x61: {  	p0 =	slt.s32 s0, $0x40;
	v2 =	vsub.f32 v63, v2;
	vm3 =	vmmov vm0;
	[tilespmem:s3+$0xE6B0] =	vst.msk vm2, v4  }
0x62: {  	s4 =	smov.u32 s0;
	vm3 =	vmneg @p0 vm3;
	[tilespmem:s3+$0xEBB0] =	vst.msk vm2, v3;
	s1 =	spop (v2sf)  }
0x63: {  	s4 =	simm.s32 @!p0 $0x40;
	vm1 =	vmand vm3, vm1;
	[tilespmem:s3+$0xF0B0] =	vst.msk vm2, v2;
	s3 =	spop (v2sf)  }
0x64: {  	[tilespmem:s4+$0xF5B0] =	vst.msk vm1, v4;
	s1 =	simm.s32 @!p1 $0x0;
	s3 =	simm.s32 @!p0 $0x0  }
0x65: {  	[tilespmem:s4+$0xFAB0] =	vst.msk vm1, v3;
	s1 =	sadd.s32 s2, s1;
	s0 =	sadd.s32 s0, s3  }
0x66: {  	v3 =	vadd.s32 s7, v1;
	[tilespmem:s4+$0xFFB0] =	vst.msk vm1, v2;
	p0 =	slt.s32 s1, $0x40;
	p1 =	slt.s32 s0, $0x40  }
0x67: {  	[tilespmem:s4+$0x104B0] =	vst.msk vm1, v3;
	s1 =	simm.s32 @!p0 $0x40;
	s0 =	simm.s32 @!p1 $0x40  }
.LBB2_132:
0x68: {  	vm1 =	veq.s32 v1, $0xF  }
0x69: {  	s9 =	smul.u32 $0xA, s31;
	v2 =	vsel vm1, s1, v10  }
0x6a: {  	v3 =	vsel vm1, s0, v9;
	[tilespmem:$0x10500] =	vst v2  }
0x6b: {  	s2 =	simm.s32 $0x0;
	s3 =	simm.s32 $0xE200;
	[tilespmem:$0x10580] =	vst v3;
	s10 =	sadd.s32 s23, s9  }
0x6c: {  	[hbm4b:s10+s2] =	stream.linear.scatter [tilespmem:s3], [sflag:$0x1], $0x500, $0x38;
	[tilespmem:$0x10600] =	vst v63  }
0x6d: {  	_ =	swait.ge [sflag:s20], $0x500  }
0x6e: {  	[sflag:s20] =	ssyncset.done $0x0;
	s11 =	rddreg [dreg:$0x8]  }
0x6f: {  	s12 =	simm.s32 $0xE700;
	[sflag:s20] =	ssyncadd.s32 $0xFFFFFB00;
	s0 =	sadd.s32 s11, s9  }
0x70: {  	[hbm4b:s0+s2] =	stream.linear.scatter [tilespmem:s12], [sflag:$0x1], $0x500, $0x38;
	[tilespmem:$0x10600] =	vst v63  }
0x71: {  	_ =	swait.ge [sflag:s20], $0x500  }
0x72: {  	[sflag:s20] =	ssyncset.done $0x0;
	s13 =	rddreg [dreg:$0x9]  }
0x73: {  	s14 =	simm.s32 $0xEC00;
	[sflag:s20] =	ssyncadd.s32 $0xFFFFFB00;
	s0 =	sadd.s32 s13, s9  }
0x74: {  	[hbm4b:s0+s2] =	stream.linear.scatter [tilespmem:s14], [sflag:$0x1], $0x500, $0x38;
	[tilespmem:$0x10600] =	vst v63  }
0x75: {  	_ =	swait.ge [sflag:s20], $0x500  }
0x76: {  	[sflag:s20] =	ssyncset.done $0x0;
	s15 =	rddreg [dreg:$0xa]  }
0x77: {  	s16 =	simm.s32 $0xF100;
	[sflag:s20] =	ssyncadd.s32 $0xFFFFFB00;
	s0 =	sadd.s32 s15, s9  }
0x78: {  	[hbm4b:s0+s2] =	stream.linear.scatter [tilespmem:s16], [sflag:$0x1], $0x500, $0x38;
	[tilespmem:$0x10600] =	vst v63  }
0x79: {  	_ =	swait.ge [sflag:s20], $0x500  }
0x7a: {  	[sflag:s20] =	ssyncset.done $0x0;
	s17 =	rddreg [dreg:$0xb]  }
0x7b: {  	s18 =	simm.s32 $0xF600;
	[sflag:s20] =	ssyncadd.s32 $0xFFFFFB00;
	s0 =	sadd.s32 s17, s9  }
0x7c: {  	[hbm4b:s0+s2] =	stream.linear.scatter [tilespmem:s18], [sflag:$0x1], $0x500, $0x38;
	[tilespmem:$0x10600] =	vst v63  }
0x7d: {  	_ =	swait.ge [sflag:s20], $0x500  }
0x7e: {  	[sflag:s20] =	ssyncset.done $0x0;
	s19 =	rddreg [dreg:$0xc]  }
0x7f: {  	s21 =	simm.s32 $0xFB00;
	[sflag:s20] =	ssyncadd.s32 $0xFFFFFB00;
	s0 =	sadd.s32 s19, s9  }
0x80: {  	[hbm4b:s0+s2] =	stream.linear.scatter [tilespmem:s21], [sflag:$0x1], $0x500, $0x38;
	[tilespmem:$0x10600] =	vst v63  }
0x81: {  	_ =	swait.ge [sflag:s20], $0x500  }
0x82: {  	[sflag:s20] =	ssyncset.done $0x0;
	s22 =	rddreg [dreg:$0xd]  }
0x83: {  	s24 =	simm.s32 $0x10000;
	[sflag:s20] =	ssyncadd.s32 $0xFFFFFB00;
	s0 =	sadd.s32 s22, s9  }
0x84: {  	[hbm4b:s0+s2] =	stream.linear.scatter [tilespmem:s24], [sflag:$0x1], $0x500, $0x38;
	[tilespmem:$0x10600] =	vst v63  }
0x85: {  	_ =	swait.ge [sflag:s20], $0x500  }
0x86: {  	s25 =	sshrl.u32 s31, $0x3;
	[sflag:s20] =	ssyncset.done $0x0;
	s26 =	rddreg [dreg:$0xe]  }
0x87: {  	s28 =	simm.s32 $0x10500;
	[sflag:s20] =	ssyncadd.s32 $0xFFFFFB00;
	s1 =	sadd.s32 s26, s25  }
0x88: {  	[hbm4b:s1+s2] =	stream.linear.scatter [tilespmem:s28], [sflag:$0x1], $0x10, $0x38;
	[tilespmem:$0x10600] =	vst v63  }
0x89: {  	s31 =	simm.s32 $0x10580;
	s30 =	sadd.s32 $0x1, s30;
	_ =	swait.ge [sflag:s20], $0x10  }
0x8a: {  	p0 =	sne.s32 s30, $0x10;
	[sflag:s20] =	ssyncset.done $0x0;
	s29 =	rddreg [dreg:$0xf]  }
.Ltmp4:
0x8b: {  	[sflag:s20] =	ssyncadd.s32 $0xFFFFFFF0;
	s0 =	sadd.s32 s29, s25;
	(pc) =	sbr.rel @!p0 .LBB2_133-.Ltmp4, $4  }
0x8c: {  	[hbm4b:s0+s2] =	stream.linear.scatter [tilespmem:s31], [sflag:$0x1], $0x10, $0x38;
	[tilespmem:$0x10600] =	vst v63  }
0x8d: {  	_ =	swait.ge [sflag:s20], $0x10  }
0x8e: {  	[sflag:s20] =	ssyncset.done $0x0  }
0x8f: {  	[sflag:s20] =	ssyncadd.s32 $0xFFFFFFF0  }
.LBB2_4:
0x90: {  	s0 =	sshll.u32 s30, $0x4  }
0x91: {  	v9 =	vld [tilespmem:s0+$0xE000]  }
0x92: {  	v10 =	vld [tilespmem:s0+$0xE100];
	_ =	sdelay $0x3  }
0x93: {  	(v2sf) =	vpush v9, $0x0  }
0x94: {  	(v2sf) =	vpush v10, $0x0;
	_ =	sdelay $0x8  }
0x95: {  	s1 =	rddreg [dreg:$0x5]  }
0x96: {  	s31 =	sor.u32 s1, s0  }
0x97: {  	v3 =	vld [tilespmem:s31+$0x0]  }
0x98: {  	v4 =	vld [tilespmem:s31+$0x2000]  }
0x99: {  	v2 =	vld [tilespmem:s31+$0x4000]  }
0x9a: {  	v7 =	vld [tilespmem:s31+$0x6000];
	s7 =	spop (v2sf)  }
0x9b: {  	v8 =	vld [tilespmem:s31+$0x8000];
	s4 =	spop (v2sf)  }
0x9c: {  	v5 =	vld [tilespmem:s31+$0xA000];
	p0 =	sle.s32 s4, s7  }
.Ltmp5:
0x9d: {  	v6 =	vld [tilespmem:s31+$0xC000];
	[tilespmem:$0x10000] =	vst v0;
	(pc) =	sbr.rel @p0 .LBB2_12-.Ltmp5, $4  }
0x9e: {  	[tilespmem:$0x10010] =	vst v0  }
0x9f: {  	[tilespmem:$0x10020] =	vst v0  }
0xa0: {  	[tilespmem:$0x10030] =	vst v0  }
0xa1: {  	s2 =	simm.s32 $0x0;
	s0 =	simm.s32 $0x0;
	[tilespmem:$0x10040] =	vst v0  }
0xa2: {  	s0 =	sshll.u32 s7, $0x2  }
0xa3: {  	s1 =	sshra.s32 s0, $0x2  }
0xa4: {  	s6 =	sadd.s32 $0x10, s7;
	s10 =	sadd.s32 $0x8000, s1  }
0xa5: {  	p1 =	slt.s32 s6, s4;
	v21 =	vld [tilespmem:s10+$0x0]  }
.Ltmp6:
0xa6: {  	_ = 	snop;
	(pc) =	sbr.rel @!p1 .LBB2_6-.Ltmp6, $4  }
0xa7: {  	v14 =	vbroadcast v7, $0x0;
	v17 =	vbroadcast v8, $0x0;
	s9 =	sadd.s32 $0x6000, s1  }
0xa8: {  	v16 =	vbroadcast v5, $0x0;
	v15 =	vbroadcast v6, $0x0;
	s8 =	sadd.s32 $0xC000, s1;
	v19 =	vld [tilespmem:s9+$0x0]  }
0xa9: {  	v13 =	vbroadcast v3, $0x0;
	v11 =	vbroadcast v4, $0x0;
	s5 =	ssub.s32 s4, s7;
	p0 =	por $0x0, $0x0;
	s11 =	sadd.s32 $0xA000, s1;
	v18 =	vld [tilespmem:s8+$0x0]  }
0xaa: {  	v12 =	vbroadcast v2, $0x0;
	s0 =	simm.s32 $0x0;
	s2 =	sadd.s32 $0x4000, s1;
	s3 =	sadd.s32 $0x2000, s1;
	v20 =	vld [tilespmem:s11+$0x0];
	v21 =	vmul.f32 v21, v17  }
0xab: {  	_ =	sdelay $0x1  }
0xac: {  	v19 =	vmul.f32 v19, v14;
	_ =	sdelay $0x1  }
0xad: {  	v19 =	vadd.f32 v21, v19;
	v20 =	vmul.f32 v20, v16;
	_ =	sdelay $0x1  }
0xae: {  	v19 =	vadd.f32 v20, v19;
	_ =	sdelay $0x1  }
0xaf: {  	v18 =	vadd.f32 v18, v15;
	v20 =	vld [tilespmem:s1+$0x0];
	v19 =	vadd.f32 v19, v19  }
0xb0: {  	v21 =	vld [tilespmem:s3+$0x0]  }
0xb1: {  	v22 =	vld [tilespmem:s2+$0x0];
	v18 =	vsub.f32 v18, v19  }
0xb2: {  	v19 =	vmov s5  }
0xb3: {  	p1 =	por $0x1, $0x1;
	vm3 =	vmmov vm0;
	vm1 =	vgt.s32 v19, v1;
	vm2 =	vle.f32 v18, $3.999999910e-02  }
0xb4: {  	s12 =	simm.s32 $0x0;
	vm3 =	vmneg @p1 vm3;
	v19 =	vsub.f32 v20, v13;
	vm2 =	vmand vm1, vm2  }
0xb5: {  	s12 =	simm.s32 @!p1 $0x40;
	v20 =	vsub.f32 v21, v11;
	vm4 =	vmand vm3, vm2  }
0xb6: {  	vm5 =	vle.f32 v18, $1.599999960e-01;
	v18 =	vsub.f32 v22, v12;
	[tilespmem:s12+$0xE200] =	vst.msk vm4, v19  }
0xb7: {  	vm1 =	vmand vm1, vm5;
	[tilespmem:s12+$0xE700] =	vst.msk vm4, v20  }
0xb8: {  	vm3 =	vmand vm3, vm1;
	[tilespmem:s12+$0xEC00] =	vst.msk vm4, v18  }
0xb9: {  	[tilespmem:s12+$0xF100] =	vst.msk vm3, v19  }
0xba: {  	[tilespmem:s12+$0xF600] =	vst.msk vm3, v20  }
0xbb: {  	[tilespmem:s12+$0xFB00] =	vst.msk vm3, v18;
	v18 =	vmpcnt.ones.xlane vm2  }
0xbc: {  	v20 =	vmpcnt.ones.xlane vm1  }
0xbd: {  	(v2sf) =	vpush v18, $0x0  }
0xbe: {  	(v2sf) =	vpush v20, $0x0;
	_ =	sdelay $0x1  }
0xbf: {  	v19 =	vadd.s32 s7, v1  }
0xc0: {  	s7 =	sadd.s32 $0x10, s10;
	[tilespmem:s12+$0x10000] =	vst.msk vm3, v19;
	s12 =	sadd.s32 $0x10, s6  }
0xc1: {  	v21 =	vld [tilespmem:s7+$0x0];
	p3 =	slt.s32 s12, s4  }
.Ltmp7:
0xc2: {  	s13 =	sadd.s32 $0x10, s9;
	(pc) =	sbr.rel @!p3 .LBB2_8-.Ltmp7, $4  }
0xc3: {  	s14 =	sadd.s32 $0x10, s11;
	v19 =	vld [tilespmem:s13+$0x0]  }
0xc4: {  	s15 =	sadd.s32 $0x10, s8;
	p0 =	por $0x1, $0x1;
	s9 =	smov.u32 s2  }
0xc5: {  	s11 =	smov.u32 s3;
	p2 =	por $0x1, $0x1;
	s8 =	simm.s32 $0x0;
	v20 =	vld [tilespmem:s14+$0x0]  }
0xc6: {  	s1 =	sadd.s32 $0x10, s1;
	s5 =	sadd.s32 $0xFFFFFFF0, s5;
	s10 =	simm.s32 $0x0;
	v18 =	vld [tilespmem:s15+$0x0];
	v21 =	vmul.f32 v21, v17  }
.LBB2_9:
0xc7: {  	s9 =	sadd.s32 $0x10, s9  }
0xc8: {  	v19 =	vmul.f32 v19, v14;
	s11 =	sadd.s32 $0x10, s11;
	s16 =	smov.u32 s12;
	s12 =	sadd.s32 $0x10, s12  }
0xc9: {  	p3 =	slt.s32 s12, s4;
	v22 =	vld [tilespmem:s1+$0x0]  }
0xca: {  	v19 =	vadd.f32 v21, v19;
	v20 =	vmul.f32 v20, v16;
	v21 =	vld [tilespmem:s11+$0x0]  }
0xcb: {  	s17 =	spop (v2sf)  }
0xcc: {  	v19 =	vadd.f32 v20, v19;
	s17 =	simm.s32 @!p1 $0x0;
	s18 =	spop (v2sf)  }
0xcd: {  	s10 =	sadd.s32 s10, s17;
	s18 =	simm.s32 @!p2 $0x0  }
0xce: {  	v18 =	vadd.f32 v18, v15;
	v19 =	vadd.f32 v19, v19;
	s8 =	sadd.s32 s8, s18  }
0xcf: {  	v20 =	vld [tilespmem:s9+$0x0]  }
0xd0: {  	v18 =	vsub.f32 v18, v19  }
0xd1: {  	v22 =	vsub.f32 v22, v13;
	v21 =	vsub.f32 v21, v11;
	v19 =	vmov s5  }
0xd2: {  	vm1 =	vgt.s32 v19, v1;
	vm2 =	vle.f32 v18, $3.999999910e-02;
	vm3 =	vle.f32 v18, $1.599999960e-01  }
0xd3: {  	p1 =	slt.s32 s10, $0x40;
	vm2 =	vmand vm1, vm2;
	vm1 =	vmand vm1, vm3;
	vm3 =	vmmov vm0  }
0xd4: {  	s17 =	smov.u32 s10;
	vm3 =	vmneg @p1 vm3;
	v18 =	vsub.f32 v20, v12  }
0xd5: {  	p2 =	slt.s32 s8, $0x40;
	s17 =	simm.s32 @!p1 $0x40;
	v19 =	vmpcnt.ones.xlane vm2;
	vm3 =	vmand vm3, vm2;
	vm2 =	vmmov vm0  }
0xd6: {  	s18 =	smov.u32 s8;
	v20 =	vmpcnt.ones.xlane vm1;
	vm2 =	vmneg @p2 vm2;
	[tilespmem:s17+$0xE200] =	vst.msk vm3, v22  }
0xd7: {  	s13 =	sadd.s32 $0x10, s13;
	s18 =	simm.s32 @!p2 $0x40;
	vm1 =	vmand vm2, vm1;
	[tilespmem:s17+$0xE700] =	vst.msk vm3, v21;
	(v2sf) =	vpush v19, $0x0  }
0xd8: {  	s7 =	sadd.s32 $0x10, s7;
	[tilespmem:s17+$0xEC00] =	vst.msk vm3, v18;
	(v2sf) =	vpush v20, $0x0  }
0xd9: {  	[tilespmem:s18+$0xF100] =	vst.msk vm1, v22  }
0xda: {  	s14 =	sadd.s32 $0x10, s14;
	v19 =	vadd.s32 s6, v1;
	s6 =	smov.u32 s16;
	[tilespmem:s18+$0xF600] =	vst.msk vm1, v21  }
0xdb: {  	[tilespmem:s18+$0xFB00] =	vst.msk vm1, v18  }
0xdc: {  	[tilespmem:s18+$0x10000] =	vst.msk vm1, v19  }
0xdd: {  	v21 =	vld [tilespmem:s7+$0x0]  }
.Ltmp8:
0xde: {  	s15 =	sadd.s32 $0x10, s15;
	v19 =	vld [tilespmem:s13+$0x0];
	(pc) =	sbr.rel @p3 .LBB2_9-.Ltmp8, $3  }
0xdf: {  	v18 =	vld [tilespmem:s15+$0x0]  }
0xe0: {  	v20 =	vld [tilespmem:s14+$0x0];
	_ =	sdelay $0x1  }
0xe1: {  	s1 =	sadd.s32 $0x10, s1;
	s5 =	sadd.s32 $0xFFFFFFF0, s5;
	v21 =	vmul.f32 v21, v17  }
0xe2: {  	s7 =	smov.u32 s6  }
.LBB2_11:
0xe3: {  	v14 =	vmul.f32 v19, v14;
	_ =	sdelay $0x1  }
0xe4: {  	v16 =	vmul.f32 v20, v16;
	v14 =	vadd.f32 v21, v14;
	_ =	sdelay $0x1  }
0xe5: {  	v14 =	vadd.f32 v16, v14;
	_ =	sdelay $0x1  }
0xe6: {  	v15 =	vadd.f32 v18, v15;
	v14 =	vadd.f32 v14, v14;
	_ =	sdelay $0x1  }
0xe7: {  	v14 =	vsub.f32 v15, v14  }
0xe8: {  	v58 =	vmov s5  }
0xe9: {  	vm1 =	vgt.s32 v58, v1;
	vm2 =	vle.f32 v14, $3.999999910e-02  }
0xea: {  	vm3 =	vle.f32 v14, $1.599999960e-01;
	vm2 =	vmand vm1, vm2  }
0xeb: {  	vm1 =	vmand vm1, vm3;
	v59 =	vmpcnt.ones.xlane vm2  }
0xec: {  	v60 =	vmpcnt.ones.xlane vm1  }
0xed: {  	(v2sf) =	vpush v59, $0x0  }
0xee: {  	(v2sf) =	vpush v60, $0x0;
	_ =	sdelay $0x4  }
0xef: {  	s5 =	sadd.s32 @p0 $0x10, s11;
	s6 =	sadd.s32 @p0 $0x10, s9  }
0xf0: {  	v61 =	vld [tilespmem:s1+$0x0];
	p1 =	por !p1, !p0;
	s3 =	smov.u32 @p0 s5;
	s4 =	spop @p0 (v2sf)  }
0xf1: {  	s2 =	smov.u32 @p0 s6;
	v62 =	vld [tilespmem:s3+$0x0];
	s4 =	simm.s32 @p1 $0x0  }
0xf2: {  	v63 =	vld [tilespmem:s2+$0x0];
	s2 =	simm.s32 $0x0;
	s1 =	sadd.s32 @p0 s10, s4  }
0xf3: {  	s3 =	spop @p0 (v2sf);
	p1 =	por !p2, !p0;
	s2 =	smov.u32 @p0 s1  }
0xf4: {  	s3 =	simm.s32 @p1 $0x0;
	p1 =	slt.s32 s2, $0x40;
	vm3 =	vmmov vm0  }
0xf5: {  	s1 =	sadd.s32 @p0 s8, s3;
	v13 =	vsub.f32 v61, v13;
	s3 =	smov.u32 s2;
	vm3 =	vmneg @p1 vm3  }
0xf6: {  	s0 =	smov.u32 @p0 s1;
	v11 =	vsub.f32 v62, v11;
	s3 =	simm.s32 @!p1 $0x40;
	vm2 =	vmand vm3, vm2  }
0xf7: {  	v12 =	vsub.f32 v63, v12;
	p0 =	slt.s32 s0, $0x40;
	vm3 =	vmmov vm0;
	[tilespmem:s3+$0xE200] =	vst.msk vm2, v13  }
0xf8: {  	s1 =	smov.u32 s0;
	vm3 =	vmneg @p0 vm3;
	[tilespmem:s3+$0xE700] =	vst.msk vm2, v11;
	s4 =	spop (v2sf)  }
0xf9: {  	s1 =	simm.s32 @!p0 $0x40;
	vm1 =	vmand vm3, vm1;
	[tilespmem:s3+$0xEC00] =	vst.msk vm2, v12;
	s3 =	spop (v2sf)  }
0xfa: {  	[tilespmem:s1+$0xF100] =	vst.msk vm1, v13;
	s4 =	simm.s32 @!p1 $0x0;
	s3 =	simm.s32 @!p0 $0x0  }
0xfb: {  	[tilespmem:s1+$0xF600] =	vst.msk vm1, v11;
	s2 =	sadd.s32 s2, s4;
	s0 =	sadd.s32 s0, s3  }
0xfc: {  	v11 =	vadd.s32 s7, v1;
	[tilespmem:s1+$0xFB00] =	vst.msk vm1, v12;
	p0 =	slt.s32 s2, $0x40;
	p1 =	slt.s32 s0, $0x40  }
0xfd: {  	[tilespmem:s1+$0x10000] =	vst.msk vm1, v11;
	s2 =	simm.s32 @!p0 $0x40;
	s0 =	simm.s32 @!p1 $0x40  }
.LBB2_12:
0xfe: {  	(v2sf) =	vpush v9, $0x1  }
0xff: {  	(v2sf) =	vpush v10, $0x1;
	_ =	sdelay $0xd  }
0x100: {  	s7 =	spop (v2sf)  }
0x101: {  	s4 =	spop (v2sf)  }
0x102: {  	p0 =	sle.s32 s4, s7  }
.Ltmp9:
0x103: {  	[tilespmem:$0x10050] =	vst v0;
	(pc) =	sbr.rel @p0 .LBB2_20-.Ltmp9, $4  }
0x104: {  	[tilespmem:$0x10060] =	vst v0  }
0x105: {  	[dreg:$0x15] =	wrdreg s0;
	[tilespmem:$0x10070] =	vst v0  }
0x106: {  	[dreg:$0x14] =	wrdreg s2;
	[tilespmem:$0x10080] =	vst v0;
	s29 =	simm.s32 $0x0  }
0x107: {  	[tilespmem:$0x10090] =	vst v0;
	s2 =	simm.s32 $0x0;
	s0 =	simm.s32 $0x0;
	[dreg:$0x16] =	wrdreg s29  }
0x108: {  	s0 =	sshll.u32 s7, $0x2  }
0x109: {  	s1 =	sshra.s32 s0, $0x2  }
0x10a: {  	s6 =	sadd.s32 $0x10, s7;
	s10 =	sadd.s32 $0x8000, s1  }
0x10b: {  	p1 =	slt.s32 s6, s4;
	v21 =	vld [tilespmem:s10+$0x0]  }
.Ltmp10:
0x10c: {  	_ = 	snop;
	(pc) =	sbr.rel @!p1 .LBB2_14-.Ltmp10, $4  }
0x10d: {  	v14 =	vbroadcast v7, $0x1;
	v17 =	vbroadcast v8, $0x1;
	s9 =	sadd.s32 $0x6000, s1  }
0x10e: {  	v16 =	vbroadcast v5, $0x1;
	v15 =	vbroadcast v6, $0x1;
	s8 =	sadd.s32 $0xC000, s1;
	v19 =	vld [tilespmem:s9+$0x0]  }
0x10f: {  	v13 =	vbroadcast v3, $0x1;
	v11 =	vbroadcast v4, $0x1;
	s5 =	ssub.s32 s4, s7;
	p0 =	por $0x0, $0x0;
	s11 =	sadd.s32 $0xA000, s1;
	v18 =	vld [tilespmem:s8+$0x0]  }
0x110: {  	v12 =	vbroadcast v2, $0x1;
	s0 =	simm.s32 $0x0;
	s2 =	sadd.s32 $0x4000, s1;
	s3 =	sadd.s32 $0x2000, s1;
	v20 =	vld [tilespmem:s11+$0x0];
	v21 =	vmul.f32 v21, v17  }
0x111: {  	_ =	sdelay $0x1  }
0x112: {  	v19 =	vmul.f32 v19, v14;
	_ =	sdelay $0x1  }
0x113: {  	v19 =	vadd.f32 v21, v19;
	v20 =	vmul.f32 v20, v16;
	_ =	sdelay $0x1  }
0x114: {  	v19 =	vadd.f32 v20, v19;
	_ =	sdelay $0x1  }
0x115: {  	v18 =	vadd.f32 v18, v15;
	v20 =	vld [tilespmem:s1+$0x0];
	v19 =	vadd.f32 v19, v19  }
0x116: {  	v21 =	vld [tilespmem:s3+$0x0]  }
0x117: {  	v22 =	vld [tilespmem:s2+$0x0];
	v18 =	vsub.f32 v18, v19  }
0x118: {  	v19 =	vmov s5  }
0x119: {  	p1 =	por $0x1, $0x1;
	vm3 =	vmmov vm0;
	vm1 =	vgt.s32 v19, v1;
	vm2 =	vle.f32 v18, $3.999999910e-02  }
0x11a: {  	s12 =	simm.s32 $0x0;
	vm3 =	vmneg @p1 vm3;
	v19 =	vsub.f32 v20, v13;
	vm2 =	vmand vm1, vm2  }
0x11b: {  	s12 =	simm.s32 @!p1 $0x40;
	v20 =	vsub.f32 v21, v11;
	vm4 =	vmand vm3, vm2  }
0x11c: {  	vm5 =	vle.f32 v18, $1.599999960e-01;
	v18 =	vsub.f32 v22, v12;
	[tilespmem:s12+$0xE250] =	vst.msk vm4, v19  }
0x11d: {  	vm1 =	vmand vm1, vm5;
	[tilespmem:s12+$0xE750] =	vst.msk vm4, v20  }
0x11e: {  	vm3 =	vmand vm3, vm1;
	[tilespmem:s12+$0xEC50] =	vst.msk vm4, v18  }
0x11f: {  	[tilespmem:s12+$0xF150] =	vst.msk vm3, v19  }
0x120: {  	[tilespmem:s12+$0xF650] =	vst.msk vm3, v20  }
0x121: {  	[tilespmem:s12+$0xFB50] =	vst.msk vm3, v18;
	v18 =	vmpcnt.ones.xlane vm2  }
0x122: {  	v20 =	vmpcnt.ones.xlane vm1  }
0x123: {  	(v2sf) =	vpush v18, $0x0  }
0x124: {  	(v2sf) =	vpush v20, $0x0;
	_ =	sdelay $0x1  }
0x125: {  	v19 =	vadd.s32 s7, v1  }
0x126: {  	s7 =	sadd.s32 $0x10, s10;
	[tilespmem:s12+$0x10050] =	vst.msk vm3, v19;
	s12 =	sadd.s32 $0x10, s6  }
0x127: {  	v21 =	vld [tilespmem:s7+$0x0];
	p3 =	slt.s32 s12, s4  }
.Ltmp11:
0x128: {  	s13 =	sadd.s32 $0x10, s9;
	(pc) =	sbr.rel @!p3 .LBB2_16-.Ltmp11, $4  }
0x129: {  	s14 =	sadd.s32 $0x10, s11;
	v19 =	vld [tilespmem:s13+$0x0]  }
0x12a: {  	s15 =	sadd.s32 $0x10, s8;
	p0 =	por $0x1, $0x1;
	s9 =	smov.u32 s2  }
0x12b: {  	s11 =	smov.u32 s3;
	p2 =	por $0x1, $0x1;
	s8 =	simm.s32 $0x0;
	v20 =	vld [tilespmem:s14+$0x0]  }
0x12c: {  	s1 =	sadd.s32 $0x10, s1;
	s5 =	sadd.s32 $0xFFFFFFF0, s5;
	s10 =	simm.s32 $0x0;
	v18 =	vld [tilespmem:s15+$0x0];
	v21 =	vmul.f32 v21, v17  }
.LBB2_17:
0x12d: {  	s9 =	sadd.s32 $0x10, s9  }
0x12e: {  	v19 =	vmul.f32 v19, v14;
	s11 =	sadd.s32 $0x10, s11;
	s16 =	smov.u32 s12;
	s12 =	sadd.s32 $0x10, s12  }
0x12f: {  	p3 =	slt.s32 s12, s4;
	v22 =	vld [tilespmem:s1+$0x0]  }
0x130: {  	v19 =	vadd.f32 v21, v19;
	v20 =	vmul.f32 v20, v16;
	v21 =	vld [tilespmem:s11+$0x0]  }
0x131: {  	s17 =	spop (v2sf)  }
0x132: {  	v19 =	vadd.f32 v20, v19;
	s17 =	simm.s32 @!p1 $0x0;
	s18 =	spop (v2sf)  }
0x133: {  	s10 =	sadd.s32 s10, s17;
	s18 =	simm.s32 @!p2 $0x0  }
0x134: {  	v18 =	vadd.f32 v18, v15;
	v19 =	vadd.f32 v19, v19;
	s8 =	sadd.s32 s8, s18  }
0x135: {  	v20 =	vld [tilespmem:s9+$0x0]  }
0x136: {  	v18 =	vsub.f32 v18, v19  }
0x137: {  	v22 =	vsub.f32 v22, v13;
	v21 =	vsub.f32 v21, v11;
	v19 =	vmov s5  }
0x138: {  	vm1 =	vgt.s32 v19, v1;
	vm2 =	vle.f32 v18, $3.999999910e-02;
	vm3 =	vle.f32 v18, $1.599999960e-01  }
0x139: {  	p1 =	slt.s32 s10, $0x40;
	vm2 =	vmand vm1, vm2;
	vm1 =	vmand vm1, vm3;
	vm3 =	vmmov vm0  }
0x13a: {  	s17 =	smov.u32 s10;
	vm3 =	vmneg @p1 vm3;
	v18 =	vsub.f32 v20, v12  }
0x13b: {  	p2 =	slt.s32 s8, $0x40;
	s17 =	simm.s32 @!p1 $0x40;
	v19 =	vmpcnt.ones.xlane vm2;
	vm3 =	vmand vm3, vm2;
	vm2 =	vmmov vm0  }
0x13c: {  	s18 =	smov.u32 s8;
	v20 =	vmpcnt.ones.xlane vm1;
	vm2 =	vmneg @p2 vm2;
	[tilespmem:s17+$0xE250] =	vst.msk vm3, v22  }
0x13d: {  	s13 =	sadd.s32 $0x10, s13;
	s18 =	simm.s32 @!p2 $0x40;
	vm1 =	vmand vm2, vm1;
	[tilespmem:s17+$0xE750] =	vst.msk vm3, v21;
	(v2sf) =	vpush v19, $0x0  }
0x13e: {  	s7 =	sadd.s32 $0x10, s7;
	[tilespmem:s17+$0xEC50] =	vst.msk vm3, v18;
	(v2sf) =	vpush v20, $0x0  }
0x13f: {  	[tilespmem:s18+$0xF150] =	vst.msk vm1, v22  }
0x140: {  	s14 =	sadd.s32 $0x10, s14;
	v19 =	vadd.s32 s6, v1;
	s6 =	smov.u32 s16;
	[tilespmem:s18+$0xF650] =	vst.msk vm1, v21  }
0x141: {  	[tilespmem:s18+$0xFB50] =	vst.msk vm1, v18  }
0x142: {  	[tilespmem:s18+$0x10050] =	vst.msk vm1, v19  }
0x143: {  	v21 =	vld [tilespmem:s7+$0x0]  }
.Ltmp12:
0x144: {  	s15 =	sadd.s32 $0x10, s15;
	v19 =	vld [tilespmem:s13+$0x0];
	(pc) =	sbr.rel @p3 .LBB2_17-.Ltmp12, $3  }
0x145: {  	v18 =	vld [tilespmem:s15+$0x0]  }
0x146: {  	v20 =	vld [tilespmem:s14+$0x0];
	_ =	sdelay $0x1  }
0x147: {  	s1 =	sadd.s32 $0x10, s1;
	s5 =	sadd.s32 $0xFFFFFFF0, s5;
	v21 =	vmul.f32 v21, v17  }
0x148: {  	s7 =	smov.u32 s6  }
.LBB2_19:
0x149: {  	v14 =	vmul.f32 v19, v14;
	_ =	sdelay $0x1  }
0x14a: {  	v16 =	vmul.f32 v20, v16;
	v14 =	vadd.f32 v21, v14;
	_ =	sdelay $0x1  }
0x14b: {  	v14 =	vadd.f32 v16, v14;
	_ =	sdelay $0x1  }
0x14c: {  	v15 =	vadd.f32 v18, v15;
	v14 =	vadd.f32 v14, v14;
	_ =	sdelay $0x1  }
0x14d: {  	v14 =	vsub.f32 v15, v14  }
0x14e: {  	v58 =	vmov s5  }
0x14f: {  	vm1 =	vgt.s32 v58, v1;
	vm2 =	vle.f32 v14, $3.999999910e-02  }
0x150: {  	vm3 =	vle.f32 v14, $1.599999960e-01;
	vm2 =	vmand vm1, vm2  }
0x151: {  	vm1 =	vmand vm1, vm3;
	v59 =	vmpcnt.ones.xlane vm2  }
0x152: {  	v60 =	vmpcnt.ones.xlane vm1  }
0x153: {  	(v2sf) =	vpush v59, $0x0  }
0x154: {  	(v2sf) =	vpush v60, $0x0;
	_ =	sdelay $0x4  }
0x155: {  	s5 =	sadd.s32 @p0 $0x10, s11;
	s6 =	sadd.s32 @p0 $0x10, s9  }
0x156: {  	v61 =	vld [tilespmem:s1+$0x0];
	p1 =	por !p1, !p0;
	s3 =	smov.u32 @p0 s5;
	s4 =	spop @p0 (v2sf)  }
0x157: {  	s2 =	smov.u32 @p0 s6;
	v62 =	vld [tilespmem:s3+$0x0];
	s4 =	simm.s32 @p1 $0x0  }
0x158: {  	v63 =	vld [tilespmem:s2+$0x0];
	s2 =	simm.s32 $0x0;
	s1 =	sadd.s32 @p0 s10, s4  }
0x159: {  	s3 =	spop @p0 (v2sf);
	p1 =	por !p2, !p0;
	s2 =	smov.u32 @p0 s1  }
0x15a: {  	s3 =	simm.s32 @p1 $0x0;
	p1 =	slt.s32 s2, $0x40;
	vm3 =	vmmov vm0  }
0x15b: {  	s1 =	sadd.s32 @p0 s8, s3;
	v13 =	vsub.f32 v61, v13;
	s3 =	smov.u32 s2;
	vm3 =	vmneg @p1 vm3  }
0x15c: {  	s0 =	smov.u32 @p0 s1;
	v11 =	vsub.f32 v62, v11;
	s3 =	simm.s32 @!p1 $0x40;
	vm2 =	vmand vm3, vm2  }
0x15d: {  	v12 =	vsub.f32 v63, v12;
	p0 =	slt.s32 s0, $0x40;
	vm3 =	vmmov vm0;
	[tilespmem:s3+$0xE250] =	vst.msk vm2, v13  }
0x15e: {  	s1 =	smov.u32 s0;
	vm3 =	vmneg @p0 vm3;
	[tilespmem:s3+$0xE750] =	vst.msk vm2, v11;
	s4 =	spop (v2sf)  }
0x15f: {  	s1 =	simm.s32 @!p0 $0x40;
	vm1 =	vmand vm3, vm1;
	[tilespmem:s3+$0xEC50] =	vst.msk vm2, v12;
	s3 =	spop (v2sf)  }
0x160: {  	[tilespmem:s1+$0xF150] =	vst.msk vm1, v13;
	s4 =	simm.s32 @!p1 $0x0;
	s3 =	simm.s32 @!p0 $0x0  }
0x161: {  	[tilespmem:s1+$0xF650] =	vst.msk vm1, v11;
	s2 =	sadd.s32 s2, s4;
	s0 =	sadd.s32 s0, s3  }
0x162: {  	v11 =	vadd.s32 s7, v1;
	[tilespmem:s1+$0xFB50] =	vst.msk vm1, v12;
	p0 =	slt.s32 s2, $0x40;
	p1 =	slt.s32 s0, $0x40  }
0x163: {  	[tilespmem:s1+$0x10050] =	vst.msk vm1, v11;
	s2 =	simm.s32 @!p0 $0x40;
	s0 =	simm.s32 @!p1 $0x40  }
.LBB2_20:
0x164: {  	(v2sf) =	vpush v9, $0x2  }
0x165: {  	(v2sf) =	vpush v10, $0x2;
	_ =	sdelay $0xd  }
0x166: {  	s7 =	spop (v2sf)  }
0x167: {  	s4 =	spop (v2sf)  }
0x168: {  	p0 =	sle.s32 s4, s7  }
.Ltmp13:
0x169: {  	[tilespmem:$0x100A0] =	vst v0;
	(pc) =	sbr.rel @p0 .LBB2_28-.Ltmp13, $4  }
0x16a: {  	[tilespmem:$0x100B0] =	vst v0  }
0x16b: {  	[tilespmem:$0x100C0] =	vst v0  }
0x16c: {  	[dreg:$0x18] =	wrdreg s0;
	[tilespmem:$0x100D0] =	vst v0  }
0x16d: {  	[dreg:$0x17] =	wrdreg s2;
	[tilespmem:$0x100E0] =	vst v0;
	s0 =	simm.s32 $0x0  }
0x16e: {  	s0 =	sshll.u32 s7, $0x2  }
0x16f: {  	s1 =	sshra.s32 s0, $0x2  }
0x170: {  	s6 =	sadd.s32 $0x10, s7;
	s10 =	sadd.s32 $0x8000, s1  }
0x171: {  	p1 =	slt.s32 s6, s4;
	v21 =	vld [tilespmem:s10+$0x0]  }
.Ltmp14:
0x172: {  	_ = 	snop;
	(pc) =	sbr.rel @!p1 .LBB2_22-.Ltmp14, $4  }
0x173: {  	v14 =	vbroadcast v7, $0x2;
	v17 =	vbroadcast v8, $0x2;
	s9 =	sadd.s32 $0x6000, s1  }
0x174: {  	v16 =	vbroadcast v5, $0x2;
	v15 =	vbroadcast v6, $0x2;
	s8 =	sadd.s32 $0xC000, s1;
	v19 =	vld [tilespmem:s9+$0x0]  }
0x175: {  	v13 =	vbroadcast v3, $0x2;
	v11 =	vbroadcast v4, $0x2;
	s5 =	ssub.s32 s4, s7;
	p0 =	por $0x0, $0x0;
	s11 =	sadd.s32 $0xA000, s1;
	v18 =	vld [tilespmem:s8+$0x0]  }
0x176: {  	v12 =	vbroadcast v2, $0x2;
	s0 =	simm.s32 $0x0;
	s2 =	sadd.s32 $0x4000, s1;
	s3 =	sadd.s32 $0x2000, s1;
	v20 =	vld [tilespmem:s11+$0x0];
	v21 =	vmul.f32 v21, v17  }
0x177: {  	_ =	sdelay $0x1  }
0x178: {  	v19 =	vmul.f32 v19, v14;
	_ =	sdelay $0x1  }
0x179: {  	v19 =	vadd.f32 v21, v19;
	v20 =	vmul.f32 v20, v16;
	_ =	sdelay $0x1  }
0x17a: {  	v19 =	vadd.f32 v20, v19;
	_ =	sdelay $0x1  }
0x17b: {  	v18 =	vadd.f32 v18, v15;
	v20 =	vld [tilespmem:s1+$0x0];
	v19 =	vadd.f32 v19, v19  }
0x17c: {  	v21 =	vld [tilespmem:s3+$0x0]  }
0x17d: {  	v22 =	vld [tilespmem:s2+$0x0];
	v18 =	vsub.f32 v18, v19  }
0x17e: {  	v19 =	vmov s5  }
0x17f: {  	p1 =	por $0x1, $0x1;
	vm3 =	vmmov vm0;
	vm1 =	vgt.s32 v19, v1;
	vm2 =	vle.f32 v18, $3.999999910e-02  }
0x180: {  	s12 =	simm.s32 $0x0;
	vm3 =	vmneg @p1 vm3;
	v19 =	vsub.f32 v20, v13;
	vm2 =	vmand vm1, vm2  }
0x181: {  	s12 =	simm.s32 @!p1 $0x40;
	v20 =	vsub.f32 v21, v11;
	vm4 =	vmand vm3, vm2  }
0x182: {  	vm5 =	vle.f32 v18, $1.599999960e-01;
	v18 =	vsub.f32 v22, v12;
	[tilespmem:s12+$0xE2A0] =	vst.msk vm4, v19  }
0x183: {  	vm1 =	vmand vm1, vm5;
	[tilespmem:s12+$0xE7A0] =	vst.msk vm4, v20  }
0x184: {  	vm3 =	vmand vm3, vm1;
	[tilespmem:s12+$0xECA0] =	vst.msk vm4, v18  }
0x185: {  	[tilespmem:s12+$0xF1A0] =	vst.msk vm3, v19  }
0x186: {  	[tilespmem:s12+$0xF6A0] =	vst.msk vm3, v20  }
0x187: {  	[tilespmem:s12+$0xFBA0] =	vst.msk vm3, v18;
	v18 =	vmpcnt.ones.xlane vm2  }
0x188: {  	v20 =	vmpcnt.ones.xlane vm1  }
0x189: {  	(v2sf) =	vpush v18, $0x0  }
0x18a: {  	(v2sf) =	vpush v20, $0x0;
	_ =	sdelay $0x1  }
0x18b: {  	v19 =	vadd.s32 s7, v1  }
0x18c: {  	s7 =	sadd.s32 $0x10, s10;
	[tilespmem:s12+$0x100A0] =	vst.msk vm3, v19;
	s12 =	sadd.s32 $0x10, s6  }
0x18d: {  	v21 =	vld [tilespmem:s7+$0x0];
	p3 =	slt.s32 s12, s4  }
.Ltmp15:
0x18e: {  	s13 =	sadd.s32 $0x10, s9;
	(pc) =	sbr.rel @!p3 .LBB2_24-.Ltmp15, $4  }
0x18f: {  	s14 =	sadd.s32 $0x10, s11;
	v19 =	vld [tilespmem:s13+$0x0]  }
0x190: {  	s15 =	sadd.s32 $0x10, s8;
	p0 =	por $0x1, $0x1;
	s9 =	smov.u32 s2  }
0x191: {  	s11 =	smov.u32 s3;
	p2 =	por $0x1, $0x1;
	s8 =	simm.s32 $0x0;
	v20 =	vld [tilespmem:s14+$0x0]  }
0x192: {  	s1 =	sadd.s32 $0x10, s1;
	s5 =	sadd.s32 $0xFFFFFFF0, s5;
	s10 =	simm.s32 $0x0;
	v18 =	vld [tilespmem:s15+$0x0];
	v21 =	vmul.f32 v21, v17  }
.LBB2_25:
0x193: {  	s9 =	sadd.s32 $0x10, s9  }
0x194: {  	v19 =	vmul.f32 v19, v14;
	s11 =	sadd.s32 $0x10, s11;
	s16 =	smov.u32 s12;
	s12 =	sadd.s32 $0x10, s12  }
0x195: {  	p3 =	slt.s32 s12, s4;
	v22 =	vld [tilespmem:s1+$0x0]  }
0x196: {  	v19 =	vadd.f32 v21, v19;
	v20 =	vmul.f32 v20, v16;
	v21 =	vld [tilespmem:s11+$0x0]  }
0x197: {  	s17 =	spop (v2sf)  }
0x198: {  	v19 =	vadd.f32 v20, v19;
	s17 =	simm.s32 @!p1 $0x0;
	s18 =	spop (v2sf)  }
0x199: {  	s10 =	sadd.s32 s10, s17;
	s18 =	simm.s32 @!p2 $0x0  }
0x19a: {  	v18 =	vadd.f32 v18, v15;
	v19 =	vadd.f32 v19, v19;
	s8 =	sadd.s32 s8, s18  }
0x19b: {  	v20 =	vld [tilespmem:s9+$0x0]  }
0x19c: {  	v18 =	vsub.f32 v18, v19  }
0x19d: {  	v22 =	vsub.f32 v22, v13;
	v21 =	vsub.f32 v21, v11;
	v19 =	vmov s5  }
0x19e: {  	vm1 =	vgt.s32 v19, v1;
	vm2 =	vle.f32 v18, $3.999999910e-02;
	vm3 =	vle.f32 v18, $1.599999960e-01  }
0x19f: {  	p1 =	slt.s32 s10, $0x40;
	vm2 =	vmand vm1, vm2;
	vm1 =	vmand vm1, vm3;
	vm3 =	vmmov vm0  }
0x1a0: {  	s17 =	smov.u32 s10;
	vm3 =	vmneg @p1 vm3;
	v18 =	vsub.f32 v20, v12  }
0x1a1: {  	p2 =	slt.s32 s8, $0x40;
	s17 =	simm.s32 @!p1 $0x40;
	v19 =	vmpcnt.ones.xlane vm2;
	vm3 =	vmand vm3, vm2;
	vm2 =	vmmov vm0  }
0x1a2: {  	s18 =	smov.u32 s8;
	v20 =	vmpcnt.ones.xlane vm1;
	vm2 =	vmneg @p2 vm2;
	[tilespmem:s17+$0xE2A0] =	vst.msk vm3, v22  }
0x1a3: {  	s13 =	sadd.s32 $0x10, s13;
	s18 =	simm.s32 @!p2 $0x40;
	vm1 =	vmand vm2, vm1;
	[tilespmem:s17+$0xE7A0] =	vst.msk vm3, v21;
	(v2sf) =	vpush v19, $0x0  }
0x1a4: {  	s7 =	sadd.s32 $0x10, s7;
	[tilespmem:s17+$0xECA0] =	vst.msk vm3, v18;
	(v2sf) =	vpush v20, $0x0  }
0x1a5: {  	[tilespmem:s18+$0xF1A0] =	vst.msk vm1, v22  }
0x1a6: {  	s14 =	sadd.s32 $0x10, s14;
	v19 =	vadd.s32 s6, v1;
	s6 =	smov.u32 s16;
	[tilespmem:s18+$0xF6A0] =	vst.msk vm1, v21  }
0x1a7: {  	[tilespmem:s18+$0xFBA0] =	vst.msk vm1, v18  }
0x1a8: {  	[tilespmem:s18+$0x100A0] =	vst.msk vm1, v19  }
0x1a9: {  	v21 =	vld [tilespmem:s7+$0x0]  }
.Ltmp16:
0x1aa: {  	s15 =	sadd.s32 $0x10, s15;
	v19 =	vld [tilespmem:s13+$0x0];
	(pc) =	sbr.rel @p3 .LBB2_25-.Ltmp16, $3  }
0x1ab: {  	v18 =	vld [tilespmem:s15+$0x0]  }
0x1ac: {  	v20 =	vld [tilespmem:s14+$0x0];
	_ =	sdelay $0x1  }
0x1ad: {  	s1 =	sadd.s32 $0x10, s1;
	s5 =	sadd.s32 $0xFFFFFFF0, s5;
	v21 =	vmul.f32 v21, v17  }
0x1ae: {  	s7 =	smov.u32 s6  }
.LBB2_27:
0x1af: {  	v14 =	vmul.f32 v19, v14;
	_ =	sdelay $0x1  }
0x1b0: {  	v16 =	vmul.f32 v20, v16;
	v14 =	vadd.f32 v21, v14;
	_ =	sdelay $0x1  }
0x1b1: {  	v14 =	vadd.f32 v16, v14;
	_ =	sdelay $0x1  }
0x1b2: {  	v15 =	vadd.f32 v18, v15;
	v14 =	vadd.f32 v14, v14;
	_ =	sdelay $0x1  }
0x1b3: {  	v14 =	vsub.f32 v15, v14  }
0x1b4: {  	v58 =	vmov s5  }
0x1b5: {  	vm1 =	vgt.s32 v58, v1;
	vm2 =	vle.f32 v14, $3.999999910e-02  }
0x1b6: {  	vm3 =	vle.f32 v14, $1.599999960e-01;
	vm2 =	vmand vm1, vm2  }
0x1b7: {  	vm1 =	vmand vm1, vm3;
	v59 =	vmpcnt.ones.xlane vm2  }
0x1b8: {  	v60 =	vmpcnt.ones.xlane vm1  }
0x1b9: {  	(v2sf) =	vpush v59, $0x0  }
0x1ba: {  	(v2sf) =	vpush v60, $0x0;
	_ =	sdelay $0x4  }
0x1bb: {  	s5 =	sadd.s32 @p0 $0x10, s11;
	s6 =	sadd.s32 @p0 $0x10, s9  }
0x1bc: {  	v61 =	vld [tilespmem:s1+$0x0];
	p1 =	por !p1, !p0;
	s3 =	smov.u32 @p0 s5;
	s4 =	spop @p0 (v2sf)  }
0x1bd: {  	s2 =	smov.u32 @p0 s6;
	v62 =	vld [tilespmem:s3+$0x0];
	s4 =	simm.s32 @p1 $0x0  }
0x1be: {  	v63 =	vld [tilespmem:s2+$0x0];
	s2 =	simm.s32 $0x0;
	s1 =	sadd.s32 @p0 s10, s4  }
0x1bf: {  	s3 =	spop @p0 (v2sf);
	p1 =	por !p2, !p0;
	s2 =	smov.u32 @p0 s1  }
0x1c0: {  	s3 =	simm.s32 @p1 $0x0;
	p1 =	slt.s32 s2, $0x40;
	vm3 =	vmmov vm0  }
0x1c1: {  	s1 =	sadd.s32 @p0 s8, s3;
	v13 =	vsub.f32 v61, v13;
	s3 =	smov.u32 s2;
	vm3 =	vmneg @p1 vm3  }
0x1c2: {  	s0 =	smov.u32 @p0 s1;
	v11 =	vsub.f32 v62, v11;
	s3 =	simm.s32 @!p1 $0x40;
	vm2 =	vmand vm3, vm2  }
0x1c3: {  	v12 =	vsub.f32 v63, v12;
	p0 =	slt.s32 s0, $0x40;
	vm3 =	vmmov vm0;
	[tilespmem:s3+$0xE2A0] =	vst.msk vm2, v13  }
0x1c4: {  	s1 =	smov.u32 s0;
	vm3 =	vmneg @p0 vm3;
	[tilespmem:s3+$0xE7A0] =	vst.msk vm2, v11;
	s4 =	spop (v2sf)  }
0x1c5: {  	s1 =	simm.s32 @!p0 $0x40;
	vm1 =	vmand vm3, vm1;
	[tilespmem:s3+$0xECA0] =	vst.msk vm2, v12;
	s3 =	spop (v2sf);
	s4 =	simm.s32 @!p1 $0x0  }
0x1c6: {  	[tilespmem:s1+$0xF1A0] =	vst.msk vm1, v13;
	s3 =	simm.s32 @!p0 $0x0;
	s2 =	sadd.s32 s2, s4  }
0x1c7: {  	[tilespmem:s1+$0xF6A0] =	vst.msk vm1, v11;
	s0 =	sadd.s32 s0, s3;
	p0 =	slt.s32 s2, $0x40  }
0x1c8: {  	v11 =	vadd.s32 s7, v1;
	[tilespmem:s1+$0xFBA0] =	vst.msk vm1, v12;
	p1 =	slt.s32 s0, $0x40;
	s2 =	simm.s32 @!p0 $0x40  }
0x1c9: {  	[tilespmem:s1+$0x100A0] =	vst.msk vm1, v11;
	[dreg:$0x16] =	wrdreg s2;
	s0 =	simm.s32 @!p1 $0x40  }
.LBB2_28:
0x1ca: {  	(v2sf) =	vpush v9, $0x3  }
0x1cb: {  	(v2sf) =	vpush v10, $0x3;
	_ =	sdelay $0xd  }
0x1cc: {  	s7 =	spop (v2sf)  }
0x1cd: {  	s5 =	spop (v2sf)  }
0x1ce: {  	p0 =	sle.s32 s5, s7  }
.Ltmp17:
0x1cf: {  	[tilespmem:$0x100F0] =	vst v0;
	(pc) =	sbr.rel @p0 .LBB2_36-.Ltmp17, $4  }
0x1d0: {  	[tilespmem:$0x10100] =	vst v0  }
0x1d1: {  	[tilespmem:$0x10110] =	vst v0  }
0x1d2: {  	[dreg:$0x19] =	wrdreg s0;
	[tilespmem:$0x10120] =	vst v0;
	s29 =	simm.s32 $0x0  }
0x1d3: {  	[tilespmem:$0x10130] =	vst v0;
	s2 =	simm.s32 $0x0;
	s0 =	simm.s32 $0x0;
	[dreg:$0x1a] =	wrdreg s29  }
0x1d4: {  	s0 =	sshll.u32 s7, $0x2  }
0x1d5: {  	s1 =	sshra.s32 s0, $0x2  }
0x1d6: {  	s6 =	sadd.s32 $0x10, s7;
	s10 =	sadd.s32 $0x8000, s1  }
0x1d7: {  	p1 =	slt.s32 s6, s5;
	v21 =	vld [tilespmem:s10+$0x0]  }
.Ltmp18:
0x1d8: {  	_ = 	snop;
	(pc) =	sbr.rel @!p1 .LBB2_30-.Ltmp18, $4  }
0x1d9: {  	v14 =	vbroadcast v7, $0x3;
	v17 =	vbroadcast v8, $0x3;
	s9 =	sadd.s32 $0x6000, s1  }
0x1da: {  	v16 =	vbroadcast v5, $0x3;
	v15 =	vbroadcast v6, $0x3;
	s8 =	sadd.s32 $0xC000, s1;
	v19 =	vld [tilespmem:s9+$0x0]  }
0x1db: {  	v13 =	vbroadcast v3, $0x3;
	v11 =	vbroadcast v4, $0x3;
	s4 =	ssub.s32 s5, s7;
	p0 =	por $0x0, $0x0;
	s11 =	sadd.s32 $0xA000, s1;
	v18 =	vld [tilespmem:s8+$0x0]  }
0x1dc: {  	v12 =	vbroadcast v2, $0x3;
	s0 =	simm.s32 $0x0;
	s2 =	sadd.s32 $0x4000, s1;
	s3 =	sadd.s32 $0x2000, s1;
	v20 =	vld [tilespmem:s11+$0x0];
	v21 =	vmul.f32 v21, v17  }
0x1dd: {  	_ =	sdelay $0x1  }
0x1de: {  	v19 =	vmul.f32 v19, v14;
	_ =	sdelay $0x1  }
0x1df: {  	v19 =	vadd.f32 v21, v19;
	v20 =	vmul.f32 v20, v16;
	_ =	sdelay $0x1  }
0x1e0: {  	v19 =	vadd.f32 v20, v19;
	_ =	sdelay $0x1  }
0x1e1: {  	v18 =	vadd.f32 v18, v15;
	v20 =	vld [tilespmem:s1+$0x0];
	v19 =	vadd.f32 v19, v19  }
0x1e2: {  	v21 =	vld [tilespmem:s3+$0x0]  }
0x1e3: {  	v22 =	vld [tilespmem:s2+$0x0];
	v18 =	vsub.f32 v18, v19  }
0x1e4: {  	v19 =	vmov s4  }
0x1e5: {  	p1 =	por $0x1, $0x1;
	vm3 =	vmmov vm0;
	vm1 =	vgt.s32 v19, v1;
	vm2 =	vle.f32 v18, $3.999999910e-02  }
0x1e6: {  	s12 =	simm.s32 $0x0;
	vm3 =	vmneg @p1 vm3;
	v19 =	vsub.f32 v20, v13;
	vm2 =	vmand vm1, vm2  }
0x1e7: {  	s12 =	simm.s32 @!p1 $0x40;
	v20 =	vsub.f32 v21, v11;
	vm4 =	vmand vm3, vm2  }
0x1e8: {  	vm5 =	vle.f32 v18, $1.599999960e-01;
	v18 =	vsub.f32 v22, v12;
	[tilespmem:s12+$0xE2F0] =	vst.msk vm4, v19  }
0x1e9: {  	vm1 =	vmand vm1, vm5;
	[tilespmem:s12+$0xE7F0] =	vst.msk vm4, v20  }
0x1ea: {  	vm3 =	vmand vm3, vm1;
	[tilespmem:s12+$0xECF0] =	vst.msk vm4, v18  }
0x1eb: {  	[tilespmem:s12+$0xF1F0] =	vst.msk vm3, v19  }
0x1ec: {  	[tilespmem:s12+$0xF6F0] =	vst.msk vm3, v20  }
0x1ed: {  	[tilespmem:s12+$0xFBF0] =	vst.msk vm3, v18;
	v18 =	vmpcnt.ones.xlane vm2  }
0x1ee: {  	v20 =	vmpcnt.ones.xlane vm1  }
0x1ef: {  	(v2sf) =	vpush v18, $0x0  }
0x1f0: {  	(v2sf) =	vpush v20, $0x0;
	_ =	sdelay $0x1  }
0x1f1: {  	v19 =	vadd.s32 s7, v1  }
0x1f2: {  	s7 =	sadd.s32 $0x10, s10;
	[tilespmem:s12+$0x100F0] =	vst.msk vm3, v19;
	s12 =	sadd.s32 $0x10, s6  }
0x1f3: {  	v21 =	vld [tilespmem:s7+$0x0];
	p3 =	slt.s32 s12, s5  }
.Ltmp19:
0x1f4: {  	s13 =	sadd.s32 $0x10, s9;
	(pc) =	sbr.rel @!p3 .LBB2_32-.Ltmp19, $4  }
0x1f5: {  	s14 =	sadd.s32 $0x10, s11;
	v19 =	vld [tilespmem:s13+$0x0]  }
0x1f6: {  	s15 =	sadd.s32 $0x10, s8;
	p0 =	por $0x1, $0x1;
	s9 =	smov.u32 s2  }
0x1f7: {  	s11 =	smov.u32 s3;
	p2 =	por $0x1, $0x1;
	s8 =	simm.s32 $0x0;
	v20 =	vld [tilespmem:s14+$0x0]  }
0x1f8: {  	s1 =	sadd.s32 $0x10, s1;
	s4 =	sadd.s32 $0xFFFFFFF0, s4;
	s10 =	simm.s32 $0x0;
	v18 =	vld [tilespmem:s15+$0x0];
	v21 =	vmul.f32 v21, v17  }
.LBB2_33:
0x1f9: {  	s9 =	sadd.s32 $0x10, s9  }
0x1fa: {  	v19 =	vmul.f32 v19, v14;
	s11 =	sadd.s32 $0x10, s11;
	s16 =	smov.u32 s12;
	s12 =	sadd.s32 $0x10, s12  }
0x1fb: {  	p3 =	slt.s32 s12, s5;
	v22 =	vld [tilespmem:s1+$0x0]  }
0x1fc: {  	v19 =	vadd.f32 v21, v19;
	v20 =	vmul.f32 v20, v16;
	v21 =	vld [tilespmem:s11+$0x0]  }
0x1fd: {  	s17 =	spop (v2sf)  }
0x1fe: {  	v19 =	vadd.f32 v20, v19;
	s17 =	simm.s32 @!p1 $0x0;
	s18 =	spop (v2sf)  }
0x1ff: {  	s10 =	sadd.s32 s10, s17;
	s18 =	simm.s32 @!p2 $0x0  }
0x200: {  	v18 =	vadd.f32 v18, v15;
	v19 =	vadd.f32 v19, v19;
	s8 =	sadd.s32 s8, s18  }
0x201: {  	v20 =	vld [tilespmem:s9+$0x0]  }
0x202: {  	v18 =	vsub.f32 v18, v19  }
0x203: {  	v22 =	vsub.f32 v22, v13;
	v21 =	vsub.f32 v21, v11;
	v19 =	vmov s4  }
0x204: {  	vm1 =	vgt.s32 v19, v1;
	vm2 =	vle.f32 v18, $3.999999910e-02;
	vm3 =	vle.f32 v18, $1.599999960e-01  }
0x205: {  	p1 =	slt.s32 s10, $0x40;
	vm2 =	vmand vm1, vm2;
	vm1 =	vmand vm1, vm3;
	vm3 =	vmmov vm0  }
0x206: {  	s17 =	smov.u32 s10;
	vm3 =	vmneg @p1 vm3;
	v18 =	vsub.f32 v20, v12  }
0x207: {  	p2 =	slt.s32 s8, $0x40;
	s17 =	simm.s32 @!p1 $0x40;
	v19 =	vmpcnt.ones.xlane vm2;
	vm3 =	vmand vm3, vm2;
	vm2 =	vmmov vm0  }
0x208: {  	s18 =	smov.u32 s8;
	v20 =	vmpcnt.ones.xlane vm1;
	vm2 =	vmneg @p2 vm2;
	[tilespmem:s17+$0xE2F0] =	vst.msk vm3, v22  }
0x209: {  	s13 =	sadd.s32 $0x10, s13;
	s18 =	simm.s32 @!p2 $0x40;
	vm1 =	vmand vm2, vm1;
	[tilespmem:s17+$0xE7F0] =	vst.msk vm3, v21;
	(v2sf) =	vpush v19, $0x0  }
0x20a: {  	s7 =	sadd.s32 $0x10, s7;
	[tilespmem:s17+$0xECF0] =	vst.msk vm3, v18;
	(v2sf) =	vpush v20, $0x0  }
0x20b: {  	[tilespmem:s18+$0xF1F0] =	vst.msk vm1, v22  }
0x20c: {  	s14 =	sadd.s32 $0x10, s14;
	v19 =	vadd.s32 s6, v1;
	s6 =	smov.u32 s16;
	[tilespmem:s18+$0xF6F0] =	vst.msk vm1, v21  }
0x20d: {  	[tilespmem:s18+$0xFBF0] =	vst.msk vm1, v18  }
0x20e: {  	[tilespmem:s18+$0x100F0] =	vst.msk vm1, v19  }
0x20f: {  	v21 =	vld [tilespmem:s7+$0x0]  }
.Ltmp20:
0x210: {  	s15 =	sadd.s32 $0x10, s15;
	v19 =	vld [tilespmem:s13+$0x0];
	(pc) =	sbr.rel @p3 .LBB2_33-.Ltmp20, $3  }
0x211: {  	v18 =	vld [tilespmem:s15+$0x0]  }
0x212: {  	v20 =	vld [tilespmem:s14+$0x0];
	_ =	sdelay $0x1  }
0x213: {  	s1 =	sadd.s32 $0x10, s1;
	s4 =	sadd.s32 $0xFFFFFFF0, s4;
	v21 =	vmul.f32 v21, v17  }
0x214: {  	s7 =	smov.u32 s6  }
.LBB2_35:
0x215: {  	v14 =	vmul.f32 v19, v14;
	_ =	sdelay $0x1  }
0x216: {  	v16 =	vmul.f32 v20, v16;
	v14 =	vadd.f32 v21, v14;
	_ =	sdelay $0x1  }
0x217: {  	v14 =	vadd.f32 v16, v14;
	_ =	sdelay $0x1  }
0x218: {  	v15 =	vadd.f32 v18, v15;
	v14 =	vadd.f32 v14, v14;
	_ =	sdelay $0x1  }
0x219: {  	v14 =	vsub.f32 v15, v14  }
0x21a: {  	v58 =	vmov s4  }
0x21b: {  	vm1 =	vgt.s32 v58, v1;
	vm2 =	vle.f32 v14, $3.999999910e-02  }
0x21c: {  	vm3 =	vle.f32 v14, $1.599999960e-01;
	vm2 =	vmand vm1, vm2  }
0x21d: {  	vm1 =	vmand vm1, vm3;
	v59 =	vmpcnt.ones.xlane vm2  }
0x21e: {  	v60 =	vmpcnt.ones.xlane vm1  }
0x21f: {  	(v2sf) =	vpush v59, $0x0  }
0x220: {  	(v2sf) =	vpush v60, $0x0;
	_ =	sdelay $0x4  }
0x221: {  	s5 =	sadd.s32 @p0 $0x10, s11;
	s6 =	sadd.s32 @p0 $0x10, s9  }
0x222: {  	v61 =	vld [tilespmem:s1+$0x0];
	p1 =	por !p1, !p0;
	s3 =	smov.u32 @p0 s5;
	s4 =	spop @p0 (v2sf)  }
0x223: {  	s2 =	smov.u32 @p0 s6;
	v62 =	vld [tilespmem:s3+$0x0];
	s4 =	simm.s32 @p1 $0x0  }
0x224: {  	v63 =	vld [tilespmem:s2+$0x0];
	s2 =	simm.s32 $0x0;
	s1 =	sadd.s32 @p0 s10, s4  }
0x225: {  	s3 =	spop @p0 (v2sf);
	p1 =	por !p2, !p0;
	s2 =	smov.u32 @p0 s1  }
0x226: {  	s3 =	simm.s32 @p1 $0x0;
	p1 =	slt.s32 s2, $0x40;
	vm3 =	vmmov vm0  }
0x227: {  	s1 =	sadd.s32 @p0 s8, s3;
	v13 =	vsub.f32 v61, v13;
	s3 =	smov.u32 s2;
	vm3 =	vmneg @p1 vm3  }
0x228: {  	s0 =	smov.u32 @p0 s1;
	v11 =	vsub.f32 v62, v11;
	s3 =	simm.s32 @!p1 $0x40;
	vm2 =	vmand vm3, vm2  }
0x229: {  	v12 =	vsub.f32 v63, v12;
	p0 =	slt.s32 s0, $0x40;
	vm3 =	vmmov vm0;
	[tilespmem:s3+$0xE2F0] =	vst.msk vm2, v13  }
0x22a: {  	s1 =	smov.u32 s0;
	vm3 =	vmneg @p0 vm3;
	[tilespmem:s3+$0xE7F0] =	vst.msk vm2, v11;
	s4 =	spop (v2sf)  }
0x22b: {  	s1 =	simm.s32 @!p0 $0x40;
	vm1 =	vmand vm3, vm1;
	[tilespmem:s3+$0xECF0] =	vst.msk vm2, v12;
	s3 =	spop (v2sf)  }
0x22c: {  	[tilespmem:s1+$0xF1F0] =	vst.msk vm1, v13;
	s4 =	simm.s32 @!p1 $0x0;
	s3 =	simm.s32 @!p0 $0x0  }
0x22d: {  	[tilespmem:s1+$0xF6F0] =	vst.msk vm1, v11;
	s2 =	sadd.s32 s2, s4;
	s0 =	sadd.s32 s0, s3  }
0x22e: {  	v11 =	vadd.s32 s7, v1;
	[tilespmem:s1+$0xFBF0] =	vst.msk vm1, v12;
	p0 =	slt.s32 s2, $0x40;
	p1 =	slt.s32 s0, $0x40  }
0x22f: {  	[tilespmem:s1+$0x100F0] =	vst.msk vm1, v11;
	s2 =	simm.s32 @!p0 $0x40;
	s0 =	simm.s32 @!p1 $0x40  }
.LBB2_36:
0x230: {  	(v2sf) =	vpush v9, $0x4  }
0x231: {  	(v2sf) =	vpush v10, $0x4;
	_ =	sdelay $0xd  }
0x232: {  	s8 =	spop (v2sf)  }
0x233: {  	s5 =	spop (v2sf)  }
0x234: {  	p0 =	sle.s32 s5, s8  }
.Ltmp21:
0x235: {  	[tilespmem:$0x10140] =	vst v0;
	(pc) =	sbr.rel @p0 .LBB2_44-.Ltmp21, $4  }
0x236: {  	[tilespmem:$0x10150] =	vst v0  }
0x237: {  	[tilespmem:$0x10160] =	vst v0  }
0x238: {  	[dreg:$0x1c] =	wrdreg s0;
	[tilespmem:$0x10170] =	vst v0  }
0x239: {  	[dreg:$0x1b] =	wrdreg s2;
	[tilespmem:$0x10180] =	vst v0;
	s0 =	simm.s32 $0x0  }
0x23a: {  	s0 =	sshll.u32 s8, $0x2  }
0x23b: {  	s1 =	sshra.s32 s0, $0x2  }
0x23c: {  	s7 =	sadd.s32 $0x10, s8;
	s10 =	sadd.s32 $0x8000, s1  }
0x23d: {  	p1 =	slt.s32 s7, s5;
	v21 =	vld [tilespmem:s10+$0x0]  }
.Ltmp22:
0x23e: {  	_ = 	snop;
	(pc) =	sbr.rel @!p1 .LBB2_38-.Ltmp22, $4  }
0x23f: {  	v14 =	vbroadcast v7, $0x4;
	v17 =	vbroadcast v8, $0x4;
	s9 =	sadd.s32 $0x6000, s1  }
0x240: {  	v16 =	vbroadcast v5, $0x4;
	v15 =	vbroadcast v6, $0x4;
	s4 =	sadd.s32 $0xC000, s1;
	v19 =	vld [tilespmem:s9+$0x0]  }
0x241: {  	v13 =	vbroadcast v3, $0x4;
	v11 =	vbroadcast v4, $0x4;
	s6 =	ssub.s32 s5, s8;
	p0 =	por $0x0, $0x0;
	s11 =	sadd.s32 $0xA000, s1;
	v18 =	vld [tilespmem:s4+$0x0]  }
0x242: {  	v12 =	vbroadcast v2, $0x4;
	s0 =	simm.s32 $0x0;
	s2 =	sadd.s32 $0x4000, s1;
	s3 =	sadd.s32 $0x2000, s1;
	v20 =	vld [tilespmem:s11+$0x0];
	v21 =	vmul.f32 v21, v17  }
0x243: {  	_ =	sdelay $0x1  }
0x244: {  	v19 =	vmul.f32 v19, v14;
	_ =	sdelay $0x1  }
0x245: {  	v19 =	vadd.f32 v21, v19;
	v20 =	vmul.f32 v20, v16;
	_ =	sdelay $0x1  }
0x246: {  	v19 =	vadd.f32 v20, v19;
	_ =	sdelay $0x1  }
0x247: {  	v18 =	vadd.f32 v18, v15;
	v20 =	vld [tilespmem:s1+$0x0];
	v19 =	vadd.f32 v19, v19  }
0x248: {  	v21 =	vld [tilespmem:s3+$0x0]  }
0x249: {  	v22 =	vld [tilespmem:s2+$0x0];
	v18 =	vsub.f32 v18, v19  }
0x24a: {  	v19 =	vmov s6  }
0x24b: {  	p1 =	por $0x1, $0x1;
	vm3 =	vmmov vm0;
	vm1 =	vgt.s32 v19, v1;
	vm2 =	vle.f32 v18, $3.999999910e-02  }
0x24c: {  	s12 =	simm.s32 $0x0;
	vm3 =	vmneg @p1 vm3;
	v19 =	vsub.f32 v20, v13;
	vm2 =	vmand vm1, vm2  }
0x24d: {  	s12 =	simm.s32 @!p1 $0x40;
	v20 =	vsub.f32 v21, v11;
	vm4 =	vmand vm3, vm2  }
0x24e: {  	vm5 =	vle.f32 v18, $1.599999960e-01;
	v18 =	vsub.f32 v22, v12;
	[tilespmem:s12+$0xE340] =	vst.msk vm4, v19  }
0x24f: {  	vm1 =	vmand vm1, vm5;
	[tilespmem:s12+$0xE840] =	vst.msk vm4, v20  }
0x250: {  	vm3 =	vmand vm3, vm1;
	[tilespmem:s12+$0xED40] =	vst.msk vm4, v18  }
0x251: {  	[tilespmem:s12+$0xF240] =	vst.msk vm3, v19  }
0x252: {  	[tilespmem:s12+$0xF740] =	vst.msk vm3, v20  }
0x253: {  	[tilespmem:s12+$0xFC40] =	vst.msk vm3, v18;
	v18 =	vmpcnt.ones.xlane vm2  }
0x254: {  	v20 =	vmpcnt.ones.xlane vm1  }
0x255: {  	(v2sf) =	vpush v18, $0x0  }
0x256: {  	(v2sf) =	vpush v20, $0x0;
	_ =	sdelay $0x1  }
0x257: {  	v19 =	vadd.s32 s8, v1  }
0x258: {  	s8 =	sadd.s32 $0x10, s10;
	[tilespmem:s12+$0x10140] =	vst.msk vm3, v19;
	s12 =	sadd.s32 $0x10, s7  }
0x259: {  	v21 =	vld [tilespmem:s8+$0x0];
	p3 =	slt.s32 s12, s5  }
.Ltmp23:
0x25a: {  	s13 =	sadd.s32 $0x10, s9;
	(pc) =	sbr.rel @!p3 .LBB2_40-.Ltmp23, $4  }
0x25b: {  	s14 =	sadd.s32 $0x10, s11;
	v19 =	vld [tilespmem:s13+$0x0]  }
0x25c: {  	s15 =	sadd.s32 $0x10, s4;
	p0 =	por $0x1, $0x1;
	s4 =	smov.u32 s2  }
0x25d: {  	s11 =	smov.u32 s3;
	p2 =	por $0x1, $0x1;
	s9 =	simm.s32 $0x0;
	v20 =	vld [tilespmem:s14+$0x0]  }
0x25e: {  	s1 =	sadd.s32 $0x10, s1;
	s6 =	sadd.s32 $0xFFFFFFF0, s6;
	s10 =	simm.s32 $0x0;
	v18 =	vld [tilespmem:s15+$0x0];
	v21 =	vmul.f32 v21, v17  }
.LBB2_41:
0x25f: {  	s4 =	sadd.s32 $0x10, s4  }
0x260: {  	v19 =	vmul.f32 v19, v14;
	s11 =	sadd.s32 $0x10, s11;
	s16 =	smov.u32 s12;
	s12 =	sadd.s32 $0x10, s12  }
0x261: {  	p3 =	slt.s32 s12, s5;
	v22 =	vld [tilespmem:s1+$0x0]  }
0x262: {  	v19 =	vadd.f32 v21, v19;
	v20 =	vmul.f32 v20, v16;
	v21 =	vld [tilespmem:s11+$0x0]  }
0x263: {  	s17 =	spop (v2sf)  }
0x264: {  	v19 =	vadd.f32 v20, v19;
	s17 =	simm.s32 @!p1 $0x0;
	s18 =	spop (v2sf)  }
0x265: {  	s10 =	sadd.s32 s10, s17;
	s18 =	simm.s32 @!p2 $0x0  }
0x266: {  	v18 =	vadd.f32 v18, v15;
	v19 =	vadd.f32 v19, v19;
	s9 =	sadd.s32 s9, s18  }
0x267: {  	v20 =	vld [tilespmem:s4+$0x0]  }
0x268: {  	v18 =	vsub.f32 v18, v19  }
0x269: {  	v22 =	vsub.f32 v22, v13;
	v21 =	vsub.f32 v21, v11;
	v19 =	vmov s6  }
0x26a: {  	vm1 =	vgt.s32 v19, v1;
	vm2 =	vle.f32 v18, $3.999999910e-02;
	vm3 =	vle.f32 v18, $1.599999960e-01  }
0x26b: {  	p1 =	slt.s32 s10, $0x40;
	vm2 =	vmand vm1, vm2;
	vm1 =	vmand vm1, vm3;
	vm3 =	vmmov vm0  }
0x26c: {  	s17 =	smov.u32 s10;
	vm3 =	vmneg @p1 vm3;
	v18 =	vsub.f32 v20, v12  }
0x26d: {  	p2 =	slt.s32 s9, $0x40;
	s17 =	simm.s32 @!p1 $0x40;
	v19 =	vmpcnt.ones.xlane vm2;
	vm3 =	vmand vm3, vm2;
	vm2 =	vmmov vm0  }
0x26e: {  	s18 =	smov.u32 s9;
	v20 =	vmpcnt.ones.xlane vm1;
	vm2 =	vmneg @p2 vm2;
	[tilespmem:s17+$0xE340] =	vst.msk vm3, v22  }
0x26f: {  	s13 =	sadd.s32 $0x10, s13;
	s18 =	simm.s32 @!p2 $0x40;
	vm1 =	vmand vm2, vm1;
	[tilespmem:s17+$0xE840] =	vst.msk vm3, v21;
	(v2sf) =	vpush v19, $0x0  }
0x270: {  	s8 =	sadd.s32 $0x10, s8;
	[tilespmem:s17+$0xED40] =	vst.msk vm3, v18;
	(v2sf) =	vpush v20, $0x0  }
0x271: {  	[tilespmem:s18+$0xF240] =	vst.msk vm1, v22  }
0x272: {  	s14 =	sadd.s32 $0x10, s14;
	v19 =	vadd.s32 s7, v1;
	s7 =	smov.u32 s16;
	[tilespmem:s18+$0xF740] =	vst.msk vm1, v21  }
0x273: {  	[tilespmem:s18+$0xFC40] =	vst.msk vm1, v18  }
0x274: {  	[tilespmem:s18+$0x10140] =	vst.msk vm1, v19  }
0x275: {  	v21 =	vld [tilespmem:s8+$0x0]  }
.Ltmp24:
0x276: {  	s15 =	sadd.s32 $0x10, s15;
	v19 =	vld [tilespmem:s13+$0x0];
	(pc) =	sbr.rel @p3 .LBB2_41-.Ltmp24, $3  }
0x277: {  	v18 =	vld [tilespmem:s15+$0x0]  }
0x278: {  	v20 =	vld [tilespmem:s14+$0x0];
	_ =	sdelay $0x1  }
0x279: {  	s1 =	sadd.s32 $0x10, s1;
	s6 =	sadd.s32 $0xFFFFFFF0, s6;
	v21 =	vmul.f32 v21, v17  }
0x27a: {  	s8 =	smov.u32 s7  }
.LBB2_43:
0x27b: {  	v14 =	vmul.f32 v19, v14;
	_ =	sdelay $0x1  }
0x27c: {  	v16 =	vmul.f32 v20, v16;
	v14 =	vadd.f32 v21, v14;
	_ =	sdelay $0x1  }
0x27d: {  	v14 =	vadd.f32 v16, v14;
	_ =	sdelay $0x1  }
0x27e: {  	v15 =	vadd.f32 v18, v15;
	v14 =	vadd.f32 v14, v14;
	_ =	sdelay $0x1  }
0x27f: {  	v14 =	vsub.f32 v15, v14  }
0x280: {  	v58 =	vmov s6  }
0x281: {  	vm1 =	vgt.s32 v58, v1;
	vm2 =	vle.f32 v14, $3.999999910e-02  }
0x282: {  	vm3 =	vle.f32 v14, $1.599999960e-01;
	vm2 =	vmand vm1, vm2  }
0x283: {  	vm1 =	vmand vm1, vm3;
	v59 =	vmpcnt.ones.xlane vm2  }
0x284: {  	v60 =	vmpcnt.ones.xlane vm1  }
0x285: {  	(v2sf) =	vpush v59, $0x0  }
0x286: {  	(v2sf) =	vpush v60, $0x0;
	_ =	sdelay $0x4  }
0x287: {  	s6 =	sadd.s32 @p0 $0x10, s11;
	s4 =	sadd.s32 @p0 $0x10, s4  }
0x288: {  	v61 =	vld [tilespmem:s1+$0x0];
	p1 =	por !p1, !p0;
	s3 =	smov.u32 @p0 s6;
	s5 =	spop @p0 (v2sf)  }
0x289: {  	s2 =	smov.u32 @p0 s4;
	v62 =	vld [tilespmem:s3+$0x0];
	s5 =	simm.s32 @p1 $0x0  }
0x28a: {  	v63 =	vld [tilespmem:s2+$0x0];
	s2 =	simm.s32 $0x0;
	s1 =	sadd.s32 @p0 s10, s5  }
0x28b: {  	s3 =	spop @p0 (v2sf);
	p1 =	por !p2, !p0;
	s2 =	smov.u32 @p0 s1  }
0x28c: {  	s3 =	simm.s32 @p1 $0x0;
	p1 =	slt.s32 s2, $0x40;
	vm3 =	vmmov vm0  }
0x28d: {  	s1 =	sadd.s32 @p0 s9, s3;
	v13 =	vsub.f32 v61, v13;
	s3 =	smov.u32 s2;
	vm3 =	vmneg @p1 vm3  }
0x28e: {  	s0 =	smov.u32 @p0 s1;
	v11 =	vsub.f32 v62, v11;
	s3 =	simm.s32 @!p1 $0x40;
	vm2 =	vmand vm3, vm2  }
0x28f: {  	v12 =	vsub.f32 v63, v12;
	p0 =	slt.s32 s0, $0x40;
	vm3 =	vmmov vm0;
	[tilespmem:s3+$0xE340] =	vst.msk vm2, v13  }
0x290: {  	s1 =	smov.u32 s0;
	vm3 =	vmneg @p0 vm3;
	[tilespmem:s3+$0xE840] =	vst.msk vm2, v11;
	s4 =	spop (v2sf)  }
0x291: {  	s1 =	simm.s32 @!p0 $0x40;
	vm1 =	vmand vm3, vm1;
	[tilespmem:s3+$0xED40] =	vst.msk vm2, v12;
	s3 =	spop (v2sf);
	s4 =	simm.s32 @!p1 $0x0  }
0x292: {  	[tilespmem:s1+$0xF240] =	vst.msk vm1, v13;
	s3 =	simm.s32 @!p0 $0x0;
	s2 =	sadd.s32 s2, s4  }
0x293: {  	[tilespmem:s1+$0xF740] =	vst.msk vm1, v11;
	s0 =	sadd.s32 s0, s3;
	p0 =	slt.s32 s2, $0x40  }
0x294: {  	v11 =	vadd.s32 s8, v1;
	[tilespmem:s1+$0xFC40] =	vst.msk vm1, v12;
	p1 =	slt.s32 s0, $0x40;
	s2 =	simm.s32 @!p0 $0x40  }
0x295: {  	[tilespmem:s1+$0x10140] =	vst.msk vm1, v11;
	[dreg:$0x1a] =	wrdreg s2;
	s0 =	simm.s32 @!p1 $0x40  }
.LBB2_44:
0x296: {  	(v2sf) =	vpush v9, $0x5  }
0x297: {  	(v2sf) =	vpush v10, $0x5;
	_ =	sdelay $0xd  }
0x298: {  	s8 =	spop (v2sf)  }
0x299: {  	s5 =	spop (v2sf)  }
0x29a: {  	p0 =	sle.s32 s5, s8  }
.Ltmp25:
0x29b: {  	[tilespmem:$0x10190] =	vst v0;
	(pc) =	sbr.rel @p0 .LBB2_52-.Ltmp25, $4  }
0x29c: {  	[tilespmem:$0x101A0] =	vst v0  }
0x29d: {  	[tilespmem:$0x101B0] =	vst v0  }
0x29e: {  	[dreg:$0x1d] =	wrdreg s0;
	[tilespmem:$0x101C0] =	vst v0;
	s29 =	simm.s32 $0x0  }
0x29f: {  	[tilespmem:$0x101D0] =	vst v0;
	s2 =	simm.s32 $0x0;
	s0 =	simm.s32 $0x0;
	[dreg:$0x1e] =	wrdreg s29  }
0x2a0: {  	s0 =	sshll.u32 s8, $0x2  }
0x2a1: {  	s1 =	sshra.s32 s0, $0x2  }
0x2a2: {  	s7 =	sadd.s32 $0x10, s8;
	s10 =	sadd.s32 $0x8000, s1  }
0x2a3: {  	p1 =	slt.s32 s7, s5;
	v21 =	vld [tilespmem:s10+$0x0]  }
.Ltmp26:
0x2a4: {  	_ = 	snop;
	(pc) =	sbr.rel @!p1 .LBB2_46-.Ltmp26, $4  }
0x2a5: {  	v14 =	vbroadcast v7, $0x5;
	v17 =	vbroadcast v8, $0x5;
	s9 =	sadd.s32 $0x6000, s1  }
0x2a6: {  	v16 =	vbroadcast v5, $0x5;
	v15 =	vbroadcast v6, $0x5;
	s4 =	sadd.s32 $0xC000, s1;
	v19 =	vld [tilespmem:s9+$0x0]  }
0x2a7: {  	v13 =	vbroadcast v3, $0x5;
	v11 =	vbroadcast v4, $0x5;
	s6 =	ssub.s32 s5, s8;
	p0 =	por $0x0, $0x0;
	s11 =	sadd.s32 $0xA000, s1;
	v18 =	vld [tilespmem:s4+$0x0]  }
0x2a8: {  	v12 =	vbroadcast v2, $0x5;
	s0 =	simm.s32 $0x0;
	s2 =	sadd.s32 $0x4000, s1;
	s3 =	sadd.s32 $0x2000, s1;
	v20 =	vld [tilespmem:s11+$0x0];
	v21 =	vmul.f32 v21, v17  }
0x2a9: {  	_ =	sdelay $0x1  }
0x2aa: {  	v19 =	vmul.f32 v19, v14;
	_ =	sdelay $0x1  }
0x2ab: {  	v19 =	vadd.f32 v21, v19;
	v20 =	vmul.f32 v20, v16;
	_ =	sdelay $0x1  }
0x2ac: {  	v19 =	vadd.f32 v20, v19;
	_ =	sdelay $0x1  }
0x2ad: {  	v18 =	vadd.f32 v18, v15;
	v20 =	vld [tilespmem:s1+$0x0];
	v19 =	vadd.f32 v19, v19  }
0x2ae: {  	v21 =	vld [tilespmem:s3+$0x0]  }
0x2af: {  	v22 =	vld [tilespmem:s2+$0x0];
	v18 =	vsub.f32 v18, v19  }
0x2b0: {  	v19 =	vmov s6  }
0x2b1: {  	p1 =	por $0x1, $0x1;
	vm3 =	vmmov vm0;
	vm1 =	vgt.s32 v19, v1;
	vm2 =	vle.f32 v18, $3.999999910e-02  }
0x2b2: {  	s12 =	simm.s32 $0x0;
	vm3 =	vmneg @p1 vm3;
	v19 =	vsub.f32 v20, v13;
	vm2 =	vmand vm1, vm2  }
0x2b3: {  	s12 =	simm.s32 @!p1 $0x40;
	v20 =	vsub.f32 v21, v11;
	vm4 =	vmand vm3, vm2  }
0x2b4: {  	vm5 =	vle.f32 v18, $1.599999960e-01;
	v18 =	vsub.f32 v22, v12;
	[tilespmem:s12+$0xE390] =	vst.msk vm4, v19  }
0x2b5: {  	vm1 =	vmand vm1, vm5;
	[tilespmem:s12+$0xE890] =	vst.msk vm4, v20  }
0x2b6: {  	vm3 =	vmand vm3, vm1;
	[tilespmem:s12+$0xED90] =	vst.msk vm4, v18  }
0x2b7: {  	[tilespmem:s12+$0xF290] =	vst.msk vm3, v19  }
0x2b8: {  	[tilespmem:s12+$0xF790] =	vst.msk vm3, v20  }
0x2b9: {  	[tilespmem:s12+$0xFC90] =	vst.msk vm3, v18;
	v18 =	vmpcnt.ones.xlane vm2  }
0x2ba: {  	v20 =	vmpcnt.ones.xlane vm1  }
0x2bb: {  	(v2sf) =	vpush v18, $0x0  }
0x2bc: {  	(v2sf) =	vpush v20, $0x0;
	_ =	sdelay $0x1  }
0x2bd: {  	v19 =	vadd.s32 s8, v1  }
0x2be: {  	s8 =	sadd.s32 $0x10, s10;
	[tilespmem:s12+$0x10190] =	vst.msk vm3, v19;
	s12 =	sadd.s32 $0x10, s7  }
0x2bf: {  	v21 =	vld [tilespmem:s8+$0x0];
	p3 =	slt.s32 s12, s5  }
.Ltmp27:
0x2c0: {  	s13 =	sadd.s32 $0x10, s9;
	(pc) =	sbr.rel @!p3 .LBB2_48-.Ltmp27, $4  }
0x2c1: {  	s14 =	sadd.s32 $0x10, s11;
	v19 =	vld [tilespmem:s13+$0x0]  }
0x2c2: {  	s15 =	sadd.s32 $0x10, s4;
	p0 =	por $0x1, $0x1;
	s4 =	smov.u32 s2  }
0x2c3: {  	s11 =	smov.u32 s3;
	p2 =	por $0x1, $0x1;
	s9 =	simm.s32 $0x0;
	v20 =	vld [tilespmem:s14+$0x0]  }
0x2c4: {  	s1 =	sadd.s32 $0x10, s1;
	s6 =	sadd.s32 $0xFFFFFFF0, s6;
	s10 =	simm.s32 $0x0;
	v18 =	vld [tilespmem:s15+$0x0];
	v21 =	vmul.f32 v21, v17  }
.LBB2_49:
0x2c5: {  	s4 =	sadd.s32 $0x10, s4  }
0x2c6: {  	v19 =	vmul.f32 v19, v14;
	s11 =	sadd.s32 $0x10, s11;
	s16 =	smov.u32 s12;
	s12 =	sadd.s32 $0x10, s12  }
0x2c7: {  	p3 =	slt.s32 s12, s5;
	v22 =	vld [tilespmem:s1+$0x0]  }
0x2c8: {  	v19 =	vadd.f32 v21, v19;
	v20 =	vmul.f32 v20, v16;
	v21 =	vld [tilespmem:s11+$0x0]  }
0x2c9: {  	s17 =	spop (v2sf)  }
0x2ca: {  	v19 =	vadd.f32 v20, v19;
	s17 =	simm.s32 @!p1 $0x0;
	s18 =	spop (v2sf)  }
0x2cb: {  	s10 =	sadd.s32 s10, s17;
	s18 =	simm.s32 @!p2 $0x0  }
0x2cc: {  	v18 =	vadd.f32 v18, v15;
	v19 =	vadd.f32 v19, v19;
	s9 =	sadd.s32 s9, s18  }
0x2cd: {  	v20 =	vld [tilespmem:s4+$0x0]  }
0x2ce: {  	v18 =	vsub.f32 v18, v19  }
0x2cf: {  	v22 =	vsub.f32 v22, v13;
	v21 =	vsub.f32 v21, v11;
	v19 =	vmov s6  }
0x2d0: {  	vm1 =	vgt.s32 v19, v1;
	vm2 =	vle.f32 v18, $3.999999910e-02;
	vm3 =	vle.f32 v18, $1.599999960e-01  }
0x2d1: {  	p1 =	slt.s32 s10, $0x40;
	vm2 =	vmand vm1, vm2;
	vm1 =	vmand vm1, vm3;
	vm3 =	vmmov vm0  }
0x2d2: {  	s17 =	smov.u32 s10;
	vm3 =	vmneg @p1 vm3;
	v18 =	vsub.f32 v20, v12  }
0x2d3: {  	p2 =	slt.s32 s9, $0x40;
	s17 =	simm.s32 @!p1 $0x40;
	v19 =	vmpcnt.ones.xlane vm2;
	vm3 =	vmand vm3, vm2;
	vm2 =	vmmov vm0  }
0x2d4: {  	s18 =	smov.u32 s9;
	v20 =	vmpcnt.ones.xlane vm1;
	vm2 =	vmneg @p2 vm2;
	[tilespmem:s17+$0xE390] =	vst.msk vm3, v22  }
0x2d5: {  	s13 =	sadd.s32 $0x10, s13;
	s18 =	simm.s32 @!p2 $0x40;
	vm1 =	vmand vm2, vm1;
	[tilespmem:s17+$0xE890] =	vst.msk vm3, v21;
	(v2sf) =	vpush v19, $0x0  }
0x2d6: {  	s8 =	sadd.s32 $0x10, s8;
	[tilespmem:s17+$0xED90] =	vst.msk vm3, v18;
	(v2sf) =	vpush v20, $0x0  }
0x2d7: {  	[tilespmem:s18+$0xF290] =	vst.msk vm1, v22  }
0x2d8: {  	s14 =	sadd.s32 $0x10, s14;
	v19 =	vadd.s32 s7, v1;
	s7 =	smov.u32 s16;
	[tilespmem:s18+$0xF790] =	vst.msk vm1, v21  }
0x2d9: {  	[tilespmem:s18+$0xFC90] =	vst.msk vm1, v18  }
0x2da: {  	[tilespmem:s18+$0x10190] =	vst.msk vm1, v19  }
0x2db: {  	v21 =	vld [tilespmem:s8+$0x0]  }
.Ltmp28:
0x2dc: {  	s15 =	sadd.s32 $0x10, s15;
	v19 =	vld [tilespmem:s13+$0x0];
	(pc) =	sbr.rel @p3 .LBB2_49-.Ltmp28, $3  }
0x2dd: {  	v18 =	vld [tilespmem:s15+$0x0]  }
0x2de: {  	v20 =	vld [tilespmem:s14+$0x0];
	_ =	sdelay $0x1  }
0x2df: {  	s1 =	sadd.s32 $0x10, s1;
	s6 =	sadd.s32 $0xFFFFFFF0, s6;
	v21 =	vmul.f32 v21, v17  }
0x2e0: {  	s8 =	smov.u32 s7  }
.LBB2_51:
0x2e1: {  	v14 =	vmul.f32 v19, v14;
	_ =	sdelay $0x1  }
0x2e2: {  	v16 =	vmul.f32 v20, v16;
	v14 =	vadd.f32 v21, v14;
	_ =	sdelay $0x1  }
0x2e3: {  	v14 =	vadd.f32 v16, v14;
	_ =	sdelay $0x1  }
0x2e4: {  	v15 =	vadd.f32 v18, v15;
	v14 =	vadd.f32 v14, v14;
	_ =	sdelay $0x1  }
0x2e5: {  	v14 =	vsub.f32 v15, v14  }
0x2e6: {  	v58 =	vmov s6  }
0x2e7: {  	vm1 =	vgt.s32 v58, v1;
	vm2 =	vle.f32 v14, $3.999999910e-02  }
0x2e8: {  	vm3 =	vle.f32 v14, $1.599999960e-01;
	vm2 =	vmand vm1, vm2  }
0x2e9: {  	vm1 =	vmand vm1, vm3;
	v59 =	vmpcnt.ones.xlane vm2  }
0x2ea: {  	v60 =	vmpcnt.ones.xlane vm1  }
0x2eb: {  	(v2sf) =	vpush v59, $0x0  }
0x2ec: {  	(v2sf) =	vpush v60, $0x0;
	_ =	sdelay $0x4  }
0x2ed: {  	s6 =	sadd.s32 @p0 $0x10, s11;
	s4 =	sadd.s32 @p0 $0x10, s4  }
0x2ee: {  	v61 =	vld [tilespmem:s1+$0x0];
	p1 =	por !p1, !p0;
	s3 =	smov.u32 @p0 s6;
	s5 =	spop @p0 (v2sf)  }
0x2ef: {  	s2 =	smov.u32 @p0 s4;
	v62 =	vld [tilespmem:s3+$0x0];
	s5 =	simm.s32 @p1 $0x0  }
0x2f0: {  	v63 =	vld [tilespmem:s2+$0x0];
	s2 =	simm.s32 $0x0;
	s1 =	sadd.s32 @p0 s10, s5  }
0x2f1: {  	s3 =	spop @p0 (v2sf);
	p1 =	por !p2, !p0;
	s2 =	smov.u32 @p0 s1  }
0x2f2: {  	s3 =	simm.s32 @p1 $0x0;
	p1 =	slt.s32 s2, $0x40;
	vm3 =	vmmov vm0  }
0x2f3: {  	s1 =	sadd.s32 @p0 s9, s3;
	v13 =	vsub.f32 v61, v13;
	s3 =	smov.u32 s2;
	vm3 =	vmneg @p1 vm3  }
0x2f4: {  	s0 =	smov.u32 @p0 s1;
	v11 =	vsub.f32 v62, v11;
	s3 =	simm.s32 @!p1 $0x40;
	vm2 =	vmand vm3, vm2  }
0x2f5: {  	v12 =	vsub.f32 v63, v12;
	p0 =	slt.s32 s0, $0x40;
	vm3 =	vmmov vm0;
	[tilespmem:s3+$0xE390] =	vst.msk vm2, v13  }
0x2f6: {  	s1 =	smov.u32 s0;
	vm3 =	vmneg @p0 vm3;
	[tilespmem:s3+$0xE890] =	vst.msk vm2, v11;
	s4 =	spop (v2sf)  }
0x2f7: {  	s1 =	simm.s32 @!p0 $0x40;
	vm1 =	vmand vm3, vm1;
	[tilespmem:s3+$0xED90] =	vst.msk vm2, v12;
	s3 =	spop (v2sf)  }
0x2f8: {  	[tilespmem:s1+$0xF290] =	vst.msk vm1, v13;
	s4 =	simm.s32 @!p1 $0x0;
	s3 =	simm.s32 @!p0 $0x0  }
0x2f9: {  	[tilespmem:s1+$0xF790] =	vst.msk vm1, v11;
	s2 =	sadd.s32 s2, s4;
	s0 =	sadd.s32 s0, s3  }
0x2fa: {  	v11 =	vadd.s32 s8, v1;
	[tilespmem:s1+$0xFC90] =	vst.msk vm1, v12;
	p0 =	slt.s32 s2, $0x40;
	p1 =	slt.s32 s0, $0x40  }
0x2fb: {  	[tilespmem:s1+$0x10190] =	vst.msk vm1, v11;
	s2 =	simm.s32 @!p0 $0x40;
	s0 =	simm.s32 @!p1 $0x40  }
.LBB2_52:
0x2fc: {  	(v2sf) =	vpush v9, $0x6  }
0x2fd: {  	(v2sf) =	vpush v10, $0x6;
	_ =	sdelay $0xd  }
0x2fe: {  	s8 =	spop (v2sf)  }
0x2ff: {  	s5 =	spop (v2sf)  }
0x300: {  	p0 =	sle.s32 s5, s8  }
.Ltmp29:
0x301: {  	[tilespmem:$0x101E0] =	vst v0;
	(pc) =	sbr.rel @p0 .LBB2_60-.Ltmp29, $4  }
0x302: {  	[tilespmem:$0x101F0] =	vst v0  }
0x303: {  	[tilespmem:$0x10200] =	vst v0  }
0x304: {  	[smem:$0x7FD] =	sst s0;
	[tilespmem:$0x10210] =	vst v0  }
0x305: {  	[dreg:$0x1f] =	wrdreg s2;
	[tilespmem:$0x10220] =	vst v0;
	s0 =	simm.s32 $0x0  }
0x306: {  	s0 =	sshll.u32 s8, $0x2  }
0x307: {  	s1 =	sshra.s32 s0, $0x2  }
0x308: {  	s7 =	sadd.s32 $0x10, s8;
	s10 =	sadd.s32 $0x8000, s1  }
0x309: {  	p1 =	slt.s32 s7, s5;
	v21 =	vld [tilespmem:s10+$0x0]  }
.Ltmp30:
0x30a: {  	_ = 	snop;
	(pc) =	sbr.rel @!p1 .LBB2_54-.Ltmp30, $4  }
0x30b: {  	v14 =	vbroadcast v7, $0x6;
	v17 =	vbroadcast v8, $0x6;
	s9 =	sadd.s32 $0x6000, s1  }
0x30c: {  	v16 =	vbroadcast v5, $0x6;
	v15 =	vbroadcast v6, $0x6;
	s4 =	sadd.s32 $0xC000, s1;
	v19 =	vld [tilespmem:s9+$0x0]  }
0x30d: {  	v13 =	vbroadcast v3, $0x6;
	v11 =	vbroadcast v4, $0x6;
	s6 =	ssub.s32 s5, s8;
	p0 =	por $0x0, $0x0;
	s11 =	sadd.s32 $0xA000, s1;
	v18 =	vld [tilespmem:s4+$0x0]  }
0x30e: {  	v12 =	vbroadcast v2, $0x6;
	s0 =	simm.s32 $0x0;
	s2 =	sadd.s32 $0x4000, s1;
	s3 =	sadd.s32 $0x2000, s1;
	v20 =	vld [tilespmem:s11+$0x0];
	v21 =	vmul.f32 v21, v17  }
0x30f: {  	_ =	sdelay $0x1  }
0x310: {  	v19 =	vmul.f32 v19, v14;
	_ =	sdelay $0x1  }
0x311: {  	v19 =	vadd.f32 v21, v19;
	v20 =	vmul.f32 v20, v16;
	_ =	sdelay $0x1  }
0x312: {  	v19 =	vadd.f32 v20, v19;
	_ =	sdelay $0x1  }
0x313: {  	v18 =	vadd.f32 v18, v15;
	v20 =	vld [tilespmem:s1+$0x0];
	v19 =	vadd.f32 v19, v19  }
0x314: {  	v21 =	vld [tilespmem:s3+$0x0]  }
0x315: {  	v22 =	vld [tilespmem:s2+$0x0];
	v18 =	vsub.f32 v18, v19  }
0x316: {  	v19 =	vmov s6  }
0x317: {  	p1 =	por $0x1, $0x1;
	vm3 =	vmmov vm0;
	vm1 =	vgt.s32 v19, v1;
	vm2 =	vle.f32 v18, $3.999999910e-02  }
0x318: {  	s12 =	simm.s32 $0x0;
	vm3 =	vmneg @p1 vm3;
	v19 =	vsub.f32 v20, v13;
	vm2 =	vmand vm1, vm2  }
0x319: {  	s12 =	simm.s32 @!p1 $0x40;
	v20 =	vsub.f32 v21, v11;
	vm4 =	vmand vm3, vm2  }
0x31a: {  	vm5 =	vle.f32 v18, $1.599999960e-01;
	v18 =	vsub.f32 v22, v12;
	[tilespmem:s12+$0xE3E0] =	vst.msk vm4, v19  }
0x31b: {  	vm1 =	vmand vm1, vm5;
	[tilespmem:s12+$0xE8E0] =	vst.msk vm4, v20  }
0x31c: {  	vm3 =	vmand vm3, vm1;
	[tilespmem:s12+$0xEDE0] =	vst.msk vm4, v18  }
0x31d: {  	[tilespmem:s12+$0xF2E0] =	vst.msk vm3, v19  }
0x31e: {  	[tilespmem:s12+$0xF7E0] =	vst.msk vm3, v20  }
0x31f: {  	[tilespmem:s12+$0xFCE0] =	vst.msk vm3, v18;
	v18 =	vmpcnt.ones.xlane vm2  }
0x320: {  	v20 =	vmpcnt.ones.xlane vm1  }
0x321: {  	(v2sf) =	vpush v18, $0x0  }
0x322: {  	(v2sf) =	vpush v20, $0x0;
	_ =	sdelay $0x1  }
0x323: {  	v19 =	vadd.s32 s8, v1  }
0x324: {  	s8 =	sadd.s32 $0x10, s10;
	[tilespmem:s12+$0x101E0] =	vst.msk vm3, v19;
	s12 =	sadd.s32 $0x10, s7  }
0x325: {  	v21 =	vld [tilespmem:s8+$0x0];
	p3 =	slt.s32 s12, s5  }
.Ltmp31:
0x326: {  	s13 =	sadd.s32 $0x10, s9;
	(pc) =	sbr.rel @!p3 .LBB2_56-.Ltmp31, $4  }
0x327: {  	s14 =	sadd.s32 $0x10, s11;
	v19 =	vld [tilespmem:s13+$0x0]  }
0x328: {  	s15 =	sadd.s32 $0x10, s4;
	p0 =	por $0x1, $0x1;
	s4 =	smov.u32 s2  }
0x329: {  	s11 =	smov.u32 s3;
	p2 =	por $0x1, $0x1;
	s9 =	simm.s32 $0x0;
	v20 =	vld [tilespmem:s14+$0x0]  }
0x32a: {  	s1 =	sadd.s32 $0x10, s1;
	s6 =	sadd.s32 $0xFFFFFFF0, s6;
	s10 =	simm.s32 $0x0;
	v18 =	vld [tilespmem:s15+$0x0];
	v21 =	vmul.f32 v21, v17  }
.LBB2_57:
0x32b: {  	s4 =	sadd.s32 $0x10, s4  }
0x32c: {  	v19 =	vmul.f32 v19, v14;
	s11 =	sadd.s32 $0x10, s11;
	s16 =	smov.u32 s12;
	s12 =	sadd.s32 $0x10, s12  }
0x32d: {  	p3 =	slt.s32 s12, s5;
	v22 =	vld [tilespmem:s1+$0x0]  }
0x32e: {  	v19 =	vadd.f32 v21, v19;
	v20 =	vmul.f32 v20, v16;
	v21 =	vld [tilespmem:s11+$0x0]  }
0x32f: {  	s17 =	spop (v2sf)  }
0x330: {  	v19 =	vadd.f32 v20, v19;
	s17 =	simm.s32 @!p1 $0x0;
	s18 =	spop (v2sf)  }
0x331: {  	s10 =	sadd.s32 s10, s17;
	s18 =	simm.s32 @!p2 $0x0  }
0x332: {  	v18 =	vadd.f32 v18, v15;
	v19 =	vadd.f32 v19, v19;
	s9 =	sadd.s32 s9, s18  }
0x333: {  	v20 =	vld [tilespmem:s4+$0x0]  }
0x334: {  	v18 =	vsub.f32 v18, v19  }
0x335: {  	v22 =	vsub.f32 v22, v13;
	v21 =	vsub.f32 v21, v11;
	v19 =	vmov s6  }
0x336: {  	vm1 =	vgt.s32 v19, v1;
	vm2 =	vle.f32 v18, $3.999999910e-02;
	vm3 =	vle.f32 v18, $1.599999960e-01  }
0x337: {  	p1 =	slt.s32 s10, $0x40;
	vm2 =	vmand vm1, vm2;
	vm1 =	vmand vm1, vm3;
	vm3 =	vmmov vm0  }
0x338: {  	s17 =	smov.u32 s10;
	vm3 =	vmneg @p1 vm3;
	v18 =	vsub.f32 v20, v12  }
0x339: {  	p2 =	slt.s32 s9, $0x40;
	s17 =	simm.s32 @!p1 $0x40;
	v19 =	vmpcnt.ones.xlane vm2;
	vm3 =	vmand vm3, vm2;
	vm2 =	vmmov vm0  }
0x33a: {  	s18 =	smov.u32 s9;
	v20 =	vmpcnt.ones.xlane vm1;
	vm2 =	vmneg @p2 vm2;
	[tilespmem:s17+$0xE3E0] =	vst.msk vm3, v22  }
0x33b: {  	s13 =	sadd.s32 $0x10, s13;
	s18 =	simm.s32 @!p2 $0x40;
	vm1 =	vmand vm2, vm1;
	[tilespmem:s17+$0xE8E0] =	vst.msk vm3, v21;
	(v2sf) =	vpush v19, $0x0  }
0x33c: {  	s8 =	sadd.s32 $0x10, s8;
	[tilespmem:s17+$0xEDE0] =	vst.msk vm3, v18;
	(v2sf) =	vpush v20, $0x0  }
0x33d: {  	[tilespmem:s18+$0xF2E0] =	vst.msk vm1, v22  }
0x33e: {  	s14 =	sadd.s32 $0x10, s14;
	v19 =	vadd.s32 s7, v1;
	s7 =	smov.u32 s16;
	[tilespmem:s18+$0xF7E0] =	vst.msk vm1, v21  }
0x33f: {  	[tilespmem:s18+$0xFCE0] =	vst.msk vm1, v18  }
0x340: {  	[tilespmem:s18+$0x101E0] =	vst.msk vm1, v19  }
0x341: {  	v21 =	vld [tilespmem:s8+$0x0]  }
.Ltmp32:
0x342: {  	s15 =	sadd.s32 $0x10, s15;
	v19 =	vld [tilespmem:s13+$0x0];
	(pc) =	sbr.rel @p3 .LBB2_57-.Ltmp32, $3  }
0x343: {  	v18 =	vld [tilespmem:s15+$0x0]  }
0x344: {  	v20 =	vld [tilespmem:s14+$0x0];
	_ =	sdelay $0x1  }
0x345: {  	s1 =	sadd.s32 $0x10, s1;
	s6 =	sadd.s32 $0xFFFFFFF0, s6;
	v21 =	vmul.f32 v21, v17  }
0x346: {  	s8 =	smov.u32 s7  }
.LBB2_59:
0x347: {  	v14 =	vmul.f32 v19, v14;
	_ =	sdelay $0x1  }
0x348: {  	v16 =	vmul.f32 v20, v16;
	v14 =	vadd.f32 v21, v14;
	_ =	sdelay $0x1  }
0x349: {  	v14 =	vadd.f32 v16, v14;
	_ =	sdelay $0x1  }
0x34a: {  	v15 =	vadd.f32 v18, v15;
	v14 =	vadd.f32 v14, v14;
	_ =	sdelay $0x1  }
0x34b: {  	v14 =	vsub.f32 v15, v14  }
0x34c: {  	v58 =	vmov s6  }
0x34d: {  	vm1 =	vgt.s32 v58, v1;
	vm2 =	vle.f32 v14, $3.999999910e-02  }
0x34e: {  	vm3 =	vle.f32 v14, $1.599999960e-01;
	vm2 =	vmand vm1, vm2  }
0x34f: {  	vm1 =	vmand vm1, vm3;
	v59 =	vmpcnt.ones.xlane vm2  }
0x350: {  	v60 =	vmpcnt.ones.xlane vm1  }
0x351: {  	(v2sf) =	vpush v59, $0x0  }
0x352: {  	(v2sf) =	vpush v60, $0x0;
	_ =	sdelay $0x4  }
0x353: {  	s6 =	sadd.s32 @p0 $0x10, s11;
	s4 =	sadd.s32 @p0 $0x10, s4  }
0x354: {  	v61 =	vld [tilespmem:s1+$0x0];
	p1 =	por !p1, !p0;
	s3 =	smov.u32 @p0 s6;
	s5 =	spop @p0 (v2sf)  }
0x355: {  	s2 =	smov.u32 @p0 s4;
	v62 =	vld [tilespmem:s3+$0x0];
	s5 =	simm.s32 @p1 $0x0  }
0x356: {  	v63 =	vld [tilespmem:s2+$0x0];
	s2 =	simm.s32 $0x0;
	s1 =	sadd.s32 @p0 s10, s5  }
0x357: {  	s3 =	spop @p0 (v2sf);
	p1 =	por !p2, !p0;
	s2 =	smov.u32 @p0 s1  }
0x358: {  	s3 =	simm.s32 @p1 $0x0;
	p1 =	slt.s32 s2, $0x40;
	vm3 =	vmmov vm0  }
0x359: {  	s1 =	sadd.s32 @p0 s9, s3;
	v13 =	vsub.f32 v61, v13;
	s3 =	smov.u32 s2;
	vm3 =	vmneg @p1 vm3  }
0x35a: {  	s0 =	smov.u32 @p0 s1;
	v11 =	vsub.f32 v62, v11;
	s3 =	simm.s32 @!p1 $0x40;
	vm2 =	vmand vm3, vm2  }
0x35b: {  	v12 =	vsub.f32 v63, v12;
	p0 =	slt.s32 s0, $0x40;
	vm3 =	vmmov vm0;
	[tilespmem:s3+$0xE3E0] =	vst.msk vm2, v13  }
0x35c: {  	s1 =	smov.u32 s0;
	vm3 =	vmneg @p0 vm3;
	[tilespmem:s3+$0xE8E0] =	vst.msk vm2, v11;
	s4 =	spop (v2sf)  }
0x35d: {  	s1 =	simm.s32 @!p0 $0x40;
	vm1 =	vmand vm3, vm1;
	[tilespmem:s3+$0xEDE0] =	vst.msk vm2, v12;
	s3 =	spop (v2sf);
	s4 =	simm.s32 @!p1 $0x0  }
0x35e: {  	[tilespmem:s1+$0xF2E0] =	vst.msk vm1, v13;
	s3 =	simm.s32 @!p0 $0x0;
	s2 =	sadd.s32 s2, s4  }
0x35f: {  	[tilespmem:s1+$0xF7E0] =	vst.msk vm1, v11;
	s0 =	sadd.s32 s0, s3;
	p0 =	slt.s32 s2, $0x40  }
0x360: {  	v11 =	vadd.s32 s8, v1;
	[tilespmem:s1+$0xFCE0] =	vst.msk vm1, v12;
	p1 =	slt.s32 s0, $0x40;
	s2 =	simm.s32 @!p0 $0x40  }
0x361: {  	[tilespmem:s1+$0x101E0] =	vst.msk vm1, v11;
	[dreg:$0x1e] =	wrdreg s2;
	s0 =	simm.s32 @!p1 $0x40  }
.LBB2_60:
0x362: {  	(v2sf) =	vpush v9, $0x7  }
0x363: {  	(v2sf) =	vpush v10, $0x7;
	_ =	sdelay $0xd  }
0x364: {  	s9 =	spop (v2sf)  }
0x365: {  	s6 =	spop (v2sf)  }
0x366: {  	p0 =	sle.s32 s6, s9  }
.Ltmp33:
0x367: {  	[tilespmem:$0x10230] =	vst v0;
	(pc) =	sbr.rel @p0 .LBB2_68-.Ltmp33, $4  }
0x368: {  	[tilespmem:$0x10240] =	vst v0  }
0x369: {  	[tilespmem:$0x10250] =	vst v0  }
0x36a: {  	[smem:$0x7FB] =	sst s0;
	[tilespmem:$0x10260] =	vst v0;
	s29 =	simm.s32 $0x0  }
0x36b: {  	[tilespmem:$0x10270] =	vst v0;
	s2 =	simm.s32 $0x0;
	s1 =	simm.s32 $0x0;
	[smem:$0x7FC] =	sst s29  }
0x36c: {  	s0 =	sshll.u32 s9, $0x2  }
0x36d: {  	s2 =	sshra.s32 s0, $0x2  }
0x36e: {  	s8 =	sadd.s32 $0x10, s9;
	s10 =	sadd.s32 $0x8000, s2  }
0x36f: {  	p1 =	slt.s32 s8, s6;
	v21 =	vld [tilespmem:s10+$0x0]  }
.Ltmp34:
0x370: {  	_ = 	snop;
	(pc) =	sbr.rel @!p1 .LBB2_62-.Ltmp34, $4  }
0x371: {  	v14 =	vbroadcast v7, $0x7;
	v17 =	vbroadcast v8, $0x7;
	s4 =	sadd.s32 $0x6000, s2  }
0x372: {  	v16 =	vbroadcast v5, $0x7;
	v15 =	vbroadcast v6, $0x7;
	s0 =	sadd.s32 $0xC000, s2;
	v19 =	vld [tilespmem:s4+$0x0]  }
0x373: {  	v13 =	vbroadcast v3, $0x7;
	v11 =	vbroadcast v4, $0x7;
	s7 =	ssub.s32 s6, s9;
	s1 =	simm.s32 $0x0;
	s11 =	sadd.s32 $0xA000, s2;
	v18 =	vld [tilespmem:s0+$0x0]  }
0x374: {  	v12 =	vbroadcast v2, $0x7;
	p0 =	por $0x0, $0x0;
	s3 =	sadd.s32 $0x4000, s2;
	s5 =	sadd.s32 $0x2000, s2;
	v20 =	vld [tilespmem:s11+$0x0];
	v21 =	vmul.f32 v21, v17  }
0x375: {  	_ =	sdelay $0x1  }
0x376: {  	v19 =	vmul.f32 v19, v14;
	_ =	sdelay $0x1  }
0x377: {  	v19 =	vadd.f32 v21, v19;
	v20 =	vmul.f32 v20, v16;
	_ =	sdelay $0x1  }
0x378: {  	v19 =	vadd.f32 v20, v19;
	_ =	sdelay $0x1  }
0x379: {  	v18 =	vadd.f32 v18, v15;
	v20 =	vld [tilespmem:s2+$0x0];
	v19 =	vadd.f32 v19, v19  }
0x37a: {  	v21 =	vld [tilespmem:s5+$0x0]  }
0x37b: {  	v22 =	vld [tilespmem:s3+$0x0];
	v18 =	vsub.f32 v18, v19  }
0x37c: {  	v19 =	vmov s7  }
0x37d: {  	p1 =	por $0x1, $0x1;
	vm3 =	vmmov vm0;
	vm1 =	vgt.s32 v19, v1;
	vm2 =	vle.f32 v18, $3.999999910e-02  }
0x37e: {  	s12 =	simm.s32 $0x0;
	vm3 =	vmneg @p1 vm3;
	v19 =	vsub.f32 v20, v13;
	vm2 =	vmand vm1, vm2  }
0x37f: {  	s12 =	simm.s32 @!p1 $0x40;
	v20 =	vsub.f32 v21, v11;
	vm4 =	vmand vm3, vm2  }
0x380: {  	vm5 =	vle.f32 v18, $1.599999960e-01;
	v18 =	vsub.f32 v22, v12;
	[tilespmem:s12+$0xE430] =	vst.msk vm4, v19  }
0x381: {  	vm1 =	vmand vm1, vm5;
	[tilespmem:s12+$0xE930] =	vst.msk vm4, v20  }
0x382: {  	vm3 =	vmand vm3, vm1;
	[tilespmem:s12+$0xEE30] =	vst.msk vm4, v18  }
0x383: {  	[tilespmem:s12+$0xF330] =	vst.msk vm3, v19  }
0x384: {  	[tilespmem:s12+$0xF830] =	vst.msk vm3, v20  }
0x385: {  	[tilespmem:s12+$0xFD30] =	vst.msk vm3, v18;
	v18 =	vmpcnt.ones.xlane vm2  }
0x386: {  	v20 =	vmpcnt.ones.xlane vm1  }
0x387: {  	(v2sf) =	vpush v18, $0x0  }
0x388: {  	(v2sf) =	vpush v20, $0x0;
	_ =	sdelay $0x1  }
0x389: {  	v19 =	vadd.s32 s9, v1  }
0x38a: {  	s13 =	sadd.s32 $0x10, s8;
	s9 =	sadd.s32 $0x10, s10;
	[tilespmem:s12+$0x10230] =	vst.msk vm3, v19  }
0x38b: {  	p3 =	slt.s32 s13, s6;
	v21 =	vld [tilespmem:s9+$0x0]  }
.Ltmp35:
0x38c: {  	s14 =	sadd.s32 $0x10, s4;
	(pc) =	sbr.rel @!p3 .LBB2_64-.Ltmp35, $4  }
0x38d: {  	s15 =	sadd.s32 $0x10, s11;
	v19 =	vld [tilespmem:s14+$0x0]  }
0x38e: {  	s16 =	sadd.s32 $0x10, s0;
	p0 =	por $0x1, $0x1;
	s4 =	smov.u32 s3  }
0x38f: {  	s11 =	simm.s32 $0x0;
	p2 =	por $0x1, $0x1;
	s2 =	sadd.s32 $0x10, s2;
	v20 =	vld [tilespmem:s15+$0x0]  }
0x390: {  	s7 =	sadd.s32 $0xFFFFFFF0, s7;
	s10 =	simm.s32 $0x0;
	s12 =	smov.u32 s5;
	v18 =	vld [tilespmem:s16+$0x0];
	v21 =	vmul.f32 v21, v17  }
.LBB2_65:
0x391: {  	s4 =	sadd.s32 $0x10, s4  }
0x392: {  	v19 =	vmul.f32 v19, v14;
	s12 =	sadd.s32 $0x10, s12;
	s0 =	smov.u32 s13;
	s13 =	sadd.s32 $0x10, s13  }
0x393: {  	p3 =	slt.s32 s13, s6;
	v22 =	vld [tilespmem:s2+$0x0]  }
0x394: {  	v19 =	vadd.f32 v21, v19;
	v20 =	vmul.f32 v20, v16;
	v21 =	vld [tilespmem:s12+$0x0]  }
0x395: {  	s17 =	spop (v2sf)  }
0x396: {  	v19 =	vadd.f32 v20, v19;
	s17 =	simm.s32 @!p1 $0x0;
	s18 =	spop (v2sf)  }
0x397: {  	s11 =	sadd.s32 s11, s17;
	s18 =	simm.s32 @!p2 $0x0  }
0x398: {  	v18 =	vadd.f32 v18, v15;
	v19 =	vadd.f32 v19, v19;
	s10 =	sadd.s32 s10, s18  }
0x399: {  	v20 =	vld [tilespmem:s4+$0x0]  }
0x39a: {  	v18 =	vsub.f32 v18, v19  }
0x39b: {  	v22 =	vsub.f32 v22, v13;
	v21 =	vsub.f32 v21, v11;
	v19 =	vmov s7  }
0x39c: {  	vm1 =	vgt.s32 v19, v1;
	vm2 =	vle.f32 v18, $3.999999910e-02;
	vm3 =	vle.f32 v18, $1.599999960e-01  }
0x39d: {  	p1 =	slt.s32 s11, $0x40;
	vm2 =	vmand vm1, vm2;
	vm1 =	vmand vm1, vm3;
	vm3 =	vmmov vm0  }
0x39e: {  	s17 =	smov.u32 s11;
	vm3 =	vmneg @p1 vm3;
	v18 =	vsub.f32 v20, v12  }
0x39f: {  	p2 =	slt.s32 s10, $0x40;
	s17 =	simm.s32 @!p1 $0x40;
	v19 =	vmpcnt.ones.xlane vm2;
	vm3 =	vmand vm3, vm2;
	vm2 =	vmmov vm0  }
0x3a0: {  	s18 =	smov.u32 s10;
	v20 =	vmpcnt.ones.xlane vm1;
	vm2 =	vmneg @p2 vm2;
	[tilespmem:s17+$0xE430] =	vst.msk vm3, v22  }
0x3a1: {  	s14 =	sadd.s32 $0x10, s14;
	s18 =	simm.s32 @!p2 $0x40;
	vm1 =	vmand vm2, vm1;
	[tilespmem:s17+$0xE930] =	vst.msk vm3, v21;
	(v2sf) =	vpush v19, $0x0  }
0x3a2: {  	s9 =	sadd.s32 $0x10, s9;
	[tilespmem:s17+$0xEE30] =	vst.msk vm3, v18;
	(v2sf) =	vpush v20, $0x0  }
0x3a3: {  	[tilespmem:s18+$0xF330] =	vst.msk vm1, v22  }
0x3a4: {  	s15 =	sadd.s32 $0x10, s15;
	v19 =	vadd.s32 s8, v1;
	s8 =	smov.u32 s0;
	[tilespmem:s18+$0xF830] =	vst.msk vm1, v21  }
0x3a5: {  	[tilespmem:s18+$0xFD30] =	vst.msk vm1, v18  }
0x3a6: {  	[tilespmem:s18+$0x10230] =	vst.msk vm1, v19  }
0x3a7: {  	v21 =	vld [tilespmem:s9+$0x0]  }
.Ltmp36:
0x3a8: {  	s16 =	sadd.s32 $0x10, s16;
	v19 =	vld [tilespmem:s14+$0x0];
	(pc) =	sbr.rel @p3 .LBB2_65-.Ltmp36, $3  }
0x3a9: {  	v18 =	vld [tilespmem:s16+$0x0]  }
0x3aa: {  	v20 =	vld [tilespmem:s15+$0x0];
	_ =	sdelay $0x1  }
0x3ab: {  	s2 =	sadd.s32 $0x10, s2;
	s7 =	sadd.s32 $0xFFFFFFF0, s7;
	v21 =	vmul.f32 v21, v17  }
0x3ac: {  	s9 =	smov.u32 s8  }
.LBB2_67:
0x3ad: {  	v14 =	vmul.f32 v19, v14;
	_ =	sdelay $0x1  }
0x3ae: {  	v16 =	vmul.f32 v20, v16;
	v14 =	vadd.f32 v21, v14;
	_ =	sdelay $0x1  }
0x3af: {  	v14 =	vadd.f32 v16, v14;
	_ =	sdelay $0x1  }
0x3b0: {  	v15 =	vadd.f32 v18, v15;
	v14 =	vadd.f32 v14, v14;
	_ =	sdelay $0x1  }
0x3b1: {  	v14 =	vsub.f32 v15, v14  }
0x3b2: {  	v58 =	vmov s7  }
0x3b3: {  	vm1 =	vgt.s32 v58, v1;
	vm2 =	vle.f32 v14, $3.999999910e-02  }
0x3b4: {  	vm3 =	vle.f32 v14, $1.599999960e-01;
	vm2 =	vmand vm1, vm2  }
0x3b5: {  	vm1 =	vmand vm1, vm3;
	v59 =	vmpcnt.ones.xlane vm2  }
0x3b6: {  	v60 =	vmpcnt.ones.xlane vm1  }
0x3b7: {  	(v2sf) =	vpush v59, $0x0  }
0x3b8: {  	(v2sf) =	vpush v60, $0x0;
	_ =	sdelay $0x4  }
0x3b9: {  	s6 =	sadd.s32 @p0 $0x10, s12;
	s4 =	sadd.s32 @p0 $0x10, s4  }
0x3ba: {  	v61 =	vld [tilespmem:s2+$0x0];
	p1 =	por !p1, !p0;
	s5 =	smov.u32 @p0 s6;
	s0 =	spop @p0 (v2sf)  }
0x3bb: {  	s3 =	smov.u32 @p0 s4;
	v62 =	vld [tilespmem:s5+$0x0];
	s0 =	simm.s32 @p1 $0x0  }
0x3bc: {  	s2 =	simm.s32 $0x0;
	v63 =	vld [tilespmem:s3+$0x0];
	s0 =	sadd.s32 @p0 s11, s0  }
0x3bd: {  	s3 =	spop @p0 (v2sf);
	p1 =	por !p2, !p0;
	s2 =	smov.u32 @p0 s0  }
0x3be: {  	s3 =	simm.s32 @p1 $0x0;
	p1 =	slt.s32 s2, $0x40;
	vm3 =	vmmov vm0  }
0x3bf: {  	s0 =	sadd.s32 @p0 s10, s3;
	v13 =	vsub.f32 v61, v13;
	s3 =	smov.u32 s2;
	vm3 =	vmneg @p1 vm3  }
0x3c0: {  	s1 =	smov.u32 @p0 s0;
	v11 =	vsub.f32 v62, v11;
	s3 =	simm.s32 @!p1 $0x40;
	vm2 =	vmand vm3, vm2  }
0x3c1: {  	v12 =	vsub.f32 v63, v12;
	p0 =	slt.s32 s1, $0x40;
	vm3 =	vmmov vm0;
	[tilespmem:s3+$0xE430] =	vst.msk vm2, v13  }
0x3c2: {  	s0 =	smov.u32 s1;
	vm3 =	vmneg @p0 vm3;
	[tilespmem:s3+$0xE930] =	vst.msk vm2, v11;
	s4 =	spop (v2sf)  }
0x3c3: {  	s0 =	simm.s32 @!p0 $0x40;
	vm1 =	vmand vm3, vm1;
	[tilespmem:s3+$0xEE30] =	vst.msk vm2, v12;
	s3 =	spop (v2sf)  }
0x3c4: {  	[tilespmem:s0+$0xF330] =	vst.msk vm1, v13;
	s4 =	simm.s32 @!p1 $0x0;
	s3 =	simm.s32 @!p0 $0x0  }
0x3c5: {  	[tilespmem:s0+$0xF830] =	vst.msk vm1, v11;
	s2 =	sadd.s32 s2, s4;
	s1 =	sadd.s32 s1, s3  }
0x3c6: {  	v11 =	vadd.s32 s9, v1;
	[tilespmem:s0+$0xFD30] =	vst.msk vm1, v12;
	p0 =	slt.s32 s2, $0x40;
	p1 =	slt.s32 s1, $0x40  }
0x3c7: {  	[tilespmem:s0+$0x10230] =	vst.msk vm1, v11;
	s2 =	simm.s32 @!p0 $0x40;
	s1 =	simm.s32 @!p1 $0x40  }
.LBB2_68:
0x3c8: {  	(v2sf) =	vpush v9, $0x8  }
0x3c9: {  	(v2sf) =	vpush v10, $0x8;
	_ =	sdelay $0xd  }
0x3ca: {  	s10 =	spop (v2sf)  }
0x3cb: {  	s7 =	spop (v2sf)  }
0x3cc: {  	p0 =	sle.s32 s7, s10  }
.Ltmp37:
0x3cd: {  	[tilespmem:$0x10280] =	vst v0;
	(pc) =	sbr.rel @p0 .LBB2_76-.Ltmp37, $4  }
0x3ce: {  	[tilespmem:$0x10290] =	vst v0  }
0x3cf: {  	[tilespmem:$0x102A0] =	vst v0  }
0x3d0: {  	[smem:$0x7F9] =	sst s1;
	[tilespmem:$0x102B0] =	vst v0  }
0x3d1: {  	[smem:$0x7FA] =	sst s2;
	[tilespmem:$0x102C0] =	vst v0;
	s3 =	simm.s32 $0x0  }
0x3d2: {  	s0 =	sshll.u32 s10, $0x2  }
0x3d3: {  	s0 =	sshra.s32 s0, $0x2  }
0x3d4: {  	s9 =	sadd.s32 $0x10, s10;
	s11 =	sadd.s32 $0x8000, s0  }
0x3d5: {  	p1 =	slt.s32 s9, s7;
	v21 =	vld [tilespmem:s11+$0x0]  }
.Ltmp38:
0x3d6: {  	_ = 	snop;
	(pc) =	sbr.rel @!p1 .LBB2_70-.Ltmp38, $4  }
0x3d7: {  	v14 =	vbroadcast v7, $0x8;
	v17 =	vbroadcast v8, $0x8;
	s4 =	sadd.s32 $0x6000, s0  }
0x3d8: {  	v16 =	vbroadcast v5, $0x8;
	v15 =	vbroadcast v6, $0x8;
	s2 =	sadd.s32 $0xC000, s0;
	v19 =	vld [tilespmem:s4+$0x0]  }
0x3d9: {  	v13 =	vbroadcast v3, $0x8;
	v11 =	vbroadcast v4, $0x8;
	s8 =	ssub.s32 s7, s10;
	s3 =	simm.s32 $0x0;
	s12 =	sadd.s32 $0xA000, s0;
	v18 =	vld [tilespmem:s2+$0x0]  }
0x3da: {  	v12 =	vbroadcast v2, $0x8;
	p0 =	por $0x0, $0x0;
	s5 =	sadd.s32 $0x4000, s0;
	s6 =	sadd.s32 $0x2000, s0;
	v20 =	vld [tilespmem:s12+$0x0];
	v21 =	vmul.f32 v21, v17  }
0x3db: {  	_ =	sdelay $0x1  }
0x3dc: {  	v19 =	vmul.f32 v19, v14;
	_ =	sdelay $0x1  }
0x3dd: {  	v19 =	vadd.f32 v21, v19;
	v20 =	vmul.f32 v20, v16;
	_ =	sdelay $0x1  }
0x3de: {  	v19 =	vadd.f32 v20, v19;
	_ =	sdelay $0x1  }
0x3df: {  	v18 =	vadd.f32 v18, v15;
	v20 =	vld [tilespmem:s0+$0x0];
	v19 =	vadd.f32 v19, v19  }
0x3e0: {  	v21 =	vld [tilespmem:s6+$0x0]  }
0x3e1: {  	v22 =	vld [tilespmem:s5+$0x0];
	v18 =	vsub.f32 v18, v19  }
0x3e2: {  	v19 =	vmov s8  }
0x3e3: {  	p1 =	por $0x1, $0x1;
	vm3 =	vmmov vm0;
	vm1 =	vgt.s32 v19, v1;
	vm2 =	vle.f32 v18, $3.999999910e-02  }
0x3e4: {  	s13 =	simm.s32 $0x0;
	vm3 =	vmneg @p1 vm3;
	v19 =	vsub.f32 v20, v13;
	vm2 =	vmand vm1, vm2  }
0x3e5: {  	s13 =	simm.s32 @!p1 $0x40;
	v20 =	vsub.f32 v21, v11;
	vm4 =	vmand vm3, vm2  }
0x3e6: {  	vm5 =	vle.f32 v18, $1.599999960e-01;
	v18 =	vsub.f32 v22, v12;
	[tilespmem:s13+$0xE480] =	vst.msk vm4, v19  }
0x3e7: {  	vm1 =	vmand vm1, vm5;
	[tilespmem:s13+$0xE980] =	vst.msk vm4, v20  }
0x3e8: {  	vm3 =	vmand vm3, vm1;
	[tilespmem:s13+$0xEE80] =	vst.msk vm4, v18  }
0x3e9: {  	[tilespmem:s13+$0xF380] =	vst.msk vm3, v19  }
0x3ea: {  	[tilespmem:s13+$0xF880] =	vst.msk vm3, v20  }
0x3eb: {  	[tilespmem:s13+$0xFD80] =	vst.msk vm3, v18;
	v18 =	vmpcnt.ones.xlane vm2  }
0x3ec: {  	v20 =	vmpcnt.ones.xlane vm1  }
0x3ed: {  	(v2sf) =	vpush v18, $0x0  }
0x3ee: {  	(v2sf) =	vpush v20, $0x0;
	_ =	sdelay $0x1  }
0x3ef: {  	v19 =	vadd.s32 s10, v1  }
0x3f0: {  	s14 =	sadd.s32 $0x10, s9;
	s10 =	sadd.s32 $0x10, s11;
	[tilespmem:s13+$0x10280] =	vst.msk vm3, v19  }
0x3f1: {  	p3 =	slt.s32 s14, s7;
	v21 =	vld [tilespmem:s10+$0x0]  }
.Ltmp39:
0x3f2: {  	s15 =	sadd.s32 $0x10, s4;
	(pc) =	sbr.rel @!p3 .LBB2_72-.Ltmp39, $4  }
0x3f3: {  	s16 =	sadd.s32 $0x10, s12;
	v19 =	vld [tilespmem:s15+$0x0]  }
0x3f4: {  	s17 =	sadd.s32 $0x10, s2;
	p0 =	por $0x1, $0x1;
	s4 =	smov.u32 s5  }
0x3f5: {  	s12 =	simm.s32 $0x0;
	p2 =	por $0x1, $0x1;
	s0 =	sadd.s32 $0x10, s0;
	v20 =	vld [tilespmem:s16+$0x0]  }
0x3f6: {  	s8 =	sadd.s32 $0xFFFFFFF0, s8;
	s11 =	simm.s32 $0x0;
	s13 =	smov.u32 s6;
	v18 =	vld [tilespmem:s17+$0x0];
	v21 =	vmul.f32 v21, v17  }
.LBB2_73:
0x3f7: {  	s4 =	sadd.s32 $0x10, s4  }
0x3f8: {  	v19 =	vmul.f32 v19, v14;
	s13 =	sadd.s32 $0x10, s13;
	s18 =	smov.u32 s14;
	s14 =	sadd.s32 $0x10, s14  }
0x3f9: {  	p3 =	slt.s32 s14, s7;
	v22 =	vld [tilespmem:s0+$0x0]  }
0x3fa: {  	v19 =	vadd.f32 v21, v19;
	v20 =	vmul.f32 v20, v16;
	v21 =	vld [tilespmem:s13+$0x0]  }
0x3fb: {  	s2 =	spop (v2sf)  }
0x3fc: {  	v19 =	vadd.f32 v20, v19;
	s2 =	simm.s32 @!p1 $0x0;
	s19 =	spop (v2sf)  }
0x3fd: {  	s12 =	sadd.s32 s12, s2;
	s19 =	simm.s32 @!p2 $0x0  }
0x3fe: {  	v18 =	vadd.f32 v18, v15;
	v19 =	vadd.f32 v19, v19;
	s11 =	sadd.s32 s11, s19  }
0x3ff: {  	v20 =	vld [tilespmem:s4+$0x0]  }
0x400: {  	v18 =	vsub.f32 v18, v19  }
0x401: {  	v22 =	vsub.f32 v22, v13;
	v21 =	vsub.f32 v21, v11;
	v19 =	vmov s8  }
0x402: {  	vm1 =	vgt.s32 v19, v1;
	vm2 =	vle.f32 v18, $3.999999910e-02;
	vm3 =	vle.f32 v18, $1.599999960e-01  }
0x403: {  	p1 =	slt.s32 s12, $0x40;
	vm2 =	vmand vm1, vm2;
	vm1 =	vmand vm1, vm3;
	vm3 =	vmmov vm0  }
0x404: {  	s2 =	smov.u32 s12;
	vm3 =	vmneg @p1 vm3;
	v18 =	vsub.f32 v20, v12  }
0x405: {  	p2 =	slt.s32 s11, $0x40;
	s2 =	simm.s32 @!p1 $0x40;
	v19 =	vmpcnt.ones.xlane vm2;
	vm3 =	vmand vm3, vm2;
	vm2 =	vmmov vm0  }
0x406: {  	s19 =	smov.u32 s11;
	v20 =	vmpcnt.ones.xlane vm1;
	vm2 =	vmneg @p2 vm2;
	[tilespmem:s2+$0xE480] =	vst.msk vm3, v22  }
0x407: {  	s15 =	sadd.s32 $0x10, s15;
	s19 =	simm.s32 @!p2 $0x40;
	vm1 =	vmand vm2, vm1;
	[tilespmem:s2+$0xE980] =	vst.msk vm3, v21;
	(v2sf) =	vpush v19, $0x0  }
0x408: {  	s10 =	sadd.s32 $0x10, s10;
	[tilespmem:s2+$0xEE80] =	vst.msk vm3, v18;
	(v2sf) =	vpush v20, $0x0  }
0x409: {  	[tilespmem:s19+$0xF380] =	vst.msk vm1, v22  }
0x40a: {  	s16 =	sadd.s32 $0x10, s16;
	v19 =	vadd.s32 s9, v1;
	s9 =	smov.u32 s18;
	[tilespmem:s19+$0xF880] =	vst.msk vm1, v21  }
0x40b: {  	[tilespmem:s19+$0xFD80] =	vst.msk vm1, v18  }
0x40c: {  	[tilespmem:s19+$0x10280] =	vst.msk vm1, v19  }
0x40d: {  	v21 =	vld [tilespmem:s10+$0x0]  }
.Ltmp40:
0x40e: {  	s17 =	sadd.s32 $0x10, s17;
	v19 =	vld [tilespmem:s15+$0x0];
	(pc) =	sbr.rel @p3 .LBB2_73-.Ltmp40, $3  }
0x40f: {  	v18 =	vld [tilespmem:s17+$0x0]  }
0x410: {  	v20 =	vld [tilespmem:s16+$0x0];
	_ =	sdelay $0x1  }
0x411: {  	s0 =	sadd.s32 $0x10, s0;
	s8 =	sadd.s32 $0xFFFFFFF0, s8;
	v21 =	vmul.f32 v21, v17  }
0x412: {  	s10 =	smov.u32 s9  }
.LBB2_75:
0x413: {  	v14 =	vmul.f32 v19, v14;
	_ =	sdelay $0x1  }
0x414: {  	v16 =	vmul.f32 v20, v16;
	v14 =	vadd.f32 v21, v14;
	_ =	sdelay $0x1  }
0x415: {  	v14 =	vadd.f32 v16, v14;
	_ =	sdelay $0x1  }
0x416: {  	v15 =	vadd.f32 v18, v15;
	v14 =	vadd.f32 v14, v14;
	_ =	sdelay $0x1  }
0x417: {  	v14 =	vsub.f32 v15, v14  }
0x418: {  	v58 =	vmov s8  }
0x419: {  	vm1 =	vgt.s32 v58, v1;
	vm2 =	vle.f32 v14, $3.999999910e-02  }
0x41a: {  	vm3 =	vle.f32 v14, $1.599999960e-01;
	vm2 =	vmand vm1, vm2  }
0x41b: {  	vm1 =	vmand vm1, vm3;
	v59 =	vmpcnt.ones.xlane vm2  }
0x41c: {  	v60 =	vmpcnt.ones.xlane vm1  }
0x41d: {  	(v2sf) =	vpush v59, $0x0  }
0x41e: {  	(v2sf) =	vpush v60, $0x0;
	_ =	sdelay $0x4  }
0x41f: {  	s7 =	sadd.s32 @p0 $0x10, s13;
	s4 =	sadd.s32 @p0 $0x10, s4  }
0x420: {  	v61 =	vld [tilespmem:s0+$0x0];
	p1 =	por !p1, !p0;
	s6 =	smov.u32 @p0 s7;
	s2 =	spop @p0 (v2sf)  }
0x421: {  	s5 =	smov.u32 @p0 s4;
	v62 =	vld [tilespmem:s6+$0x0];
	s2 =	simm.s32 @p1 $0x0  }
0x422: {  	v63 =	vld [tilespmem:s5+$0x0];
	s0 =	sadd.s32 @p0 s12, s2;
	s2 =	simm.s32 $0x0  }
0x423: {  	s4 =	spop @p0 (v2sf);
	p1 =	por !p2, !p0;
	s2 =	smov.u32 @p0 s0  }
0x424: {  	s4 =	simm.s32 @p1 $0x0;
	p1 =	slt.s32 s2, $0x40;
	vm3 =	vmmov vm0  }
0x425: {  	s0 =	sadd.s32 @p0 s11, s4;
	v13 =	vsub.f32 v61, v13;
	s4 =	smov.u32 s2;
	vm3 =	vmneg @p1 vm3  }
0x426: {  	s3 =	smov.u32 @p0 s0;
	v11 =	vsub.f32 v62, v11;
	s4 =	simm.s32 @!p1 $0x40;
	vm2 =	vmand vm3, vm2  }
0x427: {  	v12 =	vsub.f32 v63, v12;
	p0 =	slt.s32 s3, $0x40;
	vm3 =	vmmov vm0;
	[tilespmem:s4+$0xE480] =	vst.msk vm2, v13  }
0x428: {  	s0 =	smov.u32 s3;
	vm3 =	vmneg @p0 vm3;
	[tilespmem:s4+$0xE980] =	vst.msk vm2, v11;
	s5 =	spop (v2sf)  }
0x429: {  	s0 =	simm.s32 @!p0 $0x40;
	vm1 =	vmand vm3, vm1;
	[tilespmem:s4+$0xEE80] =	vst.msk vm2, v12;
	s4 =	spop (v2sf);
	s5 =	simm.s32 @!p1 $0x0  }
0x42a: {  	[tilespmem:s0+$0xF380] =	vst.msk vm1, v13;
	s4 =	simm.s32 @!p0 $0x0;
	s1 =	sadd.s32 s2, s5  }
0x42b: {  	[tilespmem:s0+$0xF880] =	vst.msk vm1, v11;
	s3 =	sadd.s32 s3, s4;
	p0 =	slt.s32 s1, $0x40  }
0x42c: {  	v11 =	vadd.s32 s10, v1;
	[tilespmem:s0+$0xFD80] =	vst.msk vm1, v12;
	p1 =	slt.s32 s3, $0x40;
	s1 =	simm.s32 @!p0 $0x40  }
0x42d: {  	[tilespmem:s0+$0x10280] =	vst.msk vm1, v11;
	[smem:$0x7FC] =	sst s1;
	s3 =	simm.s32 @!p1 $0x40  }
.LBB2_76:
0x42e: {  	(v2sf) =	vpush v9, $0x9  }
0x42f: {  	(v2sf) =	vpush v10, $0x9;
	_ =	sdelay $0xd  }
0x430: {  	s13 =	spop (v2sf)  }
0x431: {  	s8 =	spop (v2sf)  }
0x432: {  	p0 =	sle.s32 s8, s13  }
.Ltmp41:
0x433: {  	[tilespmem:$0x102D0] =	vst v0;
	(pc) =	sbr.rel @p0 .LBB2_84-.Ltmp41, $4  }
0x434: {  	[tilespmem:$0x102E0] =	vst v0  }
0x435: {  	[tilespmem:$0x102F0] =	vst v0  }
0x436: {  	[tilespmem:$0x10300] =	vst v0  }
0x437: {  	[tilespmem:$0x10310] =	vst v0;
	s6 =	simm.s32 $0x0;
	s9 =	simm.s32 $0x0;
	s10 =	simm.s32 $0x0  }
0x438: {  	s0 =	sshll.u32 s13, $0x2  }
0x439: {  	s9 =	sshra.s32 s0, $0x2  }
0x43a: {  	s12 =	sadd.s32 $0x10, s13;
	s4 =	sadd.s32 $0x8000, s9  }
0x43b: {  	p1 =	slt.s32 s12, s8;
	v21 =	vld [tilespmem:s4+$0x0]  }
.Ltmp42:
0x43c: {  	_ = 	snop;
	(pc) =	sbr.rel @!p1 .LBB2_78-.Ltmp42, $4  }
0x43d: {  	v14 =	vbroadcast v7, $0x9;
	v17 =	vbroadcast v8, $0x9;
	s2 =	sadd.s32 $0x6000, s9  }
0x43e: {  	v16 =	vbroadcast v5, $0x9;
	v15 =	vbroadcast v6, $0x9;
	s0 =	sadd.s32 $0xC000, s9;
	v19 =	vld [tilespmem:s2+$0x0]  }
0x43f: {  	v13 =	vbroadcast v3, $0x9;
	v11 =	vbroadcast v4, $0x9;
	s11 =	ssub.s32 s8, s13;
	s5 =	simm.s32 $0x0;
	s14 =	sadd.s32 $0xA000, s9;
	v18 =	vld [tilespmem:s0+$0x0]  }
0x440: {  	v12 =	vbroadcast v2, $0x9;
	p0 =	por $0x0, $0x0;
	s10 =	sadd.s32 $0x4000, s9;
	s7 =	sadd.s32 $0x2000, s9;
	v20 =	vld [tilespmem:s14+$0x0];
	v21 =	vmul.f32 v21, v17  }
0x441: {  	_ =	sdelay $0x1  }
0x442: {  	v19 =	vmul.f32 v19, v14;
	_ =	sdelay $0x1  }
0x443: {  	v19 =	vadd.f32 v21, v19;
	v20 =	vmul.f32 v20, v16;
	_ =	sdelay $0x1  }
0x444: {  	v19 =	vadd.f32 v20, v19;
	_ =	sdelay $0x1  }
0x445: {  	v18 =	vadd.f32 v18, v15;
	v20 =	vld [tilespmem:s9+$0x0];
	v19 =	vadd.f32 v19, v19  }
0x446: {  	v21 =	vld [tilespmem:s7+$0x0]  }
0x447: {  	v22 =	vld [tilespmem:s10+$0x0];
	v18 =	vsub.f32 v18, v19  }
0x448: {  	v19 =	vmov s11  }
0x449: {  	p1 =	por $0x1, $0x1;
	vm3 =	vmmov vm0;
	vm1 =	vgt.s32 v19, v1;
	vm2 =	vle.f32 v18, $3.999999910e-02  }
0x44a: {  	s15 =	simm.s32 $0x0;
	vm3 =	vmneg @p1 vm3;
	v19 =	vsub.f32 v20, v13;
	vm2 =	vmand vm1, vm2  }
0x44b: {  	s15 =	simm.s32 @!p1 $0x40;
	v20 =	vsub.f32 v21, v11;
	vm4 =	vmand vm3, vm2  }
0x44c: {  	vm5 =	vle.f32 v18, $1.599999960e-01;
	v18 =	vsub.f32 v22, v12;
	[tilespmem:s15+$0xE4D0] =	vst.msk vm4, v19  }
0x44d: {  	vm1 =	vmand vm1, vm5;
	[tilespmem:s15+$0xE9D0] =	vst.msk vm4, v20  }
0x44e: {  	vm3 =	vmand vm3, vm1;
	[tilespmem:s15+$0xEED0] =	vst.msk vm4, v18  }
0x44f: {  	[tilespmem:s15+$0xF3D0] =	vst.msk vm3, v19  }
0x450: {  	[tilespmem:s15+$0xF8D0] =	vst.msk vm3, v20  }
0x451: {  	[tilespmem:s15+$0xFDD0] =	vst.msk vm3, v18;
	v18 =	vmpcnt.ones.xlane vm2  }
0x452: {  	v20 =	vmpcnt.ones.xlane vm1  }
0x453: {  	(v2sf) =	vpush v18, $0x0  }
0x454: {  	(v2sf) =	vpush v20, $0x0;
	_ =	sdelay $0x1  }
0x455: {  	v19 =	vadd.s32 s13, v1  }
0x456: {  	s17 =	sadd.s32 $0x10, s12;
	s13 =	sadd.s32 $0x10, s4;
	[tilespmem:s15+$0x102D0] =	vst.msk vm3, v19  }
0x457: {  	p3 =	slt.s32 s17, s8;
	v21 =	vld [tilespmem:s13+$0x0]  }
.Ltmp43:
0x458: {  	s18 =	sadd.s32 $0x10, s2;
	(pc) =	sbr.rel @!p3 .LBB2_80-.Ltmp43, $4  }
0x459: {  	s19 =	sadd.s32 $0x10, s14;
	v19 =	vld [tilespmem:s18+$0x0]  }
0x45a: {  	s21 =	sadd.s32 $0x10, s0;
	p0 =	por $0x1, $0x1;
	s16 =	smov.u32 s7  }
0x45b: {  	p2 =	por $0x1, $0x1;
	s14 =	simm.s32 $0x0;
	s9 =	sadd.s32 $0x10, s9;
	v20 =	vld [tilespmem:s19+$0x0]  }
0x45c: {  	s11 =	sadd.s32 $0xFFFFFFF0, s11;
	s4 =	smov.u32 s10;
	s15 =	simm.s32 $0x0;
	v18 =	vld [tilespmem:s21+$0x0];
	v21 =	vmul.f32 v21, v17  }
.LBB2_81:
0x45d: {  	s4 =	sadd.s32 $0x10, s4  }
0x45e: {  	v19 =	vmul.f32 v19, v14;
	s16 =	sadd.s32 $0x10, s16;
	s0 =	smov.u32 s17;
	s17 =	sadd.s32 $0x10, s17  }
0x45f: {  	p3 =	slt.s32 s17, s8;
	v22 =	vld [tilespmem:s9+$0x0]  }
0x460: {  	v19 =	vadd.f32 v21, v19;
	v20 =	vmul.f32 v20, v16;
	v21 =	vld [tilespmem:s16+$0x0]  }
0x461: {  	s2 =	spop (v2sf)  }
0x462: {  	v19 =	vadd.f32 v20, v19;
	s2 =	simm.s32 @!p1 $0x0;
	s22 =	spop (v2sf)  }
0x463: {  	s15 =	sadd.s32 s15, s2;
	s22 =	simm.s32 @!p2 $0x0  }
0x464: {  	v18 =	vadd.f32 v18, v15;
	v19 =	vadd.f32 v19, v19;
	s14 =	sadd.s32 s14, s22  }
0x465: {  	v20 =	vld [tilespmem:s4+$0x0]  }
0x466: {  	v18 =	vsub.f32 v18, v19  }
0x467: {  	v22 =	vsub.f32 v22, v13;
	v21 =	vsub.f32 v21, v11;
	v19 =	vmov s11  }
0x468: {  	vm1 =	vgt.s32 v19, v1;
	vm2 =	vle.f32 v18, $3.999999910e-02;
	vm3 =	vle.f32 v18, $1.599999960e-01  }
0x469: {  	p1 =	slt.s32 s15, $0x40;
	vm2 =	vmand vm1, vm2;
	vm1 =	vmand vm1, vm3;
	vm3 =	vmmov vm0  }
0x46a: {  	s2 =	smov.u32 s15;
	vm3 =	vmneg @p1 vm3;
	v18 =	vsub.f32 v20, v12  }
0x46b: {  	p2 =	slt.s32 s14, $0x40;
	s2 =	simm.s32 @!p1 $0x40;
	v19 =	vmpcnt.ones.xlane vm2;
	vm3 =	vmand vm3, vm2;
	vm2 =	vmmov vm0  }
0x46c: {  	s22 =	smov.u32 s14;
	v20 =	vmpcnt.ones.xlane vm1;
	vm2 =	vmneg @p2 vm2;
	[tilespmem:s2+$0xE4D0] =	vst.msk vm3, v22  }
0x46d: {  	s18 =	sadd.s32 $0x10, s18;
	s22 =	simm.s32 @!p2 $0x40;
	vm1 =	vmand vm2, vm1;
	[tilespmem:s2+$0xE9D0] =	vst.msk vm3, v21;
	(v2sf) =	vpush v19, $0x0  }
0x46e: {  	s13 =	sadd.s32 $0x10, s13;
	[tilespmem:s2+$0xEED0] =	vst.msk vm3, v18;
	(v2sf) =	vpush v20, $0x0  }
0x46f: {  	[tilespmem:s22+$0xF3D0] =	vst.msk vm1, v22  }
0x470: {  	s19 =	sadd.s32 $0x10, s19;
	v19 =	vadd.s32 s12, v1;
	s12 =	smov.u32 s0;
	[tilespmem:s22+$0xF8D0] =	vst.msk vm1, v21  }
0x471: {  	[tilespmem:s22+$0xFDD0] =	vst.msk vm1, v18  }
0x472: {  	[tilespmem:s22+$0x102D0] =	vst.msk vm1, v19  }
0x473: {  	v21 =	vld [tilespmem:s13+$0x0]  }
.Ltmp44:
0x474: {  	s21 =	sadd.s32 $0x10, s21;
	v19 =	vld [tilespmem:s18+$0x0];
	(pc) =	sbr.rel @p3 .LBB2_81-.Ltmp44, $3  }
0x475: {  	v18 =	vld [tilespmem:s21+$0x0]  }
0x476: {  	v20 =	vld [tilespmem:s19+$0x0];
	_ =	sdelay $0x1  }
0x477: {  	s9 =	sadd.s32 $0x10, s9;
	s11 =	sadd.s32 $0xFFFFFFF0, s11;
	v21 =	vmul.f32 v21, v17  }
0x478: {  	s13 =	smov.u32 s12  }
.LBB2_83:
0x479: {  	v14 =	vmul.f32 v19, v14;
	_ =	sdelay $0x1  }
0x47a: {  	v16 =	vmul.f32 v20, v16;
	v14 =	vadd.f32 v21, v14;
	_ =	sdelay $0x1  }
0x47b: {  	v14 =	vadd.f32 v16, v14;
	_ =	sdelay $0x1  }
0x47c: {  	v15 =	vadd.f32 v18, v15;
	v14 =	vadd.f32 v14, v14;
	_ =	sdelay $0x1  }
0x47d: {  	v14 =	vsub.f32 v15, v14  }
0x47e: {  	v58 =	vmov s11  }
0x47f: {  	vm1 =	vgt.s32 v58, v1;
	vm2 =	vle.f32 v14, $3.999999910e-02  }
0x480: {  	vm3 =	vle.f32 v14, $1.599999960e-01;
	vm2 =	vmand vm1, vm2  }
0x481: {  	vm1 =	vmand vm1, vm3;
	v59 =	vmpcnt.ones.xlane vm2  }
0x482: {  	v60 =	vmpcnt.ones.xlane vm1  }
0x483: {  	(v2sf) =	vpush v59, $0x0  }
0x484: {  	(v2sf) =	vpush v60, $0x0;
	_ =	sdelay $0x4  }
0x485: {  	s2 =	sadd.s32 @p0 $0x10, s16;
	s4 =	sadd.s32 @p0 $0x10, s4  }
0x486: {  	v61 =	vld [tilespmem:s9+$0x0];
	p1 =	por !p1, !p0;
	s7 =	smov.u32 @p0 s2;
	s0 =	spop @p0 (v2sf)  }
0x487: {  	s10 =	smov.u32 @p0 s4;
	v62 =	vld [tilespmem:s7+$0x0];
	s0 =	simm.s32 @p1 $0x0  }
0x488: {  	s2 =	simm.s32 $0x0;
	v63 =	vld [tilespmem:s10+$0x0];
	s0 =	sadd.s32 @p0 s15, s0  }
0x489: {  	s4 =	spop @p0 (v2sf);
	p1 =	por !p2, !p0;
	s2 =	smov.u32 @p0 s0  }
0x48a: {  	s4 =	simm.s32 @p1 $0x0;
	p1 =	slt.s32 s2, $0x40;
	vm3 =	vmmov vm0  }
0x48b: {  	s0 =	sadd.s32 @p0 s14, s4;
	v13 =	vsub.f32 v61, v13;
	s4 =	smov.u32 s2;
	vm3 =	vmneg @p1 vm3  }
0x48c: {  	s5 =	smov.u32 @p0 s0;
	v11 =	vsub.f32 v62, v11;
	s4 =	simm.s32 @!p1 $0x40;
	vm2 =	vmand vm3, vm2  }
0x48d: {  	v12 =	vsub.f32 v63, v12;
	p0 =	slt.s32 s5, $0x40;
	vm3 =	vmmov vm0;
	[tilespmem:s4+$0xE4D0] =	vst.msk vm2, v13  }
0x48e: {  	s0 =	smov.u32 s5;
	vm3 =	vmneg @p0 vm3;
	[tilespmem:s4+$0xE9D0] =	vst.msk vm2, v11;
	s7 =	spop (v2sf)  }
0x48f: {  	s0 =	simm.s32 @!p0 $0x40;
	vm1 =	vmand vm3, vm1;
	[tilespmem:s4+$0xEED0] =	vst.msk vm2, v12;
	s4 =	spop (v2sf)  }
0x490: {  	[tilespmem:s0+$0xF3D0] =	vst.msk vm1, v13;
	s7 =	simm.s32 @!p1 $0x0;
	s4 =	simm.s32 @!p0 $0x0  }
0x491: {  	[tilespmem:s0+$0xF8D0] =	vst.msk vm1, v11;
	s9 =	sadd.s32 s2, s7;
	s10 =	sadd.s32 s5, s4  }
0x492: {  	v11 =	vadd.s32 s13, v1;
	[tilespmem:s0+$0xFDD0] =	vst.msk vm1, v12;
	p0 =	slt.s32 s9, $0x40;
	p1 =	slt.s32 s10, $0x40  }
0x493: {  	[tilespmem:s0+$0x102D0] =	vst.msk vm1, v11;
	s9 =	simm.s32 @!p0 $0x40;
	s10 =	simm.s32 @!p1 $0x40  }
.LBB2_84:
0x494: {  	(v2sf) =	vpush v9, $0xA  }
0x495: {  	(v2sf) =	vpush v10, $0xA;
	_ =	sdelay $0xd  }
0x496: {  	s14 =	spop (v2sf)  }
0x497: {  	s8 =	spop (v2sf)  }
0x498: {  	p0 =	sle.s32 s8, s14  }
.Ltmp45:
0x499: {  	[tilespmem:$0x10320] =	vst v0;
	(pc) =	sbr.rel @p0 .LBB2_92-.Ltmp45, $4  }
0x49a: {  	[tilespmem:$0x10330] =	vst v0  }
0x49b: {  	[tilespmem:$0x10340] =	vst v0  }
0x49c: {  	[tilespmem:$0x10350] =	vst v0  }
0x49d: {  	[tilespmem:$0x10360] =	vst v0;
	s11 =	simm.s32 $0x0  }
0x49e: {  	s0 =	sshll.u32 s14, $0x2  }
0x49f: {  	s6 =	sshra.s32 s0, $0x2  }
0x4a0: {  	s13 =	sadd.s32 $0x10, s14;
	s4 =	sadd.s32 $0x8000, s6  }
0x4a1: {  	p1 =	slt.s32 s13, s8;
	v21 =	vld [tilespmem:s4+$0x0]  }
.Ltmp46:
0x4a2: {  	_ = 	snop;
	(pc) =	sbr.rel @!p1 .LBB2_86-.Ltmp46, $4  }
0x4a3: {  	v14 =	vbroadcast v7, $0xA;
	v17 =	vbroadcast v8, $0xA;
	s2 =	sadd.s32 $0x6000, s6  }
0x4a4: {  	v16 =	vbroadcast v5, $0xA;
	v15 =	vbroadcast v6, $0xA;
	s0 =	sadd.s32 $0xC000, s6;
	v19 =	vld [tilespmem:s2+$0x0]  }
0x4a5: {  	v13 =	vbroadcast v3, $0xA;
	v11 =	vbroadcast v4, $0xA;
	s12 =	ssub.s32 s8, s14;
	s5 =	simm.s32 $0x0;
	s15 =	sadd.s32 $0xA000, s6;
	v18 =	vld [tilespmem:s0+$0x0]  }
0x4a6: {  	v12 =	vbroadcast v2, $0xA;
	p0 =	por $0x0, $0x0;
	s11 =	sadd.s32 $0x4000, s6;
	s7 =	sadd.s32 $0x2000, s6;
	v20 =	vld [tilespmem:s15+$0x0];
	v21 =	vmul.f32 v21, v17  }
0x4a7: {  	_ =	sdelay $0x1  }
0x4a8: {  	v19 =	vmul.f32 v19, v14;
	_ =	sdelay $0x1  }
0x4a9: {  	v19 =	vadd.f32 v21, v19;
	v20 =	vmul.f32 v20, v16;
	_ =	sdelay $0x1  }
0x4aa: {  	v19 =	vadd.f32 v20, v19;
	_ =	sdelay $0x1  }
0x4ab: {  	v18 =	vadd.f32 v18, v15;
	v20 =	vld [tilespmem:s6+$0x0];
	v19 =	vadd.f32 v19, v19  }
0x4ac: {  	v21 =	vld [tilespmem:s7+$0x0]  }
0x4ad: {  	v22 =	vld [tilespmem:s11+$0x0];
	v18 =	vsub.f32 v18, v19  }
0x4ae: {  	v19 =	vmov s12  }
0x4af: {  	p1 =	por $0x1, $0x1;
	vm3 =	vmmov vm0;
	vm1 =	vgt.s32 v19, v1;
	vm2 =	vle.f32 v18, $3.999999910e-02  }
0x4b0: {  	s16 =	simm.s32 $0x0;
	vm3 =	vmneg @p1 vm3;
	v19 =	vsub.f32 v20, v13;
	vm2 =	vmand vm1, vm2  }
0x4b1: {  	s16 =	simm.s32 @!p1 $0x40;
	v20 =	vsub.f32 v21, v11;
	vm4 =	vmand vm3, vm2  }
0x4b2: {  	vm5 =	vle.f32 v18, $1.599999960e-01;
	v18 =	vsub.f32 v22, v12;
	[tilespmem:s16+$0xE520] =	vst.msk vm4, v19  }
0x4b3: {  	vm1 =	vmand vm1, vm5;
	[tilespmem:s16+$0xEA20] =	vst.msk vm4, v20  }
0x4b4: {  	vm3 =	vmand vm3, vm1;
	[tilespmem:s16+$0xEF20] =	vst.msk vm4, v18  }
0x4b5: {  	[tilespmem:s16+$0xF420] =	vst.msk vm3, v19  }
0x4b6: {  	[tilespmem:s16+$0xF920] =	vst.msk vm3, v20  }
0x4b7: {  	[tilespmem:s16+$0xFE20] =	vst.msk vm3, v18;
	v18 =	vmpcnt.ones.xlane vm2  }
0x4b8: {  	v20 =	vmpcnt.ones.xlane vm1  }
0x4b9: {  	(v2sf) =	vpush v18, $0x0  }
0x4ba: {  	(v2sf) =	vpush v20, $0x0;
	_ =	sdelay $0x1  }
0x4bb: {  	v19 =	vadd.s32 s14, v1  }
0x4bc: {  	s18 =	sadd.s32 $0x10, s13;
	s14 =	sadd.s32 $0x10, s4;
	[tilespmem:s16+$0x10320] =	vst.msk vm3, v19  }
0x4bd: {  	p3 =	slt.s32 s18, s8;
	v21 =	vld [tilespmem:s14+$0x0]  }
.Ltmp47:
0x4be: {  	s19 =	sadd.s32 $0x10, s2;
	(pc) =	sbr.rel @!p3 .LBB2_88-.Ltmp47, $4  }
0x4bf: {  	s21 =	sadd.s32 $0x10, s15;
	v19 =	vld [tilespmem:s19+$0x0]  }
0x4c0: {  	s22 =	sadd.s32 $0x10, s0;
	p0 =	por $0x1, $0x1;
	s17 =	smov.u32 s7  }
0x4c1: {  	p2 =	por $0x1, $0x1;
	s15 =	simm.s32 $0x0;
	s6 =	sadd.s32 $0x10, s6;
	v20 =	vld [tilespmem:s21+$0x0]  }
0x4c2: {  	s12 =	sadd.s32 $0xFFFFFFF0, s12;
	s4 =	smov.u32 s11;
	s16 =	simm.s32 $0x0;
	v18 =	vld [tilespmem:s22+$0x0];
	v21 =	vmul.f32 v21, v17  }
.LBB2_89:
0x4c3: {  	s4 =	sadd.s32 $0x10, s4  }
0x4c4: {  	v19 =	vmul.f32 v19, v14;
	s17 =	sadd.s32 $0x10, s17;
	s0 =	smov.u32 s18;
	s18 =	sadd.s32 $0x10, s18  }
0x4c5: {  	p3 =	slt.s32 s18, s8;
	v22 =	vld [tilespmem:s6+$0x0]  }
0x4c6: {  	v19 =	vadd.f32 v21, v19;
	v20 =	vmul.f32 v20, v16;
	v21 =	vld [tilespmem:s17+$0x0]  }
0x4c7: {  	s2 =	spop (v2sf)  }
0x4c8: {  	v19 =	vadd.f32 v20, v19;
	s2 =	simm.s32 @!p1 $0x0;
	s24 =	spop (v2sf)  }
0x4c9: {  	s16 =	sadd.s32 s16, s2;
	s24 =	simm.s32 @!p2 $0x0  }
0x4ca: {  	v18 =	vadd.f32 v18, v15;
	v19 =	vadd.f32 v19, v19;
	s15 =	sadd.s32 s15, s24  }
0x4cb: {  	v20 =	vld [tilespmem:s4+$0x0]  }
0x4cc: {  	v18 =	vsub.f32 v18, v19  }
0x4cd: {  	v22 =	vsub.f32 v22, v13;
	v21 =	vsub.f32 v21, v11;
	v19 =	vmov s12  }
0x4ce: {  	vm1 =	vgt.s32 v19, v1;
	vm2 =	vle.f32 v18, $3.999999910e-02;
	vm3 =	vle.f32 v18, $1.599999960e-01  }
0x4cf: {  	p1 =	slt.s32 s16, $0x40;
	vm2 =	vmand vm1, vm2;
	vm1 =	vmand vm1, vm3;
	vm3 =	vmmov vm0  }
0x4d0: {  	s2 =	smov.u32 s16;
	vm3 =	vmneg @p1 vm3;
	v18 =	vsub.f32 v20, v12  }
0x4d1: {  	p2 =	slt.s32 s15, $0x40;
	s2 =	simm.s32 @!p1 $0x40;
	v19 =	vmpcnt.ones.xlane vm2;
	vm3 =	vmand vm3, vm2;
	vm2 =	vmmov vm0  }
0x4d2: {  	s24 =	smov.u32 s15;
	v20 =	vmpcnt.ones.xlane vm1;
	vm2 =	vmneg @p2 vm2;
	[tilespmem:s2+$0xE520] =	vst.msk vm3, v22  }
0x4d3: {  	s19 =	sadd.s32 $0x10, s19;
	s24 =	simm.s32 @!p2 $0x40;
	vm1 =	vmand vm2, vm1;
	[tilespmem:s2+$0xEA20] =	vst.msk vm3, v21;
	(v2sf) =	vpush v19, $0x0  }
0x4d4: {  	s14 =	sadd.s32 $0x10, s14;
	[tilespmem:s2+$0xEF20] =	vst.msk vm3, v18;
	(v2sf) =	vpush v20, $0x0  }
0x4d5: {  	[tilespmem:s24+$0xF420] =	vst.msk vm1, v22  }
0x4d6: {  	s21 =	sadd.s32 $0x10, s21;
	v19 =	vadd.s32 s13, v1;
	s13 =	smov.u32 s0;
	[tilespmem:s24+$0xF920] =	vst.msk vm1, v21  }
0x4d7: {  	[tilespmem:s24+$0xFE20] =	vst.msk vm1, v18  }
0x4d8: {  	[tilespmem:s24+$0x10320] =	vst.msk vm1, v19  }
0x4d9: {  	v21 =	vld [tilespmem:s14+$0x0]  }
.Ltmp48:
0x4da: {  	s22 =	sadd.s32 $0x10, s22;
	v19 =	vld [tilespmem:s19+$0x0];
	(pc) =	sbr.rel @p3 .LBB2_89-.Ltmp48, $3  }
0x4db: {  	v18 =	vld [tilespmem:s22+$0x0]  }
0x4dc: {  	v20 =	vld [tilespmem:s21+$0x0];
	_ =	sdelay $0x1  }
0x4dd: {  	s6 =	sadd.s32 $0x10, s6;
	s12 =	sadd.s32 $0xFFFFFFF0, s12;
	v21 =	vmul.f32 v21, v17  }
0x4de: {  	s14 =	smov.u32 s13  }
.LBB2_91:
0x4df: {  	v14 =	vmul.f32 v19, v14;
	_ =	sdelay $0x1  }
0x4e0: {  	v16 =	vmul.f32 v20, v16;
	v14 =	vadd.f32 v21, v14;
	_ =	sdelay $0x1  }
0x4e1: {  	v14 =	vadd.f32 v16, v14;
	_ =	sdelay $0x1  }
0x4e2: {  	v15 =	vadd.f32 v18, v15;
	v14 =	vadd.f32 v14, v14;
	_ =	sdelay $0x1  }
0x4e3: {  	v14 =	vsub.f32 v15, v14  }
0x4e4: {  	v58 =	vmov s12  }
0x4e5: {  	vm1 =	vgt.s32 v58, v1;
	vm2 =	vle.f32 v14, $3.999999910e-02  }
0x4e6: {  	vm3 =	vle.f32 v14, $1.599999960e-01;
	vm2 =	vmand vm1, vm2  }
0x4e7: {  	vm1 =	vmand vm1, vm3;
	v59 =	vmpcnt.ones.xlane vm2  }
0x4e8: {  	v60 =	vmpcnt.ones.xlane vm1  }
0x4e9: {  	(v2sf) =	vpush v59, $0x0  }
0x4ea: {  	(v2sf) =	vpush v60, $0x0;
	_ =	sdelay $0x4  }
0x4eb: {  	s2 =	sadd.s32 @p0 $0x10, s17;
	s4 =	sadd.s32 @p0 $0x10, s4  }
0x4ec: {  	v61 =	vld [tilespmem:s6+$0x0];
	p1 =	por !p1, !p0;
	s7 =	smov.u32 @p0 s2;
	s0 =	spop @p0 (v2sf)  }
0x4ed: {  	s11 =	smov.u32 @p0 s4;
	v62 =	vld [tilespmem:s7+$0x0];
	s0 =	simm.s32 @p1 $0x0  }
0x4ee: {  	s2 =	simm.s32 $0x0;
	v63 =	vld [tilespmem:s11+$0x0];
	s0 =	sadd.s32 @p0 s16, s0  }
0x4ef: {  	s4 =	spop @p0 (v2sf);
	p1 =	por !p2, !p0;
	s2 =	smov.u32 @p0 s0  }
0x4f0: {  	s4 =	simm.s32 @p1 $0x0;
	p1 =	slt.s32 s2, $0x40;
	vm3 =	vmmov vm0  }
0x4f1: {  	s0 =	sadd.s32 @p0 s15, s4;
	v13 =	vsub.f32 v61, v13;
	s4 =	smov.u32 s2;
	vm3 =	vmneg @p1 vm3  }
0x4f2: {  	s5 =	smov.u32 @p0 s0;
	v11 =	vsub.f32 v62, v11;
	s4 =	simm.s32 @!p1 $0x40;
	vm2 =	vmand vm3, vm2  }
0x4f3: {  	v12 =	vsub.f32 v63, v12;
	p0 =	slt.s32 s5, $0x40;
	vm3 =	vmmov vm0;
	[tilespmem:s4+$0xE520] =	vst.msk vm2, v13  }
0x4f4: {  	s0 =	smov.u32 s5;
	vm3 =	vmneg @p0 vm3;
	[tilespmem:s4+$0xEA20] =	vst.msk vm2, v11;
	s6 =	spop (v2sf)  }
0x4f5: {  	s0 =	simm.s32 @!p0 $0x40;
	vm1 =	vmand vm3, vm1;
	[tilespmem:s4+$0xEF20] =	vst.msk vm2, v12;
	s4 =	spop (v2sf)  }
0x4f6: {  	[tilespmem:s0+$0xF420] =	vst.msk vm1, v13;
	s6 =	simm.s32 @!p1 $0x0;
	s4 =	simm.s32 @!p0 $0x0  }
0x4f7: {  	[tilespmem:s0+$0xF920] =	vst.msk vm1, v11;
	s6 =	sadd.s32 s2, s6;
	s11 =	sadd.s32 s5, s4  }
0x4f8: {  	v11 =	vadd.s32 s14, v1;
	[tilespmem:s0+$0xFE20] =	vst.msk vm1, v12;
	p0 =	slt.s32 s6, $0x40;
	p1 =	slt.s32 s11, $0x40  }
0x4f9: {  	[tilespmem:s0+$0x10320] =	vst.msk vm1, v11;
	s6 =	simm.s32 @!p0 $0x40;
	s11 =	simm.s32 @!p1 $0x40  }
.LBB2_92:
0x4fa: {  	(v2sf) =	vpush v9, $0xB  }
0x4fb: {  	(v2sf) =	vpush v10, $0xB;
	_ =	sdelay $0xd  }
0x4fc: {  	s17 =	spop (v2sf)  }
0x4fd: {  	s8 =	spop (v2sf)  }
0x4fe: {  	p0 =	sle.s32 s8, s17  }
.Ltmp49:
0x4ff: {  	[tilespmem:$0x10370] =	vst v0;
	(pc) =	sbr.rel @p0 .LBB2_100-.Ltmp49, $4  }
0x500: {  	[tilespmem:$0x10380] =	vst v0  }
0x501: {  	[tilespmem:$0x10390] =	vst v0  }
0x502: {  	[tilespmem:$0x103A0] =	vst v0  }
0x503: {  	[tilespmem:$0x103B0] =	vst v0;
	s12 =	simm.s32 $0x0;
	s13 =	simm.s32 $0x0;
	s14 =	simm.s32 $0x0  }
0x504: {  	s0 =	sshll.u32 s17, $0x2  }
0x505: {  	s13 =	sshra.s32 s0, $0x2  }
0x506: {  	s16 =	sadd.s32 $0x10, s17;
	s4 =	sadd.s32 $0x8000, s13  }
0x507: {  	p1 =	slt.s32 s16, s8;
	v21 =	vld [tilespmem:s4+$0x0]  }
.Ltmp50:
0x508: {  	_ = 	snop;
	(pc) =	sbr.rel @!p1 .LBB2_94-.Ltmp50, $4  }
0x509: {  	v14 =	vbroadcast v7, $0xB;
	v17 =	vbroadcast v8, $0xB;
	s2 =	sadd.s32 $0x6000, s13  }
0x50a: {  	v16 =	vbroadcast v5, $0xB;
	v15 =	vbroadcast v6, $0xB;
	s0 =	sadd.s32 $0xC000, s13;
	v19 =	vld [tilespmem:s2+$0x0]  }
0x50b: {  	v13 =	vbroadcast v3, $0xB;
	v11 =	vbroadcast v4, $0xB;
	s15 =	ssub.s32 s8, s17;
	s5 =	simm.s32 $0x0;
	s18 =	sadd.s32 $0xA000, s13;
	v18 =	vld [tilespmem:s0+$0x0]  }
0x50c: {  	v12 =	vbroadcast v2, $0xB;
	p0 =	por $0x0, $0x0;
	s14 =	sadd.s32 $0x4000, s13;
	s7 =	sadd.s32 $0x2000, s13;
	v20 =	vld [tilespmem:s18+$0x0];
	v21 =	vmul.f32 v21, v17  }
0x50d: {  	_ =	sdelay $0x1  }
0x50e: {  	v19 =	vmul.f32 v19, v14;
	_ =	sdelay $0x1  }
0x50f: {  	v19 =	vadd.f32 v21, v19;
	v20 =	vmul.f32 v20, v16;
	_ =	sdelay $0x1  }
0x510: {  	v19 =	vadd.f32 v20, v19;
	_ =	sdelay $0x1  }
0x511: {  	v18 =	vadd.f32 v18, v15;
	v20 =	vld [tilespmem:s13+$0x0];
	v19 =	vadd.f32 v19, v19  }
0x512: {  	v21 =	vld [tilespmem:s7+$0x0]  }
0x513: {  	v22 =	vld [tilespmem:s14+$0x0];
	v18 =	vsub.f32 v18, v19  }
0x514: {  	v19 =	vmov s15  }
0x515: {  	p1 =	por $0x1, $0x1;
	vm3 =	vmmov vm0;
	vm1 =	vgt.s32 v19, v1;
	vm2 =	vle.f32 v18, $3.999999910e-02  }
0x516: {  	s19 =	simm.s32 $0x0;
	vm3 =	vmneg @p1 vm3;
	v19 =	vsub.f32 v20, v13;
	vm2 =	vmand vm1, vm2  }
0x517: {  	s19 =	simm.s32 @!p1 $0x40;
	v20 =	vsub.f32 v21, v11;
	vm4 =	vmand vm3, vm2  }
0x518: {  	vm5 =	vle.f32 v18, $1.599999960e-01;
	v18 =	vsub.f32 v22, v12;
	[tilespmem:s19+$0xE570] =	vst.msk vm4, v19  }
0x519: {  	vm1 =	vmand vm1, vm5;
	[tilespmem:s19+$0xEA70] =	vst.msk vm4, v20  }
0x51a: {  	vm3 =	vmand vm3, vm1;
	[tilespmem:s19+$0xEF70] =	vst.msk vm4, v18  }
0x51b: {  	[tilespmem:s19+$0xF470] =	vst.msk vm3, v19  }
0x51c: {  	[tilespmem:s19+$0xF970] =	vst.msk vm3, v20  }
0x51d: {  	[tilespmem:s19+$0xFE70] =	vst.msk vm3, v18;
	v18 =	vmpcnt.ones.xlane vm2  }
0x51e: {  	v20 =	vmpcnt.ones.xlane vm1  }
0x51f: {  	(v2sf) =	vpush v18, $0x0  }
0x520: {  	(v2sf) =	vpush v20, $0x0;
	_ =	sdelay $0x1  }
0x521: {  	v19 =	vadd.s32 s17, v1  }
0x522: {  	s24 =	sadd.s32 $0x10, s16;
	s17 =	sadd.s32 $0x10, s4;
	[tilespmem:s19+$0x10370] =	vst.msk vm3, v19  }
0x523: {  	p3 =	slt.s32 s24, s8;
	v21 =	vld [tilespmem:s17+$0x0]  }
.Ltmp51:
0x524: {  	s25 =	sadd.s32 $0x10, s2;
	(pc) =	sbr.rel @!p3 .LBB2_96-.Ltmp51, $4  }
0x525: {  	s22 =	sadd.s32 $0x10, s18;
	v19 =	vld [tilespmem:s25+$0x0]  }
0x526: {  	s26 =	sadd.s32 $0x10, s0;
	p0 =	por $0x1, $0x1;
	s21 =	smov.u32 s7  }
0x527: {  	p2 =	por $0x1, $0x1;
	s18 =	simm.s32 $0x0;
	s13 =	sadd.s32 $0x10, s13;
	v20 =	vld [tilespmem:s22+$0x0]  }
0x528: {  	s15 =	sadd.s32 $0xFFFFFFF0, s15;
	s4 =	smov.u32 s14;
	s19 =	simm.s32 $0x0;
	v18 =	vld [tilespmem:s26+$0x0];
	v21 =	vmul.f32 v21, v17  }
.LBB2_97:
0x529: {  	s4 =	sadd.s32 $0x10, s4  }
0x52a: {  	v19 =	vmul.f32 v19, v14;
	s21 =	sadd.s32 $0x10, s21;
	s0 =	smov.u32 s24;
	s24 =	sadd.s32 $0x10, s24  }
0x52b: {  	p3 =	slt.s32 s24, s8;
	v22 =	vld [tilespmem:s13+$0x0]  }
0x52c: {  	v19 =	vadd.f32 v21, v19;
	v20 =	vmul.f32 v20, v16;
	v21 =	vld [tilespmem:s21+$0x0]  }
0x52d: {  	s2 =	spop (v2sf)  }
0x52e: {  	v19 =	vadd.f32 v20, v19;
	s2 =	simm.s32 @!p1 $0x0;
	s28 =	spop (v2sf)  }
0x52f: {  	s19 =	sadd.s32 s19, s2;
	s28 =	simm.s32 @!p2 $0x0  }
0x530: {  	v18 =	vadd.f32 v18, v15;
	v19 =	vadd.f32 v19, v19;
	s18 =	sadd.s32 s18, s28  }
0x531: {  	v20 =	vld [tilespmem:s4+$0x0]  }
0x532: {  	v18 =	vsub.f32 v18, v19  }
0x533: {  	v22 =	vsub.f32 v22, v13;
	v21 =	vsub.f32 v21, v11;
	v19 =	vmov s15  }
0x534: {  	vm1 =	vgt.s32 v19, v1;
	vm2 =	vle.f32 v18, $3.999999910e-02;
	vm3 =	vle.f32 v18, $1.599999960e-01  }
0x535: {  	p1 =	slt.s32 s19, $0x40;
	vm2 =	vmand vm1, vm2;
	vm1 =	vmand vm1, vm3;
	vm3 =	vmmov vm0  }
0x536: {  	s2 =	smov.u32 s19;
	vm3 =	vmneg @p1 vm3;
	v18 =	vsub.f32 v20, v12  }
0x537: {  	p2 =	slt.s32 s18, $0x40;
	s2 =	simm.s32 @!p1 $0x40;
	v19 =	vmpcnt.ones.xlane vm2;
	vm3 =	vmand vm3, vm2;
	vm2 =	vmmov vm0  }
0x538: {  	s28 =	smov.u32 s18;
	v20 =	vmpcnt.ones.xlane vm1;
	vm2 =	vmneg @p2 vm2;
	[tilespmem:s2+$0xE570] =	vst.msk vm3, v22  }
0x539: {  	s25 =	sadd.s32 $0x10, s25;
	s28 =	simm.s32 @!p2 $0x40;
	vm1 =	vmand vm2, vm1;
	[tilespmem:s2+$0xEA70] =	vst.msk vm3, v21;
	(v2sf) =	vpush v19, $0x0  }
0x53a: {  	s17 =	sadd.s32 $0x10, s17;
	[tilespmem:s2+$0xEF70] =	vst.msk vm3, v18;
	(v2sf) =	vpush v20, $0x0  }
0x53b: {  	[tilespmem:s28+$0xF470] =	vst.msk vm1, v22  }
0x53c: {  	s22 =	sadd.s32 $0x10, s22;
	v19 =	vadd.s32 s16, v1;
	s16 =	smov.u32 s0;
	[tilespmem:s28+$0xF970] =	vst.msk vm1, v21  }
0x53d: {  	[tilespmem:s28+$0xFE70] =	vst.msk vm1, v18  }
0x53e: {  	[tilespmem:s28+$0x10370] =	vst.msk vm1, v19  }
0x53f: {  	v21 =	vld [tilespmem:s17+$0x0]  }
.Ltmp52:
0x540: {  	s26 =	sadd.s32 $0x10, s26;
	v19 =	vld [tilespmem:s25+$0x0];
	(pc) =	sbr.rel @p3 .LBB2_97-.Ltmp52, $3  }
0x541: {  	v18 =	vld [tilespmem:s26+$0x0]  }
0x542: {  	v20 =	vld [tilespmem:s22+$0x0];
	_ =	sdelay $0x1  }
0x543: {  	s13 =	sadd.s32 $0x10, s13;
	s15 =	sadd.s32 $0xFFFFFFF0, s15;
	v21 =	vmul.f32 v21, v17  }
0x544: {  	s17 =	smov.u32 s16  }
.LBB2_99:
0x545: {  	v14 =	vmul.f32 v19, v14;
	_ =	sdelay $0x1  }
0x546: {  	v16 =	vmul.f32 v20, v16;
	v14 =	vadd.f32 v21, v14;
	_ =	sdelay $0x1  }
0x547: {  	v14 =	vadd.f32 v16, v14;
	_ =	sdelay $0x1  }
0x548: {  	v15 =	vadd.f32 v18, v15;
	v14 =	vadd.f32 v14, v14;
	_ =	sdelay $0x1  }
0x549: {  	v14 =	vsub.f32 v15, v14  }
0x54a: {  	v58 =	vmov s15  }
0x54b: {  	vm1 =	vgt.s32 v58, v1;
	vm2 =	vle.f32 v14, $3.999999910e-02  }
0x54c: {  	vm3 =	vle.f32 v14, $1.599999960e-01;
	vm2 =	vmand vm1, vm2  }
0x54d: {  	vm1 =	vmand vm1, vm3;
	v59 =	vmpcnt.ones.xlane vm2  }
0x54e: {  	v60 =	vmpcnt.ones.xlane vm1  }
0x54f: {  	(v2sf) =	vpush v59, $0x0  }
0x550: {  	(v2sf) =	vpush v60, $0x0;
	_ =	sdelay $0x4  }
0x551: {  	s2 =	sadd.s32 @p0 $0x10, s21;
	s4 =	sadd.s32 @p0 $0x10, s4  }
0x552: {  	v61 =	vld [tilespmem:s13+$0x0];
	p1 =	por !p1, !p0;
	s7 =	smov.u32 @p0 s2;
	s0 =	spop @p0 (v2sf)  }
0x553: {  	s14 =	smov.u32 @p0 s4;
	v62 =	vld [tilespmem:s7+$0x0];
	s0 =	simm.s32 @p1 $0x0  }
0x554: {  	s2 =	simm.s32 $0x0;
	v63 =	vld [tilespmem:s14+$0x0];
	s0 =	sadd.s32 @p0 s19, s0  }
0x555: {  	s4 =	spop @p0 (v2sf);
	p1 =	por !p2, !p0;
	s2 =	smov.u32 @p0 s0  }
0x556: {  	s4 =	simm.s32 @p1 $0x0;
	p1 =	slt.s32 s2, $0x40;
	vm3 =	vmmov vm0  }
0x557: {  	s0 =	sadd.s32 @p0 s18, s4;
	v13 =	vsub.f32 v61, v13;
	s4 =	smov.u32 s2;
	vm3 =	vmneg @p1 vm3  }
0x558: {  	s5 =	smov.u32 @p0 s0;
	v11 =	vsub.f32 v62, v11;
	s4 =	simm.s32 @!p1 $0x40;
	vm2 =	vmand vm3, vm2  }
0x559: {  	v12 =	vsub.f32 v63, v12;
	p0 =	slt.s32 s5, $0x40;
	vm3 =	vmmov vm0;
	[tilespmem:s4+$0xE570] =	vst.msk vm2, v13  }
0x55a: {  	s0 =	smov.u32 s5;
	vm3 =	vmneg @p0 vm3;
	[tilespmem:s4+$0xEA70] =	vst.msk vm2, v11;
	s7 =	spop (v2sf)  }
0x55b: {  	s0 =	simm.s32 @!p0 $0x40;
	vm1 =	vmand vm3, vm1;
	[tilespmem:s4+$0xEF70] =	vst.msk vm2, v12;
	s4 =	spop (v2sf)  }
0x55c: {  	[tilespmem:s0+$0xF470] =	vst.msk vm1, v13;
	s7 =	simm.s32 @!p1 $0x0;
	s4 =	simm.s32 @!p0 $0x0  }
0x55d: {  	[tilespmem:s0+$0xF970] =	vst.msk vm1, v11;
	s13 =	sadd.s32 s2, s7;
	s14 =	sadd.s32 s5, s4  }
0x55e: {  	v11 =	vadd.s32 s17, v1;
	[tilespmem:s0+$0xFE70] =	vst.msk vm1, v12;
	p0 =	slt.s32 s13, $0x40;
	p1 =	slt.s32 s14, $0x40  }
0x55f: {  	[tilespmem:s0+$0x10370] =	vst.msk vm1, v11;
	s13 =	simm.s32 @!p0 $0x40;
	s14 =	simm.s32 @!p1 $0x40  }
.LBB2_100:
0x560: {  	(v2sf) =	vpush v9, $0xC  }
0x561: {  	(v2sf) =	vpush v10, $0xC;
	_ =	sdelay $0xd  }
0x562: {  	s18 =	spop (v2sf)  }
0x563: {  	s8 =	spop (v2sf)  }
0x564: {  	p0 =	sle.s32 s8, s18  }
.Ltmp53:
0x565: {  	[tilespmem:$0x103C0] =	vst v0;
	(pc) =	sbr.rel @p0 .LBB2_108-.Ltmp53, $4  }
0x566: {  	[tilespmem:$0x103D0] =	vst v0  }
0x567: {  	[tilespmem:$0x103E0] =	vst v0  }
0x568: {  	[tilespmem:$0x103F0] =	vst v0  }
0x569: {  	[tilespmem:$0x10400] =	vst v0;
	s15 =	simm.s32 $0x0  }
0x56a: {  	s0 =	sshll.u32 s18, $0x2  }
0x56b: {  	s12 =	sshra.s32 s0, $0x2  }
0x56c: {  	s17 =	sadd.s32 $0x10, s18;
	s4 =	sadd.s32 $0x8000, s12  }
0x56d: {  	p1 =	slt.s32 s17, s8;
	v21 =	vld [tilespmem:s4+$0x0]  }
.Ltmp54:
0x56e: {  	_ = 	snop;
	(pc) =	sbr.rel @!p1 .LBB2_102-.Ltmp54, $4  }
0x56f: {  	v14 =	vbroadcast v7, $0xC;
	v17 =	vbroadcast v8, $0xC;
	s2 =	sadd.s32 $0x6000, s12  }
0x570: {  	v16 =	vbroadcast v5, $0xC;
	v15 =	vbroadcast v6, $0xC;
	s0 =	sadd.s32 $0xC000, s12;
	v19 =	vld [tilespmem:s2+$0x0]  }
0x571: {  	v13 =	vbroadcast v3, $0xC;
	v11 =	vbroadcast v4, $0xC;
	s16 =	ssub.s32 s8, s18;
	s5 =	simm.s32 $0x0;
	s19 =	sadd.s32 $0xA000, s12;
	v18 =	vld [tilespmem:s0+$0x0]  }
0x572: {  	v12 =	vbroadcast v2, $0xC;
	p0 =	por $0x0, $0x0;
	s15 =	sadd.s32 $0x4000, s12;
	s7 =	sadd.s32 $0x2000, s12;
	v20 =	vld [tilespmem:s19+$0x0];
	v21 =	vmul.f32 v21, v17  }
0x573: {  	_ =	sdelay $0x1  }
0x574: {  	v19 =	vmul.f32 v19, v14;
	_ =	sdelay $0x1  }
0x575: {  	v19 =	vadd.f32 v21, v19;
	v20 =	vmul.f32 v20, v16;
	_ =	sdelay $0x1  }
0x576: {  	v19 =	vadd.f32 v20, v19;
	_ =	sdelay $0x1  }
0x577: {  	v18 =	vadd.f32 v18, v15;
	v20 =	vld [tilespmem:s12+$0x0];
	v19 =	vadd.f32 v19, v19  }
0x578: {  	v21 =	vld [tilespmem:s7+$0x0]  }
0x579: {  	v22 =	vld [tilespmem:s15+$0x0];
	v18 =	vsub.f32 v18, v19  }
0x57a: {  	v19 =	vmov s16  }
0x57b: {  	p1 =	por $0x1, $0x1;
	vm3 =	vmmov vm0;
	vm1 =	vgt.s32 v19, v1;
	vm2 =	vle.f32 v18, $3.999999910e-02  }
0x57c: {  	s21 =	simm.s32 $0x0;
	vm3 =	vmneg @p1 vm3;
	v19 =	vsub.f32 v20, v13;
	vm2 =	vmand vm1, vm2  }
0x57d: {  	s21 =	simm.s32 @!p1 $0x40;
	v20 =	vsub.f32 v21, v11;
	vm4 =	vmand vm3, vm2  }
0x57e: {  	vm5 =	vle.f32 v18, $1.599999960e-01;
	v18 =	vsub.f32 v22, v12;
	[tilespmem:s21+$0xE5C0] =	vst.msk vm4, v19  }
0x57f: {  	vm1 =	vmand vm1, vm5;
	[tilespmem:s21+$0xEAC0] =	vst.msk vm4, v20  }
0x580: {  	vm3 =	vmand vm3, vm1;
	[tilespmem:s21+$0xEFC0] =	vst.msk vm4, v18  }
0x581: {  	[tilespmem:s21+$0xF4C0] =	vst.msk vm3, v19  }
0x582: {  	[tilespmem:s21+$0xF9C0] =	vst.msk vm3, v20  }
0x583: {  	[tilespmem:s21+$0xFEC0] =	vst.msk vm3, v18;
	v18 =	vmpcnt.ones.xlane vm2  }
0x584: {  	v20 =	vmpcnt.ones.xlane vm1  }
0x585: {  	(v2sf) =	vpush v18, $0x0  }
0x586: {  	(v2sf) =	vpush v20, $0x0;
	_ =	sdelay $0x1  }
0x587: {  	v19 =	vadd.s32 s18, v1  }
0x588: {  	s25 =	sadd.s32 $0x10, s17;
	s18 =	sadd.s32 $0x10, s4;
	[tilespmem:s21+$0x103C0] =	vst.msk vm3, v19  }
0x589: {  	p3 =	slt.s32 s25, s8;
	v21 =	vld [tilespmem:s18+$0x0]  }
.Ltmp55:
0x58a: {  	s26 =	sadd.s32 $0x10, s2;
	(pc) =	sbr.rel @!p3 .LBB2_104-.Ltmp55, $4  }
0x58b: {  	s22 =	sadd.s32 $0x10, s19;
	v19 =	vld [tilespmem:s26+$0x0]  }
0x58c: {  	s28 =	sadd.s32 $0x10, s0;
	p0 =	por $0x1, $0x1;
	s24 =	smov.u32 s7  }
0x58d: {  	p2 =	por $0x1, $0x1;
	s19 =	simm.s32 $0x0;
	s12 =	sadd.s32 $0x10, s12;
	v20 =	vld [tilespmem:s22+$0x0]  }
0x58e: {  	s16 =	sadd.s32 $0xFFFFFFF0, s16;
	s4 =	smov.u32 s15;
	s21 =	simm.s32 $0x0;
	v18 =	vld [tilespmem:s28+$0x0];
	v21 =	vmul.f32 v21, v17  }
.LBB2_105:
0x58f: {  	s4 =	sadd.s32 $0x10, s4  }
0x590: {  	v19 =	vmul.f32 v19, v14;
	s24 =	sadd.s32 $0x10, s24;
	s0 =	smov.u32 s25;
	s25 =	sadd.s32 $0x10, s25  }
0x591: {  	p3 =	slt.s32 s25, s8;
	v22 =	vld [tilespmem:s12+$0x0]  }
0x592: {  	v19 =	vadd.f32 v21, v19;
	v20 =	vmul.f32 v20, v16;
	v21 =	vld [tilespmem:s24+$0x0]  }
0x593: {  	s2 =	spop (v2sf)  }
0x594: {  	v19 =	vadd.f32 v20, v19;
	s2 =	simm.s32 @!p1 $0x0;
	s29 =	spop (v2sf)  }
0x595: {  	s21 =	sadd.s32 s21, s2;
	s29 =	simm.s32 @!p2 $0x0  }
0x596: {  	v18 =	vadd.f32 v18, v15;
	v19 =	vadd.f32 v19, v19;
	s19 =	sadd.s32 s19, s29  }
0x597: {  	v20 =	vld [tilespmem:s4+$0x0]  }
0x598: {  	v18 =	vsub.f32 v18, v19  }
0x599: {  	v22 =	vsub.f32 v22, v13;
	v21 =	vsub.f32 v21, v11;
	v19 =	vmov s16  }
0x59a: {  	vm1 =	vgt.s32 v19, v1;
	vm2 =	vle.f32 v18, $3.999999910e-02;
	vm3 =	vle.f32 v18, $1.599999960e-01  }
0x59b: {  	p1 =	slt.s32 s21, $0x40;
	vm2 =	vmand vm1, vm2;
	vm1 =	vmand vm1, vm3;
	vm3 =	vmmov vm0  }
0x59c: {  	s2 =	smov.u32 s21;
	vm3 =	vmneg @p1 vm3;
	v18 =	vsub.f32 v20, v12  }
0x59d: {  	p2 =	slt.s32 s19, $0x40;
	s2 =	simm.s32 @!p1 $0x40;
	v19 =	vmpcnt.ones.xlane vm2;
	vm3 =	vmand vm3, vm2;
	vm2 =	vmmov vm0  }
0x59e: {  	s29 =	smov.u32 s19;
	v20 =	vmpcnt.ones.xlane vm1;
	vm2 =	vmneg @p2 vm2;
	[tilespmem:s2+$0xE5C0] =	vst.msk vm3, v22  }
0x59f: {  	s26 =	sadd.s32 $0x10, s26;
	s29 =	simm.s32 @!p2 $0x40;
	vm1 =	vmand vm2, vm1;
	[tilespmem:s2+$0xEAC0] =	vst.msk vm3, v21;
	(v2sf) =	vpush v19, $0x0  }
0x5a0: {  	s18 =	sadd.s32 $0x10, s18;
	[tilespmem:s2+$0xEFC0] =	vst.msk vm3, v18;
	(v2sf) =	vpush v20, $0x0  }
0x5a1: {  	[tilespmem:s29+$0xF4C0] =	vst.msk vm1, v22  }
0x5a2: {  	s22 =	sadd.s32 $0x10, s22;
	v19 =	vadd.s32 s17, v1;
	s17 =	smov.u32 s0;
	[tilespmem:s29+$0xF9C0] =	vst.msk vm1, v21  }
0x5a3: {  	[tilespmem:s29+$0xFEC0] =	vst.msk vm1, v18  }
0x5a4: {  	[tilespmem:s29+$0x103C0] =	vst.msk vm1, v19  }
0x5a5: {  	v21 =	vld [tilespmem:s18+$0x0]  }
.Ltmp56:
0x5a6: {  	s28 =	sadd.s32 $0x10, s28;
	v19 =	vld [tilespmem:s26+$0x0];
	(pc) =	sbr.rel @p3 .LBB2_105-.Ltmp56, $3  }
0x5a7: {  	v18 =	vld [tilespmem:s28+$0x0]  }
0x5a8: {  	v20 =	vld [tilespmem:s22+$0x0];
	_ =	sdelay $0x1  }
0x5a9: {  	s12 =	sadd.s32 $0x10, s12;
	s16 =	sadd.s32 $0xFFFFFFF0, s16;
	v21 =	vmul.f32 v21, v17  }
0x5aa: {  	s18 =	smov.u32 s17  }
.LBB2_107:
0x5ab: {  	v14 =	vmul.f32 v19, v14;
	_ =	sdelay $0x1  }
0x5ac: {  	v16 =	vmul.f32 v20, v16;
	v14 =	vadd.f32 v21, v14;
	_ =	sdelay $0x1  }
0x5ad: {  	v14 =	vadd.f32 v16, v14;
	_ =	sdelay $0x1  }
0x5ae: {  	v15 =	vadd.f32 v18, v15;
	v14 =	vadd.f32 v14, v14;
	_ =	sdelay $0x1  }
0x5af: {  	v14 =	vsub.f32 v15, v14  }
0x5b0: {  	v58 =	vmov s16  }
0x5b1: {  	vm1 =	vgt.s32 v58, v1;
	vm2 =	vle.f32 v14, $3.999999910e-02  }
0x5b2: {  	vm3 =	vle.f32 v14, $1.599999960e-01;
	vm2 =	vmand vm1, vm2  }
0x5b3: {  	vm1 =	vmand vm1, vm3;
	v59 =	vmpcnt.ones.xlane vm2  }
0x5b4: {  	v60 =	vmpcnt.ones.xlane vm1  }
0x5b5: {  	(v2sf) =	vpush v59, $0x0  }
0x5b6: {  	(v2sf) =	vpush v60, $0x0;
	_ =	sdelay $0x4  }
0x5b7: {  	s2 =	sadd.s32 @p0 $0x10, s24;
	s4 =	sadd.s32 @p0 $0x10, s4  }
0x5b8: {  	v61 =	vld [tilespmem:s12+$0x0];
	p1 =	por !p1, !p0;
	s7 =	smov.u32 @p0 s2;
	s0 =	spop @p0 (v2sf)  }
0x5b9: {  	s15 =	smov.u32 @p0 s4;
	v62 =	vld [tilespmem:s7+$0x0];
	s0 =	simm.s32 @p1 $0x0  }
0x5ba: {  	s2 =	simm.s32 $0x0;
	v63 =	vld [tilespmem:s15+$0x0];
	s0 =	sadd.s32 @p0 s21, s0  }
0x5bb: {  	s4 =	spop @p0 (v2sf);
	p1 =	por !p2, !p0;
	s2 =	smov.u32 @p0 s0  }
0x5bc: {  	s4 =	simm.s32 @p1 $0x0;
	p1 =	slt.s32 s2, $0x40;
	vm3 =	vmmov vm0  }
0x5bd: {  	s0 =	sadd.s32 @p0 s19, s4;
	v13 =	vsub.f32 v61, v13;
	s4 =	smov.u32 s2;
	vm3 =	vmneg @p1 vm3  }
0x5be: {  	s5 =	smov.u32 @p0 s0;
	v11 =	vsub.f32 v62, v11;
	s4 =	simm.s32 @!p1 $0x40;
	vm2 =	vmand vm3, vm2  }
0x5bf: {  	v12 =	vsub.f32 v63, v12;
	p0 =	slt.s32 s5, $0x40;
	vm3 =	vmmov vm0;
	[tilespmem:s4+$0xE5C0] =	vst.msk vm2, v13  }
0x5c0: {  	s0 =	smov.u32 s5;
	vm3 =	vmneg @p0 vm3;
	[tilespmem:s4+$0xEAC0] =	vst.msk vm2, v11;
	s7 =	spop (v2sf)  }
0x5c1: {  	s0 =	simm.s32 @!p0 $0x40;
	vm1 =	vmand vm3, vm1;
	[tilespmem:s4+$0xEFC0] =	vst.msk vm2, v12;
	s4 =	spop (v2sf)  }
0x5c2: {  	[tilespmem:s0+$0xF4C0] =	vst.msk vm1, v13;
	s7 =	simm.s32 @!p1 $0x0;
	s4 =	simm.s32 @!p0 $0x0  }
0x5c3: {  	[tilespmem:s0+$0xF9C0] =	vst.msk vm1, v11;
	s12 =	sadd.s32 s2, s7;
	s15 =	sadd.s32 s5, s4  }
0x5c4: {  	v11 =	vadd.s32 s18, v1;
	[tilespmem:s0+$0xFEC0] =	vst.msk vm1, v12;
	p0 =	slt.s32 s12, $0x40;
	p1 =	slt.s32 s15, $0x40  }
0x5c5: {  	[tilespmem:s0+$0x103C0] =	vst.msk vm1, v11;
	s12 =	simm.s32 @!p0 $0x40;
	s15 =	simm.s32 @!p1 $0x40  }
.LBB2_108:
0x5c6: {  	(v2sf) =	vpush v9, $0xD  }
0x5c7: {  	(v2sf) =	vpush v10, $0xD;
	_ =	sdelay $0xd  }
0x5c8: {  	s19 =	spop (v2sf)  }
0x5c9: {  	s8 =	spop (v2sf)  }
0x5ca: {  	p0 =	sle.s32 s8, s19  }
.Ltmp57:
0x5cb: {  	[tilespmem:$0x10410] =	vst v0;
	(pc) =	sbr.rel @p0 .LBB2_116-.Ltmp57, $4  }
0x5cc: {  	[tilespmem:$0x10420] =	vst v0  }
0x5cd: {  	[tilespmem:$0x10430] =	vst v0  }
0x5ce: {  	[tilespmem:$0x10440] =	vst v0;
	s16 =	simm.s32 $0x0  }
0x5cf: {  	[tilespmem:$0x10450] =	vst v0;
	s5 =	simm.s32 $0x0;
	s24 =	simm.s32 $0x0;
	[smem:$0x7F8] =	sst s14  }
0x5d0: {  	s0 =	sshll.u32 s19, $0x2  }
0x5d1: {  	s5 =	sshra.s32 s0, $0x2  }
0x5d2: {  	s18 =	sadd.s32 $0x10, s19;
	s4 =	sadd.s32 $0x8000, s5  }
0x5d3: {  	p1 =	slt.s32 s18, s8;
	v21 =	vld [tilespmem:s4+$0x0]  }
.Ltmp58:
0x5d4: {  	_ = 	snop;
	(pc) =	sbr.rel @!p1 .LBB2_110-.Ltmp58, $4  }
0x5d5: {  	v14 =	vbroadcast v7, $0xD;
	v17 =	vbroadcast v8, $0xD;
	s2 =	sadd.s32 $0x6000, s5  }
0x5d6: {  	v16 =	vbroadcast v5, $0xD;
	v15 =	vbroadcast v6, $0xD;
	s0 =	sadd.s32 $0xC000, s5;
	v19 =	vld [tilespmem:s2+$0x0]  }
0x5d7: {  	v13 =	vbroadcast v3, $0xD;
	v11 =	vbroadcast v4, $0xD;
	s17 =	ssub.s32 s8, s19;
	s24 =	simm.s32 $0x0;
	s21 =	sadd.s32 $0xA000, s5;
	v18 =	vld [tilespmem:s0+$0x0]  }
0x5d8: {  	v12 =	vbroadcast v2, $0xD;
	p0 =	por $0x0, $0x0;
	s25 =	sadd.s32 $0x4000, s5;
	s7 =	sadd.s32 $0x2000, s5;
	v20 =	vld [tilespmem:s21+$0x0];
	v21 =	vmul.f32 v21, v17  }
0x5d9: {  	_ =	sdelay $0x1  }
0x5da: {  	v19 =	vmul.f32 v19, v14;
	_ =	sdelay $0x1  }
0x5db: {  	v19 =	vadd.f32 v21, v19;
	v20 =	vmul.f32 v20, v16;
	_ =	sdelay $0x1  }
0x5dc: {  	v19 =	vadd.f32 v20, v19;
	_ =	sdelay $0x1  }
0x5dd: {  	v18 =	vadd.f32 v18, v15;
	v20 =	vld [tilespmem:s5+$0x0];
	v19 =	vadd.f32 v19, v19  }
0x5de: {  	v21 =	vld [tilespmem:s7+$0x0]  }
0x5df: {  	v22 =	vld [tilespmem:s25+$0x0];
	v18 =	vsub.f32 v18, v19  }
0x5e0: {  	v19 =	vmov s17  }
0x5e1: {  	p1 =	por $0x1, $0x1;
	vm3 =	vmmov vm0;
	vm1 =	vgt.s32 v19, v1;
	vm2 =	vle.f32 v18, $3.999999910e-02  }
0x5e2: {  	s22 =	simm.s32 $0x0;
	vm3 =	vmneg @p1 vm3;
	v19 =	vsub.f32 v20, v13;
	vm2 =	vmand vm1, vm2  }
0x5e3: {  	s22 =	simm.s32 @!p1 $0x40;
	v20 =	vsub.f32 v21, v11;
	vm4 =	vmand vm3, vm2  }
0x5e4: {  	vm5 =	vle.f32 v18, $1.599999960e-01;
	v18 =	vsub.f32 v22, v12;
	[tilespmem:s22+$0xE610] =	vst.msk vm4, v19  }
0x5e5: {  	vm1 =	vmand vm1, vm5;
	[tilespmem:s22+$0xEB10] =	vst.msk vm4, v20  }
0x5e6: {  	vm3 =	vmand vm3, vm1;
	[tilespmem:s22+$0xF010] =	vst.msk vm4, v18  }
0x5e7: {  	[tilespmem:s22+$0xF510] =	vst.msk vm3, v19  }
0x5e8: {  	[tilespmem:s22+$0xFA10] =	vst.msk vm3, v20  }
0x5e9: {  	[tilespmem:s22+$0xFF10] =	vst.msk vm3, v18;
	v18 =	vmpcnt.ones.xlane vm2  }
0x5ea: {  	v20 =	vmpcnt.ones.xlane vm1  }
0x5eb: {  	(v2sf) =	vpush v18, $0x0  }
0x5ec: {  	(v2sf) =	vpush v20, $0x0;
	_ =	sdelay $0x1  }
0x5ed: {  	s23 =	smov.u32 s13;
	s14 =	smov.u32 s12;
	s13 =	smov.u32 s11;
	v19 =	vadd.s32 s19, v1  }
0x5ee: {  	s12 =	smov.u32 s10;
	s29 =	sadd.s32 $0x10, s18;
	s19 =	sadd.s32 $0x10, s4;
	[tilespmem:s22+$0x10410] =	vst.msk vm3, v19  }
0x5ef: {  	s11 =	smov.u32 s9;
	s9 =	smov.u32 s3;
	p3 =	slt.s32 s29, s8;
	v21 =	vld [tilespmem:s19+$0x0]  }
.Ltmp59:
0x5f0: {  	s3 =	smov.u32 s30;
	s30 =	sadd.s32 $0x10, s2;
	(pc) =	sbr.rel @!p3 .LBB2_112-.Ltmp59, $4  }
0x5f1: {  	s10 =	smov.u32 s6;
	s6 =	smov.u32 s31;
	s31 =	sadd.s32 $0x10, s0;
	v19 =	vld [tilespmem:s30+$0x0]  }
0x5f2: {  	p0 =	por $0x1, $0x1;
	s28 =	smov.u32 s7;
	s22 =	sadd.s32 $0x10, s21  }
0x5f3: {  	s26 =	simm.s32 $0x0;
	p2 =	por $0x1, $0x1;
	s5 =	sadd.s32 $0x10, s5;
	v20 =	vld [tilespmem:s22+$0x0]  }
0x5f4: {  	s17 =	sadd.s32 $0xFFFFFFF0, s17;
	s4 =	smov.u32 s25;
	s21 =	simm.s32 $0x0;
	v18 =	vld [tilespmem:s31+$0x0];
	v21 =	vmul.f32 v21, v17  }
.LBB2_113:
0x5f5: {  	s4 =	sadd.s32 $0x10, s4  }
0x5f6: {  	v19 =	vmul.f32 v19, v14;
	s28 =	sadd.s32 $0x10, s28;
	s0 =	smov.u32 s29;
	s29 =	sadd.s32 $0x10, s29  }
0x5f7: {  	p3 =	slt.s32 s29, s8;
	v22 =	vld [tilespmem:s5+$0x0]  }
0x5f8: {  	v19 =	vadd.f32 v21, v19;
	v20 =	vmul.f32 v20, v16;
	v21 =	vld [tilespmem:s28+$0x0]  }
0x5f9: {  	s2 =	spop (v2sf)  }
0x5fa: {  	v19 =	vadd.f32 v20, v19;
	s2 =	simm.s32 @!p1 $0x0;
	s1 =	spop (v2sf)  }
0x5fb: {  	s26 =	sadd.s32 s26, s2;
	s1 =	simm.s32 @!p2 $0x0  }
0x5fc: {  	v18 =	vadd.f32 v18, v15;
	v19 =	vadd.f32 v19, v19;
	s21 =	sadd.s32 s21, s1  }
0x5fd: {  	v20 =	vld [tilespmem:s4+$0x0]  }
0x5fe: {  	v18 =	vsub.f32 v18, v19  }
0x5ff: {  	v22 =	vsub.f32 v22, v13;
	v21 =	vsub.f32 v21, v11;
	v19 =	vmov s17  }
0x600: {  	vm1 =	vgt.s32 v19, v1;
	vm2 =	vle.f32 v18, $3.999999910e-02;
	vm3 =	vle.f32 v18, $1.599999960e-01  }
0x601: {  	p1 =	slt.s32 s26, $0x40;
	vm2 =	vmand vm1, vm2;
	vm1 =	vmand vm1, vm3;
	vm3 =	vmmov vm0  }
0x602: {  	s1 =	smov.u32 s26;
	vm3 =	vmneg @p1 vm3;
	v18 =	vsub.f32 v20, v12  }
0x603: {  	p2 =	slt.s32 s21, $0x40;
	s1 =	simm.s32 @!p1 $0x40;
	v19 =	vmpcnt.ones.xlane vm2;
	vm3 =	vmand vm3, vm2;
	vm2 =	vmmov vm0  }
0x604: {  	s2 =	smov.u32 s21;
	v20 =	vmpcnt.ones.xlane vm1;
	vm2 =	vmneg @p2 vm2;
	[tilespmem:s1+$0xE610] =	vst.msk vm3, v22  }
0x605: {  	s30 =	sadd.s32 $0x10, s30;
	s2 =	simm.s32 @!p2 $0x40;
	vm1 =	vmand vm2, vm1;
	[tilespmem:s1+$0xEB10] =	vst.msk vm3, v21;
	(v2sf) =	vpush v19, $0x0  }
0x606: {  	s19 =	sadd.s32 $0x10, s19;
	[tilespmem:s1+$0xF010] =	vst.msk vm3, v18;
	(v2sf) =	vpush v20, $0x0  }
0x607: {  	[tilespmem:s2+$0xF510] =	vst.msk vm1, v22  }
0x608: {  	s22 =	sadd.s32 $0x10, s22;
	v19 =	vadd.s32 s18, v1;
	s18 =	smov.u32 s0;
	[tilespmem:s2+$0xFA10] =	vst.msk vm1, v21  }
0x609: {  	[tilespmem:s2+$0xFF10] =	vst.msk vm1, v18  }
0x60a: {  	[tilespmem:s2+$0x10410] =	vst.msk vm1, v19  }
0x60b: {  	v21 =	vld [tilespmem:s19+$0x0]  }
.Ltmp60:
0x60c: {  	s31 =	sadd.s32 $0x10, s31;
	v19 =	vld [tilespmem:s30+$0x0];
	(pc) =	sbr.rel @p3 .LBB2_113-.Ltmp60, $3  }
0x60d: {  	v18 =	vld [tilespmem:s31+$0x0]  }
0x60e: {  	v20 =	vld [tilespmem:s22+$0x0];
	_ =	sdelay $0x1  }
0x60f: {  	s5 =	sadd.s32 $0x10, s5;
	s17 =	sadd.s32 $0xFFFFFFF0, s17;
	v21 =	vmul.f32 v21, v17  }
0x610: {  	s19 =	smov.u32 s18;
	s30 =	smov.u32 s3;
	s31 =	smov.u32 s6  }
0x611: {  	s3 =	smov.u32 s9;
	s6 =	smov.u32 s10;
	s9 =	smov.u32 s11  }
0x612: {  	s11 =	smov.u32 s13;
	s13 =	smov.u32 s23;
	s23 =	rddreg [dreg:$0x3]  }
0x613: {  	s10 =	smov.u32 s12;
	s12 =	smov.u32 s14;
	s14 =	sld [smem:$0x7F8]  }
.LBB2_115:
0x614: {  	v14 =	vmul.f32 v19, v14;
	_ =	sdelay $0x1  }
0x615: {  	v16 =	vmul.f32 v20, v16;
	v14 =	vadd.f32 v21, v14;
	_ =	sdelay $0x1  }
0x616: {  	v14 =	vadd.f32 v16, v14;
	_ =	sdelay $0x1  }
0x617: {  	v15 =	vadd.f32 v18, v15;
	v14 =	vadd.f32 v14, v14;
	_ =	sdelay $0x1  }
0x618: {  	v14 =	vsub.f32 v15, v14  }
0x619: {  	v58 =	vmov s17  }
0x61a: {  	vm1 =	vgt.s32 v58, v1;
	vm2 =	vle.f32 v14, $3.999999910e-02  }
0x61b: {  	vm3 =	vle.f32 v14, $1.599999960e-01;
	vm2 =	vmand vm1, vm2  }
0x61c: {  	vm1 =	vmand vm1, vm3;
	v59 =	vmpcnt.ones.xlane vm2  }
0x61d: {  	v60 =	vmpcnt.ones.xlane vm1  }
0x61e: {  	(v2sf) =	vpush v59, $0x0  }
0x61f: {  	(v2sf) =	vpush v60, $0x0;
	_ =	sdelay $0x4  }
0x620: {  	s0 =	spop @p0 (v2sf);
	s1 =	sadd.s32 @p0 $0x10, s28  }
0x621: {  	s2 =	sadd.s32 @p0 $0x10, s4;
	v61 =	vld [tilespmem:s5+$0x0];
	p1 =	por !p1, !p0;
	s7 =	smov.u32 @p0 s1  }
0x622: {  	s0 =	simm.s32 @p1 $0x0;
	s25 =	smov.u32 @p0 s2;
	v62 =	vld [tilespmem:s7+$0x0]  }
0x623: {  	s1 =	simm.s32 $0x0;
	s0 =	sadd.s32 @p0 s26, s0;
	v63 =	vld [tilespmem:s25+$0x0]  }
0x624: {  	s2 =	spop @p0 (v2sf);
	p1 =	por !p2, !p0;
	s1 =	smov.u32 @p0 s0  }
0x625: {  	s2 =	simm.s32 @p1 $0x0;
	p1 =	slt.s32 s1, $0x40;
	vm3 =	vmmov vm0  }
0x626: {  	s0 =	sadd.s32 @p0 s21, s2;
	s2 =	smov.u32 s1;
	v13 =	vsub.f32 v61, v13;
	vm3 =	vmneg @p1 vm3  }
0x627: {  	s24 =	smov.u32 @p0 s0;
	s2 =	simm.s32 @!p1 $0x40;
	v11 =	vsub.f32 v62, v11;
	vm2 =	vmand vm3, vm2  }
0x628: {  	p0 =	slt.s32 s24, $0x40;
	v12 =	vsub.f32 v63, v12;
	vm3 =	vmmov vm0;
	[tilespmem:s2+$0xE610] =	vst.msk vm2, v13  }
0x629: {  	s0 =	smov.u32 s24;
	vm3 =	vmneg @p0 vm3;
	[tilespmem:s2+$0xEB10] =	vst.msk vm2, v11;
	s4 =	spop (v2sf)  }
0x62a: {  	s0 =	simm.s32 @!p0 $0x40;
	vm1 =	vmand vm3, vm1;
	[tilespmem:s2+$0xF010] =	vst.msk vm2, v12;
	s2 =	spop (v2sf)  }
0x62b: {  	[tilespmem:s0+$0xF510] =	vst.msk vm1, v13;
	s4 =	simm.s32 @!p1 $0x0;
	s2 =	simm.s32 @!p0 $0x0  }
0x62c: {  	[tilespmem:s0+$0xFA10] =	vst.msk vm1, v11;
	s5 =	sadd.s32 s1, s4;
	s24 =	sadd.s32 s24, s2  }
0x62d: {  	v11 =	vadd.s32 s19, v1;
	[tilespmem:s0+$0xFF10] =	vst.msk vm1, v12;
	p0 =	slt.s32 s5, $0x40;
	p1 =	slt.s32 s24, $0x40  }
0x62e: {  	[tilespmem:s0+$0x10410] =	vst.msk vm1, v11;
	s5 =	simm.s32 @!p0 $0x40;
	s24 =	simm.s32 @!p1 $0x40  }
.LBB2_116:
0x62f: {  	(v2sf) =	vpush v9, $0xE  }
0x630: {  	(v2sf) =	vpush v10, $0xE;
	_ =	sdelay $0xd  }
0x631: {  	s21 =	spop (v2sf)  }
0x632: {  	s17 =	spop (v2sf)  }
0x633: {  	p0 =	sle.s32 s17, s21  }
.Ltmp61:
0x634: {  	[tilespmem:$0x10460] =	vst v0;
	(pc) =	sbr.rel @p0 .LBB2_124-.Ltmp61, $4  }
0x635: {  	[tilespmem:$0x10470] =	vst v0  }
0x636: {  	[tilespmem:$0x10480] =	vst v0  }
0x637: {  	[tilespmem:$0x10490] =	vst v0  }
0x638: {  	[tilespmem:$0x104A0] =	vst v0;
	s0 =	simm.s32 $0x0  }
0x639: {  	s0 =	sshll.u32 s21, $0x2  }
0x63a: {  	s16 =	sshra.s32 s0, $0x2  }
0x63b: {  	s19 =	sadd.s32 $0x10, s21;
	s4 =	sadd.s32 $0x8000, s16  }
0x63c: {  	p1 =	slt.s32 s19, s17;
	v21 =	vld [tilespmem:s4+$0x0]  }
.Ltmp62:
0x63d: {  	_ = 	snop;
	(pc) =	sbr.rel @!p1 .LBB2_118-.Ltmp62, $4  }
0x63e: {  	v14 =	vbroadcast v7, $0xE;
	v17 =	vbroadcast v8, $0xE;
	s2 =	sadd.s32 $0x6000, s16  }
0x63f: {  	v16 =	vbroadcast v5, $0xE;
	v15 =	vbroadcast v6, $0xE;
	s0 =	sadd.s32 $0xC000, s16;
	v19 =	vld [tilespmem:s2+$0x0]  }
0x640: {  	v13 =	vbroadcast v3, $0xE;
	v11 =	vbroadcast v4, $0xE;
	s18 =	ssub.s32 s17, s21;
	s25 =	simm.s32 $0x0;
	s7 =	sadd.s32 $0xA000, s16;
	v18 =	vld [tilespmem:s0+$0x0]  }
0x641: {  	v12 =	vbroadcast v2, $0xE;
	p0 =	por $0x0, $0x0;
	s26 =	sadd.s32 $0x4000, s16;
	s29 =	sadd.s32 $0x2000, s16;
	v20 =	vld [tilespmem:s7+$0x0];
	v21 =	vmul.f32 v21, v17  }
0x642: {  	_ =	sdelay $0x1  }
0x643: {  	v19 =	vmul.f32 v19, v14;
	_ =	sdelay $0x1  }
0x644: {  	v19 =	vadd.f32 v21, v19;
	v20 =	vmul.f32 v20, v16;
	_ =	sdelay $0x1  }
0x645: {  	v19 =	vadd.f32 v20, v19;
	_ =	sdelay $0x1  }
0x646: {  	v18 =	vadd.f32 v18, v15;
	v20 =	vld [tilespmem:s16+$0x0];
	v19 =	vadd.f32 v19, v19  }
0x647: {  	v21 =	vld [tilespmem:s29+$0x0]  }
0x648: {  	v22 =	vld [tilespmem:s26+$0x0];
	v18 =	vsub.f32 v18, v19  }
0x649: {  	v19 =	vmov s18  }
0x64a: {  	p1 =	por $0x1, $0x1;
	vm3 =	vmmov vm0;
	vm1 =	vgt.s32 v19, v1;
	vm2 =	vle.f32 v18, $3.999999910e-02  }
0x64b: {  	s1 =	simm.s32 $0x0;
	vm3 =	vmneg @p1 vm3;
	v19 =	vsub.f32 v20, v13;
	vm2 =	vmand vm1, vm2  }
0x64c: {  	s1 =	simm.s32 @!p1 $0x40;
	v20 =	vsub.f32 v21, v11;
	vm4 =	vmand vm3, vm2  }
0x64d: {  	vm5 =	vle.f32 v18, $1.599999960e-01;
	v18 =	vsub.f32 v22, v12;
	[tilespmem:s1+$0xE660] =	vst.msk vm4, v19  }
0x64e: {  	vm1 =	vmand vm1, vm5;
	[tilespmem:s1+$0xEB60] =	vst.msk vm4, v20  }
0x64f: {  	vm3 =	vmand vm3, vm1;
	[tilespmem:s1+$0xF060] =	vst.msk vm4, v18  }
0x650: {  	[tilespmem:s1+$0xF560] =	vst.msk vm3, v19  }
0x651: {  	[tilespmem:s1+$0xFA60] =	vst.msk vm3, v20  }
0x652: {  	[tilespmem:s1+$0xFF60] =	vst.msk vm3, v18;
	v18 =	vmpcnt.ones.xlane vm2  }
0x653: {  	v20 =	vmpcnt.ones.xlane vm1  }
0x654: {  	(v2sf) =	vpush v18, $0x0  }
0x655: {  	(v2sf) =	vpush v20, $0x0  }
0x656: {  	[smem:$0x7F7] =	sst s13  }
0x657: {  	s14 =	smov.u32 s12;
	s13 =	smov.u32 s11;
	s20 =	smov.u32 s6;
	v19 =	vadd.s32 s21, v1  }
0x658: {  	s6 =	smov.u32 s30;
	s30 =	sadd.s32 $0x10, s19;
	s21 =	sadd.s32 $0x10, s4;
	[tilespmem:s1+$0x10460] =	vst.msk vm3, v19  }
0x659: {  	s12 =	smov.u32 s10;
	s11 =	smov.u32 s9;
	p3 =	slt.s32 s30, s17;
	v21 =	vld [tilespmem:s21+$0x0]  }
.Ltmp63:
0x65a: {  	s10 =	smov.u32 s3;
	s22 =	sadd.s32 $0x10, s2;
	(pc) =	sbr.rel @!p3 .LBB2_120-.Ltmp63, $4  }
0x65b: {  	s9 =	smov.u32 s31;
	s3 =	smov.u32 s23;
	s31 =	sadd.s32 $0x10, s7;
	v19 =	vld [tilespmem:s22+$0x0]  }
0x65c: {  	s0 =	sadd.s32 $0x10, s0;
	p0 =	por $0x1, $0x1;
	s7 =	smov.u32 s26  }
0x65d: {  	s8 =	smov.u32 s29;
	s28 =	simm.s32 $0x0;
	p2 =	por $0x1, $0x1;
	v20 =	vld [tilespmem:s31+$0x0]  }
0x65e: {  	s16 =	sadd.s32 $0x10, s16;
	s18 =	sadd.s32 $0xFFFFFFF0, s18;
	s4 =	simm.s32 $0x0;
	v18 =	vld [tilespmem:s0+$0x0];
	v21 =	vmul.f32 v21, v17  }
.LBB2_121:
0x65f: {  	s7 =	sadd.s32 $0x10, s7  }
0x660: {  	v19 =	vmul.f32 v19, v14;
	s8 =	sadd.s32 $0x10, s8;
	s2 =	smov.u32 s30;
	s30 =	sadd.s32 $0x10, s30  }
0x661: {  	p3 =	slt.s32 s30, s17;
	v22 =	vld [tilespmem:s16+$0x0]  }
0x662: {  	v19 =	vadd.f32 v21, v19;
	v20 =	vmul.f32 v20, v16;
	v21 =	vld [tilespmem:s8+$0x0]  }
0x663: {  	s1 =	spop (v2sf)  }
0x664: {  	v19 =	vadd.f32 v20, v19;
	s1 =	simm.s32 @!p1 $0x0;
	s23 =	spop (v2sf)  }
0x665: {  	s28 =	sadd.s32 s28, s1;
	s23 =	simm.s32 @!p2 $0x0  }
0x666: {  	v18 =	vadd.f32 v18, v15;
	v19 =	vadd.f32 v19, v19;
	s4 =	sadd.s32 s4, s23  }
0x667: {  	v20 =	vld [tilespmem:s7+$0x0]  }
0x668: {  	v18 =	vsub.f32 v18, v19  }
0x669: {  	v22 =	vsub.f32 v22, v13;
	v21 =	vsub.f32 v21, v11;
	v19 =	vmov s18  }
0x66a: {  	vm1 =	vgt.s32 v19, v1;
	vm2 =	vle.f32 v18, $3.999999910e-02;
	vm3 =	vle.f32 v18, $1.599999960e-01  }
0x66b: {  	p1 =	slt.s32 s28, $0x40;
	vm2 =	vmand vm1, vm2;
	vm1 =	vmand vm1, vm3;
	vm3 =	vmmov vm0  }
0x66c: {  	s1 =	smov.u32 s28;
	vm3 =	vmneg @p1 vm3;
	v18 =	vsub.f32 v20, v12  }
0x66d: {  	p2 =	slt.s32 s4, $0x40;
	s1 =	simm.s32 @!p1 $0x40;
	v19 =	vmpcnt.ones.xlane vm2;
	vm3 =	vmand vm3, vm2;
	vm2 =	vmmov vm0  }
0x66e: {  	s23 =	smov.u32 s4;
	v20 =	vmpcnt.ones.xlane vm1;
	vm2 =	vmneg @p2 vm2;
	[tilespmem:s1+$0xE660] =	vst.msk vm3, v22  }
0x66f: {  	s22 =	sadd.s32 $0x10, s22;
	s23 =	simm.s32 @!p2 $0x40;
	vm1 =	vmand vm2, vm1;
	[tilespmem:s1+$0xEB60] =	vst.msk vm3, v21;
	(v2sf) =	vpush v19, $0x0  }
0x670: {  	s21 =	sadd.s32 $0x10, s21;
	[tilespmem:s1+$0xF060] =	vst.msk vm3, v18;
	(v2sf) =	vpush v20, $0x0  }
0x671: {  	[tilespmem:s23+$0xF560] =	vst.msk vm1, v22  }
0x672: {  	s31 =	sadd.s32 $0x10, s31;
	v19 =	vadd.s32 s19, v1;
	s19 =	smov.u32 s2;
	[tilespmem:s23+$0xFA60] =	vst.msk vm1, v21  }
0x673: {  	[tilespmem:s23+$0xFF60] =	vst.msk vm1, v18  }
0x674: {  	[tilespmem:s23+$0x10460] =	vst.msk vm1, v19  }
0x675: {  	v21 =	vld [tilespmem:s21+$0x0]  }
.Ltmp64:
0x676: {  	s0 =	sadd.s32 $0x10, s0;
	v19 =	vld [tilespmem:s22+$0x0];
	(pc) =	sbr.rel @p3 .LBB2_121-.Ltmp64, $3  }
0x677: {  	v18 =	vld [tilespmem:s0+$0x0]  }
0x678: {  	v20 =	vld [tilespmem:s31+$0x0];
	_ =	sdelay $0x1  }
0x679: {  	s16 =	sadd.s32 $0x10, s16;
	s18 =	sadd.s32 $0xFFFFFFF0, s18;
	v21 =	vmul.f32 v21, v17  }
0x67a: {  	s21 =	smov.u32 s19  }
0x67b: {  	s23 =	smov.u32 s3;
	s30 =	smov.u32 s6;
	s31 =	smov.u32 s9  }
0x67c: {  	s3 =	smov.u32 s10;
	s6 =	smov.u32 s20;
	s20 =	simm.s32 $0x1  }
0x67d: {  	s9 =	smov.u32 s11;
	s11 =	smov.u32 s13;
	s13 =	sld [smem:$0x7F7]  }
0x67e: {  	s10 =	smov.u32 s12;
	s12 =	smov.u32 s14;
	s14 =	sld [smem:$0x7F8]  }
.LBB2_123:
0x67f: {  	v14 =	vmul.f32 v19, v14;
	_ =	sdelay $0x1  }
0x680: {  	v16 =	vmul.f32 v20, v16;
	v14 =	vadd.f32 v21, v14;
	_ =	sdelay $0x1  }
0x681: {  	v14 =	vadd.f32 v16, v14;
	_ =	sdelay $0x1  }
0x682: {  	v15 =	vadd.f32 v18, v15;
	v14 =	vadd.f32 v14, v14;
	_ =	sdelay $0x1  }
0x683: {  	v14 =	vsub.f32 v15, v14  }
0x684: {  	v58 =	vmov s18  }
0x685: {  	vm1 =	vgt.s32 v58, v1;
	vm2 =	vle.f32 v14, $3.999999910e-02  }
0x686: {  	vm3 =	vle.f32 v14, $1.599999960e-01;
	vm2 =	vmand vm1, vm2  }
0x687: {  	vm1 =	vmand vm1, vm3;
	v59 =	vmpcnt.ones.xlane vm2  }
0x688: {  	v60 =	vmpcnt.ones.xlane vm1  }
0x689: {  	(v2sf) =	vpush v59, $0x0  }
0x68a: {  	(v2sf) =	vpush v60, $0x0;
	_ =	sdelay $0x4  }
0x68b: {  	s0 =	spop @p0 (v2sf);
	s1 =	sadd.s32 @p0 $0x10, s8  }
0x68c: {  	s2 =	sadd.s32 @p0 $0x10, s7;
	v61 =	vld [tilespmem:s16+$0x0];
	p1 =	por !p1, !p0;
	s29 =	smov.u32 @p0 s1  }
0x68d: {  	s0 =	simm.s32 @p1 $0x0;
	s26 =	smov.u32 @p0 s2;
	v62 =	vld [tilespmem:s29+$0x0]  }
0x68e: {  	s1 =	simm.s32 $0x0;
	s0 =	sadd.s32 @p0 s28, s0;
	v63 =	vld [tilespmem:s26+$0x0]  }
0x68f: {  	s2 =	spop @p0 (v2sf);
	p1 =	por !p2, !p0;
	s1 =	smov.u32 @p0 s0  }
0x690: {  	s2 =	simm.s32 @p1 $0x0;
	p1 =	slt.s32 s1, $0x40;
	vm3 =	vmmov vm0  }
0x691: {  	s0 =	sadd.s32 @p0 s4, s2;
	s2 =	smov.u32 s1;
	v13 =	vsub.f32 v61, v13;
	vm3 =	vmneg @p1 vm3  }
0x692: {  	s25 =	smov.u32 @p0 s0;
	s2 =	simm.s32 @!p1 $0x40;
	v11 =	vsub.f32 v62, v11;
	vm2 =	vmand vm3, vm2  }
0x693: {  	p0 =	slt.s32 s25, $0x40;
	v12 =	vsub.f32 v63, v12;
	vm3 =	vmmov vm0;
	[tilespmem:s2+$0xE660] =	vst.msk vm2, v13  }
0x694: {  	s4 =	smov.u32 s25;
	vm3 =	vmneg @p0 vm3;
	[tilespmem:s2+$0xEB60] =	vst.msk vm2, v11;
	s0 =	spop (v2sf)  }
0x695: {  	s4 =	simm.s32 @!p0 $0x40;
	vm1 =	vmand vm3, vm1;
	[tilespmem:s2+$0xF060] =	vst.msk vm2, v12;
	s2 =	spop (v2sf)  }
0x696: {  	[tilespmem:s4+$0xF560] =	vst.msk vm1, v13;
	s0 =	simm.s32 @!p1 $0x0;
	s2 =	simm.s32 @!p0 $0x0  }
0x697: {  	[tilespmem:s4+$0xFA60] =	vst.msk vm1, v11;
	s16 =	sadd.s32 s1, s0;
	s0 =	sadd.s32 s25, s2  }
0x698: {  	v11 =	vadd.s32 s21, v1;
	[tilespmem:s4+$0xFF60] =	vst.msk vm1, v12;
	p0 =	slt.s32 s16, $0x40;
	p1 =	slt.s32 s0, $0x40  }
0x699: {  	[tilespmem:s4+$0x10460] =	vst.msk vm1, v11;
	s16 =	simm.s32 @!p0 $0x40;
	s0 =	simm.s32 @!p1 $0x40  }
.LBB2_124:
0x69a: {  	s1 =	rddreg [dreg:$0x14]  }
0x69b: {  	s26 =	rddreg [dreg:$0x15]  }
0x69c: {  	s28 =	rddreg [dreg:$0x17]  }
0x69d: {  	(v2sf) =	vpush v9, $0xF;
	s29 =	rddreg [dreg:$0x18]  }
0x69e: {  	s2 =	rddreg [dreg:$0x16];
	(v2sf) =	vpush v10, $0xF  }
0x69f: {  	s4 =	rddreg [dreg:$0x19]  }
0x6a0: {  	s7 =	rddreg [dreg:$0x1b]  }
0x6a1: {  	s8 =	rddreg [dreg:$0x1c]  }
0x6a2: {  	s17 =	rddreg [dreg:$0x1a]  }
0x6a3: {  	s18 =	rddreg [dreg:$0x1d]  }
0x6a4: {  	s19 =	rddreg [dreg:$0x1f]  }
0x6a5: {  	vm1 =	veq.s32 v1, $0x1;
	s21 =	sld [smem:$0x7FD];
	v9 =	vmov s1;
	v10 =	vmov s26  }
0x6a6: {  	s22 =	rddreg [dreg:$0x1e];
	v9 =	vsel vm1, s28, v9;
	v10 =	vsel vm1, s29, v10;
	vm1 =	veq.s32 v1, $0x2  }
0x6a7: {  	s25 =	sld [smem:$0x7FB];
	v9 =	vsel vm1, s2, v9;
	v10 =	vsel vm1, s4, v10;
	vm1 =	veq.s32 v1, $0x3  }
0x6a8: {  	s26 =	sld [smem:$0x7FA];
	v9 =	vsel vm1, s7, v9;
	v10 =	vsel vm1, s8, v10;
	vm1 =	veq.s32 v1, $0x4  }
0x6a9: {  	s28 =	sld [smem:$0x7F9];
	v9 =	vsel vm1, s17, v9;
	v10 =	vsel vm1, s18, v10;
	vm1 =	veq.s32 v1, $0x5  }
0x6aa: {  	s29 =	sld [smem:$0x7FC];
	v9 =	vsel vm1, s19, v9;
	v10 =	vsel vm1, s21, v10;
	vm1 =	veq.s32 v1, $0x6  }
0x6ab: {  	v9 =	vsel vm1, s22, v9;
	v10 =	vsel vm1, s25, v10;
	vm1 =	veq.s32 v1, $0x7  }
0x6ac: {  	v9 =	vsel vm1, s26, v9;
	v10 =	vsel vm1, s28, v10;
	vm1 =	veq.s32 v1, $0x8;
	s7 =	spop (v2sf)  }
0x6ad: {  	v9 =	vsel vm1, s29, v9;
	v10 =	vsel vm1, s3, v10;
	vm1 =	veq.s32 v1, $0x9;
	s4 =	spop (v2sf)  }
0x6ae: {  	v9 =	vsel vm1, s9, v9;
	v10 =	vsel vm1, s10, v10;
	vm1 =	veq.s32 v1, $0xA;
	p0 =	sle.s32 s4, s7  }
.Ltmp65:
0x6af: {  	[tilespmem:$0x104B0] =	vst v0;
	v9 =	vsel vm1, s6, v9;
	v10 =	vsel vm1, s11, v10;
	vm1 =	veq.s32 v1, $0xB;
	(pc) =	sbr.rel @p0 .LBB2_132-.Ltmp65, $4  }
0x6b0: {  	[tilespmem:$0x104C0] =	vst v0;
	v9 =	vsel vm1, s13, v9;
	v10 =	vsel vm1, s14, v10;
	vm1 =	veq.s32 v1, $0xC  }
0x6b1: {  	[tilespmem:$0x104D0] =	vst v0;
	v9 =	vsel vm1, s12, v9;
	v10 =	vsel vm1, s15, v10;
	vm1 =	veq.s32 v1, $0xD  }
0x6b2: {  	[tilespmem:$0x104E0] =	vst v0;
	v9 =	vsel vm1, s5, v9;
	v11 =	vsel vm1, s24, v10;
	vm1 =	veq.s32 v1, $0xE  }
0x6b3: {  	[tilespmem:$0x104F0] =	vst v0;
	s1 =	simm.s32 $0x0;
	v10 =	vsel vm1, s16, v9;
	v9 =	vsel vm1, s0, v11;
	s0 =	simm.s32 $0x0  }
0x6b4: {  	s0 =	sshll.u32 s7, $0x2  }
0x6b5: {  	s1 =	sshra.s32 s0, $0x2  }
0x6b6: {  	s6 =	sadd.s32 $0x10, s7;
	s10 =	sadd.s32 $0x8000, s1  }
0x6b7: {  	p1 =	slt.s32 s6, s4;
	s9 =	sadd.s32 $0x6000, s1;
	v14 =	vld [tilespmem:s10+$0x0]  }
.Ltmp66:
0x6b8: {  	v12 =	vld [tilespmem:s9+$0x0];
	(pc) =	sbr.rel @!p1 .LBB2_126-.Ltmp66, $4  }
0x6b9: {  	v7 =	vbroadcast v7, $0xF;
	v11 =	vbroadcast v8, $0xF;
	s11 =	sadd.s32 $0xA000, s1  }
0x6ba: {  	v8 =	vbroadcast v5, $0xF;
	v6 =	vbroadcast v6, $0xF;
	v13 =	vld [tilespmem:s11+$0x0]  }
0x6bb: {  	v5 =	vbroadcast v3, $0xF;
	v3 =	vbroadcast v4, $0xF;
	s5 =	ssub.s32 s4, s7;
	p0 =	por $0x0, $0x0;
	s8 =	sadd.s32 $0xC000, s1  }
0x6bc: {  	v2 =	vbroadcast v2, $0xF;
	s0 =	simm.s32 $0x0;
	s2 =	sadd.s32 $0x4000, s1;
	s3 =	sadd.s32 $0x2000, s1;
	v4 =	vld [tilespmem:s8+$0x0];
	v14 =	vmul.f32 v14, v11  }
0x6bd: {  	v12 =	vmul.f32 v12, v7;
	_ =	sdelay $0x1  }
0x6be: {  	v12 =	vadd.f32 v14, v12;
	v13 =	vmul.f32 v13, v8;
	_ =	sdelay $0x1  }
0x6bf: {  	v12 =	vadd.f32 v13, v12;
	_ =	sdelay $0x1  }
0x6c0: {  	v13 =	vld [tilespmem:s1+$0x0];
	v4 =	vadd.f32 v4, v6;
	v12 =	vadd.f32 v12, v12  }
0x6c1: {  	v14 =	vld [tilespmem:s3+$0x0]  }
0x6c2: {  	v15 =	vld [tilespmem:s2+$0x0];
	v4 =	vsub.f32 v4, v12  }
0x6c3: {  	v12 =	vmov s5  }
0x6c4: {  	p1 =	por $0x1, $0x1;
	vm3 =	vmmov vm0;
	vm1 =	vgt.s32 v12, v1;
	vm2 =	vle.f32 v4, $3.999999910e-02  }
0x6c5: {  	s12 =	simm.s32 $0x0;
	vm3 =	vmneg @p1 vm3;
	v12 =	vsub.f32 v13, v5;
	vm2 =	vmand vm1, vm2  }
0x6c6: {  	s12 =	simm.s32 @!p1 $0x40;
	v13 =	vsub.f32 v14, v3;
	vm4 =	vmand vm3, vm2  }
0x6c7: {  	vm5 =	vle.f32 v4, $1.599999960e-01;
	v4 =	vsub.f32 v15, v2;
	[tilespmem:s12+$0xE6B0] =	vst.msk vm4, v12  }
0x6c8: {  	vm1 =	vmand vm1, vm5;
	[tilespmem:s12+$0xEBB0] =	vst.msk vm4, v13  }
0x6c9: {  	vm3 =	vmand vm3, vm1;
	[tilespmem:s12+$0xF0B0] =	vst.msk vm4, v4  }
0x6ca: {  	[tilespmem:s12+$0xF5B0] =	vst.msk vm3, v12  }
0x6cb: {  	[tilespmem:s12+$0xFAB0] =	vst.msk vm3, v13  }
0x6cc: {  	[tilespmem:s12+$0xFFB0] =	vst.msk vm3, v4;
	v4 =	vmpcnt.ones.xlane vm2  }
0x6cd: {  	v13 =	vmpcnt.ones.xlane vm1  }
0x6ce: {  	(v2sf) =	vpush v4, $0x0  }
0x6cf: {  	(v2sf) =	vpush v13, $0x0;
	_ =	sdelay $0x1  }
0x6d0: {  	v12 =	vadd.s32 s7, v1  }
0x6d1: {  	s7 =	sadd.s32 $0x10, s10;
	[tilespmem:s12+$0x104B0] =	vst.msk vm3, v12;
	s12 =	sadd.s32 $0x10, s6  }
0x6d2: {  	s13 =	sadd.s32 $0x10, s9;
	v14 =	vld [tilespmem:s7+$0x0];
	p3 =	slt.s32 s12, s4  }
.Ltmp67:
0x6d3: {  	v12 =	vld [tilespmem:s13+$0x0];
	(pc) =	sbr.rel @!p3 .LBB2_128-.Ltmp67, $4  }
0x6d4: {  	s14 =	sadd.s32 $0x10, s11  }
0x6d5: {  	s15 =	sadd.s32 $0x10, s8;
	p0 =	por $0x1, $0x1;
	s9 =	smov.u32 s2;
	v13 =	vld [tilespmem:s14+$0x0]  }
0x6d6: {  	s11 =	smov.u32 s3;
	p2 =	por $0x1, $0x1;
	s8 =	simm.s32 $0x0  }
0x6d7: {  	s1 =	sadd.s32 $0x10, s1;
	s5 =	sadd.s32 $0xFFFFFFF0, s5;
	s10 =	simm.s32 $0x0;
	v4 =	vld [tilespmem:s15+$0x0];
	v14 =	vmul.f32 v14, v11  }
.LBB2_129:
0x6d8: {  	s9 =	sadd.s32 $0x10, s9  }
0x6d9: {  	v12 =	vmul.f32 v12, v7;
	s11 =	sadd.s32 $0x10, s11;
	s16 =	smov.u32 s12;
	s12 =	sadd.s32 $0x10, s12  }
0x6da: {  	p3 =	slt.s32 s12, s4;
	v15 =	vld [tilespmem:s1+$0x0]  }
0x6db: {  	v12 =	vadd.f32 v14, v12;
	v13 =	vmul.f32 v13, v8;
	v14 =	vld [tilespmem:s11+$0x0]  }
0x6dc: {  	s17 =	spop (v2sf)  }
0x6dd: {  	v12 =	vadd.f32 v13, v12;
	s17 =	simm.s32 @!p1 $0x0;
	s18 =	spop (v2sf)  }
0x6de: {  	s10 =	sadd.s32 s10, s17;
	s18 =	simm.s32 @!p2 $0x0  }
0x6df: {  	v4 =	vadd.f32 v4, v6;
	v12 =	vadd.f32 v12, v12;
	s8 =	sadd.s32 s8, s18  }
0x6e0: {  	v13 =	vld [tilespmem:s9+$0x0]  }
0x6e1: {  	v4 =	vsub.f32 v4, v12  }
0x6e2: {  	v15 =	vsub.f32 v15, v5;
	v14 =	vsub.f32 v14, v3;
	v12 =	vmov s5  }
0x6e3: {  	vm1 =	vgt.s32 v12, v1;
	vm2 =	vle.f32 v4, $3.999999910e-02;
	vm3 =	vle.f32 v4, $1.599999960e-01  }
0x6e4: {  	p1 =	slt.s32 s10, $0x40;
	vm2 =	vmand vm1, vm2;
	vm1 =	vmand vm1, vm3;
	vm3 =	vmmov vm0  }
0x6e5: {  	s17 =	smov.u32 s10;
	vm3 =	vmneg @p1 vm3;
	v4 =	vsub.f32 v13, v2  }
0x6e6: {  	p2 =	slt.s32 s8, $0x40;
	s17 =	simm.s32 @!p1 $0x40;
	v12 =	vmpcnt.ones.xlane vm2;
	vm3 =	vmand vm3, vm2;
	vm2 =	vmmov vm0  }
0x6e7: {  	s18 =	smov.u32 s8;
	v13 =	vmpcnt.ones.xlane vm1;
	vm2 =	vmneg @p2 vm2;
	[tilespmem:s17+$0xE6B0] =	vst.msk vm3, v15  }
0x6e8: {  	s13 =	sadd.s32 $0x10, s13;
	s18 =	simm.s32 @!p2 $0x40;
	vm1 =	vmand vm2, vm1;
	[tilespmem:s17+$0xEBB0] =	vst.msk vm3, v14;
	(v2sf) =	vpush v12, $0x0  }
0x6e9: {  	s7 =	sadd.s32 $0x10, s7;
	[tilespmem:s17+$0xF0B0] =	vst.msk vm3, v4;
	(v2sf) =	vpush v13, $0x0  }
0x6ea: {  	[tilespmem:s18+$0xF5B0] =	vst.msk vm1, v15  }
0x6eb: {  	s14 =	sadd.s32 $0x10, s14;
	v12 =	vadd.s32 s6, v1;
	s6 =	smov.u32 s16;
	[tilespmem:s18+$0xFAB0] =	vst.msk vm1, v14  }
0x6ec: {  	[tilespmem:s18+$0xFFB0] =	vst.msk vm1, v4  }
0x6ed: {  	[tilespmem:s18+$0x104B0] =	vst.msk vm1, v12  }
0x6ee: {  	v14 =	vld [tilespmem:s7+$0x0]  }
.Ltmp68:
0x6ef: {  	s15 =	sadd.s32 $0x10, s15;
	v12 =	vld [tilespmem:s13+$0x0];
	(pc) =	sbr.rel @p3 .LBB2_129-.Ltmp68, $3  }
0x6f0: {  	v4 =	vld [tilespmem:s15+$0x0]  }
0x6f1: {  	v13 =	vld [tilespmem:s14+$0x0];
	_ =	sdelay $0x1  }
0x6f2: {  	s1 =	sadd.s32 $0x10, s1;
	s5 =	sadd.s32 $0xFFFFFFF0, s5;
	v14 =	vmul.f32 v14, v11  }
.Ltmp69:
0x6f3: {  	(pc) =	sbr.rel .LBB2_131-.Ltmp69, $2  }
0x6f4: {  	_ =	sdelay $0x2  }
0x6f5: {  	s7 =	smov.u32 s6  }
.LBB2_6:
.Ltmp70:
0x6f6: {  	(pc) =	sbr.rel .LBB2_11-.Ltmp70, $3  }
0x6f7: {  	_ =	sdelay $0x1  }
0x6f8: {  	s9 =	smov.u32 s2  }
0x6f9: {  	s11 =	smov.u32 s3;
	s10 =	simm.s32 $0x0;
	s8 =	simm.s32 $0x0  }
.LBB2_14:
.Ltmp71:
0x6fa: {  	(pc) =	sbr.rel .LBB2_19-.Ltmp71, $3  }
0x6fb: {  	_ =	sdelay $0x1  }
0x6fc: {  	s9 =	smov.u32 s2  }
0x6fd: {  	s11 =	smov.u32 s3;
	s10 =	simm.s32 $0x0;
	s8 =	simm.s32 $0x0  }
.LBB2_22:
.Ltmp72:
0x6fe: {  	(pc) =	sbr.rel .LBB2_27-.Ltmp72, $3  }
0x6ff: {  	_ =	sdelay $0x1  }
0x700: {  	s9 =	smov.u32 s2  }
0x701: {  	s11 =	smov.u32 s3;
	s10 =	simm.s32 $0x0;
	s8 =	simm.s32 $0x0  }
.LBB2_30:
.Ltmp73:
0x702: {  	(pc) =	sbr.rel .LBB2_35-.Ltmp73, $3  }
0x703: {  	_ =	sdelay $0x1  }
0x704: {  	s9 =	smov.u32 s2  }
0x705: {  	s11 =	smov.u32 s3;
	s10 =	simm.s32 $0x0;
	s8 =	simm.s32 $0x0  }
.LBB2_38:
.Ltmp74:
0x706: {  	(pc) =	sbr.rel .LBB2_43-.Ltmp74, $3  }
0x707: {  	_ =	sdelay $0x1  }
0x708: {  	s4 =	smov.u32 s2  }
0x709: {  	s11 =	smov.u32 s3;
	s10 =	simm.s32 $0x0;
	s9 =	simm.s32 $0x0  }
.LBB2_46:
.Ltmp75:
0x70a: {  	(pc) =	sbr.rel .LBB2_51-.Ltmp75, $3  }
0x70b: {  	_ =	sdelay $0x1  }
0x70c: {  	s4 =	smov.u32 s2  }
0x70d: {  	s11 =	smov.u32 s3;
	s10 =	simm.s32 $0x0;
	s9 =	simm.s32 $0x0  }
.LBB2_54:
.Ltmp76:
0x70e: {  	(pc) =	sbr.rel .LBB2_59-.Ltmp76, $3  }
0x70f: {  	_ =	sdelay $0x1  }
0x710: {  	s4 =	smov.u32 s2  }
0x711: {  	s11 =	smov.u32 s3;
	s10 =	simm.s32 $0x0;
	s9 =	simm.s32 $0x0  }
.LBB2_62:
.Ltmp77:
0x712: {  	(pc) =	sbr.rel .LBB2_67-.Ltmp77, $3  }
0x713: {  	_ =	sdelay $0x1  }
0x714: {  	s4 =	smov.u32 s3  }
0x715: {  	s12 =	smov.u32 s5;
	s11 =	simm.s32 $0x0;
	s10 =	simm.s32 $0x0  }
.LBB2_70:
.Ltmp78:
0x716: {  	(pc) =	sbr.rel .LBB2_75-.Ltmp78, $3  }
0x717: {  	_ =	sdelay $0x1  }
0x718: {  	s4 =	smov.u32 s5  }
0x719: {  	s13 =	smov.u32 s6;
	s12 =	simm.s32 $0x0;
	s11 =	simm.s32 $0x0  }
.LBB2_78:
.Ltmp79:
0x71a: {  	(pc) =	sbr.rel .LBB2_83-.Ltmp79, $3  }
0x71b: {  	_ =	sdelay $0x1  }
0x71c: {  	s4 =	smov.u32 s10  }
0x71d: {  	s16 =	smov.u32 s7;
	s15 =	simm.s32 $0x0;
	s14 =	simm.s32 $0x0  }
.LBB2_86:
.Ltmp80:
0x71e: {  	(pc) =	sbr.rel .LBB2_91-.Ltmp80, $3  }
0x71f: {  	_ =	sdelay $0x1  }
0x720: {  	s4 =	smov.u32 s11  }
0x721: {  	s17 =	smov.u32 s7;
	s16 =	simm.s32 $0x0;
	s15 =	simm.s32 $0x0  }
.LBB2_94:
.Ltmp81:
0x722: {  	(pc) =	sbr.rel .LBB2_99-.Ltmp81, $3  }
0x723: {  	_ =	sdelay $0x1  }
0x724: {  	s4 =	smov.u32 s14  }
0x725: {  	s21 =	smov.u32 s7;
	s19 =	simm.s32 $0x0;
	s18 =	simm.s32 $0x0  }
.LBB2_102:
.Ltmp82:
0x726: {  	(pc) =	sbr.rel .LBB2_107-.Ltmp82, $3  }
0x727: {  	_ =	sdelay $0x1  }
0x728: {  	s4 =	smov.u32 s15  }
0x729: {  	s24 =	smov.u32 s7;
	s21 =	simm.s32 $0x0;
	s19 =	simm.s32 $0x0  }
.LBB2_110:
.Ltmp83:
0x72a: {  	(pc) =	sbr.rel .LBB2_115-.Ltmp83, $3  }
0x72b: {  	_ =	sdelay $0x1  }
0x72c: {  	s4 =	smov.u32 s25  }
0x72d: {  	s28 =	smov.u32 s7;
	s26 =	simm.s32 $0x0;
	s21 =	simm.s32 $0x0  }
.LBB2_118:
.Ltmp84:
0x72e: {  	(pc) =	sbr.rel .LBB2_123-.Ltmp84, $3  }
0x72f: {  	_ =	sdelay $0x1  }
0x730: {  	s7 =	smov.u32 s26  }
0x731: {  	s8 =	smov.u32 s29;
	s28 =	simm.s32 $0x0;
	s4 =	simm.s32 $0x0  }
.LBB2_8:
.Ltmp85:
0x732: {  	(pc) =	sbr.rel .LBB2_11-.Ltmp85, $3  }
0x733: {  	_ =	sdelay $0x1  }
0x734: {  	s9 =	smov.u32 s2;
	s11 =	smov.u32 s3;
	s10 =	simm.s32 $0x0  }
0x735: {  	p2 =	por $0x1, $0x1;
	s8 =	simm.s32 $0x0;
	s7 =	smov.u32 s6  }
.LBB2_16:
.Ltmp86:
0x736: {  	(pc) =	sbr.rel .LBB2_19-.Ltmp86, $3  }
0x737: {  	_ =	sdelay $0x1  }
0x738: {  	s9 =	smov.u32 s2;
	s11 =	smov.u32 s3;
	s10 =	simm.s32 $0x0  }
0x739: {  	p2 =	por $0x1, $0x1;
	s8 =	simm.s32 $0x0;
	s7 =	smov.u32 s6  }
.LBB2_24:
.Ltmp87:
0x73a: {  	(pc) =	sbr.rel .LBB2_27-.Ltmp87, $3  }
0x73b: {  	_ =	sdelay $0x1  }
0x73c: {  	s9 =	smov.u32 s2;
	s11 =	smov.u32 s3;
	s10 =	simm.s32 $0x0  }
0x73d: {  	p2 =	por $0x1, $0x1;
	s8 =	simm.s32 $0x0;
	s7 =	smov.u32 s6  }
.LBB2_32:
.Ltmp88:
0x73e: {  	(pc) =	sbr.rel .LBB2_35-.Ltmp88, $3  }
0x73f: {  	_ =	sdelay $0x1  }
0x740: {  	s9 =	smov.u32 s2;
	s11 =	smov.u32 s3;
	s10 =	simm.s32 $0x0  }
0x741: {  	p2 =	por $0x1, $0x1;
	s8 =	simm.s32 $0x0;
	s7 =	smov.u32 s6  }
.LBB2_40:
.Ltmp89:
0x742: {  	(pc) =	sbr.rel .LBB2_43-.Ltmp89, $3  }
0x743: {  	_ =	sdelay $0x1  }
0x744: {  	s4 =	smov.u32 s2;
	s11 =	smov.u32 s3;
	s10 =	simm.s32 $0x0  }
0x745: {  	p2 =	por $0x1, $0x1;
	s9 =	simm.s32 $0x0;
	s8 =	smov.u32 s7  }
.LBB2_48:
.Ltmp90:
0x746: {  	(pc) =	sbr.rel .LBB2_51-.Ltmp90, $3  }
0x747: {  	_ =	sdelay $0x1  }
0x748: {  	s4 =	smov.u32 s2;
	s11 =	smov.u32 s3;
	s10 =	simm.s32 $0x0  }
0x749: {  	p2 =	por $0x1, $0x1;
	s9 =	simm.s32 $0x0;
	s8 =	smov.u32 s7  }
.LBB2_56:
.Ltmp91:
0x74a: {  	(pc) =	sbr.rel .LBB2_59-.Ltmp91, $3  }
0x74b: {  	_ =	sdelay $0x1  }
0x74c: {  	s4 =	smov.u32 s2;
	s11 =	smov.u32 s3;
	s10 =	simm.s32 $0x0  }
0x74d: {  	p2 =	por $0x1, $0x1;
	s9 =	simm.s32 $0x0;
	s8 =	smov.u32 s7  }
.LBB2_64:
.Ltmp92:
0x74e: {  	(pc) =	sbr.rel .LBB2_67-.Ltmp92, $3  }
0x74f: {  	_ =	sdelay $0x1  }
0x750: {  	s4 =	smov.u32 s3;
	s12 =	smov.u32 s5;
	s11 =	simm.s32 $0x0  }
0x751: {  	p2 =	por $0x1, $0x1;
	s10 =	simm.s32 $0x0;
	s9 =	smov.u32 s8  }
.LBB2_72:
.Ltmp93:
0x752: {  	(pc) =	sbr.rel .LBB2_75-.Ltmp93, $3  }
0x753: {  	_ =	sdelay $0x1  }
0x754: {  	s4 =	smov.u32 s5;
	s13 =	smov.u32 s6;
	s12 =	simm.s32 $0x0  }
0x755: {  	p2 =	por $0x1, $0x1;
	s11 =	simm.s32 $0x0;
	s10 =	smov.u32 s9  }
.LBB2_80:
.Ltmp94:
0x756: {  	(pc) =	sbr.rel .LBB2_83-.Ltmp94, $3  }
0x757: {  	_ =	sdelay $0x1  }
0x758: {  	s4 =	smov.u32 s10;
	s16 =	smov.u32 s7;
	s15 =	simm.s32 $0x0  }
0x759: {  	p2 =	por $0x1, $0x1;
	s14 =	simm.s32 $0x0;
	s13 =	smov.u32 s12  }
.LBB2_88:
.Ltmp95:
0x75a: {  	(pc) =	sbr.rel .LBB2_91-.Ltmp95, $3  }
0x75b: {  	_ =	sdelay $0x1  }
0x75c: {  	s4 =	smov.u32 s11;
	s17 =	smov.u32 s7;
	s16 =	simm.s32 $0x0  }
0x75d: {  	p2 =	por $0x1, $0x1;
	s15 =	simm.s32 $0x0;
	s14 =	smov.u32 s13  }
.LBB2_96:
.Ltmp96:
0x75e: {  	(pc) =	sbr.rel .LBB2_99-.Ltmp96, $3  }
0x75f: {  	_ =	sdelay $0x1  }
0x760: {  	s4 =	smov.u32 s14;
	s21 =	smov.u32 s7;
	s19 =	simm.s32 $0x0  }
0x761: {  	p2 =	por $0x1, $0x1;
	s18 =	simm.s32 $0x0;
	s17 =	smov.u32 s16  }
.LBB2_104:
.Ltmp97:
0x762: {  	(pc) =	sbr.rel .LBB2_107-.Ltmp97, $3  }
0x763: {  	_ =	sdelay $0x1  }
0x764: {  	s4 =	smov.u32 s15;
	s24 =	smov.u32 s7;
	s21 =	simm.s32 $0x0  }
0x765: {  	p2 =	por $0x1, $0x1;
	s19 =	simm.s32 $0x0;
	s18 =	smov.u32 s17  }
.LBB2_112:
0x766: {  	s4 =	smov.u32 s25;
	s28 =	smov.u32 s7;
	s26 =	simm.s32 $0x0  }
.Ltmp98:
0x767: {  	p2 =	por $0x1, $0x1;
	s21 =	simm.s32 $0x0;
	(pc) =	sbr.rel .LBB2_115-.Ltmp98, $4  }
0x768: {  	s19 =	smov.u32 s18;
	s30 =	smov.u32 s3;
	s31 =	smov.u32 s6  }
0x769: {  	s3 =	smov.u32 s9;
	s6 =	smov.u32 s10;
	s9 =	smov.u32 s11  }
0x76a: {  	s11 =	smov.u32 s13;
	s13 =	smov.u32 s23;
	s23 =	rddreg [dreg:$0x3]  }
0x76b: {  	s10 =	smov.u32 s12;
	s12 =	smov.u32 s14;
	s14 =	sld [smem:$0x7F8]  }
.LBB2_120:
0x76c: {  	s7 =	smov.u32 s26  }
0x76d: {  	s8 =	smov.u32 s29;
	s28 =	simm.s32 $0x0;
	p2 =	por $0x1, $0x1  }
.Ltmp99:
0x76e: {  	s4 =	simm.s32 $0x0;
	s21 =	smov.u32 s19;
	(pc) =	sbr.rel .LBB2_123-.Ltmp99, $4  }
0x76f: {  	s23 =	smov.u32 s3;
	s30 =	smov.u32 s6;
	s31 =	smov.u32 s9  }
0x770: {  	s3 =	smov.u32 s10;
	s6 =	smov.u32 s20;
	s20 =	simm.s32 $0x1  }
0x771: {  	s9 =	smov.u32 s11;
	s11 =	smov.u32 s13;
	s13 =	sld [smem:$0x7F7]  }
0x772: {  	s10 =	smov.u32 s12;
	s12 =	smov.u32 s14;
	s14 =	sld [smem:$0x7F8]  }
.LBB2_128:
.Ltmp100:
0x773: {  	(pc) =	sbr.rel .LBB2_131-.Ltmp100, $3  }
0x774: {  	_ =	sdelay $0x1  }
0x775: {  	s9 =	smov.u32 s2;
	s11 =	smov.u32 s3;
	s10 =	simm.s32 $0x0  }
0x776: {  	p2 =	por $0x1, $0x1;
	s8 =	simm.s32 $0x0;
	s7 =	smov.u32 s6  }
.LBB2_134:
0x777: {  	_ =	sfence.sel $0x180000  }
0x778: {  	[bflag:$0x0] =	sbarrier.arrive $0xFFFF  }
0x779: {  	_ =	strace $0x90000047  }
0x77a: {  	s0 =	stileid.u32;
	[bflag:$0x2] =	sbarrier.arrive $0xFFFF  }
0x77b: {  	p0 =	sne.s32 s0, $0x0;
	s0 =	rddreg [dreg:$0x4]  }
0x77c: {  	s0 =	sadd.s32 @!p0 $0x100000, s0  }
0x77d: {  	[sflag:s0] =	ssyncadd.tile.s32 @!p0 $0x1;
	_ =	shalt  }
.Lfunc_end2:
_tile_overlayer_lowered:
.L_overlay_start_2:
0x77e: {  	(tag) =	ssettag $0x2  }
0x77f: {  	s0 =	rddreg [dreg:$0x0];
	s2 =	stileid.u32  }
0x780: {  	s1 =	rddreg [dreg:$0x1];
	p0 =	sne.s32 s2, $0x0  }
0x781: {  	s3 =	rddreg [dreg:$0x2];
	[bflag:$0x3] =	sbarrier.arrive $0xFFFF;
	s2 =	simm.s32 @!p0 $0x1C01  }
0x782: {  	[timem:s3], [sflag:s2] =	dma.local @!p0 [hbm:s0], s1  }
0x783: {  	s0 =	simm.s32 @!p0 $0x1  }
0x784: {  	_ =	swait.ge @!p0 [sflag:s0], s1  }
0x785: {  	s1 =	ssub.s32 @!p0 $0x0, s1;
	[sflag:s0] =	ssyncset.done @!p0 $0x0  }
0x786: {  	[sflag:s0] =	ssyncadd.s32 @!p0 s1  }
0x787: {  	[bflag:$0x3] =	sbarrier.arrive $0xFFFF  }
0x788: {  	_ =	shalt  }

</sc_bundles>
